<compile_context>
chip_gen: v7x
topology: tpu7x:2x2x1
jax: 0.10.2.dev20260603
libtpu: 0.0.44.dev20260713+nightly
codegen_flags: <defaults>
</compile_context>

<pallas_src>
import math

import jax
import jax.numpy as jnp
from jax import lax
from jax.experimental import pallas as pl
from jax.experimental.pallas import tpu as pltpu
from jax.experimental.pallas import tpu_sc as plsc

VSZ = 1000000
DSZ = 64
MXLEN = 1000
MAX_TIMESCALE = 10000.0
B = 1024
L = 200

NC = 2
NS = 16
NW = NC * NS
BG = 128
NBG = B // BG
NBLK = L * NBG
PER_W = NBLK // NW
SCALE = math.sqrt(DSZ)
NG = BG // 16
NCV = DSZ // 16

NBK = (VSZ + 127) // 128
FMT_IT = (NBK + NW - 1) // NW
FMT_LOOP = ((FMT_IT + 2) + 3) // 4 * 4 + 4


def _pos_encoding():
    log_inc = math.log(MAX_TIMESCALE) / DSZ
    inv = jnp.exp(jnp.arange(0, DSZ, 2, dtype=jnp.float32) * -log_inc)
    pos = jnp.arange(0, MXLEN, dtype=jnp.float32)[:, None]
    pe = jnp.zeros((MXLEN, DSZ), jnp.float32)
    pe = pe.at[:, 0::2].set(jnp.sin(pos * inv))
    pe = pe.at[:, 1::2].set(jnp.cos(pos * inv))
    return pe[:L]


def _fmt_body(tblT, scratch, sbuf, tbuf, *sems):
    rs = sems[:4]
    ws = sems[4:]
    wid = lax.axis_index("s") * NC + lax.axis_index("c")
    iota = lax.iota(jnp.int32, 16)
    rds = [iota + 16 * d0 for d0 in range(4)]

    def blk_of(i):
        return wid + NW * i

    def fire_read(i, b):
        blk = blk_of(i)

        @pl.when(blk < NBK)
        def _():
            pltpu.async_copy(tblT.at[:, pl.ds(blk * 128, 128)], sbuf.at[b],
                             rs[b])

    def wait_read(i, b):
        @pl.when(blk_of(i) < NBK)
        def _():
            pltpu.make_async_copy(tblT.at[:, pl.ds(0, 128)], sbuf.at[b],
                                  rs[b]).wait()

    def fire_write(i, b):
        blk = blk_of(i)

        @pl.when(blk < NBK - 1)
        def _():
            pltpu.async_copy(tbuf.at[b], scratch.at[pl.ds(blk * 64, 64), :],
                             ws[b])

        @pl.when(blk == NBK - 1)
        def _():
            pltpu.async_copy(tbuf.at[b, pl.ds(0, 32), :],
                             scratch.at[pl.ds(blk * 64, 32), :], ws[b])

    def wait_write(i, b):
        blk = blk_of(i)

        @pl.when(blk < NBK - 1)
        def _():
            pltpu.make_async_copy(tbuf.at[b],
                                  scratch.at[pl.ds(0, 64), :], ws[b]).wait()

        @pl.when(blk == NBK - 1)
        def _():
            pltpu.make_async_copy(tbuf.at[b, pl.ds(0, 32), :],
                                  scratch.at[pl.ds(0, 32), :], ws[b]).wait()

    def transpose(i, b):
        @pl.when(blk_of(i) < NBK)
        def _():
            sb = sbuf.at[b]
            tb = tbuf.at[b]

            @pl.loop(0, 128, unroll=4)
            def _j(j0):
                cj = (jnp.full((16,), j0, jnp.int32) + iota) & 127
                pr = lax.shift_right_logical(cj, 1)
                pc0 = (cj & 1) * DSZ
                for d0 in range(4):
                    vals = plsc.load_gather(sb, [rds[d0], cj])
                    plsc.store_scatter(tb, [pr, pc0 + rds[d0]], vals)

    fire_read(0, 0)
    fire_read(1, 1)

    @pl.loop(0, FMT_LOOP, step=4)
    def _grp(i):
        for b in range(4):
            ii = i + b
            wait_read(ii, b)
            b2 = (b + 2) % 4

            @pl.when(ii >= 2)
            def _():
                wait_write(ii - 2, b2)

            fire_read(ii + 2, b2)
            transpose(ii, b)
            fire_write(ii, b)


def _sc_body(xT, pe_hbm, tbl2, out_jm,
             pe_v, xl_v, idxraw_v, idx2_v, gbuf, obuf, *sems):
    gs = sems[:2]
    ws = sems[2:]
    wid = lax.axis_index("s") * NC + lax.axis_index("c")
    base = wid * PER_W

    pltpu.sync_copy(pe_hbm, pe_v)
    l0 = pl.multiple_of(jnp.minimum((base >> 3) & ~7, L - 16), 8)
    pltpu.sync_copy(xT.at[pl.ds(l0, 16), :], xl_v)

    def prep(blk, buf):
        l = blk >> 3
        bg = blk & 7
        for g in range(NG):
            sl = pl.ds(16 * g, 16)
            v = xl_v[l - l0, pl.ds(bg * BG + 16 * g, 16)]
            idxraw_v[buf, sl] = v
            idx2_v[buf, sl] = lax.shift_right_logical(v, 1)
        pltpu.async_copy(tbl2.at[idx2_v.at[buf]], gbuf.at[buf], gs[buf])

    def wait_gather(buf):
        pltpu.make_async_copy(tbl2.at[idx2_v.at[buf]], gbuf.at[buf],
                              gs[buf]).wait()

    def fire_write(blk, buf):
        l = blk >> 3
        bg = blk & 7
        pltpu.async_copy(obuf.at[buf], out_jm.at[l, pl.ds(bg * BG, BG), :],
                         ws[buf])

    def wait_write(buf):
        pltpu.make_async_copy(obuf.at[buf], out_jm.at[0, pl.ds(0, BG), :],
                              ws[buf]).wait()

    def compute(blk, buf):
        l = blk >> 3
        pev = [pe_v[l, pl.ds(16 * c, 16)] for c in range(NCV)]
        ir = idxraw_v.at[buf]

        @pl.loop(0, BG, unroll=2)
        def _j(j):
            vspl = plsc.load_gather(ir, [jnp.full((16,), j, jnp.int32)])
            m = (vspl & 1) > 0
            for c in range(NCV):
                a = gbuf[buf, j, pl.ds(16 * c, 16)]
                bb = gbuf[buf, j, pl.ds(DSZ + 16 * c, 16)]
                v = jnp.where(m, bb, a)
                obuf[buf, j, pl.ds(16 * c, 16)] = v * SCALE + pev[c]

    prep(base, 0)

    @pl.loop(0, PER_W, step=2)
    def _grp(j):
        for b in range(2):
            jj = j + b
            blk = base + jj
            wait_gather(b)

            @pl.when(jj + 1 < PER_W)
            def _():
                prep(blk + 1, 1 - b)

            @pl.when(jj >= 2)
            def _():
                wait_write(b)

            compute(blk, b)
            fire_write(blk, b)

    wait_write(0)
    wait_write(1)


def kernel(x, table):
    pe = _pos_encoding()
    xT = x.T
    tblT = table.T

    fmt = pl.kernel(
        _fmt_body,
        out_type=jax.ShapeDtypeStruct((VSZ // 2, 2 * DSZ), jnp.float32),
        mesh=plsc.VectorSubcoreMesh(core_axis_name="c", subcore_axis_name="s"),
        scratch_types=[
            pltpu.VMEM((4, DSZ, 128), jnp.float32),
            pltpu.VMEM((4, DSZ, 2 * DSZ), jnp.float32),
        ]
        + [pltpu.SemaphoreType.DMA] * 8,
        compiler_params=pltpu.CompilerParams(
            use_tc_tiling_on_sc=True,
            needs_layout_passes=False,
            disable_bounds_checks=True,
        ),
    )
    tbl2 = fmt(tblT)

    run = pl.kernel(
        _sc_body,
        out_type=jax.ShapeDtypeStruct((L, B, DSZ), jnp.float32),
        mesh=plsc.VectorSubcoreMesh(core_axis_name="c", subcore_axis_name="s"),
        scratch_types=[
            pltpu.VMEM((L, DSZ), jnp.float32),
            pltpu.VMEM((16, B), jnp.int32),
            pltpu.VMEM((2, BG), jnp.int32),
            pltpu.VMEM((2, BG), jnp.int32),
            pltpu.VMEM((2, BG, 2 * DSZ), jnp.float32),
            pltpu.VMEM((2, BG, DSZ), jnp.float32),
        ]
        + [pltpu.SemaphoreType.DMA] * 4,
        compiler_params=pltpu.CompilerParams(
            use_tc_tiling_on_sc=True, needs_layout_passes=False
        ),
    )
    out_jm = run(xT, pe, tbl2)
    return out_jm.transpose(1, 0, 2)

# --- scband reference (transcript-rebuilt; emitter-appended) ---
"""Pipeline reference for scband-positional-lookup-table-embeddings-42228118454794 (READ-ONLY COPY).

The authoritative reference and input builder live on the scoring server;
editing this copy changes nothing except your own understanding.
"""

import math
import jax, jax.numpy as jnp
import numpy as np

VSZ = 1000000
DSZ = 64
MXLEN = 1000
MAX_TIMESCALE = 10000.0
B = 1024
L = 200


def _make_pe(mxlen, dsz, max_timescale):
    log_timescale_increment = math.log(max_timescale) / dsz
    inv_timescales = jnp.exp(jnp.arange(0, dsz, 2, dtype=jnp.float32) * -log_timescale_increment)
    position = jnp.arange(0, mxlen, dtype=jnp.float32)[:, None]
    pe = jnp.zeros((mxlen, dsz), dtype=jnp.float32)
    pe = pe.at[:, 0::2].set(jnp.sin(position * inv_timescales))
    pe = pe.at[:, 1::2].set(jnp.cos(position * inv_timescales))
    return pe[None, :, :]  # [1, mxlen, dsz]


def setup_inputs(seed: int = 0) -> dict:
    key = jax.random.key(seed)
    k_idx, k_tbl = jax.random.split(key)
    x = jax.random.randint(k_idx, (B, L), 0, VSZ, dtype=jnp.int64 if jax.config.jax_enable_x64 else jnp.int32).astype(jnp.int32)
    table = jax.random.normal(k_tbl, (VSZ, DSZ), dtype=jnp.float32)
    # padding_idx=0: row 0 is zero
    table = table.at[0].set(0.0)
    return {"x": x, "table": table}


def reference(x, table):
    # nn.Embedding with padding_idx=0 (row 0 forced to zero)
    tbl = table.at[0].set(0.0)
    emb = jnp.take(tbl, x, axis=0)  # [B, L, DSZ]
    emb = emb * math.sqrt(DSZ)
    pe = _make_pe(MXLEN, DSZ, MAX_TIMESCALE)
    out = emb + pe[:, : x.shape[1]]
    # dropout in eval mode -> identity
    return out

if __name__ == "__main__":
    import jax
    _d = setup_inputs()
    print(jax.jit(kernel)(*tuple(_d.values())))

</pallas_src>

<mosaic_0001>
#map = affine_map<(d0, d1) -> (0, 0)>
module attributes {stable_mosaic.version = 14 : i64} {
  func.func @_fmt_body(%arg0: i32, %arg1: i32, %arg2: memref<64x1000000xf32, #tpu.memory_space<hbm>>, %arg3: memref<500000x128xf32, #tpu.memory_space<hbm>>, %arg4: memref<4x64x128xf32, #tpu.memory_space<vmem>>, %arg5: memref<4x64x128xf32, #tpu.memory_space<vmem>>, %arg6: memref<!tpu.dma_semaphore, #tpu.memory_space<semaphore_mem>>, %arg7: memref<!tpu.dma_semaphore, #tpu.memory_space<semaphore_mem>>, %arg8: memref<!tpu.dma_semaphore, #tpu.memory_space<semaphore_mem>>, %arg9: memref<!tpu.dma_semaphore, #tpu.memory_space<semaphore_mem>>, %arg10: memref<!tpu.dma_semaphore, #tpu.memory_space<semaphore_mem>>, %arg11: memref<!tpu.dma_semaphore, #tpu.memory_space<semaphore_mem>>, %arg12: memref<!tpu.dma_semaphore, #tpu.memory_space<semaphore_mem>>, %arg13: memref<!tpu.dma_semaphore, #tpu.memory_space<semaphore_mem>>) attributes {dimension_semantics = [#tpu.dimension_semantics<core_parallel>, #tpu.dimension_semantics<subcore_parallel>], iteration_bounds = array<i64: 2, 16>, scalar_prefetch = 0 : i64, scratch_operands = 10 : i64, tpu.core_type = #tpu.core_type<sc_vector_subcore>, window_params = [{transform_indices = #map}, {transform_indices = #map}]} {
    %mul3A = arith.constant 2 : i32
    %mul3A_0 = arith.muli %arg1, %mul3A : i32
    %add3A = arith.addi %mul3A_0, %arg0 : i32
    %iota3A = tpu.iota {dimensions = array<i32: 0>} : vector<16xi32>
    %add3A_1 = arith.constant 0 : i32
    %add3A_2 = vector.broadcast %add3A_1 : i32 to vector<16xi32>
    %add3A_3 = arith.addi %iota3A, %add3A_2 : vector<16xi32>
    %add3A_4 = arith.constant 16 : i32
    %add3A_5 = vector.broadcast %add3A_4 : i32 to vector<16xi32>
    %add3A_6 = arith.addi %iota3A, %add3A_5 : vector<16xi32>
    %add3A_7 = arith.constant 32 : i32
    %add3A_8 = vector.broadcast %add3A_7 : i32 to vector<16xi32>
    %add3A_9 = arith.addi %iota3A, %add3A_8 : vector<16xi32>
    %add3A_10 = arith.constant 48 : i32
    %add3A_11 = vector.broadcast %add3A_10 : i32 to vector<16xi32>
    %add3A_12 = arith.addi %iota3A, %add3A_11 : vector<16xi32>
    %add3A_13 = arith.constant 0 : i32
    %add3A_14 = arith.addi %add3A, %add3A_13 : i32
    %lt3A = arith.constant 7813 : i32
    %lt3A_15 = arith.cmpi slt, %add3A_14, %lt3A : i32
    %convert_element_type3A = arith.extui %lt3A_15 : i1 to i32
    %cond3A = arith.constant 0 : i32
    %cond3A_16 = arith.cmpi ne, %convert_element_type3A, %cond3A : i32
    scf.if %cond3A_16 {
      %mul3A_28 = arith.constant 128 : i32
      %mul3A_29 = arith.muli %add3A_14, %mul3A_28 : i32
      %dma_start3A = arith.constant 0 : i32
      %dma_start3A_30 = arith.constant 0 : i32
      %dma_start3A_31 = arith.constant 0 : i32
      %dma_start3A_32 = tpu.memref_slice %arg4[%dma_start3A, %dma_start3A_30, %dma_start3A_31] : memref<4x64x128xf32, #tpu.memory_space<vmem>> -> memref<1x64x128xf32, #tpu.memory_space<vmem>>
      %dma_start3A_33 = tpu.memref_squeeze %dma_start3A_32 : memref<1x64x128xf32, #tpu.memory_space<vmem>> -> memref<64x128xf32, #tpu.memory_space<vmem>>
      %dma_start3A_34 = arith.constant 0 : i32
      %dma_start3A_35 = tpu.memref_slice %arg2[%dma_start3A_34, %mul3A_29] : memref<64x1000000xf32, #tpu.memory_space<hbm>> -> memref<64x128xf32, #tpu.memory_space<hbm>>
      %dma_start3A_36 = arith.constant 0 : i32
      %dma_start3A_37 = arith.constant 0 : i32
      %dma_start3A_38 = tpu.memref_slice %arg4[%dma_start3A, %dma_start3A_36, %dma_start3A_37] : memref<4x64x128xf32, #tpu.memory_space<vmem>> -> memref<1x64x128xf32, #tpu.memory_space<vmem>>
      %dma_start3A_39 = tpu.memref_squeeze %dma_start3A_38 : memref<1x64x128xf32, #tpu.memory_space<vmem>> -> memref<64x128xf32, #tpu.memory_space<vmem>>
      %dma_start3A_40 = arith.constant 0 : i32
      %dma_start3A_41 = tpu.memref_slice %arg2[%dma_start3A_40, %mul3A_29] : memref<64x1000000xf32, #tpu.memory_space<hbm>> -> memref<64x128xf32, #tpu.memory_space<hbm>>
      tpu.enqueue_dma source(%dma_start3A_41 : memref<64x128xf32, #tpu.memory_space<hbm>>) target(%dma_start3A_39 : memref<64x128xf32, #tpu.memory_space<vmem>>) target_semaphore(%arg6 : memref<!tpu.dma_semaphore, #tpu.memory_space<semaphore_mem>>)
    } else {
    }
    %add3A_17 = arith.constant 32 : i32
    %add3A_18 = arith.addi %add3A, %add3A_17 : i32
    %lt3A_19 = arith.constant 7813 : i32
    %lt3A_20 = arith.cmpi slt, %add3A_18, %lt3A_19 : i32
    %convert_element_type3A_21 = arith.extui %lt3A_20 : i1 to i32
    %cond3A_22 = arith.constant 0 : i32
    %cond3A_23 = arith.cmpi ne, %convert_element_type3A_21, %cond3A_22 : i32
    scf.if %cond3A_23 {
      %mul3A_28 = arith.constant 128 : i32
      %mul3A_29 = arith.muli %add3A_18, %mul3A_28 : i32
      %dma_start3A = arith.constant 1 : i32
      %dma_start3A_30 = arith.constant 0 : i32
      %dma_start3A_31 = arith.constant 0 : i32
      %dma_start3A_32 = tpu.memref_slice %arg4[%dma_start3A, %dma_start3A_30, %dma_start3A_31] : memref<4x64x128xf32, #tpu.memory_space<vmem>> -> memref<1x64x128xf32, #tpu.memory_space<vmem>>
      %dma_start3A_33 = tpu.memref_squeeze %dma_start3A_32 : memref<1x64x128xf32, #tpu.memory_space<vmem>> -> memref<64x128xf32, #tpu.memory_space<vmem>>
      %dma_start3A_34 = arith.constant 0 : i32
      %dma_start3A_35 = tpu.memref_slice %arg2[%dma_start3A_34, %mul3A_29] : memref<64x1000000xf32, #tpu.memory_space<hbm>> -> memref<64x128xf32, #tpu.memory_space<hbm>>
      %dma_start3A_36 = arith.constant 0 : i32
      %dma_start3A_37 = arith.constant 0 : i32
      %dma_start3A_38 = tpu.memref_slice %arg4[%dma_start3A, %dma_start3A_36, %dma_start3A_37] : memref<4x64x128xf32, #tpu.memory_space<vmem>> -> memref<1x64x128xf32, #tpu.memory_space<vmem>>
      %dma_start3A_39 = tpu.memref_squeeze %dma_start3A_38 : memref<1x64x128xf32, #tpu.memory_space<vmem>> -> memref<64x128xf32, #tpu.memory_space<vmem>>
      %dma_start3A_40 = arith.constant 0 : i32
      %dma_start3A_41 = tpu.memref_slice %arg2[%dma_start3A_40, %mul3A_29] : memref<64x1000000xf32, #tpu.memory_space<hbm>> -> memref<64x128xf32, #tpu.memory_space<hbm>>
      tpu.enqueue_dma source(%dma_start3A_41 : memref<64x128xf32, #tpu.memory_space<hbm>>) target(%dma_start3A_39 : memref<64x128xf32, #tpu.memory_space<vmem>>) target_semaphore(%arg7 : memref<!tpu.dma_semaphore, #tpu.memory_space<semaphore_mem>>)
    } else {
    }
    %scan3A = arith.constant 0 : i32
    %scan3A_24 = arith.constant 63 : i32
    %scan3A_25 = arith.addi %scan3A, %scan3A_24 : i32
    %scan3A_26 = arith.constant 1 : i32
    scf.for %scan3A_28 = %scan3A to %scan3A_25 step %scan3A_26  : i32 {
      %mul3A_29 = arith.constant 4 : i32
      %mul3A_30 = arith.muli %scan3A_28, %mul3A_29 : i32
      %add3A_31 = arith.constant 0 : i32
      %add3A_32 = arith.addi %add3A_31, %mul3A_30 : i32
      %add3A_33 = arith.constant 0 : i32
      %add3A_34 = arith.addi %add3A_32, %add3A_33 : i32
      %mul3A_35 = arith.constant 32 : i32
      %mul3A_36 = arith.muli %mul3A_35, %add3A_34 : i32
      %add3A_37 = arith.addi %add3A, %mul3A_36 : i32
      %lt3A_38 = arith.constant 7813 : i32
      %lt3A_39 = arith.cmpi slt, %add3A_37, %lt3A_38 : i32
      %convert_element_type3A_40 = arith.extui %lt3A_39 : i1 to i32
      %cond3A_41 = arith.constant 0 : i32
      %cond3A_42 = arith.cmpi ne, %convert_element_type3A_40, %cond3A_41 : i32
      scf.if %cond3A_42 {
        %dma_wait3A = arith.constant 0 : i32
        %dma_wait3A_215 = arith.constant 0 : i32
        %dma_wait3A_216 = arith.constant 0 : i32
        %dma_wait3A_217 = tpu.memref_slice %arg4[%dma_wait3A, %dma_wait3A_215, %dma_wait3A_216] : memref<4x64x128xf32, #tpu.memory_space<vmem>> -> memref<1x64x128xf32, #tpu.memory_space<vmem>>
        %dma_wait3A_218 = tpu.memref_squeeze %dma_wait3A_217 : memref<1x64x128xf32, #tpu.memory_space<vmem>> -> memref<64x128xf32, #tpu.memory_space<vmem>>
        %dma_wait3A_219 = arith.constant 0 : i32
        %dma_wait3A_220 = arith.constant 0 : i32
        %dma_wait3A_221 = tpu.memref_slice %arg2[%dma_wait3A_219, %dma_wait3A_220] : memref<64x1000000xf32, #tpu.memory_space<hbm>> -> memref<64x128xf32, #tpu.memory_space<hbm>>
        %dma_wait3A_222 = arith.constant 0 : i32
        %dma_wait3A_223 = arith.constant 0 : i32
        %dma_wait3A_224 = tpu.memref_slice %arg4[%dma_wait3A, %dma_wait3A_222, %dma_wait3A_223] : memref<4x64x128xf32, #tpu.memory_space<vmem>> -> memref<1x64x128xf32, #tpu.memory_space<vmem>>
        %dma_wait3A_225 = tpu.memref_squeeze %dma_wait3A_224 : memref<1x64x128xf32, #tpu.memory_space<vmem>> -> memref<64x128xf32, #tpu.memory_space<vmem>>
        %dma_wait3A_226 = arith.constant 0 : i32
        %dma_wait3A_227 = arith.constant 0 : i32
        %dma_wait3A_228 = tpu.memref_slice %arg2[%dma_wait3A_226, %dma_wait3A_227] : memref<64x1000000xf32, #tpu.memory_space<hbm>> -> memref<64x128xf32, #tpu.memory_space<hbm>>
        tpu.wait_dma2 semaphore(%arg6 : memref<!tpu.dma_semaphore, #tpu.memory_space<semaphore_mem>>) src(%dma_wait3A_228 : memref<64x128xf32, #tpu.memory_space<hbm>>) dst(%dma_wait3A_225 : memref<64x128xf32, #tpu.memory_space<vmem>>)
      } else {
      }
      %ge3A = arith.constant 2 : i32
      %ge3A_43 = arith.cmpi sge, %add3A_34, %ge3A : i32
      %convert_element_type3A_44 = arith.extui %ge3A_43 : i1 to i32
      %cond3A_45 = arith.constant 0 : i32
      %cond3A_46 = arith.cmpi ne, %convert_element_type3A_44, %cond3A_45 : i32
      scf.if %cond3A_46 {
        %sub3A = arith.constant 2 : i32
        %sub3A_215 = arith.subi %add3A_34, %sub3A : i32
        %mul3A_216 = arith.constant 32 : i32
        %mul3A_217 = arith.muli %mul3A_216, %sub3A_215 : i32
        %add3A_218 = arith.addi %add3A, %mul3A_217 : i32
        %lt3A_219 = arith.constant 7812 : i32
        %lt3A_220 = arith.cmpi slt, %add3A_218, %lt3A_219 : i32
        %convert_element_type3A_221 = arith.extui %lt3A_220 : i1 to i32
        %cond3A_222 = arith.constant 0 : i32
        %cond3A_223 = arith.cmpi ne, %convert_element_type3A_221, %cond3A_222 : i32
        scf.if %cond3A_223 {
          %dma_wait3A = arith.constant 2 : i32
          %dma_wait3A_229 = arith.constant 0 : i32
          %dma_wait3A_230 = arith.constant 0 : i32
          %dma_wait3A_231 = tpu.memref_slice %arg5[%dma_wait3A, %dma_wait3A_229, %dma_wait3A_230] : memref<4x64x128xf32, #tpu.memory_space<vmem>> -> memref<1x64x128xf32, #tpu.memory_space<vmem>>
          %dma_wait3A_232 = tpu.memref_squeeze %dma_wait3A_231 : memref<1x64x128xf32, #tpu.memory_space<vmem>> -> memref<64x128xf32, #tpu.memory_space<vmem>>
          %dma_wait3A_233 = arith.constant 0 : i32
          %dma_wait3A_234 = arith.constant 0 : i32
          %dma_wait3A_235 = tpu.memref_slice %arg3[%dma_wait3A_233, %dma_wait3A_234] : memref<500000x128xf32, #tpu.memory_space<hbm>> -> memref<64x128xf32, #tpu.memory_space<hbm>>
          %dma_wait3A_236 = arith.constant 0 : i32
          %dma_wait3A_237 = arith.constant 0 : i32
          %dma_wait3A_238 = tpu.memref_slice %arg3[%dma_wait3A_236, %dma_wait3A_237] : memref<500000x128xf32, #tpu.memory_space<hbm>> -> memref<64x128xf32, #tpu.memory_space<hbm>>
          %dma_wait3A_239 = arith.constant 0 : i32
          %dma_wait3A_240 = arith.constant 0 : i32
          %dma_wait3A_241 = tpu.memref_slice %arg5[%dma_wait3A, %dma_wait3A_239, %dma_wait3A_240] : memref<4x64x128xf32, #tpu.memory_space<vmem>> -> memref<1x64x128xf32, #tpu.memory_space<vmem>>
          %dma_wait3A_242 = tpu.memref_squeeze %dma_wait3A_241 : memref<1x64x128xf32, #tpu.memory_space<vmem>> -> memref<64x128xf32, #tpu.memory_space<vmem>>
          tpu.wait_dma2 semaphore(%arg12 : memref<!tpu.dma_semaphore, #tpu.memory_space<semaphore_mem>>) src(%dma_wait3A_242 : memref<64x128xf32, #tpu.memory_space<vmem>>) dst(%dma_wait3A_238 : memref<64x128xf32, #tpu.memory_space<hbm>>)
        } else {
        }
        %eq3A_224 = arith.constant 7812 : i32
        %eq3A_225 = arith.cmpi eq, %add3A_218, %eq3A_224 : i32
        %convert_element_type3A_226 = arith.extui %eq3A_225 : i1 to i32
        %cond3A_227 = arith.constant 0 : i32
        %cond3A_228 = arith.cmpi ne, %convert_element_type3A_226, %cond3A_227 : i32
        scf.if %cond3A_228 {
          %dma_wait3A = arith.constant 2 : i32
          %dma_wait3A_229 = arith.constant 0 : i32
          %dma_wait3A_230 = arith.constant 0 : i32
          %dma_wait3A_231 = tpu.memref_slice %arg5[%dma_wait3A, %dma_wait3A_229, %dma_wait3A_230] : memref<4x64x128xf32, #tpu.memory_space<vmem>> -> memref<1x32x128xf32, #tpu.memory_space<vmem>>
          %dma_wait3A_232 = tpu.memref_squeeze %dma_wait3A_231 : memref<1x32x128xf32, #tpu.memory_space<vmem>> -> memref<32x128xf32, #tpu.memory_space<vmem>>
          %dma_wait3A_233 = arith.constant 0 : i32
          %dma_wait3A_234 = arith.constant 0 : i32
          %dma_wait3A_235 = tpu.memref_slice %arg3[%dma_wait3A_233, %dma_wait3A_234] : memref<500000x128xf32, #tpu.memory_space<hbm>> -> memref<32x128xf32, #tpu.memory_space<hbm>>
          %dma_wait3A_236 = arith.constant 0 : i32
          %dma_wait3A_237 = arith.constant 0 : i32
          %dma_wait3A_238 = tpu.memref_slice %arg3[%dma_wait3A_236, %dma_wait3A_237] : memref<500000x128xf32, #tpu.memory_space<hbm>> -> memref<32x128xf32, #tpu.memory_space<hbm>>
          %dma_wait3A_239 = arith.constant 0 : i32
          %dma_wait3A_240 = arith.constant 0 : i32
          %dma_wait3A_241 = tpu.memref_slice %arg5[%dma_wait3A, %dma_wait3A_239, %dma_wait3A_240] : memref<4x64x128xf32, #tpu.memory_space<vmem>> -> memref<1x32x128xf32, #tpu.memory_space<vmem>>
          %dma_wait3A_242 = tpu.memref_squeeze %dma_wait3A_241 : memref<1x32x128xf32, #tpu.memory_space<vmem>> -> memref<32x128xf32, #tpu.memory_space<vmem>>
          tpu.wait_dma2 semaphore(%arg12 : memref<!tpu.dma_semaphore, #tpu.memory_space<semaphore_mem>>) src(%dma_wait3A_242 : memref<32x128xf32, #tpu.memory_space<vmem>>) dst(%dma_wait3A_238 : memref<32x128xf32, #tpu.memory_space<hbm>>)
        } else {
        }
      } else {
      }
      %add3A_47 = arith.constant 2 : i32
      %add3A_48 = arith.addi %add3A_34, %add3A_47 : i32
      %mul3A_49 = arith.constant 32 : i32
      %mul3A_50 = arith.muli %mul3A_49, %add3A_48 : i32
      %add3A_51 = arith.addi %add3A, %mul3A_50 : i32
      %lt3A_52 = arith.constant 7813 : i32
      %lt3A_53 = arith.cmpi slt, %add3A_51, %lt3A_52 : i32
      %convert_element_type3A_54 = arith.extui %lt3A_53 : i1 to i32
      %cond3A_55 = arith.constant 0 : i32
      %cond3A_56 = arith.cmpi ne, %convert_element_type3A_54, %cond3A_55 : i32
      scf.if %cond3A_56 {
        %mul3A_215 = arith.constant 128 : i32
        %mul3A_216 = arith.muli %add3A_51, %mul3A_215 : i32
        %dma_start3A = arith.constant 2 : i32
        %dma_start3A_217 = arith.constant 0 : i32
        %dma_start3A_218 = arith.constant 0 : i32
        %dma_start3A_219 = tpu.memref_slice %arg4[%dma_start3A, %dma_start3A_217, %dma_start3A_218] : memref<4x64x128xf32, #tpu.memory_space<vmem>> -> memref<1x64x128xf32, #tpu.memory_space<vmem>>
        %dma_start3A_220 = tpu.memref_squeeze %dma_start3A_219 : memref<1x64x128xf32, #tpu.memory_space<vmem>> -> memref<64x128xf32, #tpu.memory_space<vmem>>
        %dma_start3A_221 = arith.constant 0 : i32
        %dma_start3A_222 = tpu.memref_slice %arg2[%dma_start3A_221, %mul3A_216] : memref<64x1000000xf32, #tpu.memory_space<hbm>> -> memref<64x128xf32, #tpu.memory_space<hbm>>
        %dma_start3A_223 = arith.constant 0 : i32
        %dma_start3A_224 = arith.constant 0 : i32
        %dma_start3A_225 = tpu.memref_slice %arg4[%dma_start3A, %dma_start3A_223, %dma_start3A_224] : memref<4x64x128xf32, #tpu.memory_space<vmem>> -> memref<1x64x128xf32, #tpu.memory_space<vmem>>
        %dma_start3A_226 = tpu.memref_squeeze %dma_start3A_225 : memref<1x64x128xf32, #tpu.memory_space<vmem>> -> memref<64x128xf32, #tpu.memory_space<vmem>>
        %dma_start3A_227 = arith.constant 0 : i32
        %dma_start3A_228 = tpu.memref_slice %arg2[%dma_start3A_227, %mul3A_216] : memref<64x1000000xf32, #tpu.memory_space<hbm>> -> memref<64x128xf32, #tpu.memory_space<hbm>>
        tpu.enqueue_dma source(%dma_start3A_228 : memref<64x128xf32, #tpu.memory_space<hbm>>) target(%dma_start3A_226 : memref<64x128xf32, #tpu.memory_space<vmem>>) target_semaphore(%arg8 : memref<!tpu.dma_semaphore, #tpu.memory_space<semaphore_mem>>)
      } else {
      }
      %mul3A_57 = arith.constant 32 : i32
      %mul3A_58 = arith.muli %mul3A_57, %add3A_34 : i32
      %add3A_59 = arith.addi %add3A, %mul3A_58 : i32
      %lt3A_60 = arith.constant 7813 : i32
      %lt3A_61 = arith.cmpi slt, %add3A_59, %lt3A_60 : i32
      %convert_element_type3A_62 = arith.extui %lt3A_61 : i1 to i32
      %cond3A_63 = arith.constant 0 : i32
      %cond3A_64 = arith.cmpi ne, %convert_element_type3A_62, %cond3A_63 : i32
      scf.if %cond3A_64 {
        %scan3A_215 = arith.constant 0 : i32
        %scan3A_216 = arith.constant 0 : i32
        %scan3A_217 = arith.constant 0 : i32
        %scan3A_218 = arith.constant 128 : i32
        %scan3A_219 = arith.addi %scan3A_217, %scan3A_218 : i32
        %scan3A_220 = arith.constant 4 : i32
        scf.for %scan3A_222 = %scan3A_217 to %scan3A_219 step %scan3A_220  : i32 {
          %mul3A_223 = arith.constant 1 : i32
          %mul3A_224 = arith.muli %scan3A_222, %mul3A_223 : i32
          %add3A_225 = arith.constant 0 : i32
          %add3A_226 = arith.addi %add3A_225, %mul3A_224 : i32
          %broadcast_in_dim3A = vector.broadcast %add3A_226 : i32 to vector<16xi32>
          %add3A_227 = arith.addi %broadcast_in_dim3A, %iota3A : vector<16xi32>
          %and3A = arith.constant 127 : i32
          %and3A_228 = vector.broadcast %and3A : i32 to vector<16xi32>
          %and3A_229 = arith.andi %add3A_227, %and3A_228 : vector<16xi32>
          %shift_right_logical3A = arith.constant 1 : i32
          %shift_right_logical3A_230 = vector.broadcast %shift_right_logical3A : i32 to vector<16xi32>
          %shift_right_logical3A_231 = arith.shrui %and3A_229, %shift_right_logical3A_230 : vector<16xi32>
          %and3A_232 = arith.constant 1 : i32
          %and3A_233 = vector.broadcast %and3A_232 : i32 to vector<16xi32>
          %and3A_234 = arith.andi %and3A_229, %and3A_233 : vector<16xi32>
          %mul3A_235 = arith.constant 64 : i32
          %mul3A_236 = vector.broadcast %mul3A_235 : i32 to vector<16xi32>
          %mul3A_237 = arith.muli %and3A_234, %mul3A_236 : vector<16xi32>
          %gather3A = arith.constant 0 : i32
          %gather3A_238 = arith.constant 0 : i32
          %gather3A_239 = tpu.memref_slice %arg4[%scan3A_215, %gather3A, %gather3A_238] : memref<4x64x128xf32, #tpu.memory_space<vmem>> -> memref<1x64x128xf32, #tpu.memory_space<vmem>>
          %gather3A_240 = tpu.memref_squeeze %gather3A_239 : memref<1x64x128xf32, #tpu.memory_space<vmem>> -> memref<64x128xf32, #tpu.memory_space<vmem>>
          %gather3A_241 = tpu.vector_load_idx %gather3A_240[%add3A_3, %and3A_229] : memref<64x128xf32, #tpu.memory_space<vmem>>[vector<16xi32>, vector<16xi32>], vector<16xf32>,
          %add3A_242 = arith.addi %mul3A_237, %add3A_3 : vector<16xi32>
          %scatter3A = arith.constant 0 : i32
          %scatter3A_243 = arith.constant 0 : i32
          %scatter3A_244 = tpu.memref_slice %arg5[%scan3A_216, %scatter3A, %scatter3A_243] : memref<4x64x128xf32, #tpu.memory_space<vmem>> -> memref<1x64x128xf32, #tpu.memory_space<vmem>>
          %scatter3A_245 = tpu.memref_squeeze %scatter3A_244 : memref<1x64x128xf32, #tpu.memory_space<vmem>> -> memref<64x128xf32, #tpu.memory_space<vmem>>
          tpu.vector_store_idx %scatter3A_245[%shift_right_logical3A_231, %add3A_242], %gather3A_241 : memref<64x128xf32, #tpu.memory_space<vmem>>[vector<16xi32>, vector<16xi32>], vector<16xf32>,
          %gather3A_246 = arith.constant 0 : i32
          %gather3A_247 = arith.constant 0 : i32
          %gather3A_248 = tpu.memref_slice %arg4[%scan3A_215, %gather3A_246, %gather3A_247] : memref<4x64x128xf32, #tpu.memory_space<vmem>> -> memref<1x64x128xf32, #tpu.memory_space<vmem>>
          %gather3A_249 = tpu.memref_squeeze %gather3A_248 : memref<1x64x128xf32, #tpu.memory_space<vmem>> -> memref<64x128xf32, #tpu.memory_space<vmem>>
          %gather3A_250 = tpu.vector_load_idx %gather3A_249[%add3A_6, %and3A_229] : memref<64x128xf32, #tpu.memory_space<vmem>>[vector<16xi32>, vector<16xi32>], vector<16xf32>,
          %add3A_251 = arith.addi %mul3A_237, %add3A_6 : vector<16xi32>
          %scatter3A_252 = arith.constant 0 : i32
          %scatter3A_253 = arith.constant 0 : i32
          %scatter3A_254 = tpu.memref_slice %arg5[%scan3A_216, %scatter3A_252, %scatter3A_253] : memref<4x64x128xf32, #tpu.memory_space<vmem>> -> memref<1x64x128xf32, #tpu.memory_space<vmem>>
          %scatter3A_255 = tpu.memref_squeeze %scatter3A_254 : memref<1x64x128xf32, #tpu.memory_space<vmem>> -> memref<64x128xf32, #tpu.memory_space<vmem>>
          tpu.vector_store_idx %scatter3A_255[%shift_right_logical3A_231, %add3A_251], %gather3A_250 : memref<64x128xf32, #tpu.memory_space<vmem>>[vector<16xi32>, vector<16xi32>], vector<16xf32>,
          %gather3A_256 = arith.constant 0 : i32
          %gather3A_257 = arith.constant 0 : i32
          %gather3A_258 = tpu.memref_slice %arg4[%scan3A_215, %gather3A_256, %gather3A_257] : memref<4x64x128xf32, #tpu.memory_space<vmem>> -> memref<1x64x128xf32, #tpu.memory_space<vmem>>
          %gather3A_259 = tpu.memref_squeeze %gather3A_258 : memref<1x64x128xf32, #tpu.memory_space<vmem>> -> memref<64x128xf32, #tpu.memory_space<vmem>>
          %gather3A_260 = tpu.vector_load_idx %gather3A_259[%add3A_9, %and3A_229] : memref<64x128xf32, #tpu.memory_space<vmem>>[vector<16xi32>, vector<16xi32>], vector<16xf32>,
          %add3A_261 = arith.addi %mul3A_237, %add3A_9 : vector<16xi32>
          %scatter3A_262 = arith.constant 0 : i32
          %scatter3A_263 = arith.constant 0 : i32
          %scatter3A_264 = tpu.memref_slice %arg5[%scan3A_216, %scatter3A_262, %scatter3A_263] : memref<4x64x128xf32, #tpu.memory_space<vmem>> -> memref<1x64x128xf32, #tpu.memory_space<vmem>>
          %scatter3A_265 = tpu.memref_squeeze %scatter3A_264 : memref<1x64x128xf32, #tpu.memory_space<vmem>> -> memref<64x128xf32, #tpu.memory_space<vmem>>
          tpu.vector_store_idx %scatter3A_265[%shift_right_logical3A_231, %add3A_261], %gather3A_260 : memref<64x128xf32, #tpu.memory_space<vmem>>[vector<16xi32>, vector<16xi32>], vector<16xf32>,
          %gather3A_266 = arith.constant 0 : i32
          %gather3A_267 = arith.constant 0 : i32
          %gather3A_268 = tpu.memref_slice %arg4[%scan3A_215, %gather3A_266, %gather3A_267] : memref<4x64x128xf32, #tpu.memory_space<vmem>> -> memref<1x64x128xf32, #tpu.memory_space<vmem>>
          %gather3A_269 = tpu.memref_squeeze %gather3A_268 : memref<1x64x128xf32, #tpu.memory_space<vmem>> -> memref<64x128xf32, #tpu.memory_space<vmem>>
          %gather3A_270 = tpu.vector_load_idx %gather3A_269[%add3A_12, %and3A_229] : memref<64x128xf32, #tpu.memory_space<vmem>>[vector<16xi32>, vector<16xi32>], vector<16xf32>,
          %add3A_271 = arith.addi %mul3A_237, %add3A_12 : vector<16xi32>
          %scatter3A_272 = arith.constant 0 : i32
          %scatter3A_273 = arith.constant 0 : i32
          %scatter3A_274 = tpu.memref_slice %arg5[%scan3A_216, %scatter3A_272, %scatter3A_273] : memref<4x64x128xf32, #tpu.memory_space<vmem>> -> memref<1x64x128xf32, #tpu.memory_space<vmem>>
          %scatter3A_275 = tpu.memref_squeeze %scatter3A_274 : memref<1x64x128xf32, #tpu.memory_space<vmem>> -> memref<64x128xf32, #tpu.memory_space<vmem>>
          tpu.vector_store_idx %scatter3A_275[%shift_right_logical3A_231, %add3A_271], %gather3A_270 : memref<64x128xf32, #tpu.memory_space<vmem>>[vector<16xi32>, vector<16xi32>], vector<16xf32>,
          %scan3A_276 = arith.constant 1 : i32
          %scan3A_277 = arith.addi %scan3A_222, %scan3A_276 : i32
          %mul3A_278 = arith.constant 1 : i32
          %mul3A_279 = arith.muli %scan3A_277, %mul3A_278 : i32
          %add3A_280 = arith.constant 0 : i32
          %add3A_281 = arith.addi %add3A_280, %mul3A_279 : i32
          %broadcast_in_dim3A_282 = vector.broadcast %add3A_281 : i32 to vector<16xi32>
          %add3A_283 = arith.addi %broadcast_in_dim3A_282, %iota3A : vector<16xi32>
          %and3A_284 = arith.constant 127 : i32
          %and3A_285 = vector.broadcast %and3A_284 : i32 to vector<16xi32>
          %and3A_286 = arith.andi %add3A_283, %and3A_285 : vector<16xi32>
          %shift_right_logical3A_287 = arith.constant 1 : i32
          %shift_right_logical3A_288 = vector.broadcast %shift_right_logical3A_287 : i32 to vector<16xi32>
          %shift_right_logical3A_289 = arith.shrui %and3A_286, %shift_right_logical3A_288 : vector<16xi32>
          %and3A_290 = arith.constant 1 : i32
          %and3A_291 = vector.broadcast %and3A_290 : i32 to vector<16xi32>
          %and3A_292 = arith.andi %and3A_286, %and3A_291 : vector<16xi32>
          %mul3A_293 = arith.constant 64 : i32
          %mul3A_294 = vector.broadcast %mul3A_293 : i32 to vector<16xi32>
          %mul3A_295 = arith.muli %and3A_292, %mul3A_294 : vector<16xi32>
          %gather3A_296 = arith.constant 0 : i32
          %gather3A_297 = arith.constant 0 : i32
          %gather3A_298 = tpu.memref_slice %arg4[%scan3A_215, %gather3A_296, %gather3A_297] : memref<4x64x128xf32, #tpu.memory_space<vmem>> -> memref<1x64x128xf32, #tpu.memory_space<vmem>>
          %gather3A_299 = tpu.memref_squeeze %gather3A_298 : memref<1x64x128xf32, #tpu.memory_space<vmem>> -> memref<64x128xf32, #tpu.memory_space<vmem>>
          %gather3A_300 = tpu.vector_load_idx %gather3A_299[%add3A_3, %and3A_286] : memref<64x128xf32, #tpu.memory_space<vmem>>[vector<16xi32>, vector<16xi32>], vector<16xf32>,
          %add3A_301 = arith.addi %mul3A_295, %add3A_3 : vector<16xi32>
          %scatter3A_302 = arith.constant 0 : i32
          %scatter3A_303 = arith.constant 0 : i32
          %scatter3A_304 = tpu.memref_slice %arg5[%scan3A_216, %scatter3A_302, %scatter3A_303] : memref<4x64x128xf32, #tpu.memory_space<vmem>> -> memref<1x64x128xf32, #tpu.memory_space<vmem>>
          %scatter3A_305 = tpu.memref_squeeze %scatter3A_304 : memref<1x64x128xf32, #tpu.memory_space<vmem>> -> memref<64x128xf32, #tpu.memory_space<vmem>>
          tpu.vector_store_idx %scatter3A_305[%shift_right_logical3A_289, %add3A_301], %gather3A_300 : memref<64x128xf32, #tpu.memory_space<vmem>>[vector<16xi32>, vector<16xi32>], vector<16xf32>,
          %gather3A_306 = arith.constant 0 : i32
          %gather3A_307 = arith.constant 0 : i32
          %gather3A_308 = tpu.memref_slice %arg4[%scan3A_215, %gather3A_306, %gather3A_307] : memref<4x64x128xf32, #tpu.memory_space<vmem>> -> memref<1x64x128xf32, #tpu.memory_space<vmem>>
          %gather3A_309 = tpu.memref_squeeze %gather3A_308 : memref<1x64x128xf32, #tpu.memory_space<vmem>> -> memref<64x128xf32, #tpu.memory_space<vmem>>
          %gather3A_310 = tpu.vector_load_idx %gather3A_309[%add3A_6, %and3A_286] : memref<64x128xf32, #tpu.memory_space<vmem>>[vector<16xi32>, vector<16xi32>], vector<16xf32>,
          %add3A_311 = arith.addi %mul3A_295, %add3A_6 : vector<16xi32>
          %scatter3A_312 = arith.constant 0 : i32
          %scatter3A_313 = arith.constant 0 : i32
          %scatter3A_314 = tpu.memref_slice %arg5[%scan3A_216, %scatter3A_312, %scatter3A_313] : memref<4x64x128xf32, #tpu.memory_space<vmem>> -> memref<1x64x128xf32, #tpu.memory_space<vmem>>
          %scatter3A_315 = tpu.memref_squeeze %scatter3A_314 : memref<1x64x128xf32, #tpu.memory_space<vmem>> -> memref<64x128xf32, #tpu.memory_space<vmem>>
          tpu.vector_store_idx %scatter3A_315[%shift_right_logical3A_289, %add3A_311], %gather3A_310 : memref<64x128xf32, #tpu.memory_space<vmem>>[vector<16xi32>, vector<16xi32>], vector<16xf32>,
          %gather3A_316 = arith.constant 0 : i32
          %gather3A_317 = arith.constant 0 : i32
          %gather3A_318 = tpu.memref_slice %arg4[%scan3A_215, %gather3A_316, %gather3A_317] : memref<4x64x128xf32, #tpu.memory_space<vmem>> -> memref<1x64x128xf32, #tpu.memory_space<vmem>>
          %gather3A_319 = tpu.memref_squeeze %gather3A_318 : memref<1x64x128xf32, #tpu.memory_space<vmem>> -> memref<64x128xf32, #tpu.memory_space<vmem>>
          %gather3A_320 = tpu.vector_load_idx %gather3A_319[%add3A_9, %and3A_286] : memref<64x128xf32, #tpu.memory_space<vmem>>[vector<16xi32>, vector<16xi32>], vector<16xf32>,
          %add3A_321 = arith.addi %mul3A_295, %add3A_9 : vector<16xi32>
          %scatter3A_322 = arith.constant 0 : i32
          %scatter3A_323 = arith.constant 0 : i32
          %scatter3A_324 = tpu.memref_slice %arg5[%scan3A_216, %scatter3A_322, %scatter3A_323] : memref<4x64x128xf32, #tpu.memory_space<vmem>> -> memref<1x64x128xf32, #tpu.memory_space<vmem>>
          %scatter3A_325 = tpu.memref_squeeze %scatter3A_324 : memref<1x64x128xf32, #tpu.memory_space<vmem>> -> memref<64x128xf32, #tpu.memory_space<vmem>>
          tpu.vector_store_idx %scatter3A_325[%shift_right_logical3A_289, %add3A_321], %gather3A_320 : memref<64x128xf32, #tpu.memory_space<vmem>>[vector<16xi32>, vector<16xi32>], vector<16xf32>,
          %gather3A_326 = arith.constant 0 : i32
          %gather3A_327 = arith.constant 0 : i32
          %gather3A_328 = tpu.memref_slice %arg4[%scan3A_215, %gather3A_326, %gather3A_327] : memref<4x64x128xf32, #tpu.memory_space<vmem>> -> memref<1x64x128xf32, #tpu.memory_space<vmem>>
          %gather3A_329 = tpu.memref_squeeze %gather3A_328 : memref<1x64x128xf32, #tpu.memory_space<vmem>> -> memref<64x128xf32, #tpu.memory_space<vmem>>
          %gather3A_330 = tpu.vector_load_idx %gather3A_329[%add3A_12, %and3A_286] : memref<64x128xf32, #tpu.memory_space<vmem>>[vector<16xi32>, vector<16xi32>], vector<16xf32>,
          %add3A_331 = arith.addi %mul3A_295, %add3A_12 : vector<16xi32>
          %scatter3A_332 = arith.constant 0 : i32
          %scatter3A_333 = arith.constant 0 : i32
          %scatter3A_334 = tpu.memref_slice %arg5[%scan3A_216, %scatter3A_332, %scatter3A_333] : memref<4x64x128xf32, #tpu.memory_space<vmem>> -> memref<1x64x128xf32, #tpu.memory_space<vmem>>
          %scatter3A_335 = tpu.memref_squeeze %scatter3A_334 : memref<1x64x128xf32, #tpu.memory_space<vmem>> -> memref<64x128xf32, #tpu.memory_space<vmem>>
          tpu.vector_store_idx %scatter3A_335[%shift_right_logical3A_289, %add3A_331], %gather3A_330 : memref<64x128xf32, #tpu.memory_space<vmem>>[vector<16xi32>, vector<16xi32>], vector<16xf32>,
          %scan3A_336 = arith.constant 2 : i32
          %scan3A_337 = arith.addi %scan3A_222, %scan3A_336 : i32
          %mul3A_338 = arith.constant 1 : i32
          %mul3A_339 = arith.muli %scan3A_337, %mul3A_338 : i32
          %add3A_340 = arith.constant 0 : i32
          %add3A_341 = arith.addi %add3A_340, %mul3A_339 : i32
          %broadcast_in_dim3A_342 = vector.broadcast %add3A_341 : i32 to vector<16xi32>
          %add3A_343 = arith.addi %broadcast_in_dim3A_342, %iota3A : vector<16xi32>
          %and3A_344 = arith.constant 127 : i32
          %and3A_345 = vector.broadcast %and3A_344 : i32 to vector<16xi32>
          %and3A_346 = arith.andi %add3A_343, %and3A_345 : vector<16xi32>
          %shift_right_logical3A_347 = arith.constant 1 : i32
          %shift_right_logical3A_348 = vector.broadcast %shift_right_logical3A_347 : i32 to vector<16xi32>
          %shift_right_logical3A_349 = arith.shrui %and3A_346, %shift_right_logical3A_348 : vector<16xi32>
          %and3A_350 = arith.constant 1 : i32
          %and3A_351 = vector.broadcast %and3A_350 : i32 to vector<16xi32>
          %and3A_352 = arith.andi %and3A_346, %and3A_351 : vector<16xi32>
          %mul3A_353 = arith.constant 64 : i32
          %mul3A_354 = vector.broadcast %mul3A_353 : i32 to vector<16xi32>
          %mul3A_355 = arith.muli %and3A_352, %mul3A_354 : vector<16xi32>
          %gather3A_356 = arith.constant 0 : i32
          %gather3A_357 = arith.constant 0 : i32
          %gather3A_358 = tpu.memref_slice %arg4[%scan3A_215, %gather3A_356, %gather3A_357] : memref<4x64x128xf32, #tpu.memory_space<vmem>> -> memref<1x64x128xf32, #tpu.memory_space<vmem>>
          %gather3A_359 = tpu.memref_squeeze %gather3A_358 : memref<1x64x128xf32, #tpu.memory_space<vmem>> -> memref<64x128xf32, #tpu.memory_space<vmem>>
          %gather3A_360 = tpu.vector_load_idx %gather3A_359[%add3A_3, %and3A_346] : memref<64x128xf32, #tpu.memory_space<vmem>>[vector<16xi32>, vector<16xi32>], vector<16xf32>,
          %add3A_361 = arith.addi %mul3A_355, %add3A_3 : vector<16xi32>
          %scatter3A_362 = arith.constant 0 : i32
          %scatter3A_363 = arith.constant 0 : i32
          %scatter3A_364 = tpu.memref_slice %arg5[%scan3A_216, %scatter3A_362, %scatter3A_363] : memref<4x64x128xf32, #tpu.memory_space<vmem>> -> memref<1x64x128xf32, #tpu.memory_space<vmem>>
          %scatter3A_365 = tpu.memref_squeeze %scatter3A_364 : memref<1x64x128xf32, #tpu.memory_space<vmem>> -> memref<64x128xf32, #tpu.memory_space<vmem>>
          tpu.vector_store_idx %scatter3A_365[%shift_right_logical3A_349, %add3A_361], %gather3A_360 : memref<64x128xf32, #tpu.memory_space<vmem>>[vector<16xi32>, vector<16xi32>], vector<16xf32>,
          %gather3A_366 = arith.constant 0 : i32
          %gather3A_367 = arith.constant 0 : i32
          %gather3A_368 = tpu.memref_slice %arg4[%scan3A_215, %gather3A_366, %gather3A_367] : memref<4x64x128xf32, #tpu.memory_space<vmem>> -> memref<1x64x128xf32, #tpu.memory_space<vmem>>
          %gather3A_369 = tpu.memref_squeeze %gather3A_368 : memref<1x64x128xf32, #tpu.memory_space<vmem>> -> memref<64x128xf32, #tpu.memory_space<vmem>>
          %gather3A_370 = tpu.vector_load_idx %gather3A_369[%add3A_6, %and3A_346] : memref<64x128xf32, #tpu.memory_space<vmem>>[vector<16xi32>, vector<16xi32>], vector<16xf32>,
          %add3A_371 = arith.addi %mul3A_355, %add3A_6 : vector<16xi32>
          %scatter3A_372 = arith.constant 0 : i32
          %scatter3A_373 = arith.constant 0 : i32
          %scatter3A_374 = tpu.memref_slice %arg5[%scan3A_216, %scatter3A_372, %scatter3A_373] : memref<4x64x128xf32, #tpu.memory_space<vmem>> -> memref<1x64x128xf32, #tpu.memory_space<vmem>>
          %scatter3A_375 = tpu.memref_squeeze %scatter3A_374 : memref<1x64x128xf32, #tpu.memory_space<vmem>> -> memref<64x128xf32, #tpu.memory_space<vmem>>
          tpu.vector_store_idx %scatter3A_375[%shift_right_logical3A_349, %add3A_371], %gather3A_370 : memref<64x128xf32, #tpu.memory_space<vmem>>[vector<16xi32>, vector<16xi32>], vector<16xf32>,
          %gather3A_376 = arith.constant 0 : i32
          %gather3A_377 = arith.constant 0 : i32
          %gather3A_378 = tpu.memref_slice %arg4[%scan3A_215, %gather3A_376, %gather3A_377] : memref<4x64x128xf32, #tpu.memory_space<vmem>> -> memref<1x64x128xf32, #tpu.memory_space<vmem>>
          %gather3A_379 = tpu.memref_squeeze %gather3A_378 : memref<1x64x128xf32, #tpu.memory_space<vmem>> -> memref<64x128xf32, #tpu.memory_space<vmem>>
          %gather3A_380 = tpu.vector_load_idx %gather3A_379[%add3A_9, %and3A_346] : memref<64x128xf32, #tpu.memory_space<vmem>>[vector<16xi32>, vector<16xi32>], vector<16xf32>,
          %add3A_381 = arith.addi %mul3A_355, %add3A_9 : vector<16xi32>
          %scatter3A_382 = arith.constant 0 : i32
          %scatter3A_383 = arith.constant 0 : i32
          %scatter3A_384 = tpu.memref_slice %arg5[%scan3A_216, %scatter3A_382, %scatter3A_383] : memref<4x64x128xf32, #tpu.memory_space<vmem>> -> memref<1x64x128xf32, #tpu.memory_space<vmem>>
          %scatter3A_385 = tpu.memref_squeeze %scatter3A_384 : memref<1x64x128xf32, #tpu.memory_space<vmem>> -> memref<64x128xf32, #tpu.memory_space<vmem>>
          tpu.vector_store_idx %scatter3A_385[%shift_right_logical3A_349, %add3A_381], %gather3A_380 : memref<64x128xf32, #tpu.memory_space<vmem>>[vector<16xi32>, vector<16xi32>], vector<16xf32>,
          %gather3A_386 = arith.constant 0 : i32
          %gather3A_387 = arith.constant 0 : i32
          %gather3A_388 = tpu.memref_slice %arg4[%scan3A_215, %gather3A_386, %gather3A_387] : memref<4x64x128xf32, #tpu.memory_space<vmem>> -> memref<1x64x128xf32, #tpu.memory_space<vmem>>
          %gather3A_389 = tpu.memref_squeeze %gather3A_388 : memref<1x64x128xf32, #tpu.memory_space<vmem>> -> memref<64x128xf32, #tpu.memory_space<vmem>>
          %gather3A_390 = tpu.vector_load_idx %gather3A_389[%add3A_12, %and3A_346] : memref<64x128xf32, #tpu.memory_space<vmem>>[vector<16xi32>, vector<16xi32>], vector<16xf32>,
          %add3A_391 = arith.addi %mul3A_355, %add3A_12 : vector<16xi32>
          %scatter3A_392 = arith.constant 0 : i32
          %scatter3A_393 = arith.constant 0 : i32
          %scatter3A_394 = tpu.memref_slice %arg5[%scan3A_216, %scatter3A_392, %scatter3A_393] : memref<4x64x128xf32, #tpu.memory_space<vmem>> -> memref<1x64x128xf32, #tpu.memory_space<vmem>>
          %scatter3A_395 = tpu.memref_squeeze %scatter3A_394 : memref<1x64x128xf32, #tpu.memory_space<vmem>> -> memref<64x128xf32, #tpu.memory_space<vmem>>
          tpu.vector_store_idx %scatter3A_395[%shift_right_logical3A_349, %add3A_391], %gather3A_390 : memref<64x128xf32, #tpu.memory_space<vmem>>[vector<16xi32>, vector<16xi32>], vector<16xf32>,
          %scan3A_396 = arith.constant 3 : i32
          %scan3A_397 = arith.addi %scan3A_222, %scan3A_396 : i32
          %mul3A_398 = arith.constant 1 : i32
          %mul3A_399 = arith.muli %scan3A_397, %mul3A_398 : i32
          %add3A_400 = arith.constant 0 : i32
          %add3A_401 = arith.addi %add3A_400, %mul3A_399 : i32
          %broadcast_in_dim3A_402 = vector.broadcast %add3A_401 : i32 to vector<16xi32>
          %add3A_403 = arith.addi %broadcast_in_dim3A_402, %iota3A : vector<16xi32>
          %and3A_404 = arith.constant 127 : i32
          %and3A_405 = vector.broadcast %and3A_404 : i32 to vector<16xi32>
          %and3A_406 = arith.andi %add3A_403, %and3A_405 : vector<16xi32>
          %shift_right_logical3A_407 = arith.constant 1 : i32
          %shift_right_logical3A_408 = vector.broadcast %shift_right_logical3A_407 : i32 to vector<16xi32>
          %shift_right_logical3A_409 = arith.shrui %and3A_406, %shift_right_logical3A_408 : vector<16xi32>
          %and3A_410 = arith.constant 1 : i32
          %and3A_411 = vector.broadcast %and3A_410 : i32 to vector<16xi32>
          %and3A_412 = arith.andi %and3A_406, %and3A_411 : vector<16xi32>
          %mul3A_413 = arith.constant 64 : i32
          %mul3A_414 = vector.broadcast %mul3A_413 : i32 to vector<16xi32>
          %mul3A_415 = arith.muli %and3A_412, %mul3A_414 : vector<16xi32>
          %gather3A_416 = arith.constant 0 : i32
          %gather3A_417 = arith.constant 0 : i32
          %gather3A_418 = tpu.memref_slice %arg4[%scan3A_215, %gather3A_416, %gather3A_417] : memref<4x64x128xf32, #tpu.memory_space<vmem>> -> memref<1x64x128xf32, #tpu.memory_space<vmem>>
          %gather3A_419 = tpu.memref_squeeze %gather3A_418 : memref<1x64x128xf32, #tpu.memory_space<vmem>> -> memref<64x128xf32, #tpu.memory_space<vmem>>
          %gather3A_420 = tpu.vector_load_idx %gather3A_419[%add3A_3, %and3A_406] : memref<64x128xf32, #tpu.memory_space<vmem>>[vector<16xi32>, vector<16xi32>], vector<16xf32>,
          %add3A_421 = arith.addi %mul3A_415, %add3A_3 : vector<16xi32>
          %scatter3A_422 = arith.constant 0 : i32
          %scatter3A_423 = arith.constant 0 : i32
          %scatter3A_424 = tpu.memref_slice %arg5[%scan3A_216, %scatter3A_422, %scatter3A_423] : memref<4x64x128xf32, #tpu.memory_space<vmem>> -> memref<1x64x128xf32, #tpu.memory_space<vmem>>
          %scatter3A_425 = tpu.memref_squeeze %scatter3A_424 : memref<1x64x128xf32, #tpu.memory_space<vmem>> -> memref<64x128xf32, #tpu.memory_space<vmem>>
          tpu.vector_store_idx %scatter3A_425[%shift_right_logical3A_409, %add3A_421], %gather3A_420 : memref<64x128xf32, #tpu.memory_space<vmem>>[vector<16xi32>, vector<16xi32>], vector<16xf32>,
          %gather3A_426 = arith.constant 0 : i32
          %gather3A_427 = arith.constant 0 : i32
          %gather3A_428 = tpu.memref_slice %arg4[%scan3A_215, %gather3A_426, %gather3A_427] : memref<4x64x128xf32, #tpu.memory_space<vmem>> -> memref<1x64x128xf32, #tpu.memory_space<vmem>>
          %gather3A_429 = tpu.memref_squeeze %gather3A_428 : memref<1x64x128xf32, #tpu.memory_space<vmem>> -> memref<64x128xf32, #tpu.memory_space<vmem>>
          %gather3A_430 = tpu.vector_load_idx %gather3A_429[%add3A_6, %and3A_406] : memref<64x128xf32, #tpu.memory_space<vmem>>[vector<16xi32>, vector<16xi32>], vector<16xf32>,
          %add3A_431 = arith.addi %mul3A_415, %add3A_6 : vector<16xi32>
          %scatter3A_432 = arith.constant 0 : i32
          %scatter3A_433 = arith.constant 0 : i32
          %scatter3A_434 = tpu.memref_slice %arg5[%scan3A_216, %scatter3A_432, %scatter3A_433] : memref<4x64x128xf32, #tpu.memory_space<vmem>> -> memref<1x64x128xf32, #tpu.memory_space<vmem>>
          %scatter3A_435 = tpu.memref_squeeze %scatter3A_434 : memref<1x64x128xf32, #tpu.memory_space<vmem>> -> memref<64x128xf32, #tpu.memory_space<vmem>>
          tpu.vector_store_idx %scatter3A_435[%shift_right_logical3A_409, %add3A_431], %gather3A_430 : memref<64x128xf32, #tpu.memory_space<vmem>>[vector<16xi32>, vector<16xi32>], vector<16xf32>,
          %gather3A_436 = arith.constant 0 : i32
          %gather3A_437 = arith.constant 0 : i32
          %gather3A_438 = tpu.memref_slice %arg4[%scan3A_215, %gather3A_436, %gather3A_437] : memref<4x64x128xf32, #tpu.memory_space<vmem>> -> memref<1x64x128xf32, #tpu.memory_space<vmem>>
          %gather3A_439 = tpu.memref_squeeze %gather3A_438 : memref<1x64x128xf32, #tpu.memory_space<vmem>> -> memref<64x128xf32, #tpu.memory_space<vmem>>
          %gather3A_440 = tpu.vector_load_idx %gather3A_439[%add3A_9, %and3A_406] : memref<64x128xf32, #tpu.memory_space<vmem>>[vector<16xi32>, vector<16xi32>], vector<16xf32>,
          %add3A_441 = arith.addi %mul3A_415, %add3A_9 : vector<16xi32>
          %scatter3A_442 = arith.constant 0 : i32
          %scatter3A_443 = arith.constant 0 : i32
          %scatter3A_444 = tpu.memref_slice %arg5[%scan3A_216, %scatter3A_442, %scatter3A_443] : memref<4x64x128xf32, #tpu.memory_space<vmem>> -> memref<1x64x128xf32, #tpu.memory_space<vmem>>
          %scatter3A_445 = tpu.memref_squeeze %scatter3A_444 : memref<1x64x128xf32, #tpu.memory_space<vmem>> -> memref<64x128xf32, #tpu.memory_space<vmem>>
          tpu.vector_store_idx %scatter3A_445[%shift_right_logical3A_409, %add3A_441], %gather3A_440 : memref<64x128xf32, #tpu.memory_space<vmem>>[vector<16xi32>, vector<16xi32>], vector<16xf32>,
          %gather3A_446 = arith.constant 0 : i32
          %gather3A_447 = arith.constant 0 : i32
          %gather3A_448 = tpu.memref_slice %arg4[%scan3A_215, %gather3A_446, %gather3A_447] : memref<4x64x128xf32, #tpu.memory_space<vmem>> -> memref<1x64x128xf32, #tpu.memory_space<vmem>>
          %gather3A_449 = tpu.memref_squeeze %gather3A_448 : memref<1x64x128xf32, #tpu.memory_space<vmem>> -> memref<64x128xf32, #tpu.memory_space<vmem>>
          %gather3A_450 = tpu.vector_load_idx %gather3A_449[%add3A_12, %and3A_406] : memref<64x128xf32, #tpu.memory_space<vmem>>[vector<16xi32>, vector<16xi32>], vector<16xf32>,
          %add3A_451 = arith.addi %mul3A_415, %add3A_12 : vector<16xi32>
          %scatter3A_452 = arith.constant 0 : i32
          %scatter3A_453 = arith.constant 0 : i32
          %scatter3A_454 = tpu.memref_slice %arg5[%scan3A_216, %scatter3A_452, %scatter3A_453] : memref<4x64x128xf32, #tpu.memory_space<vmem>> -> memref<1x64x128xf32, #tpu.memory_space<vmem>>
          %scatter3A_455 = tpu.memref_squeeze %scatter3A_454 : memref<1x64x128xf32, #tpu.memory_space<vmem>> -> memref<64x128xf32, #tpu.memory_space<vmem>>
          tpu.vector_store_idx %scatter3A_455[%shift_right_logical3A_409, %add3A_451], %gather3A_450 : memref<64x128xf32, #tpu.memory_space<vmem>>[vector<16xi32>, vector<16xi32>], vector<16xf32>,
        }
        %scan3A_221 = arith.constant 128 : i32
      } else {
      }
      %mul3A_65 = arith.constant 32 : i32
      %mul3A_66 = arith.muli %mul3A_65, %add3A_34 : i32
      %add3A_67 = arith.addi %add3A, %mul3A_66 : i32
      %lt3A_68 = arith.constant 7812 : i32
      %lt3A_69 = arith.cmpi slt, %add3A_67, %lt3A_68 : i32
      %convert_element_type3A_70 = arith.extui %lt3A_69 : i1 to i32
      %cond3A_71 = arith.constant 0 : i32
      %cond3A_72 = arith.cmpi ne, %convert_element_type3A_70, %cond3A_71 : i32
      scf.if %cond3A_72 {
        %mul3A_215 = arith.constant 64 : i32
        %mul3A_216 = arith.muli %add3A_67, %mul3A_215 : i32
        %dma_start3A = arith.constant 0 : i32
        %dma_start3A_217 = arith.constant 0 : i32
        %dma_start3A_218 = arith.constant 0 : i32
        %dma_start3A_219 = tpu.memref_slice %arg5[%dma_start3A, %dma_start3A_217, %dma_start3A_218] : memref<4x64x128xf32, #tpu.memory_space<vmem>> -> memref<1x64x128xf32, #tpu.memory_space<vmem>>
        %dma_start3A_220 = tpu.memref_squeeze %dma_start3A_219 : memref<1x64x128xf32, #tpu.memory_space<vmem>> -> memref<64x128xf32, #tpu.memory_space<vmem>>
        %dma_start3A_221 = arith.constant 0 : i32
        %dma_start3A_222 = tpu.memref_slice %arg3[%mul3A_216, %dma_start3A_221] : memref<500000x128xf32, #tpu.memory_space<hbm>> -> memref<64x128xf32, #tpu.memory_space<hbm>>
        %dma_start3A_223 = arith.constant 0 : i32
        %dma_start3A_224 = tpu.memref_slice %arg3[%mul3A_216, %dma_start3A_223] : memref<500000x128xf32, #tpu.memory_space<hbm>> -> memref<64x128xf32, #tpu.memory_space<hbm>>
        %dma_start3A_225 = arith.constant 0 : i32
        %dma_start3A_226 = arith.constant 0 : i32
        %dma_start3A_227 = tpu.memref_slice %arg5[%dma_start3A, %dma_start3A_225, %dma_start3A_226] : memref<4x64x128xf32, #tpu.memory_space<vmem>> -> memref<1x64x128xf32, #tpu.memory_space<vmem>>
        %dma_start3A_228 = tpu.memref_squeeze %dma_start3A_227 : memref<1x64x128xf32, #tpu.memory_space<vmem>> -> memref<64x128xf32, #tpu.memory_space<vmem>>
        tpu.enqueue_dma source(%dma_start3A_228 : memref<64x128xf32, #tpu.memory_space<vmem>>) target(%dma_start3A_224 : memref<64x128xf32, #tpu.memory_space<hbm>>) target_semaphore(%arg10 : memref<!tpu.dma_semaphore, #tpu.memory_space<semaphore_mem>>)
      } else {
      }
      %eq3A = arith.constant 7812 : i32
      %eq3A_73 = arith.cmpi eq, %add3A_67, %eq3A : i32
      %convert_element_type3A_74 = arith.extui %eq3A_73 : i1 to i32
      %cond3A_75 = arith.constant 0 : i32
      %cond3A_76 = arith.cmpi ne, %convert_element_type3A_74, %cond3A_75 : i32
      scf.if %cond3A_76 {
        %mul3A_215 = arith.constant 64 : i32
        %mul3A_216 = arith.muli %add3A_67, %mul3A_215 : i32
        %dma_start3A = arith.constant 0 : i32
        %dma_start3A_217 = arith.constant 0 : i32
        %dma_start3A_218 = arith.constant 0 : i32
        %dma_start3A_219 = tpu.memref_slice %arg5[%dma_start3A, %dma_start3A_217, %dma_start3A_218] : memref<4x64x128xf32, #tpu.memory_space<vmem>> -> memref<1x32x128xf32, #tpu.memory_space<vmem>>
        %dma_start3A_220 = tpu.memref_squeeze %dma_start3A_219 : memref<1x32x128xf32, #tpu.memory_space<vmem>> -> memref<32x128xf32, #tpu.memory_space<vmem>>
        %dma_start3A_221 = arith.constant 0 : i32
        %dma_start3A_222 = tpu.memref_slice %arg3[%mul3A_216, %dma_start3A_221] : memref<500000x128xf32, #tpu.memory_space<hbm>> -> memref<32x128xf32, #tpu.memory_space<hbm>>
        %dma_start3A_223 = arith.constant 0 : i32
        %dma_start3A_224 = tpu.memref_slice %arg3[%mul3A_216, %dma_start3A_223] : memref<500000x128xf32, #tpu.memory_space<hbm>> -> memref<32x128xf32, #tpu.memory_space<hbm>>
        %dma_start3A_225 = arith.constant 0 : i32
        %dma_start3A_226 = arith.constant 0 : i32
        %dma_start3A_227 = tpu.memref_slice %arg5[%dma_start3A, %dma_start3A_225, %dma_start3A_226] : memref<4x64x128xf32, #tpu.memory_space<vmem>> -> memref<1x32x128xf32, #tpu.memory_space<vmem>>
        %dma_start3A_228 = tpu.memref_squeeze %dma_start3A_227 : memref<1x32x128xf32, #tpu.memory_space<vmem>> -> memref<32x128xf32, #tpu.memory_space<vmem>>
        tpu.enqueue_dma source(%dma_start3A_228 : memref<32x128xf32, #tpu.memory_space<vmem>>) target(%dma_start3A_224 : memref<32x128xf32, #tpu.memory_space<hbm>>) target_semaphore(%arg10 : memref<!tpu.dma_semaphore, #tpu.memory_space<semaphore_mem>>)
      } else {
      }
      %add3A_77 = arith.constant 1 : i32
      %add3A_78 = arith.addi %add3A_32, %add3A_77 : i32
      %mul3A_79 = arith.constant 32 : i32
      %mul3A_80 = arith.muli %mul3A_79, %add3A_78 : i32
      %add3A_81 = arith.addi %add3A, %mul3A_80 : i32
      %lt3A_82 = arith.constant 7813 : i32
      %lt3A_83 = arith.cmpi slt, %add3A_81, %lt3A_82 : i32
      %convert_element_type3A_84 = arith.extui %lt3A_83 : i1 to i32
      %cond3A_85 = arith.constant 0 : i32
      %cond3A_86 = arith.cmpi ne, %convert_element_type3A_84, %cond3A_85 : i32
      scf.if %cond3A_86 {
        %dma_wait3A = arith.constant 1 : i32
        %dma_wait3A_215 = arith.constant 0 : i32
        %dma_wait3A_216 = arith.constant 0 : i32
        %dma_wait3A_217 = tpu.memref_slice %arg4[%dma_wait3A, %dma_wait3A_215, %dma_wait3A_216] : memref<4x64x128xf32, #tpu.memory_space<vmem>> -> memref<1x64x128xf32, #tpu.memory_space<vmem>>
        %dma_wait3A_218 = tpu.memref_squeeze %dma_wait3A_217 : memref<1x64x128xf32, #tpu.memory_space<vmem>> -> memref<64x128xf32, #tpu.memory_space<vmem>>
        %dma_wait3A_219 = arith.constant 0 : i32
        %dma_wait3A_220 = arith.constant 0 : i32
        %dma_wait3A_221 = tpu.memref_slice %arg2[%dma_wait3A_219, %dma_wait3A_220] : memref<64x1000000xf32, #tpu.memory_space<hbm>> -> memref<64x128xf32, #tpu.memory_space<hbm>>
        %dma_wait3A_222 = arith.constant 0 : i32
        %dma_wait3A_223 = arith.constant 0 : i32
        %dma_wait3A_224 = tpu.memref_slice %arg4[%dma_wait3A, %dma_wait3A_222, %dma_wait3A_223] : memref<4x64x128xf32, #tpu.memory_space<vmem>> -> memref<1x64x128xf32, #tpu.memory_space<vmem>>
        %dma_wait3A_225 = tpu.memref_squeeze %dma_wait3A_224 : memref<1x64x128xf32, #tpu.memory_space<vmem>> -> memref<64x128xf32, #tpu.memory_space<vmem>>
        %dma_wait3A_226 = arith.constant 0 : i32
        %dma_wait3A_227 = arith.constant 0 : i32
        %dma_wait3A_228 = tpu.memref_slice %arg2[%dma_wait3A_226, %dma_wait3A_227] : memref<64x1000000xf32, #tpu.memory_space<hbm>> -> memref<64x128xf32, #tpu.memory_space<hbm>>
        tpu.wait_dma2 semaphore(%arg7 : memref<!tpu.dma_semaphore, #tpu.memory_space<semaphore_mem>>) src(%dma_wait3A_228 : memref<64x128xf32, #tpu.memory_space<hbm>>) dst(%dma_wait3A_225 : memref<64x128xf32, #tpu.memory_space<vmem>>)
      } else {
      }
      %ge3A_87 = arith.constant 2 : i32
      %ge3A_88 = arith.cmpi sge, %add3A_78, %ge3A_87 : i32
      %convert_element_type3A_89 = arith.extui %ge3A_88 : i1 to i32
      %cond3A_90 = arith.constant 0 : i32
      %cond3A_91 = arith.cmpi ne, %convert_element_type3A_89, %cond3A_90 : i32
      scf.if %cond3A_91 {
        %sub3A = arith.constant 2 : i32
        %sub3A_215 = arith.subi %add3A_78, %sub3A : i32
        %mul3A_216 = arith.constant 32 : i32
        %mul3A_217 = arith.muli %mul3A_216, %sub3A_215 : i32
        %add3A_218 = arith.addi %add3A, %mul3A_217 : i32
        %lt3A_219 = arith.constant 7812 : i32
        %lt3A_220 = arith.cmpi slt, %add3A_218, %lt3A_219 : i32
        %convert_element_type3A_221 = arith.extui %lt3A_220 : i1 to i32
        %cond3A_222 = arith.constant 0 : i32
        %cond3A_223 = arith.cmpi ne, %convert_element_type3A_221, %cond3A_222 : i32
        scf.if %cond3A_223 {
          %dma_wait3A = arith.constant 3 : i32
          %dma_wait3A_229 = arith.constant 0 : i32
          %dma_wait3A_230 = arith.constant 0 : i32
          %dma_wait3A_231 = tpu.memref_slice %arg5[%dma_wait3A, %dma_wait3A_229, %dma_wait3A_230] : memref<4x64x128xf32, #tpu.memory_space<vmem>> -> memref<1x64x128xf32, #tpu.memory_space<vmem>>
          %dma_wait3A_232 = tpu.memref_squeeze %dma_wait3A_231 : memref<1x64x128xf32, #tpu.memory_space<vmem>> -> memref<64x128xf32, #tpu.memory_space<vmem>>
          %dma_wait3A_233 = arith.constant 0 : i32
          %dma_wait3A_234 = arith.constant 0 : i32
          %dma_wait3A_235 = tpu.memref_slice %arg3[%dma_wait3A_233, %dma_wait3A_234] : memref<500000x128xf32, #tpu.memory_space<hbm>> -> memref<64x128xf32, #tpu.memory_space<hbm>>
          %dma_wait3A_236 = arith.constant 0 : i32
          %dma_wait3A_237 = arith.constant 0 : i32
          %dma_wait3A_238 = tpu.memref_slice %arg3[%dma_wait3A_236, %dma_wait3A_237] : memref<500000x128xf32, #tpu.memory_space<hbm>> -> memref<64x128xf32, #tpu.memory_space<hbm>>
          %dma_wait3A_239 = arith.constant 0 : i32
          %dma_wait3A_240 = arith.constant 0 : i32
          %dma_wait3A_241 = tpu.memref_slice %arg5[%dma_wait3A, %dma_wait3A_239, %dma_wait3A_240] : memref<4x64x128xf32, #tpu.memory_space<vmem>> -> memref<1x64x128xf32, #tpu.memory_space<vmem>>
          %dma_wait3A_242 = tpu.memref_squeeze %dma_wait3A_241 : memref<1x64x128xf32, #tpu.memory_space<vmem>> -> memref<64x128xf32, #tpu.memory_space<vmem>>
          tpu.wait_dma2 semaphore(%arg13 : memref<!tpu.dma_semaphore, #tpu.memory_space<semaphore_mem>>) src(%dma_wait3A_242 : memref<64x128xf32, #tpu.memory_space<vmem>>) dst(%dma_wait3A_238 : memref<64x128xf32, #tpu.memory_space<hbm>>)
        } else {
        }
        %eq3A_224 = arith.constant 7812 : i32
        %eq3A_225 = arith.cmpi eq, %add3A_218, %eq3A_224 : i32
        %convert_element_type3A_226 = arith.extui %eq3A_225 : i1 to i32
        %cond3A_227 = arith.constant 0 : i32
        %cond3A_228 = arith.cmpi ne, %convert_element_type3A_226, %cond3A_227 : i32
        scf.if %cond3A_228 {
          %dma_wait3A = arith.constant 3 : i32
          %dma_wait3A_229 = arith.constant 0 : i32
          %dma_wait3A_230 = arith.constant 0 : i32
          %dma_wait3A_231 = tpu.memref_slice %arg5[%dma_wait3A, %dma_wait3A_229, %dma_wait3A_230] : memref<4x64x128xf32, #tpu.memory_space<vmem>> -> memref<1x32x128xf32, #tpu.memory_space<vmem>>
          %dma_wait3A_232 = tpu.memref_squeeze %dma_wait3A_231 : memref<1x32x128xf32, #tpu.memory_space<vmem>> -> memref<32x128xf32, #tpu.memory_space<vmem>>
          %dma_wait3A_233 = arith.constant 0 : i32
          %dma_wait3A_234 = arith.constant 0 : i32
          %dma_wait3A_235 = tpu.memref_slice %arg3[%dma_wait3A_233, %dma_wait3A_234] : memref<500000x128xf32, #tpu.memory_space<hbm>> -> memref<32x128xf32, #tpu.memory_space<hbm>>
          %dma_wait3A_236 = arith.constant 0 : i32
          %dma_wait3A_237 = arith.constant 0 : i32
          %dma_wait3A_238 = tpu.memref_slice %arg3[%dma_wait3A_236, %dma_wait3A_237] : memref<500000x128xf32, #tpu.memory_space<hbm>> -> memref<32x128xf32, #tpu.memory_space<hbm>>
          %dma_wait3A_239 = arith.constant 0 : i32
          %dma_wait3A_240 = arith.constant 0 : i32
          %dma_wait3A_241 = tpu.memref_slice %arg5[%dma_wait3A, %dma_wait3A_239, %dma_wait3A_240] : memref<4x64x128xf32, #tpu.memory_space<vmem>> -> memref<1x32x128xf32, #tpu.memory_space<vmem>>
          %dma_wait3A_242 = tpu.memref_squeeze %dma_wait3A_241 : memref<1x32x128xf32, #tpu.memory_space<vmem>> -> memref<32x128xf32, #tpu.memory_space<vmem>>
          tpu.wait_dma2 semaphore(%arg13 : memref<!tpu.dma_semaphore, #tpu.memory_space<semaphore_mem>>) src(%dma_wait3A_242 : memref<32x128xf32, #tpu.memory_space<vmem>>) dst(%dma_wait3A_238 : memref<32x128xf32, #tpu.memory_space<hbm>>)
        } else {
        }
      } else {
      }
      %add3A_92 = arith.constant 2 : i32
      %add3A_93 = arith.addi %add3A_78, %add3A_92 : i32
      %mul3A_94 = arith.constant 32 : i32
      %mul3A_95 = arith.muli %mul3A_94, %add3A_93 : i32
      %add3A_96 = arith.addi %add3A, %mul3A_95 : i32
      %lt3A_97 = arith.constant 7813 : i32
      %lt3A_98 = arith.cmpi slt, %add3A_96, %lt3A_97 : i32
      %convert_element_type3A_99 = arith.extui %lt3A_98 : i1 to i32
      %cond3A_100 = arith.constant 0 : i32
      %cond3A_101 = arith.cmpi ne, %convert_element_type3A_99, %cond3A_100 : i32
      scf.if %cond3A_101 {
        %mul3A_215 = arith.constant 128 : i32
        %mul3A_216 = arith.muli %add3A_96, %mul3A_215 : i32
        %dma_start3A = arith.constant 3 : i32
        %dma_start3A_217 = arith.constant 0 : i32
        %dma_start3A_218 = arith.constant 0 : i32
        %dma_start3A_219 = tpu.memref_slice %arg4[%dma_start3A, %dma_start3A_217, %dma_start3A_218] : memref<4x64x128xf32, #tpu.memory_space<vmem>> -> memref<1x64x128xf32, #tpu.memory_space<vmem>>
        %dma_start3A_220 = tpu.memref_squeeze %dma_start3A_219 : memref<1x64x128xf32, #tpu.memory_space<vmem>> -> memref<64x128xf32, #tpu.memory_space<vmem>>
        %dma_start3A_221 = arith.constant 0 : i32
        %dma_start3A_222 = tpu.memref_slice %arg2[%dma_start3A_221, %mul3A_216] : memref<64x1000000xf32, #tpu.memory_space<hbm>> -> memref<64x128xf32, #tpu.memory_space<hbm>>
        %dma_start3A_223 = arith.constant 0 : i32
        %dma_start3A_224 = arith.constant 0 : i32
        %dma_start3A_225 = tpu.memref_slice %arg4[%dma_start3A, %dma_start3A_223, %dma_start3A_224] : memref<4x64x128xf32, #tpu.memory_space<vmem>> -> memref<1x64x128xf32, #tpu.memory_space<vmem>>
        %dma_start3A_226 = tpu.memref_squeeze %dma_start3A_225 : memref<1x64x128xf32, #tpu.memory_space<vmem>> -> memref<64x128xf32, #tpu.memory_space<vmem>>
        %dma_start3A_227 = arith.constant 0 : i32
        %dma_start3A_228 = tpu.memref_slice %arg2[%dma_start3A_227, %mul3A_216] : memref<64x1000000xf32, #tpu.memory_space<hbm>> -> memref<64x128xf32, #tpu.memory_space<hbm>>
        tpu.enqueue_dma source(%dma_start3A_228 : memref<64x128xf32, #tpu.memory_space<hbm>>) target(%dma_start3A_226 : memref<64x128xf32, #tpu.memory_space<vmem>>) target_semaphore(%arg9 : memref<!tpu.dma_semaphore, #tpu.memory_space<semaphore_mem>>)
      } else {
      }
      %mul3A_102 = arith.constant 32 : i32
      %mul3A_103 = arith.muli %mul3A_102, %add3A_78 : i32
      %add3A_104 = arith.addi %add3A, %mul3A_103 : i32
      %lt3A_105 = arith.constant 7813 : i32
      %lt3A_106 = arith.cmpi slt, %add3A_104, %lt3A_105 : i32
      %convert_element_type3A_107 = arith.extui %lt3A_106 : i1 to i32
      %cond3A_108 = arith.constant 0 : i32
      %cond3A_109 = arith.cmpi ne, %convert_element_type3A_107, %cond3A_108 : i32
      scf.if %cond3A_109 {
        %scan3A_215 = arith.constant 1 : i32
        %scan3A_216 = arith.constant 1 : i32
        %scan3A_217 = arith.constant 0 : i32
        %scan3A_218 = arith.constant 128 : i32
        %scan3A_219 = arith.addi %scan3A_217, %scan3A_218 : i32
        %scan3A_220 = arith.constant 4 : i32
        scf.for %scan3A_222 = %scan3A_217 to %scan3A_219 step %scan3A_220  : i32 {
          %mul3A_223 = arith.constant 1 : i32
          %mul3A_224 = arith.muli %scan3A_222, %mul3A_223 : i32
          %add3A_225 = arith.constant 0 : i32
          %add3A_226 = arith.addi %add3A_225, %mul3A_224 : i32
          %broadcast_in_dim3A = vector.broadcast %add3A_226 : i32 to vector<16xi32>
          %add3A_227 = arith.addi %broadcast_in_dim3A, %iota3A : vector<16xi32>
          %and3A = arith.constant 127 : i32
          %and3A_228 = vector.broadcast %and3A : i32 to vector<16xi32>
          %and3A_229 = arith.andi %add3A_227, %and3A_228 : vector<16xi32>
          %shift_right_logical3A = arith.constant 1 : i32
          %shift_right_logical3A_230 = vector.broadcast %shift_right_logical3A : i32 to vector<16xi32>
          %shift_right_logical3A_231 = arith.shrui %and3A_229, %shift_right_logical3A_230 : vector<16xi32>
          %and3A_232 = arith.constant 1 : i32
          %and3A_233 = vector.broadcast %and3A_232 : i32 to vector<16xi32>
          %and3A_234 = arith.andi %and3A_229, %and3A_233 : vector<16xi32>
          %mul3A_235 = arith.constant 64 : i32
          %mul3A_236 = vector.broadcast %mul3A_235 : i32 to vector<16xi32>
          %mul3A_237 = arith.muli %and3A_234, %mul3A_236 : vector<16xi32>
          %gather3A = arith.constant 0 : i32
          %gather3A_238 = arith.constant 0 : i32
          %gather3A_239 = tpu.memref_slice %arg4[%scan3A_215, %gather3A, %gather3A_238] : memref<4x64x128xf32, #tpu.memory_space<vmem>> -> memref<1x64x128xf32, #tpu.memory_space<vmem>>
          %gather3A_240 = tpu.memref_squeeze %gather3A_239 : memref<1x64x128xf32, #tpu.memory_space<vmem>> -> memref<64x128xf32, #tpu.memory_space<vmem>>
          %gather3A_241 = tpu.vector_load_idx %gather3A_240[%add3A_3, %and3A_229] : memref<64x128xf32, #tpu.memory_space<vmem>>[vector<16xi32>, vector<16xi32>], vector<16xf32>,
          %add3A_242 = arith.addi %mul3A_237, %add3A_3 : vector<16xi32>
          %scatter3A = arith.constant 0 : i32
          %scatter3A_243 = arith.constant 0 : i32
          %scatter3A_244 = tpu.memref_slice %arg5[%scan3A_216, %scatter3A, %scatter3A_243] : memref<4x64x128xf32, #tpu.memory_space<vmem>> -> memref<1x64x128xf32, #tpu.memory_space<vmem>>
          %scatter3A_245 = tpu.memref_squeeze %scatter3A_244 : memref<1x64x128xf32, #tpu.memory_space<vmem>> -> memref<64x128xf32, #tpu.memory_space<vmem>>
          tpu.vector_store_idx %scatter3A_245[%shift_right_logical3A_231, %add3A_242], %gather3A_241 : memref<64x128xf32, #tpu.memory_space<vmem>>[vector<16xi32>, vector<16xi32>], vector<16xf32>,
          %gather3A_246 = arith.constant 0 : i32
          %gather3A_247 = arith.constant 0 : i32
          %gather3A_248 = tpu.memref_slice %arg4[%scan3A_215, %gather3A_246, %gather3A_247] : memref<4x64x128xf32, #tpu.memory_space<vmem>> -> memref<1x64x128xf32, #tpu.memory_space<vmem>>
          %gather3A_249 = tpu.memref_squeeze %gather3A_248 : memref<1x64x128xf32, #tpu.memory_space<vmem>> -> memref<64x128xf32, #tpu.memory_space<vmem>>
          %gather3A_250 = tpu.vector_load_idx %gather3A_249[%add3A_6, %and3A_229] : memref<64x128xf32, #tpu.memory_space<vmem>>[vector<16xi32>, vector<16xi32>], vector<16xf32>,
          %add3A_251 = arith.addi %mul3A_237, %add3A_6 : vector<16xi32>
          %scatter3A_252 = arith.constant 0 : i32
          %scatter3A_253 = arith.constant 0 : i32
          %scatter3A_254 = tpu.memref_slice %arg5[%scan3A_216, %scatter3A_252, %scatter3A_253] : memref<4x64x128xf32, #tpu.memory_space<vmem>> -> memref<1x64x128xf32, #tpu.memory_space<vmem>>
          %scatter3A_255 = tpu.memref_squeeze %scatter3A_254 : memref<1x64x128xf32, #tpu.memory_space<vmem>> -> memref<64x128xf32, #tpu.memory_space<vmem>>
          tpu.vector_store_idx %scatter3A_255[%shift_right_logical3A_231, %add3A_251], %gather3A_250 : memref<64x128xf32, #tpu.memory_space<vmem>>[vector<16xi32>, vector<16xi32>], vector<16xf32>,
          %gather3A_256 = arith.constant 0 : i32
          %gather3A_257 = arith.constant 0 : i32
          %gather3A_258 = tpu.memref_slice %arg4[%scan3A_215, %gather3A_256, %gather3A_257] : memref<4x64x128xf32, #tpu.memory_space<vmem>> -> memref<1x64x128xf32, #tpu.memory_space<vmem>>
          %gather3A_259 = tpu.memref_squeeze %gather3A_258 : memref<1x64x128xf32, #tpu.memory_space<vmem>> -> memref<64x128xf32, #tpu.memory_space<vmem>>
          %gather3A_260 = tpu.vector_load_idx %gather3A_259[%add3A_9, %and3A_229] : memref<64x128xf32, #tpu.memory_space<vmem>>[vector<16xi32>, vector<16xi32>], vector<16xf32>,
          %add3A_261 = arith.addi %mul3A_237, %add3A_9 : vector<16xi32>
          %scatter3A_262 = arith.constant 0 : i32
          %scatter3A_263 = arith.constant 0 : i32
          %scatter3A_264 = tpu.memref_slice %arg5[%scan3A_216, %scatter3A_262, %scatter3A_263] : memref<4x64x128xf32, #tpu.memory_space<vmem>> -> memref<1x64x128xf32, #tpu.memory_space<vmem>>
          %scatter3A_265 = tpu.memref_squeeze %scatter3A_264 : memref<1x64x128xf32, #tpu.memory_space<vmem>> -> memref<64x128xf32, #tpu.memory_space<vmem>>
          tpu.vector_store_idx %scatter3A_265[%shift_right_logical3A_231, %add3A_261], %gather3A_260 : memref<64x128xf32, #tpu.memory_space<vmem>>[vector<16xi32>, vector<16xi32>], vector<16xf32>,
          %gather3A_266 = arith.constant 0 : i32
          %gather3A_267 = arith.constant 0 : i32
          %gather3A_268 = tpu.memref_slice %arg4[%scan3A_215, %gather3A_266, %gather3A_267] : memref<4x64x128xf32, #tpu.memory_space<vmem>> -> memref<1x64x128xf32, #tpu.memory_space<vmem>>
          %gather3A_269 = tpu.memref_squeeze %gather3A_268 : memref<1x64x128xf32, #tpu.memory_space<vmem>> -> memref<64x128xf32, #tpu.memory_space<vmem>>
          %gather3A_270 = tpu.vector_load_idx %gather3A_269[%add3A_12, %and3A_229] : memref<64x128xf32, #tpu.memory_space<vmem>>[vector<16xi32>, vector<16xi32>], vector<16xf32>,
          %add3A_271 = arith.addi %mul3A_237, %add3A_12 : vector<16xi32>
          %scatter3A_272 = arith.constant 0 : i32
          %scatter3A_273 = arith.constant 0 : i32
          %scatter3A_274 = tpu.memref_slice %arg5[%scan3A_216, %scatter3A_272, %scatter3A_273] : memref<4x64x128xf32, #tpu.memory_space<vmem>> -> memref<1x64x128xf32, #tpu.memory_space<vmem>>
          %scatter3A_275 = tpu.memref_squeeze %scatter3A_274 : memref<1x64x128xf32, #tpu.memory_space<vmem>> -> memref<64x128xf32, #tpu.memory_space<vmem>>
          tpu.vector_store_idx %scatter3A_275[%shift_right_logical3A_231, %add3A_271], %gather3A_270 : memref<64x128xf32, #tpu.memory_space<vmem>>[vector<16xi32>, vector<16xi32>], vector<16xf32>,
          %scan3A_276 = arith.constant 1 : i32
          %scan3A_277 = arith.addi %scan3A_222, %scan3A_276 : i32
          %mul3A_278 = arith.constant 1 : i32
          %mul3A_279 = arith.muli %scan3A_277, %mul3A_278 : i32
          %add3A_280 = arith.constant 0 : i32
          %add3A_281 = arith.addi %add3A_280, %mul3A_279 : i32
          %broadcast_in_dim3A_282 = vector.broadcast %add3A_281 : i32 to vector<16xi32>
          %add3A_283 = arith.addi %broadcast_in_dim3A_282, %iota3A : vector<16xi32>
          %and3A_284 = arith.constant 127 : i32
          %and3A_285 = vector.broadcast %and3A_284 : i32 to vector<16xi32>
          %and3A_286 = arith.andi %add3A_283, %and3A_285 : vector<16xi32>
          %shift_right_logical3A_287 = arith.constant 1 : i32
          %shift_right_logical3A_288 = vector.broadcast %shift_right_logical3A_287 : i32 to vector<16xi32>
          %shift_right_logical3A_289 = arith.shrui %and3A_286, %shift_right_logical3A_288 : vector<16xi32>
          %and3A_290 = arith.constant 1 : i32
          %and3A_291 = vector.broadcast %and3A_290 : i32 to vector<16xi32>
          %and3A_292 = arith.andi %and3A_286, %and3A_291 : vector<16xi32>
          %mul3A_293 = arith.constant 64 : i32
          %mul3A_294 = vector.broadcast %mul3A_293 : i32 to vector<16xi32>
          %mul3A_295 = arith.muli %and3A_292, %mul3A_294 : vector<16xi32>
          %gather3A_296 = arith.constant 0 : i32
          %gather3A_297 = arith.constant 0 : i32
          %gather3A_298 = tpu.memref_slice %arg4[%scan3A_215, %gather3A_296, %gather3A_297] : memref<4x64x128xf32, #tpu.memory_space<vmem>> -> memref<1x64x128xf32, #tpu.memory_space<vmem>>
          %gather3A_299 = tpu.memref_squeeze %gather3A_298 : memref<1x64x128xf32, #tpu.memory_space<vmem>> -> memref<64x128xf32, #tpu.memory_space<vmem>>
          %gather3A_300 = tpu.vector_load_idx %gather3A_299[%add3A_3, %and3A_286] : memref<64x128xf32, #tpu.memory_space<vmem>>[vector<16xi32>, vector<16xi32>], vector<16xf32>,
          %add3A_301 = arith.addi %mul3A_295, %add3A_3 : vector<16xi32>
          %scatter3A_302 = arith.constant 0 : i32
          %scatter3A_303 = arith.constant 0 : i32
          %scatter3A_304 = tpu.memref_slice %arg5[%scan3A_216, %scatter3A_302, %scatter3A_303] : memref<4x64x128xf32, #tpu.memory_space<vmem>> -> memref<1x64x128xf32, #tpu.memory_space<vmem>>
          %scatter3A_305 = tpu.memref_squeeze %scatter3A_304 : memref<1x64x128xf32, #tpu.memory_space<vmem>> -> memref<64x128xf32, #tpu.memory_space<vmem>>
          tpu.vector_store_idx %scatter3A_305[%shift_right_logical3A_289, %add3A_301], %gather3A_300 : memref<64x128xf32, #tpu.memory_space<vmem>>[vector<16xi32>, vector<16xi32>], vector<16xf32>,
          %gather3A_306 = arith.constant 0 : i32
          %gather3A_307 = arith.constant 0 : i32
          %gather3A_308 = tpu.memref_slice %arg4[%scan3A_215, %gather3A_306, %gather3A_307] : memref<4x64x128xf32, #tpu.memory_space<vmem>> -> memref<1x64x128xf32, #tpu.memory_space<vmem>>
          %gather3A_309 = tpu.memref_squeeze %gather3A_308 : memref<1x64x128xf32, #tpu.memory_space<vmem>> -> memref<64x128xf32, #tpu.memory_space<vmem>>
          %gather3A_310 = tpu.vector_load_idx %gather3A_309[%add3A_6, %and3A_286] : memref<64x128xf32, #tpu.memory_space<vmem>>[vector<16xi32>, vector<16xi32>], vector<16xf32>,
          %add3A_311 = arith.addi %mul3A_295, %add3A_6 : vector<16xi32>
          %scatter3A_312 = arith.constant 0 : i32
          %scatter3A_313 = arith.constant 0 : i32
          %scatter3A_314 = tpu.memref_slice %arg5[%scan3A_216, %scatter3A_312, %scatter3A_313] : memref<4x64x128xf32, #tpu.memory_space<vmem>> -> memref<1x64x128xf32, #tpu.memory_space<vmem>>
          %scatter3A_315 = tpu.memref_squeeze %scatter3A_314 : memref<1x64x128xf32, #tpu.memory_space<vmem>> -> memref<64x128xf32, #tpu.memory_space<vmem>>
          tpu.vector_store_idx %scatter3A_315[%shift_right_logical3A_289, %add3A_311], %gather3A_310 : memref<64x128xf32, #tpu.memory_space<vmem>>[vector<16xi32>, vector<16xi32>], vector<16xf32>,
          %gather3A_316 = arith.constant 0 : i32
          %gather3A_317 = arith.constant 0 : i32
          %gather3A_318 = tpu.memref_slice %arg4[%scan3A_215, %gather3A_316, %gather3A_317] : memref<4x64x128xf32, #tpu.memory_space<vmem>> -> memref<1x64x128xf32, #tpu.memory_space<vmem>>
          %gather3A_319 = tpu.memref_squeeze %gather3A_318 : memref<1x64x128xf32, #tpu.memory_space<vmem>> -> memref<64x128xf32, #tpu.memory_space<vmem>>
          %gather3A_320 = tpu.vector_load_idx %gather3A_319[%add3A_9, %and3A_286] : memref<64x128xf32, #tpu.memory_space<vmem>>[vector<16xi32>, vector<16xi32>], vector<16xf32>,
          %add3A_321 = arith.addi %mul3A_295, %add3A_9 : vector<16xi32>
          %scatter3A_322 = arith.constant 0 : i32
          %scatter3A_323 = arith.constant 0 : i32
          %scatter3A_324 = tpu.memref_slice %arg5[%scan3A_216, %scatter3A_322, %scatter3A_323] : memref<4x64x128xf32, #tpu.memory_space<vmem>> -> memref<1x64x128xf32, #tpu.memory_space<vmem>>
          %scatter3A_325 = tpu.memref_squeeze %scatter3A_324 : memref<1x64x128xf32, #tpu.memory_space<vmem>> -> memref<64x128xf32, #tpu.memory_space<vmem>>
          tpu.vector_store_idx %scatter3A_325[%shift_right_logical3A_289, %add3A_321], %gather3A_320 : memref<64x128xf32, #tpu.memory_space<vmem>>[vector<16xi32>, vector<16xi32>], vector<16xf32>,
          %gather3A_326 = arith.constant 0 : i32
          %gather3A_327 = arith.constant 0 : i32
          %gather3A_328 = tpu.memref_slice %arg4[%scan3A_215, %gather3A_326, %gather3A_327] : memref<4x64x128xf32, #tpu.memory_space<vmem>> -> memref<1x64x128xf32, #tpu.memory_space<vmem>>
          %gather3A_329 = tpu.memref_squeeze %gather3A_328 : memref<1x64x128xf32, #tpu.memory_space<vmem>> -> memref<64x128xf32, #tpu.memory_space<vmem>>
          %gather3A_330 = tpu.vector_load_idx %gather3A_329[%add3A_12, %and3A_286] : memref<64x128xf32, #tpu.memory_space<vmem>>[vector<16xi32>, vector<16xi32>], vector<16xf32>,
          %add3A_331 = arith.addi %mul3A_295, %add3A_12 : vector<16xi32>
          %scatter3A_332 = arith.constant 0 : i32
          %scatter3A_333 = arith.constant 0 : i32
          %scatter3A_334 = tpu.memref_slice %arg5[%scan3A_216, %scatter3A_332, %scatter3A_333] : memref<4x64x128xf32, #tpu.memory_space<vmem>> -> memref<1x64x128xf32, #tpu.memory_space<vmem>>
          %scatter3A_335 = tpu.memref_squeeze %scatter3A_334 : memref<1x64x128xf32, #tpu.memory_space<vmem>> -> memref<64x128xf32, #tpu.memory_space<vmem>>
          tpu.vector_store_idx %scatter3A_335[%shift_right_logical3A_289, %add3A_331], %gather3A_330 : memref<64x128xf32, #tpu.memory_space<vmem>>[vector<16xi32>, vector<16xi32>], vector<16xf32>,
          %scan3A_336 = arith.constant 2 : i32
          %scan3A_337 = arith.addi %scan3A_222, %scan3A_336 : i32
          %mul3A_338 = arith.constant 1 : i32
          %mul3A_339 = arith.muli %scan3A_337, %mul3A_338 : i32
          %add3A_340 = arith.constant 0 : i32
          %add3A_341 = arith.addi %add3A_340, %mul3A_339 : i32
          %broadcast_in_dim3A_342 = vector.broadcast %add3A_341 : i32 to vector<16xi32>
          %add3A_343 = arith.addi %broadcast_in_dim3A_342, %iota3A : vector<16xi32>
          %and3A_344 = arith.constant 127 : i32
          %and3A_345 = vector.broadcast %and3A_344 : i32 to vector<16xi32>
          %and3A_346 = arith.andi %add3A_343, %and3A_345 : vector<16xi32>
          %shift_right_logical3A_347 = arith.constant 1 : i32
          %shift_right_logical3A_348 = vector.broadcast %shift_right_logical3A_347 : i32 to vector<16xi32>
          %shift_right_logical3A_349 = arith.shrui %and3A_346, %shift_right_logical3A_348 : vector<16xi32>
          %and3A_350 = arith.constant 1 : i32
          %and3A_351 = vector.broadcast %and3A_350 : i32 to vector<16xi32>
          %and3A_352 = arith.andi %and3A_346, %and3A_351 : vector<16xi32>
          %mul3A_353 = arith.constant 64 : i32
          %mul3A_354 = vector.broadcast %mul3A_353 : i32 to vector<16xi32>
          %mul3A_355 = arith.muli %and3A_352, %mul3A_354 : vector<16xi32>
          %gather3A_356 = arith.constant 0 : i32
          %gather3A_357 = arith.constant 0 : i32
          %gather3A_358 = tpu.memref_slice %arg4[%scan3A_215, %gather3A_356, %gather3A_357] : memref<4x64x128xf32, #tpu.memory_space<vmem>> -> memref<1x64x128xf32, #tpu.memory_space<vmem>>
          %gather3A_359 = tpu.memref_squeeze %gather3A_358 : memref<1x64x128xf32, #tpu.memory_space<vmem>> -> memref<64x128xf32, #tpu.memory_space<vmem>>
          %gather3A_360 = tpu.vector_load_idx %gather3A_359[%add3A_3, %and3A_346] : memref<64x128xf32, #tpu.memory_space<vmem>>[vector<16xi32>, vector<16xi32>], vector<16xf32>,
          %add3A_361 = arith.addi %mul3A_355, %add3A_3 : vector<16xi32>
          %scatter3A_362 = arith.constant 0 : i32
          %scatter3A_363 = arith.constant 0 : i32
          %scatter3A_364 = tpu.memref_slice %arg5[%scan3A_216, %scatter3A_362, %scatter3A_363] : memref<4x64x128xf32, #tpu.memory_space<vmem>> -> memref<1x64x128xf32, #tpu.memory_space<vmem>>
          %scatter3A_365 = tpu.memref_squeeze %scatter3A_364 : memref<1x64x128xf32, #tpu.memory_space<vmem>> -> memref<64x128xf32, #tpu.memory_space<vmem>>
          tpu.vector_store_idx %scatter3A_365[%shift_right_logical3A_349, %add3A_361], %gather3A_360 : memref<64x128xf32, #tpu.memory_space<vmem>>[vector<16xi32>, vector<16xi32>], vector<16xf32>,
          %gather3A_366 = arith.constant 0 : i32
          %gather3A_367 = arith.constant 0 : i32
          %gather3A_368 = tpu.memref_slice %arg4[%scan3A_215, %gather3A_366, %gather3A_367] : memref<4x64x128xf32, #tpu.memory_space<vmem>> -> memref<1x64x128xf32, #tpu.memory_space<vmem>>
          %gather3A_369 = tpu.memref_squeeze %gather3A_368 : memref<1x64x128xf32, #tpu.memory_space<vmem>> -> memref<64x128xf32, #tpu.memory_space<vmem>>
          %gather3A_370 = tpu.vector_load_idx %gather3A_369[%add3A_6, %and3A_346] : memref<64x128xf32, #tpu.memory_space<vmem>>[vector<16xi32>, vector<16xi32>], vector<16xf32>,
          %add3A_371 = arith.addi %mul3A_355, %add3A_6 : vector<16xi32>
          %scatter3A_372 = arith.constant 0 : i32
          %scatter3A_373 = arith.constant 0 : i32
          %scatter3A_374 = tpu.memref_slice %arg5[%scan3A_216, %scatter3A_372, %scatter3A_373] : memref<4x64x128xf32, #tpu.memory_space<vmem>> -> memref<1x64x128xf32, #tpu.memory_space<vmem>>
          %scatter3A_375 = tpu.memref_squeeze %scatter3A_374 : memref<1x64x128xf32, #tpu.memory_space<vmem>> -> memref<64x128xf32, #tpu.memory_space<vmem>>
          tpu.vector_store_idx %scatter3A_375[%shift_right_logical3A_349, %add3A_371], %gather3A_370 : memref<64x128xf32, #tpu.memory_space<vmem>>[vector<16xi32>, vector<16xi32>], vector<16xf32>,
          %gather3A_376 = arith.constant 0 : i32
          %gather3A_377 = arith.constant 0 : i32
          %gather3A_378 = tpu.memref_slice %arg4[%scan3A_215, %gather3A_376, %gather3A_377] : memref<4x64x128xf32, #tpu.memory_space<vmem>> -> memref<1x64x128xf32, #tpu.memory_space<vmem>>
          %gather3A_379 = tpu.memref_squeeze %gather3A_378 : memref<1x64x128xf32, #tpu.memory_space<vmem>> -> memref<64x128xf32, #tpu.memory_space<vmem>>
          %gather3A_380 = tpu.vector_load_idx %gather3A_379[%add3A_9, %and3A_346] : memref<64x128xf32, #tpu.memory_space<vmem>>[vector<16xi32>, vector<16xi32>], vector<16xf32>,
          %add3A_381 = arith.addi %mul3A_355, %add3A_9 : vector<16xi32>
          %scatter3A_382 = arith.constant 0 : i32
          %scatter3A_383 = arith.constant 0 : i32
          %scatter3A_384 = tpu.memref_slice %arg5[%scan3A_216, %scatter3A_382, %scatter3A_383] : memref<4x64x128xf32, #tpu.memory_space<vmem>> -> memref<1x64x128xf32, #tpu.memory_space<vmem>>
          %scatter3A_385 = tpu.memref_squeeze %scatter3A_384 : memref<1x64x128xf32, #tpu.memory_space<vmem>> -> memref<64x128xf32, #tpu.memory_space<vmem>>
          tpu.vector_store_idx %scatter3A_385[%shift_right_logical3A_349, %add3A_381], %gather3A_380 : memref<64x128xf32, #tpu.memory_space<vmem>>[vector<16xi32>, vector<16xi32>], vector<16xf32>,
          %gather3A_386 = arith.constant 0 : i32
          %gather3A_387 = arith.constant 0 : i32
          %gather3A_388 = tpu.memref_slice %arg4[%scan3A_215, %gather3A_386, %gather3A_387] : memref<4x64x128xf32, #tpu.memory_space<vmem>> -> memref<1x64x128xf32, #tpu.memory_space<vmem>>
          %gather3A_389 = tpu.memref_squeeze %gather3A_388 : memref<1x64x128xf32, #tpu.memory_space<vmem>> -> memref<64x128xf32, #tpu.memory_space<vmem>>
          %gather3A_390 = tpu.vector_load_idx %gather3A_389[%add3A_12, %and3A_346] : memref<64x128xf32, #tpu.memory_space<vmem>>[vector<16xi32>, vector<16xi32>], vector<16xf32>,
          %add3A_391 = arith.addi %mul3A_355, %add3A_12 : vector<16xi32>
          %scatter3A_392 = arith.constant 0 : i32
          %scatter3A_393 = arith.constant 0 : i32
          %scatter3A_394 = tpu.memref_slice %arg5[%scan3A_216, %scatter3A_392, %scatter3A_393] : memref<4x64x128xf32, #tpu.memory_space<vmem>> -> memref<1x64x128xf32, #tpu.memory_space<vmem>>
          %scatter3A_395 = tpu.memref_squeeze %scatter3A_394 : memref<1x64x128xf32, #tpu.memory_space<vmem>> -> memref<64x128xf32, #tpu.memory_space<vmem>>
          tpu.vector_store_idx %scatter3A_395[%shift_right_logical3A_349, %add3A_391], %gather3A_390 : memref<64x128xf32, #tpu.memory_space<vmem>>[vector<16xi32>, vector<16xi32>], vector<16xf32>,
          %scan3A_396 = arith.constant 3 : i32
          %scan3A_397 = arith.addi %scan3A_222, %scan3A_396 : i32
          %mul3A_398 = arith.constant 1 : i32
          %mul3A_399 = arith.muli %scan3A_397, %mul3A_398 : i32
          %add3A_400 = arith.constant 0 : i32
          %add3A_401 = arith.addi %add3A_400, %mul3A_399 : i32
          %broadcast_in_dim3A_402 = vector.broadcast %add3A_401 : i32 to vector<16xi32>
          %add3A_403 = arith.addi %broadcast_in_dim3A_402, %iota3A : vector<16xi32>
          %and3A_404 = arith.constant 127 : i32
          %and3A_405 = vector.broadcast %and3A_404 : i32 to vector<16xi32>
          %and3A_406 = arith.andi %add3A_403, %and3A_405 : vector<16xi32>
          %shift_right_logical3A_407 = arith.constant 1 : i32
          %shift_right_logical3A_408 = vector.broadcast %shift_right_logical3A_407 : i32 to vector<16xi32>
          %shift_right_logical3A_409 = arith.shrui %and3A_406, %shift_right_logical3A_408 : vector<16xi32>
          %and3A_410 = arith.constant 1 : i32
          %and3A_411 = vector.broadcast %and3A_410 : i32 to vector<16xi32>
          %and3A_412 = arith.andi %and3A_406, %and3A_411 : vector<16xi32>
          %mul3A_413 = arith.constant 64 : i32
          %mul3A_414 = vector.broadcast %mul3A_413 : i32 to vector<16xi32>
          %mul3A_415 = arith.muli %and3A_412, %mul3A_414 : vector<16xi32>
          %gather3A_416 = arith.constant 0 : i32
          %gather3A_417 = arith.constant 0 : i32
          %gather3A_418 = tpu.memref_slice %arg4[%scan3A_215, %gather3A_416, %gather3A_417] : memref<4x64x128xf32, #tpu.memory_space<vmem>> -> memref<1x64x128xf32, #tpu.memory_space<vmem>>
          %gather3A_419 = tpu.memref_squeeze %gather3A_418 : memref<1x64x128xf32, #tpu.memory_space<vmem>> -> memref<64x128xf32, #tpu.memory_space<vmem>>
          %gather3A_420 = tpu.vector_load_idx %gather3A_419[%add3A_3, %and3A_406] : memref<64x128xf32, #tpu.memory_space<vmem>>[vector<16xi32>, vector<16xi32>], vector<16xf32>,
          %add3A_421 = arith.addi %mul3A_415, %add3A_3 : vector<16xi32>
          %scatter3A_422 = arith.constant 0 : i32
          %scatter3A_423 = arith.constant 0 : i32
          %scatter3A_424 = tpu.memref_slice %arg5[%scan3A_216, %scatter3A_422, %scatter3A_423] : memref<4x64x128xf32, #tpu.memory_space<vmem>> -> memref<1x64x128xf32, #tpu.memory_space<vmem>>
          %scatter3A_425 = tpu.memref_squeeze %scatter3A_424 : memref<1x64x128xf32, #tpu.memory_space<vmem>> -> memref<64x128xf32, #tpu.memory_space<vmem>>
          tpu.vector_store_idx %scatter3A_425[%shift_right_logical3A_409, %add3A_421], %gather3A_420 : memref<64x128xf32, #tpu.memory_space<vmem>>[vector<16xi32>, vector<16xi32>], vector<16xf32>,
          %gather3A_426 = arith.constant 0 : i32
          %gather3A_427 = arith.constant 0 : i32
          %gather3A_428 = tpu.memref_slice %arg4[%scan3A_215, %gather3A_426, %gather3A_427] : memref<4x64x128xf32, #tpu.memory_space<vmem>> -> memref<1x64x128xf32, #tpu.memory_space<vmem>>
          %gather3A_429 = tpu.memref_squeeze %gather3A_428 : memref<1x64x128xf32, #tpu.memory_space<vmem>> -> memref<64x128xf32, #tpu.memory_space<vmem>>
          %gather3A_430 = tpu.vector_load_idx %gather3A_429[%add3A_6, %and3A_406] : memref<64x128xf32, #tpu.memory_space<vmem>>[vector<16xi32>, vector<16xi32>], vector<16xf32>,
          %add3A_431 = arith.addi %mul3A_415, %add3A_6 : vector<16xi32>
          %scatter3A_432 = arith.constant 0 : i32
          %scatter3A_433 = arith.constant 0 : i32
          %scatter3A_434 = tpu.memref_slice %arg5[%scan3A_216, %scatter3A_432, %scatter3A_433] : memref<4x64x128xf32, #tpu.memory_space<vmem>> -> memref<1x64x128xf32, #tpu.memory_space<vmem>>
          %scatter3A_435 = tpu.memref_squeeze %scatter3A_434 : memref<1x64x128xf32, #tpu.memory_space<vmem>> -> memref<64x128xf32, #tpu.memory_space<vmem>>
          tpu.vector_store_idx %scatter3A_435[%shift_right_logical3A_409, %add3A_431], %gather3A_430 : memref<64x128xf32, #tpu.memory_space<vmem>>[vector<16xi32>, vector<16xi32>], vector<16xf32>,
          %gather3A_436 = arith.constant 0 : i32
          %gather3A_437 = arith.constant 0 : i32
          %gather3A_438 = tpu.memref_slice %arg4[%scan3A_215, %gather3A_436, %gather3A_437] : memref<4x64x128xf32, #tpu.memory_space<vmem>> -> memref<1x64x128xf32, #tpu.memory_space<vmem>>
          %gather3A_439 = tpu.memref_squeeze %gather3A_438 : memref<1x64x128xf32, #tpu.memory_space<vmem>> -> memref<64x128xf32, #tpu.memory_space<vmem>>
          %gather3A_440 = tpu.vector_load_idx %gather3A_439[%add3A_9, %and3A_406] : memref<64x128xf32, #tpu.memory_space<vmem>>[vector<16xi32>, vector<16xi32>], vector<16xf32>,
          %add3A_441 = arith.addi %mul3A_415, %add3A_9 : vector<16xi32>
          %scatter3A_442 = arith.constant 0 : i32
          %scatter3A_443 = arith.constant 0 : i32
          %scatter3A_444 = tpu.memref_slice %arg5[%scan3A_216, %scatter3A_442, %scatter3A_443] : memref<4x64x128xf32, #tpu.memory_space<vmem>> -> memref<1x64x128xf32, #tpu.memory_space<vmem>>
          %scatter3A_445 = tpu.memref_squeeze %scatter3A_444 : memref<1x64x128xf32, #tpu.memory_space<vmem>> -> memref<64x128xf32, #tpu.memory_space<vmem>>
          tpu.vector_store_idx %scatter3A_445[%shift_right_logical3A_409, %add3A_441], %gather3A_440 : memref<64x128xf32, #tpu.memory_space<vmem>>[vector<16xi32>, vector<16xi32>], vector<16xf32>,
          %gather3A_446 = arith.constant 0 : i32
          %gather3A_447 = arith.constant 0 : i32
          %gather3A_448 = tpu.memref_slice %arg4[%scan3A_215, %gather3A_446, %gather3A_447] : memref<4x64x128xf32, #tpu.memory_space<vmem>> -> memref<1x64x128xf32, #tpu.memory_space<vmem>>
          %gather3A_449 = tpu.memref_squeeze %gather3A_448 : memref<1x64x128xf32, #tpu.memory_space<vmem>> -> memref<64x128xf32, #tpu.memory_space<vmem>>
          %gather3A_450 = tpu.vector_load_idx %gather3A_449[%add3A_12, %and3A_406] : memref<64x128xf32, #tpu.memory_space<vmem>>[vector<16xi32>, vector<16xi32>], vector<16xf32>,
          %add3A_451 = arith.addi %mul3A_415, %add3A_12 : vector<16xi32>
          %scatter3A_452 = arith.constant 0 : i32
          %scatter3A_453 = arith.constant 0 : i32
          %scatter3A_454 = tpu.memref_slice %arg5[%scan3A_216, %scatter3A_452, %scatter3A_453] : memref<4x64x128xf32, #tpu.memory_space<vmem>> -> memref<1x64x128xf32, #tpu.memory_space<vmem>>
          %scatter3A_455 = tpu.memref_squeeze %scatter3A_454 : memref<1x64x128xf32, #tpu.memory_space<vmem>> -> memref<64x128xf32, #tpu.memory_space<vmem>>
          tpu.vector_store_idx %scatter3A_455[%shift_right_logical3A_409, %add3A_451], %gather3A_450 : memref<64x128xf32, #tpu.memory_space<vmem>>[vector<16xi32>, vector<16xi32>], vector<16xf32>,
        }
        %scan3A_221 = arith.constant 128 : i32
      } else {
      }
      %mul3A_110 = arith.constant 32 : i32
      %mul3A_111 = arith.muli %mul3A_110, %add3A_78 : i32
      %add3A_112 = arith.addi %add3A, %mul3A_111 : i32
      %lt3A_113 = arith.constant 7812 : i32
      %lt3A_114 = arith.cmpi slt, %add3A_112, %lt3A_113 : i32
      %convert_element_type3A_115 = arith.extui %lt3A_114 : i1 to i32
      %cond3A_116 = arith.constant 0 : i32
      %cond3A_117 = arith.cmpi ne, %convert_element_type3A_115, %cond3A_116 : i32
      scf.if %cond3A_117 {
        %mul3A_215 = arith.constant 64 : i32
        %mul3A_216 = arith.muli %add3A_112, %mul3A_215 : i32
        %dma_start3A = arith.constant 1 : i32
        %dma_start3A_217 = arith.constant 0 : i32
        %dma_start3A_218 = arith.constant 0 : i32
        %dma_start3A_219 = tpu.memref_slice %arg5[%dma_start3A, %dma_start3A_217, %dma_start3A_218] : memref<4x64x128xf32, #tpu.memory_space<vmem>> -> memref<1x64x128xf32, #tpu.memory_space<vmem>>
        %dma_start3A_220 = tpu.memref_squeeze %dma_start3A_219 : memref<1x64x128xf32, #tpu.memory_space<vmem>> -> memref<64x128xf32, #tpu.memory_space<vmem>>
        %dma_start3A_221 = arith.constant 0 : i32
        %dma_start3A_222 = tpu.memref_slice %arg3[%mul3A_216, %dma_start3A_221] : memref<500000x128xf32, #tpu.memory_space<hbm>> -> memref<64x128xf32, #tpu.memory_space<hbm>>
        %dma_start3A_223 = arith.constant 0 : i32
        %dma_start3A_224 = tpu.memref_slice %arg3[%mul3A_216, %dma_start3A_223] : memref<500000x128xf32, #tpu.memory_space<hbm>> -> memref<64x128xf32, #tpu.memory_space<hbm>>
        %dma_start3A_225 = arith.constant 0 : i32
        %dma_start3A_226 = arith.constant 0 : i32
        %dma_start3A_227 = tpu.memref_slice %arg5[%dma_start3A, %dma_start3A_225, %dma_start3A_226] : memref<4x64x128xf32, #tpu.memory_space<vmem>> -> memref<1x64x128xf32, #tpu.memory_space<vmem>>
        %dma_start3A_228 = tpu.memref_squeeze %dma_start3A_227 : memref<1x64x128xf32, #tpu.memory_space<vmem>> -> memref<64x128xf32, #tpu.memory_space<vmem>>
        tpu.enqueue_dma source(%dma_start3A_228 : memref<64x128xf32, #tpu.memory_space<vmem>>) target(%dma_start3A_224 : memref<64x128xf32, #tpu.memory_space<hbm>>) target_semaphore(%arg11 : memref<!tpu.dma_semaphore, #tpu.memory_space<semaphore_mem>>)
      } else {
      }
      %eq3A_118 = arith.constant 7812 : i32
      %eq3A_119 = arith.cmpi eq, %add3A_112, %eq3A_118 : i32
      %convert_element_type3A_120 = arith.extui %eq3A_119 : i1 to i32
      %cond3A_121 = arith.constant 0 : i32
      %cond3A_122 = arith.cmpi ne, %convert_element_type3A_120, %cond3A_121 : i32
      scf.if %cond3A_122 {
        %mul3A_215 = arith.constant 64 : i32
        %mul3A_216 = arith.muli %add3A_112, %mul3A_215 : i32
        %dma_start3A = arith.constant 1 : i32
        %dma_start3A_217 = arith.constant 0 : i32
        %dma_start3A_218 = arith.constant 0 : i32
        %dma_start3A_219 = tpu.memref_slice %arg5[%dma_start3A, %dma_start3A_217, %dma_start3A_218] : memref<4x64x128xf32, #tpu.memory_space<vmem>> -> memref<1x32x128xf32, #tpu.memory_space<vmem>>
        %dma_start3A_220 = tpu.memref_squeeze %dma_start3A_219 : memref<1x32x128xf32, #tpu.memory_space<vmem>> -> memref<32x128xf32, #tpu.memory_space<vmem>>
        %dma_start3A_221 = arith.constant 0 : i32
        %dma_start3A_222 = tpu.memref_slice %arg3[%mul3A_216, %dma_start3A_221] : memref<500000x128xf32, #tpu.memory_space<hbm>> -> memref<32x128xf32, #tpu.memory_space<hbm>>
        %dma_start3A_223 = arith.constant 0 : i32
        %dma_start3A_224 = tpu.memref_slice %arg3[%mul3A_216, %dma_start3A_223] : memref<500000x128xf32, #tpu.memory_space<hbm>> -> memref<32x128xf32, #tpu.memory_space<hbm>>
        %dma_start3A_225 = arith.constant 0 : i32
        %dma_start3A_226 = arith.constant 0 : i32
        %dma_start3A_227 = tpu.memref_slice %arg5[%dma_start3A, %dma_start3A_225, %dma_start3A_226] : memref<4x64x128xf32, #tpu.memory_space<vmem>> -> memref<1x32x128xf32, #tpu.memory_space<vmem>>
        %dma_start3A_228 = tpu.memref_squeeze %dma_start3A_227 : memref<1x32x128xf32, #tpu.memory_space<vmem>> -> memref<32x128xf32, #tpu.memory_space<vmem>>
        tpu.enqueue_dma source(%dma_start3A_228 : memref<32x128xf32, #tpu.memory_space<vmem>>) target(%dma_start3A_224 : memref<32x128xf32, #tpu.memory_space<hbm>>) target_semaphore(%arg11 : memref<!tpu.dma_semaphore, #tpu.memory_space<semaphore_mem>>)
      } else {
      }
      %add3A_123 = arith.constant 2 : i32
      %add3A_124 = arith.addi %add3A_32, %add3A_123 : i32
      %mul3A_125 = arith.constant 32 : i32
      %mul3A_126 = arith.muli %mul3A_125, %add3A_124 : i32
      %add3A_127 = arith.addi %add3A, %mul3A_126 : i32
      %lt3A_128 = arith.constant 7813 : i32
      %lt3A_129 = arith.cmpi slt, %add3A_127, %lt3A_128 : i32
      %convert_element_type3A_130 = arith.extui %lt3A_129 : i1 to i32
      %cond3A_131 = arith.constant 0 : i32
      %cond3A_132 = arith.cmpi ne, %convert_element_type3A_130, %cond3A_131 : i32
      scf.if %cond3A_132 {
        %dma_wait3A = arith.constant 2 : i32
        %dma_wait3A_215 = arith.constant 0 : i32
        %dma_wait3A_216 = arith.constant 0 : i32
        %dma_wait3A_217 = tpu.memref_slice %arg4[%dma_wait3A, %dma_wait3A_215, %dma_wait3A_216] : memref<4x64x128xf32, #tpu.memory_space<vmem>> -> memref<1x64x128xf32, #tpu.memory_space<vmem>>
        %dma_wait3A_218 = tpu.memref_squeeze %dma_wait3A_217 : memref<1x64x128xf32, #tpu.memory_space<vmem>> -> memref<64x128xf32, #tpu.memory_space<vmem>>
        %dma_wait3A_219 = arith.constant 0 : i32
        %dma_wait3A_220 = arith.constant 0 : i32
        %dma_wait3A_221 = tpu.memref_slice %arg2[%dma_wait3A_219, %dma_wait3A_220] : memref<64x1000000xf32, #tpu.memory_space<hbm>> -> memref<64x128xf32, #tpu.memory_space<hbm>>
        %dma_wait3A_222 = arith.constant 0 : i32
        %dma_wait3A_223 = arith.constant 0 : i32
        %dma_wait3A_224 = tpu.memref_slice %arg4[%dma_wait3A, %dma_wait3A_222, %dma_wait3A_223] : memref<4x64x128xf32, #tpu.memory_space<vmem>> -> memref<1x64x128xf32, #tpu.memory_space<vmem>>
        %dma_wait3A_225 = tpu.memref_squeeze %dma_wait3A_224 : memref<1x64x128xf32, #tpu.memory_space<vmem>> -> memref<64x128xf32, #tpu.memory_space<vmem>>
        %dma_wait3A_226 = arith.constant 0 : i32
        %dma_wait3A_227 = arith.constant 0 : i32
        %dma_wait3A_228 = tpu.memref_slice %arg2[%dma_wait3A_226, %dma_wait3A_227] : memref<64x1000000xf32, #tpu.memory_space<hbm>> -> memref<64x128xf32, #tpu.memory_space<hbm>>
        tpu.wait_dma2 semaphore(%arg8 : memref<!tpu.dma_semaphore, #tpu.memory_space<semaphore_mem>>) src(%dma_wait3A_228 : memref<64x128xf32, #tpu.memory_space<hbm>>) dst(%dma_wait3A_225 : memref<64x128xf32, #tpu.memory_space<vmem>>)
      } else {
      }
      %ge3A_133 = arith.constant 2 : i32
      %ge3A_134 = arith.cmpi sge, %add3A_124, %ge3A_133 : i32
      %convert_element_type3A_135 = arith.extui %ge3A_134 : i1 to i32
      %cond3A_136 = arith.constant 0 : i32
      %cond3A_137 = arith.cmpi ne, %convert_element_type3A_135, %cond3A_136 : i32
      scf.if %cond3A_137 {
        %sub3A = arith.constant 2 : i32
        %sub3A_215 = arith.subi %add3A_124, %sub3A : i32
        %mul3A_216 = arith.constant 32 : i32
        %mul3A_217 = arith.muli %mul3A_216, %sub3A_215 : i32
        %add3A_218 = arith.addi %add3A, %mul3A_217 : i32
        %lt3A_219 = arith.constant 7812 : i32
        %lt3A_220 = arith.cmpi slt, %add3A_218, %lt3A_219 : i32
        %convert_element_type3A_221 = arith.extui %lt3A_220 : i1 to i32
        %cond3A_222 = arith.constant 0 : i32
        %cond3A_223 = arith.cmpi ne, %convert_element_type3A_221, %cond3A_222 : i32
        scf.if %cond3A_223 {
          %dma_wait3A = arith.constant 0 : i32
          %dma_wait3A_229 = arith.constant 0 : i32
          %dma_wait3A_230 = arith.constant 0 : i32
          %dma_wait3A_231 = tpu.memref_slice %arg5[%dma_wait3A, %dma_wait3A_229, %dma_wait3A_230] : memref<4x64x128xf32, #tpu.memory_space<vmem>> -> memref<1x64x128xf32, #tpu.memory_space<vmem>>
          %dma_wait3A_232 = tpu.memref_squeeze %dma_wait3A_231 : memref<1x64x128xf32, #tpu.memory_space<vmem>> -> memref<64x128xf32, #tpu.memory_space<vmem>>
          %dma_wait3A_233 = arith.constant 0 : i32
          %dma_wait3A_234 = arith.constant 0 : i32
          %dma_wait3A_235 = tpu.memref_slice %arg3[%dma_wait3A_233, %dma_wait3A_234] : memref<500000x128xf32, #tpu.memory_space<hbm>> -> memref<64x128xf32, #tpu.memory_space<hbm>>
          %dma_wait3A_236 = arith.constant 0 : i32
          %dma_wait3A_237 = arith.constant 0 : i32
          %dma_wait3A_238 = tpu.memref_slice %arg3[%dma_wait3A_236, %dma_wait3A_237] : memref<500000x128xf32, #tpu.memory_space<hbm>> -> memref<64x128xf32, #tpu.memory_space<hbm>>
          %dma_wait3A_239 = arith.constant 0 : i32
          %dma_wait3A_240 = arith.constant 0 : i32
          %dma_wait3A_241 = tpu.memref_slice %arg5[%dma_wait3A, %dma_wait3A_239, %dma_wait3A_240] : memref<4x64x128xf32, #tpu.memory_space<vmem>> -> memref<1x64x128xf32, #tpu.memory_space<vmem>>
          %dma_wait3A_242 = tpu.memref_squeeze %dma_wait3A_241 : memref<1x64x128xf32, #tpu.memory_space<vmem>> -> memref<64x128xf32, #tpu.memory_space<vmem>>
          tpu.wait_dma2 semaphore(%arg10 : memref<!tpu.dma_semaphore, #tpu.memory_space<semaphore_mem>>) src(%dma_wait3A_242 : memref<64x128xf32, #tpu.memory_space<vmem>>) dst(%dma_wait3A_238 : memref<64x128xf32, #tpu.memory_space<hbm>>)
        } else {
        }
        %eq3A_224 = arith.constant 7812 : i32
        %eq3A_225 = arith.cmpi eq, %add3A_218, %eq3A_224 : i32
        %convert_element_type3A_226 = arith.extui %eq3A_225 : i1 to i32
        %cond3A_227 = arith.constant 0 : i32
        %cond3A_228 = arith.cmpi ne, %convert_element_type3A_226, %cond3A_227 : i32
        scf.if %cond3A_228 {
          %dma_wait3A = arith.constant 0 : i32
          %dma_wait3A_229 = arith.constant 0 : i32
          %dma_wait3A_230 = arith.constant 0 : i32
          %dma_wait3A_231 = tpu.memref_slice %arg5[%dma_wait3A, %dma_wait3A_229, %dma_wait3A_230] : memref<4x64x128xf32, #tpu.memory_space<vmem>> -> memref<1x32x128xf32, #tpu.memory_space<vmem>>
          %dma_wait3A_232 = tpu.memref_squeeze %dma_wait3A_231 : memref<1x32x128xf32, #tpu.memory_space<vmem>> -> memref<32x128xf32, #tpu.memory_space<vmem>>
          %dma_wait3A_233 = arith.constant 0 : i32
          %dma_wait3A_234 = arith.constant 0 : i32
          %dma_wait3A_235 = tpu.memref_slice %arg3[%dma_wait3A_233, %dma_wait3A_234] : memref<500000x128xf32, #tpu.memory_space<hbm>> -> memref<32x128xf32, #tpu.memory_space<hbm>>
          %dma_wait3A_236 = arith.constant 0 : i32
          %dma_wait3A_237 = arith.constant 0 : i32
          %dma_wait3A_238 = tpu.memref_slice %arg3[%dma_wait3A_236, %dma_wait3A_237] : memref<500000x128xf32, #tpu.memory_space<hbm>> -> memref<32x128xf32, #tpu.memory_space<hbm>>
          %dma_wait3A_239 = arith.constant 0 : i32
          %dma_wait3A_240 = arith.constant 0 : i32
          %dma_wait3A_241 = tpu.memref_slice %arg5[%dma_wait3A, %dma_wait3A_239, %dma_wait3A_240] : memref<4x64x128xf32, #tpu.memory_space<vmem>> -> memref<1x32x128xf32, #tpu.memory_space<vmem>>
          %dma_wait3A_242 = tpu.memref_squeeze %dma_wait3A_241 : memref<1x32x128xf32, #tpu.memory_space<vmem>> -> memref<32x128xf32, #tpu.memory_space<vmem>>
          tpu.wait_dma2 semaphore(%arg10 : memref<!tpu.dma_semaphore, #tpu.memory_space<semaphore_mem>>) src(%dma_wait3A_242 : memref<32x128xf32, #tpu.memory_space<vmem>>) dst(%dma_wait3A_238 : memref<32x128xf32, #tpu.memory_space<hbm>>)
        } else {
        }
      } else {
      }
      %add3A_138 = arith.constant 2 : i32
      %add3A_139 = arith.addi %add3A_124, %add3A_138 : i32
      %mul3A_140 = arith.constant 32 : i32
      %mul3A_141 = arith.muli %mul3A_140, %add3A_139 : i32
      %add3A_142 = arith.addi %add3A, %mul3A_141 : i32
      %lt3A_143 = arith.constant 7813 : i32
      %lt3A_144 = arith.cmpi slt, %add3A_142, %lt3A_143 : i32
      %convert_element_type3A_145 = arith.extui %lt3A_144 : i1 to i32
      %cond3A_146 = arith.constant 0 : i32
      %cond3A_147 = arith.cmpi ne, %convert_element_type3A_145, %cond3A_146 : i32
      scf.if %cond3A_147 {
        %mul3A_215 = arith.constant 128 : i32
        %mul3A_216 = arith.muli %add3A_142, %mul3A_215 : i32
        %dma_start3A = arith.constant 0 : i32
        %dma_start3A_217 = arith.constant 0 : i32
        %dma_start3A_218 = arith.constant 0 : i32
        %dma_start3A_219 = tpu.memref_slice %arg4[%dma_start3A, %dma_start3A_217, %dma_start3A_218] : memref<4x64x128xf32, #tpu.memory_space<vmem>> -> memref<1x64x128xf32, #tpu.memory_space<vmem>>
        %dma_start3A_220 = tpu.memref_squeeze %dma_start3A_219 : memref<1x64x128xf32, #tpu.memory_space<vmem>> -> memref<64x128xf32, #tpu.memory_space<vmem>>
        %dma_start3A_221 = arith.constant 0 : i32
        %dma_start3A_222 = tpu.memref_slice %arg2[%dma_start3A_221, %mul3A_216] : memref<64x1000000xf32, #tpu.memory_space<hbm>> -> memref<64x128xf32, #tpu.memory_space<hbm>>
        %dma_start3A_223 = arith.constant 0 : i32
        %dma_start3A_224 = arith.constant 0 : i32
        %dma_start3A_225 = tpu.memref_slice %arg4[%dma_start3A, %dma_start3A_223, %dma_start3A_224] : memref<4x64x128xf32, #tpu.memory_space<vmem>> -> memref<1x64x128xf32, #tpu.memory_space<vmem>>
        %dma_start3A_226 = tpu.memref_squeeze %dma_start3A_225 : memref<1x64x128xf32, #tpu.memory_space<vmem>> -> memref<64x128xf32, #tpu.memory_space<vmem>>
        %dma_start3A_227 = arith.constant 0 : i32
        %dma_start3A_228 = tpu.memref_slice %arg2[%dma_start3A_227, %mul3A_216] : memref<64x1000000xf32, #tpu.memory_space<hbm>> -> memref<64x128xf32, #tpu.memory_space<hbm>>
        tpu.enqueue_dma source(%dma_start3A_228 : memref<64x128xf32, #tpu.memory_space<hbm>>) target(%dma_start3A_226 : memref<64x128xf32, #tpu.memory_space<vmem>>) target_semaphore(%arg6 : memref<!tpu.dma_semaphore, #tpu.memory_space<semaphore_mem>>)
      } else {
      }
      %mul3A_148 = arith.constant 32 : i32
      %mul3A_149 = arith.muli %mul3A_148, %add3A_124 : i32
      %add3A_150 = arith.addi %add3A, %mul3A_149 : i32
      %lt3A_151 = arith.constant 7813 : i32
      %lt3A_152 = arith.cmpi slt, %add3A_150, %lt3A_151 : i32
      %convert_element_type3A_153 = arith.extui %lt3A_152 : i1 to i32
      %cond3A_154 = arith.constant 0 : i32
      %cond3A_155 = arith.cmpi ne, %convert_element_type3A_153, %cond3A_154 : i32
      scf.if %cond3A_155 {
        %scan3A_215 = arith.constant 2 : i32
        %scan3A_216 = arith.constant 2 : i32
        %scan3A_217 = arith.constant 0 : i32
        %scan3A_218 = arith.constant 128 : i32
        %scan3A_219 = arith.addi %scan3A_217, %scan3A_218 : i32
        %scan3A_220 = arith.constant 4 : i32
        scf.for %scan3A_222 = %scan3A_217 to %scan3A_219 step %scan3A_220  : i32 {
          %mul3A_223 = arith.constant 1 : i32
          %mul3A_224 = arith.muli %scan3A_222, %mul3A_223 : i32
          %add3A_225 = arith.constant 0 : i32
          %add3A_226 = arith.addi %add3A_225, %mul3A_224 : i32
          %broadcast_in_dim3A = vector.broadcast %add3A_226 : i32 to vector<16xi32>
          %add3A_227 = arith.addi %broadcast_in_dim3A, %iota3A : vector<16xi32>
          %and3A = arith.constant 127 : i32
          %and3A_228 = vector.broadcast %and3A : i32 to vector<16xi32>
          %and3A_229 = arith.andi %add3A_227, %and3A_228 : vector<16xi32>
          %shift_right_logical3A = arith.constant 1 : i32
          %shift_right_logical3A_230 = vector.broadcast %shift_right_logical3A : i32 to vector<16xi32>
          %shift_right_logical3A_231 = arith.shrui %and3A_229, %shift_right_logical3A_230 : vector<16xi32>
          %and3A_232 = arith.constant 1 : i32
          %and3A_233 = vector.broadcast %and3A_232 : i32 to vector<16xi32>
          %and3A_234 = arith.andi %and3A_229, %and3A_233 : vector<16xi32>
          %mul3A_235 = arith.constant 64 : i32
          %mul3A_236 = vector.broadcast %mul3A_235 : i32 to vector<16xi32>
          %mul3A_237 = arith.muli %and3A_234, %mul3A_236 : vector<16xi32>
          %gather3A = arith.constant 0 : i32
          %gather3A_238 = arith.constant 0 : i32
          %gather3A_239 = tpu.memref_slice %arg4[%scan3A_215, %gather3A, %gather3A_238] : memref<4x64x128xf32, #tpu.memory_space<vmem>> -> memref<1x64x128xf32, #tpu.memory_space<vmem>>
          %gather3A_240 = tpu.memref_squeeze %gather3A_239 : memref<1x64x128xf32, #tpu.memory_space<vmem>> -> memref<64x128xf32, #tpu.memory_space<vmem>>
          %gather3A_241 = tpu.vector_load_idx %gather3A_240[%add3A_3, %and3A_229] : memref<64x128xf32, #tpu.memory_space<vmem>>[vector<16xi32>, vector<16xi32>], vector<16xf32>,
          %add3A_242 = arith.addi %mul3A_237, %add3A_3 : vector<16xi32>
          %scatter3A = arith.constant 0 : i32
          %scatter3A_243 = arith.constant 0 : i32
          %scatter3A_244 = tpu.memref_slice %arg5[%scan3A_216, %scatter3A, %scatter3A_243] : memref<4x64x128xf32, #tpu.memory_space<vmem>> -> memref<1x64x128xf32, #tpu.memory_space<vmem>>
          %scatter3A_245 = tpu.memref_squeeze %scatter3A_244 : memref<1x64x128xf32, #tpu.memory_space<vmem>> -> memref<64x128xf32, #tpu.memory_space<vmem>>
          tpu.vector_store_idx %scatter3A_245[%shift_right_logical3A_231, %add3A_242], %gather3A_241 : memref<64x128xf32, #tpu.memory_space<vmem>>[vector<16xi32>, vector<16xi32>], vector<16xf32>,
          %gather3A_246 = arith.constant 0 : i32
          %gather3A_247 = arith.constant 0 : i32
          %gather3A_248 = tpu.memref_slice %arg4[%scan3A_215, %gather3A_246, %gather3A_247] : memref<4x64x128xf32, #tpu.memory_space<vmem>> -> memref<1x64x128xf32, #tpu.memory_space<vmem>>
          %gather3A_249 = tpu.memref_squeeze %gather3A_248 : memref<1x64x128xf32, #tpu.memory_space<vmem>> -> memref<64x128xf32, #tpu.memory_space<vmem>>
          %gather3A_250 = tpu.vector_load_idx %gather3A_249[%add3A_6, %and3A_229] : memref<64x128xf32, #tpu.memory_space<vmem>>[vector<16xi32>, vector<16xi32>], vector<16xf32>,
          %add3A_251 = arith.addi %mul3A_237, %add3A_6 : vector<16xi32>
          %scatter3A_252 = arith.constant 0 : i32
          %scatter3A_253 = arith.constant 0 : i32
          %scatter3A_254 = tpu.memref_slice %arg5[%scan3A_216, %scatter3A_252, %scatter3A_253] : memref<4x64x128xf32, #tpu.memory_space<vmem>> -> memref<1x64x128xf32, #tpu.memory_space<vmem>>
          %scatter3A_255 = tpu.memref_squeeze %scatter3A_254 : memref<1x64x128xf32, #tpu.memory_space<vmem>> -> memref<64x128xf32, #tpu.memory_space<vmem>>
          tpu.vector_store_idx %scatter3A_255[%shift_right_logical3A_231, %add3A_251], %gather3A_250 : memref<64x128xf32, #tpu.memory_space<vmem>>[vector<16xi32>, vector<16xi32>], vector<16xf32>,
          %gather3A_256 = arith.constant 0 : i32
          %gather3A_257 = arith.constant 0 : i32
          %gather3A_258 = tpu.memref_slice %arg4[%scan3A_215, %gather3A_256, %gather3A_257] : memref<4x64x128xf32, #tpu.memory_space<vmem>> -> memref<1x64x128xf32, #tpu.memory_space<vmem>>
          %gather3A_259 = tpu.memref_squeeze %gather3A_258 : memref<1x64x128xf32, #tpu.memory_space<vmem>> -> memref<64x128xf32, #tpu.memory_space<vmem>>
          %gather3A_260 = tpu.vector_load_idx %gather3A_259[%add3A_9, %and3A_229] : memref<64x128xf32, #tpu.memory_space<vmem>>[vector<16xi32>, vector<16xi32>], vector<16xf32>,
          %add3A_261 = arith.addi %mul3A_237, %add3A_9 : vector<16xi32>
          %scatter3A_262 = arith.constant 0 : i32
          %scatter3A_263 = arith.constant 0 : i32
          %scatter3A_264 = tpu.memref_slice %arg5[%scan3A_216, %scatter3A_262, %scatter3A_263] : memref<4x64x128xf32, #tpu.memory_space<vmem>> -> memref<1x64x128xf32, #tpu.memory_space<vmem>>
          %scatter3A_265 = tpu.memref_squeeze %scatter3A_264 : memref<1x64x128xf32, #tpu.memory_space<vmem>> -> memref<64x128xf32, #tpu.memory_space<vmem>>
          tpu.vector_store_idx %scatter3A_265[%shift_right_logical3A_231, %add3A_261], %gather3A_260 : memref<64x128xf32, #tpu.memory_space<vmem>>[vector<16xi32>, vector<16xi32>], vector<16xf32>,
          %gather3A_266 = arith.constant 0 : i32
          %gather3A_267 = arith.constant 0 : i32
          %gather3A_268 = tpu.memref_slice %arg4[%scan3A_215, %gather3A_266, %gather3A_267] : memref<4x64x128xf32, #tpu.memory_space<vmem>> -> memref<1x64x128xf32, #tpu.memory_space<vmem>>
          %gather3A_269 = tpu.memref_squeeze %gather3A_268 : memref<1x64x128xf32, #tpu.memory_space<vmem>> -> memref<64x128xf32, #tpu.memory_space<vmem>>
          %gather3A_270 = tpu.vector_load_idx %gather3A_269[%add3A_12, %and3A_229] : memref<64x128xf32, #tpu.memory_space<vmem>>[vector<16xi32>, vector<16xi32>], vector<16xf32>,
          %add3A_271 = arith.addi %mul3A_237, %add3A_12 : vector<16xi32>
          %scatter3A_272 = arith.constant 0 : i32
          %scatter3A_273 = arith.constant 0 : i32
          %scatter3A_274 = tpu.memref_slice %arg5[%scan3A_216, %scatter3A_272, %scatter3A_273] : memref<4x64x128xf32, #tpu.memory_space<vmem>> -> memref<1x64x128xf32, #tpu.memory_space<vmem>>
          %scatter3A_275 = tpu.memref_squeeze %scatter3A_274 : memref<1x64x128xf32, #tpu.memory_space<vmem>> -> memref<64x128xf32, #tpu.memory_space<vmem>>
          tpu.vector_store_idx %scatter3A_275[%shift_right_logical3A_231, %add3A_271], %gather3A_270 : memref<64x128xf32, #tpu.memory_space<vmem>>[vector<16xi32>, vector<16xi32>], vector<16xf32>,
          %scan3A_276 = arith.constant 1 : i32
          %scan3A_277 = arith.addi %scan3A_222, %scan3A_276 : i32
          %mul3A_278 = arith.constant 1 : i32
          %mul3A_279 = arith.muli %scan3A_277, %mul3A_278 : i32
          %add3A_280 = arith.constant 0 : i32
          %add3A_281 = arith.addi %add3A_280, %mul3A_279 : i32
          %broadcast_in_dim3A_282 = vector.broadcast %add3A_281 : i32 to vector<16xi32>
          %add3A_283 = arith.addi %broadcast_in_dim3A_282, %iota3A : vector<16xi32>
          %and3A_284 = arith.constant 127 : i32
          %and3A_285 = vector.broadcast %and3A_284 : i32 to vector<16xi32>
          %and3A_286 = arith.andi %add3A_283, %and3A_285 : vector<16xi32>
          %shift_right_logical3A_287 = arith.constant 1 : i32
          %shift_right_logical3A_288 = vector.broadcast %shift_right_logical3A_287 : i32 to vector<16xi32>
          %shift_right_logical3A_289 = arith.shrui %and3A_286, %shift_right_logical3A_288 : vector<16xi32>
          %and3A_290 = arith.constant 1 : i32
          %and3A_291 = vector.broadcast %and3A_290 : i32 to vector<16xi32>
          %and3A_292 = arith.andi %and3A_286, %and3A_291 : vector<16xi32>
          %mul3A_293 = arith.constant 64 : i32
          %mul3A_294 = vector.broadcast %mul3A_293 : i32 to vector<16xi32>
          %mul3A_295 = arith.muli %and3A_292, %mul3A_294 : vector<16xi32>
          %gather3A_296 = arith.constant 0 : i32
          %gather3A_297 = arith.constant 0 : i32
          %gather3A_298 = tpu.memref_slice %arg4[%scan3A_215, %gather3A_296, %gather3A_297] : memref<4x64x128xf32, #tpu.memory_space<vmem>> -> memref<1x64x128xf32, #tpu.memory_space<vmem>>
          %gather3A_299 = tpu.memref_squeeze %gather3A_298 : memref<1x64x128xf32, #tpu.memory_space<vmem>> -> memref<64x128xf32, #tpu.memory_space<vmem>>
          %gather3A_300 = tpu.vector_load_idx %gather3A_299[%add3A_3, %and3A_286] : memref<64x128xf32, #tpu.memory_space<vmem>>[vector<16xi32>, vector<16xi32>], vector<16xf32>,
          %add3A_301 = arith.addi %mul3A_295, %add3A_3 : vector<16xi32>
          %scatter3A_302 = arith.constant 0 : i32
          %scatter3A_303 = arith.constant 0 : i32
          %scatter3A_304 = tpu.memref_slice %arg5[%scan3A_216, %scatter3A_302, %scatter3A_303] : memref<4x64x128xf32, #tpu.memory_space<vmem>> -> memref<1x64x128xf32, #tpu.memory_space<vmem>>
          %scatter3A_305 = tpu.memref_squeeze %scatter3A_304 : memref<1x64x128xf32, #tpu.memory_space<vmem>> -> memref<64x128xf32, #tpu.memory_space<vmem>>
          tpu.vector_store_idx %scatter3A_305[%shift_right_logical3A_289, %add3A_301], %gather3A_300 : memref<64x128xf32, #tpu.memory_space<vmem>>[vector<16xi32>, vector<16xi32>], vector<16xf32>,
          %gather3A_306 = arith.constant 0 : i32
          %gather3A_307 = arith.constant 0 : i32
          %gather3A_308 = tpu.memref_slice %arg4[%scan3A_215, %gather3A_306, %gather3A_307] : memref<4x64x128xf32, #tpu.memory_space<vmem>> -> memref<1x64x128xf32, #tpu.memory_space<vmem>>
          %gather3A_309 = tpu.memref_squeeze %gather3A_308 : memref<1x64x128xf32, #tpu.memory_space<vmem>> -> memref<64x128xf32, #tpu.memory_space<vmem>>
          %gather3A_310 = tpu.vector_load_idx %gather3A_309[%add3A_6, %and3A_286] : memref<64x128xf32, #tpu.memory_space<vmem>>[vector<16xi32>, vector<16xi32>], vector<16xf32>,
          %add3A_311 = arith.addi %mul3A_295, %add3A_6 : vector<16xi32>
          %scatter3A_312 = arith.constant 0 : i32
          %scatter3A_313 = arith.constant 0 : i32
          %scatter3A_314 = tpu.memref_slice %arg5[%scan3A_216, %scatter3A_312, %scatter3A_313] : memref<4x64x128xf32, #tpu.memory_space<vmem>> -> memref<1x64x128xf32, #tpu.memory_space<vmem>>
          %scatter3A_315 = tpu.memref_squeeze %scatter3A_314 : memref<1x64x128xf32, #tpu.memory_space<vmem>> -> memref<64x128xf32, #tpu.memory_space<vmem>>
          tpu.vector_store_idx %scatter3A_315[%shift_right_logical3A_289, %add3A_311], %gather3A_310 : memref<64x128xf32, #tpu.memory_space<vmem>>[vector<16xi32>, vector<16xi32>], vector<16xf32>,
          %gather3A_316 = arith.constant 0 : i32
          %gather3A_317 = arith.constant 0 : i32
          %gather3A_318 = tpu.memref_slice %arg4[%scan3A_215, %gather3A_316, %gather3A_317] : memref<4x64x128xf32, #tpu.memory_space<vmem>> -> memref<1x64x128xf32, #tpu.memory_space<vmem>>
          %gather3A_319 = tpu.memref_squeeze %gather3A_318 : memref<1x64x128xf32, #tpu.memory_space<vmem>> -> memref<64x128xf32, #tpu.memory_space<vmem>>
          %gather3A_320 = tpu.vector_load_idx %gather3A_319[%add3A_9, %and3A_286] : memref<64x128xf32, #tpu.memory_space<vmem>>[vector<16xi32>, vector<16xi32>], vector<16xf32>,
          %add3A_321 = arith.addi %mul3A_295, %add3A_9 : vector<16xi32>
          %scatter3A_322 = arith.constant 0 : i32
          %scatter3A_323 = arith.constant 0 : i32
          %scatter3A_324 = tpu.memref_slice %arg5[%scan3A_216, %scatter3A_322, %scatter3A_323] : memref<4x64x128xf32, #tpu.memory_space<vmem>> -> memref<1x64x128xf32, #tpu.memory_space<vmem>>
          %scatter3A_325 = tpu.memref_squeeze %scatter3A_324 : memref<1x64x128xf32, #tpu.memory_space<vmem>> -> memref<64x128xf32, #tpu.memory_space<vmem>>
          tpu.vector_store_idx %scatter3A_325[%shift_right_logical3A_289, %add3A_321], %gather3A_320 : memref<64x128xf32, #tpu.memory_space<vmem>>[vector<16xi32>, vector<16xi32>], vector<16xf32>,
          %gather3A_326 = arith.constant 0 : i32
          %gather3A_327 = arith.constant 0 : i32
          %gather3A_328 = tpu.memref_slice %arg4[%scan3A_215, %gather3A_326, %gather3A_327] : memref<4x64x128xf32, #tpu.memory_space<vmem>> -> memref<1x64x128xf32, #tpu.memory_space<vmem>>
          %gather3A_329 = tpu.memref_squeeze %gather3A_328 : memref<1x64x128xf32, #tpu.memory_space<vmem>> -> memref<64x128xf32, #tpu.memory_space<vmem>>
          %gather3A_330 = tpu.vector_load_idx %gather3A_329[%add3A_12, %and3A_286] : memref<64x128xf32, #tpu.memory_space<vmem>>[vector<16xi32>, vector<16xi32>], vector<16xf32>,
          %add3A_331 = arith.addi %mul3A_295, %add3A_12 : vector<16xi32>
          %scatter3A_332 = arith.constant 0 : i32
          %scatter3A_333 = arith.constant 0 : i32
          %scatter3A_334 = tpu.memref_slice %arg5[%scan3A_216, %scatter3A_332, %scatter3A_333] : memref<4x64x128xf32, #tpu.memory_space<vmem>> -> memref<1x64x128xf32, #tpu.memory_space<vmem>>
          %scatter3A_335 = tpu.memref_squeeze %scatter3A_334 : memref<1x64x128xf32, #tpu.memory_space<vmem>> -> memref<64x128xf32, #tpu.memory_space<vmem>>
          tpu.vector_store_idx %scatter3A_335[%shift_right_logical3A_289, %add3A_331], %gather3A_330 : memref<64x128xf32, #tpu.memory_space<vmem>>[vector<16xi32>, vector<16xi32>], vector<16xf32>,
          %scan3A_336 = arith.constant 2 : i32
          %scan3A_337 = arith.addi %scan3A_222, %scan3A_336 : i32
          %mul3A_338 = arith.constant 1 : i32
          %mul3A_339 = arith.muli %scan3A_337, %mul3A_338 : i32
          %add3A_340 = arith.constant 0 : i32
          %add3A_341 = arith.addi %add3A_340, %mul3A_339 : i32
          %broadcast_in_dim3A_342 = vector.broadcast %add3A_341 : i32 to vector<16xi32>
          %add3A_343 = arith.addi %broadcast_in_dim3A_342, %iota3A : vector<16xi32>
          %and3A_344 = arith.constant 127 : i32
          %and3A_345 = vector.broadcast %and3A_344 : i32 to vector<16xi32>
          %and3A_346 = arith.andi %add3A_343, %and3A_345 : vector<16xi32>
          %shift_right_logical3A_347 = arith.constant 1 : i32
          %shift_right_logical3A_348 = vector.broadcast %shift_right_logical3A_347 : i32 to vector<16xi32>
          %shift_right_logical3A_349 = arith.shrui %and3A_346, %shift_right_logical3A_348 : vector<16xi32>
          %and3A_350 = arith.constant 1 : i32
          %and3A_351 = vector.broadcast %and3A_350 : i32 to vector<16xi32>
          %and3A_352 = arith.andi %and3A_346, %and3A_351 : vector<16xi32>
          %mul3A_353 = arith.constant 64 : i32
          %mul3A_354 = vector.broadcast %mul3A_353 : i32 to vector<16xi32>
          %mul3A_355 = arith.muli %and3A_352, %mul3A_354 : vector<16xi32>
          %gather3A_356 = arith.constant 0 : i32
          %gather3A_357 = arith.constant 0 : i32
          %gather3A_358 = tpu.memref_slice %arg4[%scan3A_215, %gather3A_356, %gather3A_357] : memref<4x64x128xf32, #tpu.memory_space<vmem>> -> memref<1x64x128xf32, #tpu.memory_space<vmem>>
          %gather3A_359 = tpu.memref_squeeze %gather3A_358 : memref<1x64x128xf32, #tpu.memory_space<vmem>> -> memref<64x128xf32, #tpu.memory_space<vmem>>
          %gather3A_360 = tpu.vector_load_idx %gather3A_359[%add3A_3, %and3A_346] : memref<64x128xf32, #tpu.memory_space<vmem>>[vector<16xi32>, vector<16xi32>], vector<16xf32>,
          %add3A_361 = arith.addi %mul3A_355, %add3A_3 : vector<16xi32>
          %scatter3A_362 = arith.constant 0 : i32
          %scatter3A_363 = arith.constant 0 : i32
          %scatter3A_364 = tpu.memref_slice %arg5[%scan3A_216, %scatter3A_362, %scatter3A_363] : memref<4x64x128xf32, #tpu.memory_space<vmem>> -> memref<1x64x128xf32, #tpu.memory_space<vmem>>
          %scatter3A_365 = tpu.memref_squeeze %scatter3A_364 : memref<1x64x128xf32, #tpu.memory_space<vmem>> -> memref<64x128xf32, #tpu.memory_space<vmem>>
          tpu.vector_store_idx %scatter3A_365[%shift_right_logical3A_349, %add3A_361], %gather3A_360 : memref<64x128xf32, #tpu.memory_space<vmem>>[vector<16xi32>, vector<16xi32>], vector<16xf32>,
          %gather3A_366 = arith.constant 0 : i32
          %gather3A_367 = arith.constant 0 : i32
          %gather3A_368 = tpu.memref_slice %arg4[%scan3A_215, %gather3A_366, %gather3A_367] : memref<4x64x128xf32, #tpu.memory_space<vmem>> -> memref<1x64x128xf32, #tpu.memory_space<vmem>>
          %gather3A_369 = tpu.memref_squeeze %gather3A_368 : memref<1x64x128xf32, #tpu.memory_space<vmem>> -> memref<64x128xf32, #tpu.memory_space<vmem>>
          %gather3A_370 = tpu.vector_load_idx %gather3A_369[%add3A_6, %and3A_346] : memref<64x128xf32, #tpu.memory_space<vmem>>[vector<16xi32>, vector<16xi32>], vector<16xf32>,
          %add3A_371 = arith.addi %mul3A_355, %add3A_6 : vector<16xi32>
          %scatter3A_372 = arith.constant 0 : i32
          %scatter3A_373 = arith.constant 0 : i32
          %scatter3A_374 = tpu.memref_slice %arg5[%scan3A_216, %scatter3A_372, %scatter3A_373] : memref<4x64x128xf32, #tpu.memory_space<vmem>> -> memref<1x64x128xf32, #tpu.memory_space<vmem>>
          %scatter3A_375 = tpu.memref_squeeze %scatter3A_374 : memref<1x64x128xf32, #tpu.memory_space<vmem>> -> memref<64x128xf32, #tpu.memory_space<vmem>>
          tpu.vector_store_idx %scatter3A_375[%shift_right_logical3A_349, %add3A_371], %gather3A_370 : memref<64x128xf32, #tpu.memory_space<vmem>>[vector<16xi32>, vector<16xi32>], vector<16xf32>,
          %gather3A_376 = arith.constant 0 : i32
          %gather3A_377 = arith.constant 0 : i32
          %gather3A_378 = tpu.memref_slice %arg4[%scan3A_215, %gather3A_376, %gather3A_377] : memref<4x64x128xf32, #tpu.memory_space<vmem>> -> memref<1x64x128xf32, #tpu.memory_space<vmem>>
          %gather3A_379 = tpu.memref_squeeze %gather3A_378 : memref<1x64x128xf32, #tpu.memory_space<vmem>> -> memref<64x128xf32, #tpu.memory_space<vmem>>
          %gather3A_380 = tpu.vector_load_idx %gather3A_379[%add3A_9, %and3A_346] : memref<64x128xf32, #tpu.memory_space<vmem>>[vector<16xi32>, vector<16xi32>], vector<16xf32>,
          %add3A_381 = arith.addi %mul3A_355, %add3A_9 : vector<16xi32>
          %scatter3A_382 = arith.constant 0 : i32
          %scatter3A_383 = arith.constant 0 : i32
          %scatter3A_384 = tpu.memref_slice %arg5[%scan3A_216, %scatter3A_382, %scatter3A_383] : memref<4x64x128xf32, #tpu.memory_space<vmem>> -> memref<1x64x128xf32, #tpu.memory_space<vmem>>
          %scatter3A_385 = tpu.memref_squeeze %scatter3A_384 : memref<1x64x128xf32, #tpu.memory_space<vmem>> -> memref<64x128xf32, #tpu.memory_space<vmem>>
          tpu.vector_store_idx %scatter3A_385[%shift_right_logical3A_349, %add3A_381], %gather3A_380 : memref<64x128xf32, #tpu.memory_space<vmem>>[vector<16xi32>, vector<16xi32>], vector<16xf32>,
          %gather3A_386 = arith.constant 0 : i32
          %gather3A_387 = arith.constant 0 : i32
          %gather3A_388 = tpu.memref_slice %arg4[%scan3A_215, %gather3A_386, %gather3A_387] : memref<4x64x128xf32, #tpu.memory_space<vmem>> -> memref<1x64x128xf32, #tpu.memory_space<vmem>>
          %gather3A_389 = tpu.memref_squeeze %gather3A_388 : memref<1x64x128xf32, #tpu.memory_space<vmem>> -> memref<64x128xf32, #tpu.memory_space<vmem>>
          %gather3A_390 = tpu.vector_load_idx %gather3A_389[%add3A_12, %and3A_346] : memref<64x128xf32, #tpu.memory_space<vmem>>[vector<16xi32>, vector<16xi32>], vector<16xf32>,
          %add3A_391 = arith.addi %mul3A_355, %add3A_12 : vector<16xi32>
          %scatter3A_392 = arith.constant 0 : i32
          %scatter3A_393 = arith.constant 0 : i32
          %scatter3A_394 = tpu.memref_slice %arg5[%scan3A_216, %scatter3A_392, %scatter3A_393] : memref<4x64x128xf32, #tpu.memory_space<vmem>> -> memref<1x64x128xf32, #tpu.memory_space<vmem>>
          %scatter3A_395 = tpu.memref_squeeze %scatter3A_394 : memref<1x64x128xf32, #tpu.memory_space<vmem>> -> memref<64x128xf32, #tpu.memory_space<vmem>>
          tpu.vector_store_idx %scatter3A_395[%shift_right_logical3A_349, %add3A_391], %gather3A_390 : memref<64x128xf32, #tpu.memory_space<vmem>>[vector<16xi32>, vector<16xi32>], vector<16xf32>,
          %scan3A_396 = arith.constant 3 : i32
          %scan3A_397 = arith.addi %scan3A_222, %scan3A_396 : i32
          %mul3A_398 = arith.constant 1 : i32
          %mul3A_399 = arith.muli %scan3A_397, %mul3A_398 : i32
          %add3A_400 = arith.constant 0 : i32
          %add3A_401 = arith.addi %add3A_400, %mul3A_399 : i32
          %broadcast_in_dim3A_402 = vector.broadcast %add3A_401 : i32 to vector<16xi32>
          %add3A_403 = arith.addi %broadcast_in_dim3A_402, %iota3A : vector<16xi32>
          %and3A_404 = arith.constant 127 : i32
          %and3A_405 = vector.broadcast %and3A_404 : i32 to vector<16xi32>
          %and3A_406 = arith.andi %add3A_403, %and3A_405 : vector<16xi32>
          %shift_right_logical3A_407 = arith.constant 1 : i32
          %shift_right_logical3A_408 = vector.broadcast %shift_right_logical3A_407 : i32 to vector<16xi32>
          %shift_right_logical3A_409 = arith.shrui %and3A_406, %shift_right_logical3A_408 : vector<16xi32>
          %and3A_410 = arith.constant 1 : i32
          %and3A_411 = vector.broadcast %and3A_410 : i32 to vector<16xi32>
          %and3A_412 = arith.andi %and3A_406, %and3A_411 : vector<16xi32>
          %mul3A_413 = arith.constant 64 : i32
          %mul3A_414 = vector.broadcast %mul3A_413 : i32 to vector<16xi32>
          %mul3A_415 = arith.muli %and3A_412, %mul3A_414 : vector<16xi32>
          %gather3A_416 = arith.constant 0 : i32
          %gather3A_417 = arith.constant 0 : i32
          %gather3A_418 = tpu.memref_slice %arg4[%scan3A_215, %gather3A_416, %gather3A_417] : memref<4x64x128xf32, #tpu.memory_space<vmem>> -> memref<1x64x128xf32, #tpu.memory_space<vmem>>
          %gather3A_419 = tpu.memref_squeeze %gather3A_418 : memref<1x64x128xf32, #tpu.memory_space<vmem>> -> memref<64x128xf32, #tpu.memory_space<vmem>>
          %gather3A_420 = tpu.vector_load_idx %gather3A_419[%add3A_3, %and3A_406] : memref<64x128xf32, #tpu.memory_space<vmem>>[vector<16xi32>, vector<16xi32>], vector<16xf32>,
          %add3A_421 = arith.addi %mul3A_415, %add3A_3 : vector<16xi32>
          %scatter3A_422 = arith.constant 0 : i32
          %scatter3A_423 = arith.constant 0 : i32
          %scatter3A_424 = tpu.memref_slice %arg5[%scan3A_216, %scatter3A_422, %scatter3A_423] : memref<4x64x128xf32, #tpu.memory_space<vmem>> -> memref<1x64x128xf32, #tpu.memory_space<vmem>>
          %scatter3A_425 = tpu.memref_squeeze %scatter3A_424 : memref<1x64x128xf32, #tpu.memory_space<vmem>> -> memref<64x128xf32, #tpu.memory_space<vmem>>
          tpu.vector_store_idx %scatter3A_425[%shift_right_logical3A_409, %add3A_421], %gather3A_420 : memref<64x128xf32, #tpu.memory_space<vmem>>[vector<16xi32>, vector<16xi32>], vector<16xf32>,
          %gather3A_426 = arith.constant 0 : i32
          %gather3A_427 = arith.constant 0 : i32
          %gather3A_428 = tpu.memref_slice %arg4[%scan3A_215, %gather3A_426, %gather3A_427] : memref<4x64x128xf32, #tpu.memory_space<vmem>> -> memref<1x64x128xf32, #tpu.memory_space<vmem>>
          %gather3A_429 = tpu.memref_squeeze %gather3A_428 : memref<1x64x128xf32, #tpu.memory_space<vmem>> -> memref<64x128xf32, #tpu.memory_space<vmem>>
          %gather3A_430 = tpu.vector_load_idx %gather3A_429[%add3A_6, %and3A_406] : memref<64x128xf32, #tpu.memory_space<vmem>>[vector<16xi32>, vector<16xi32>], vector<16xf32>,
          %add3A_431 = arith.addi %mul3A_415, %add3A_6 : vector<16xi32>
          %scatter3A_432 = arith.constant 0 : i32
          %scatter3A_433 = arith.constant 0 : i32
          %scatter3A_434 = tpu.memref_slice %arg5[%scan3A_216, %scatter3A_432, %scatter3A_433] : memref<4x64x128xf32, #tpu.memory_space<vmem>> -> memref<1x64x128xf32, #tpu.memory_space<vmem>>
          %scatter3A_435 = tpu.memref_squeeze %scatter3A_434 : memref<1x64x128xf32, #tpu.memory_space<vmem>> -> memref<64x128xf32, #tpu.memory_space<vmem>>
          tpu.vector_store_idx %scatter3A_435[%shift_right_logical3A_409, %add3A_431], %gather3A_430 : memref<64x128xf32, #tpu.memory_space<vmem>>[vector<16xi32>, vector<16xi32>], vector<16xf32>,
          %gather3A_436 = arith.constant 0 : i32
          %gather3A_437 = arith.constant 0 : i32
          %gather3A_438 = tpu.memref_slice %arg4[%scan3A_215, %gather3A_436, %gather3A_437] : memref<4x64x128xf32, #tpu.memory_space<vmem>> -> memref<1x64x128xf32, #tpu.memory_space<vmem>>
          %gather3A_439 = tpu.memref_squeeze %gather3A_438 : memref<1x64x128xf32, #tpu.memory_space<vmem>> -> memref<64x128xf32, #tpu.memory_space<vmem>>
          %gather3A_440 = tpu.vector_load_idx %gather3A_439[%add3A_9, %and3A_406] : memref<64x128xf32, #tpu.memory_space<vmem>>[vector<16xi32>, vector<16xi32>], vector<16xf32>,
          %add3A_441 = arith.addi %mul3A_415, %add3A_9 : vector<16xi32>
          %scatter3A_442 = arith.constant 0 : i32
          %scatter3A_443 = arith.constant 0 : i32
          %scatter3A_444 = tpu.memref_slice %arg5[%scan3A_216, %scatter3A_442, %scatter3A_443] : memref<4x64x128xf32, #tpu.memory_space<vmem>> -> memref<1x64x128xf32, #tpu.memory_space<vmem>>
          %scatter3A_445 = tpu.memref_squeeze %scatter3A_444 : memref<1x64x128xf32, #tpu.memory_space<vmem>> -> memref<64x128xf32, #tpu.memory_space<vmem>>
          tpu.vector_store_idx %scatter3A_445[%shift_right_logical3A_409, %add3A_441], %gather3A_440 : memref<64x128xf32, #tpu.memory_space<vmem>>[vector<16xi32>, vector<16xi32>], vector<16xf32>,
          %gather3A_446 = arith.constant 0 : i32
          %gather3A_447 = arith.constant 0 : i32
          %gather3A_448 = tpu.memref_slice %arg4[%scan3A_215, %gather3A_446, %gather3A_447] : memref<4x64x128xf32, #tpu.memory_space<vmem>> -> memref<1x64x128xf32, #tpu.memory_space<vmem>>
          %gather3A_449 = tpu.memref_squeeze %gather3A_448 : memref<1x64x128xf32, #tpu.memory_space<vmem>> -> memref<64x128xf32, #tpu.memory_space<vmem>>
          %gather3A_450 = tpu.vector_load_idx %gather3A_449[%add3A_12, %and3A_406] : memref<64x128xf32, #tpu.memory_space<vmem>>[vector<16xi32>, vector<16xi32>], vector<16xf32>,
          %add3A_451 = arith.addi %mul3A_415, %add3A_12 : vector<16xi32>
          %scatter3A_452 = arith.constant 0 : i32
          %scatter3A_453 = arith.constant 0 : i32
          %scatter3A_454 = tpu.memref_slice %arg5[%scan3A_216, %scatter3A_452, %scatter3A_453] : memref<4x64x128xf32, #tpu.memory_space<vmem>> -> memref<1x64x128xf32, #tpu.memory_space<vmem>>
          %scatter3A_455 = tpu.memref_squeeze %scatter3A_454 : memref<1x64x128xf32, #tpu.memory_space<vmem>> -> memref<64x128xf32, #tpu.memory_space<vmem>>
          tpu.vector_store_idx %scatter3A_455[%shift_right_logical3A_409, %add3A_451], %gather3A_450 : memref<64x128xf32, #tpu.memory_space<vmem>>[vector<16xi32>, vector<16xi32>], vector<16xf32>,
        }
        %scan3A_221 = arith.constant 128 : i32
      } else {
      }
      %mul3A_156 = arith.constant 32 : i32
      %mul3A_157 = arith.muli %mul3A_156, %add3A_124 : i32
      %add3A_158 = arith.addi %add3A, %mul3A_157 : i32
      %lt3A_159 = arith.constant 7812 : i32
      %lt3A_160 = arith.cmpi slt, %add3A_158, %lt3A_159 : i32
      %convert_element_type3A_161 = arith.extui %lt3A_160 : i1 to i32
      %cond3A_162 = arith.constant 0 : i32
      %cond3A_163 = arith.cmpi ne, %convert_element_type3A_161, %cond3A_162 : i32
      scf.if %cond3A_163 {
        %mul3A_215 = arith.constant 64 : i32
        %mul3A_216 = arith.muli %add3A_158, %mul3A_215 : i32
        %dma_start3A = arith.constant 2 : i32
        %dma_start3A_217 = arith.constant 0 : i32
        %dma_start3A_218 = arith.constant 0 : i32
        %dma_start3A_219 = tpu.memref_slice %arg5[%dma_start3A, %dma_start3A_217, %dma_start3A_218] : memref<4x64x128xf32, #tpu.memory_space<vmem>> -> memref<1x64x128xf32, #tpu.memory_space<vmem>>
        %dma_start3A_220 = tpu.memref_squeeze %dma_start3A_219 : memref<1x64x128xf32, #tpu.memory_space<vmem>> -> memref<64x128xf32, #tpu.memory_space<vmem>>
        %dma_start3A_221 = arith.constant 0 : i32
        %dma_start3A_222 = tpu.memref_slice %arg3[%mul3A_216, %dma_start3A_221] : memref<500000x128xf32, #tpu.memory_space<hbm>> -> memref<64x128xf32, #tpu.memory_space<hbm>>
        %dma_start3A_223 = arith.constant 0 : i32
        %dma_start3A_224 = tpu.memref_slice %arg3[%mul3A_216, %dma_start3A_223] : memref<500000x128xf32, #tpu.memory_space<hbm>> -> memref<64x128xf32, #tpu.memory_space<hbm>>
        %dma_start3A_225 = arith.constant 0 : i32
        %dma_start3A_226 = arith.constant 0 : i32
        %dma_start3A_227 = tpu.memref_slice %arg5[%dma_start3A, %dma_start3A_225, %dma_start3A_226] : memref<4x64x128xf32, #tpu.memory_space<vmem>> -> memref<1x64x128xf32, #tpu.memory_space<vmem>>
        %dma_start3A_228 = tpu.memref_squeeze %dma_start3A_227 : memref<1x64x128xf32, #tpu.memory_space<vmem>> -> memref<64x128xf32, #tpu.memory_space<vmem>>
        tpu.enqueue_dma source(%dma_start3A_228 : memref<64x128xf32, #tpu.memory_space<vmem>>) target(%dma_start3A_224 : memref<64x128xf32, #tpu.memory_space<hbm>>) target_semaphore(%arg12 : memref<!tpu.dma_semaphore, #tpu.memory_space<semaphore_mem>>)
      } else {
      }
      %eq3A_164 = arith.constant 7812 : i32
      %eq3A_165 = arith.cmpi eq, %add3A_158, %eq3A_164 : i32
      %convert_element_type3A_166 = arith.extui %eq3A_165 : i1 to i32
      %cond3A_167 = arith.constant 0 : i32
      %cond3A_168 = arith.cmpi ne, %convert_element_type3A_166, %cond3A_167 : i32
      scf.if %cond3A_168 {
        %mul3A_215 = arith.constant 64 : i32
        %mul3A_216 = arith.muli %add3A_158, %mul3A_215 : i32
        %dma_start3A = arith.constant 2 : i32
        %dma_start3A_217 = arith.constant 0 : i32
        %dma_start3A_218 = arith.constant 0 : i32
        %dma_start3A_219 = tpu.memref_slice %arg5[%dma_start3A, %dma_start3A_217, %dma_start3A_218] : memref<4x64x128xf32, #tpu.memory_space<vmem>> -> memref<1x32x128xf32, #tpu.memory_space<vmem>>
        %dma_start3A_220 = tpu.memref_squeeze %dma_start3A_219 : memref<1x32x128xf32, #tpu.memory_space<vmem>> -> memref<32x128xf32, #tpu.memory_space<vmem>>
        %dma_start3A_221 = arith.constant 0 : i32
        %dma_start3A_222 = tpu.memref_slice %arg3[%mul3A_216, %dma_start3A_221] : memref<500000x128xf32, #tpu.memory_space<hbm>> -> memref<32x128xf32, #tpu.memory_space<hbm>>
        %dma_start3A_223 = arith.constant 0 : i32
        %dma_start3A_224 = tpu.memref_slice %arg3[%mul3A_216, %dma_start3A_223] : memref<500000x128xf32, #tpu.memory_space<hbm>> -> memref<32x128xf32, #tpu.memory_space<hbm>>
        %dma_start3A_225 = arith.constant 0 : i32
        %dma_start3A_226 = arith.constant 0 : i32
        %dma_start3A_227 = tpu.memref_slice %arg5[%dma_start3A, %dma_start3A_225, %dma_start3A_226] : memref<4x64x128xf32, #tpu.memory_space<vmem>> -> memref<1x32x128xf32, #tpu.memory_space<vmem>>
        %dma_start3A_228 = tpu.memref_squeeze %dma_start3A_227 : memref<1x32x128xf32, #tpu.memory_space<vmem>> -> memref<32x128xf32, #tpu.memory_space<vmem>>
        tpu.enqueue_dma source(%dma_start3A_228 : memref<32x128xf32, #tpu.memory_space<vmem>>) target(%dma_start3A_224 : memref<32x128xf32, #tpu.memory_space<hbm>>) target_semaphore(%arg12 : memref<!tpu.dma_semaphore, #tpu.memory_space<semaphore_mem>>)
      } else {
      }
      %add3A_169 = arith.constant 3 : i32
      %add3A_170 = arith.addi %add3A_32, %add3A_169 : i32
      %mul3A_171 = arith.constant 32 : i32
      %mul3A_172 = arith.muli %mul3A_171, %add3A_170 : i32
      %add3A_173 = arith.addi %add3A, %mul3A_172 : i32
      %lt3A_174 = arith.constant 7813 : i32
      %lt3A_175 = arith.cmpi slt, %add3A_173, %lt3A_174 : i32
      %convert_element_type3A_176 = arith.extui %lt3A_175 : i1 to i32
      %cond3A_177 = arith.constant 0 : i32
      %cond3A_178 = arith.cmpi ne, %convert_element_type3A_176, %cond3A_177 : i32
      scf.if %cond3A_178 {
        %dma_wait3A = arith.constant 3 : i32
        %dma_wait3A_215 = arith.constant 0 : i32
        %dma_wait3A_216 = arith.constant 0 : i32
        %dma_wait3A_217 = tpu.memref_slice %arg4[%dma_wait3A, %dma_wait3A_215, %dma_wait3A_216] : memref<4x64x128xf32, #tpu.memory_space<vmem>> -> memref<1x64x128xf32, #tpu.memory_space<vmem>>
        %dma_wait3A_218 = tpu.memref_squeeze %dma_wait3A_217 : memref<1x64x128xf32, #tpu.memory_space<vmem>> -> memref<64x128xf32, #tpu.memory_space<vmem>>
        %dma_wait3A_219 = arith.constant 0 : i32
        %dma_wait3A_220 = arith.constant 0 : i32
        %dma_wait3A_221 = tpu.memref_slice %arg2[%dma_wait3A_219, %dma_wait3A_220] : memref<64x1000000xf32, #tpu.memory_space<hbm>> -> memref<64x128xf32, #tpu.memory_space<hbm>>
        %dma_wait3A_222 = arith.constant 0 : i32
        %dma_wait3A_223 = arith.constant 0 : i32
        %dma_wait3A_224 = tpu.memref_slice %arg4[%dma_wait3A, %dma_wait3A_222, %dma_wait3A_223] : memref<4x64x128xf32, #tpu.memory_space<vmem>> -> memref<1x64x128xf32, #tpu.memory_space<vmem>>
        %dma_wait3A_225 = tpu.memref_squeeze %dma_wait3A_224 : memref<1x64x128xf32, #tpu.memory_space<vmem>> -> memref<64x128xf32, #tpu.memory_space<vmem>>
        %dma_wait3A_226 = arith.constant 0 : i32
        %dma_wait3A_227 = arith.constant 0 : i32
        %dma_wait3A_228 = tpu.memref_slice %arg2[%dma_wait3A_226, %dma_wait3A_227] : memref<64x1000000xf32, #tpu.memory_space<hbm>> -> memref<64x128xf32, #tpu.memory_space<hbm>>
        tpu.wait_dma2 semaphore(%arg9 : memref<!tpu.dma_semaphore, #tpu.memory_space<semaphore_mem>>) src(%dma_wait3A_228 : memref<64x128xf32, #tpu.memory_space<hbm>>) dst(%dma_wait3A_225 : memref<64x128xf32, #tpu.memory_space<vmem>>)
      } else {
      }
      %ge3A_179 = arith.constant 2 : i32
      %ge3A_180 = arith.cmpi sge, %add3A_170, %ge3A_179 : i32
      %convert_element_type3A_181 = arith.extui %ge3A_180 : i1 to i32
      %cond3A_182 = arith.constant 0 : i32
      %cond3A_183 = arith.cmpi ne, %convert_element_type3A_181, %cond3A_182 : i32
      scf.if %cond3A_183 {
        %sub3A = arith.constant 2 : i32
        %sub3A_215 = arith.subi %add3A_170, %sub3A : i32
        %mul3A_216 = arith.constant 32 : i32
        %mul3A_217 = arith.muli %mul3A_216, %sub3A_215 : i32
        %add3A_218 = arith.addi %add3A, %mul3A_217 : i32
        %lt3A_219 = arith.constant 7812 : i32
        %lt3A_220 = arith.cmpi slt, %add3A_218, %lt3A_219 : i32
        %convert_element_type3A_221 = arith.extui %lt3A_220 : i1 to i32
        %cond3A_222 = arith.constant 0 : i32
        %cond3A_223 = arith.cmpi ne, %convert_element_type3A_221, %cond3A_222 : i32
        scf.if %cond3A_223 {
          %dma_wait3A = arith.constant 1 : i32
          %dma_wait3A_229 = arith.constant 0 : i32
          %dma_wait3A_230 = arith.constant 0 : i32
          %dma_wait3A_231 = tpu.memref_slice %arg5[%dma_wait3A, %dma_wait3A_229, %dma_wait3A_230] : memref<4x64x128xf32, #tpu.memory_space<vmem>> -> memref<1x64x128xf32, #tpu.memory_space<vmem>>
          %dma_wait3A_232 = tpu.memref_squeeze %dma_wait3A_231 : memref<1x64x128xf32, #tpu.memory_space<vmem>> -> memref<64x128xf32, #tpu.memory_space<vmem>>
          %dma_wait3A_233 = arith.constant 0 : i32
          %dma_wait3A_234 = arith.constant 0 : i32
          %dma_wait3A_235 = tpu.memref_slice %arg3[%dma_wait3A_233, %dma_wait3A_234] : memref<500000x128xf32, #tpu.memory_space<hbm>> -> memref<64x128xf32, #tpu.memory_space<hbm>>
          %dma_wait3A_236 = arith.constant 0 : i32
          %dma_wait3A_237 = arith.constant 0 : i32
          %dma_wait3A_238 = tpu.memref_slice %arg3[%dma_wait3A_236, %dma_wait3A_237] : memref<500000x128xf32, #tpu.memory_space<hbm>> -> memref<64x128xf32, #tpu.memory_space<hbm>>
          %dma_wait3A_239 = arith.constant 0 : i32
          %dma_wait3A_240 = arith.constant 0 : i32
          %dma_wait3A_241 = tpu.memref_slice %arg5[%dma_wait3A, %dma_wait3A_239, %dma_wait3A_240] : memref<4x64x128xf32, #tpu.memory_space<vmem>> -> memref<1x64x128xf32, #tpu.memory_space<vmem>>
          %dma_wait3A_242 = tpu.memref_squeeze %dma_wait3A_241 : memref<1x64x128xf32, #tpu.memory_space<vmem>> -> memref<64x128xf32, #tpu.memory_space<vmem>>
          tpu.wait_dma2 semaphore(%arg11 : memref<!tpu.dma_semaphore, #tpu.memory_space<semaphore_mem>>) src(%dma_wait3A_242 : memref<64x128xf32, #tpu.memory_space<vmem>>) dst(%dma_wait3A_238 : memref<64x128xf32, #tpu.memory_space<hbm>>)
        } else {
        }
        %eq3A_224 = arith.constant 7812 : i32
        %eq3A_225 = arith.cmpi eq, %add3A_218, %eq3A_224 : i32
        %convert_element_type3A_226 = arith.extui %eq3A_225 : i1 to i32
        %cond3A_227 = arith.constant 0 : i32
        %cond3A_228 = arith.cmpi ne, %convert_element_type3A_226, %cond3A_227 : i32
        scf.if %cond3A_228 {
          %dma_wait3A = arith.constant 1 : i32
          %dma_wait3A_229 = arith.constant 0 : i32
          %dma_wait3A_230 = arith.constant 0 : i32
          %dma_wait3A_231 = tpu.memref_slice %arg5[%dma_wait3A, %dma_wait3A_229, %dma_wait3A_230] : memref<4x64x128xf32, #tpu.memory_space<vmem>> -> memref<1x32x128xf32, #tpu.memory_space<vmem>>
          %dma_wait3A_232 = tpu.memref_squeeze %dma_wait3A_231 : memref<1x32x128xf32, #tpu.memory_space<vmem>> -> memref<32x128xf32, #tpu.memory_space<vmem>>
          %dma_wait3A_233 = arith.constant 0 : i32
          %dma_wait3A_234 = arith.constant 0 : i32
          %dma_wait3A_235 = tpu.memref_slice %arg3[%dma_wait3A_233, %dma_wait3A_234] : memref<500000x128xf32, #tpu.memory_space<hbm>> -> memref<32x128xf32, #tpu.memory_space<hbm>>
          %dma_wait3A_236 = arith.constant 0 : i32
          %dma_wait3A_237 = arith.constant 0 : i32
          %dma_wait3A_238 = tpu.memref_slice %arg3[%dma_wait3A_236, %dma_wait3A_237] : memref<500000x128xf32, #tpu.memory_space<hbm>> -> memref<32x128xf32, #tpu.memory_space<hbm>>
          %dma_wait3A_239 = arith.constant 0 : i32
          %dma_wait3A_240 = arith.constant 0 : i32
          %dma_wait3A_241 = tpu.memref_slice %arg5[%dma_wait3A, %dma_wait3A_239, %dma_wait3A_240] : memref<4x64x128xf32, #tpu.memory_space<vmem>> -> memref<1x32x128xf32, #tpu.memory_space<vmem>>
          %dma_wait3A_242 = tpu.memref_squeeze %dma_wait3A_241 : memref<1x32x128xf32, #tpu.memory_space<vmem>> -> memref<32x128xf32, #tpu.memory_space<vmem>>
          tpu.wait_dma2 semaphore(%arg11 : memref<!tpu.dma_semaphore, #tpu.memory_space<semaphore_mem>>) src(%dma_wait3A_242 : memref<32x128xf32, #tpu.memory_space<vmem>>) dst(%dma_wait3A_238 : memref<32x128xf32, #tpu.memory_space<hbm>>)
        } else {
        }
      } else {
      }
      %add3A_184 = arith.constant 2 : i32
      %add3A_185 = arith.addi %add3A_170, %add3A_184 : i32
      %mul3A_186 = arith.constant 32 : i32
      %mul3A_187 = arith.muli %mul3A_186, %add3A_185 : i32
      %add3A_188 = arith.addi %add3A, %mul3A_187 : i32
      %lt3A_189 = arith.constant 7813 : i32
      %lt3A_190 = arith.cmpi slt, %add3A_188, %lt3A_189 : i32
      %convert_element_type3A_191 = arith.extui %lt3A_190 : i1 to i32
      %cond3A_192 = arith.constant 0 : i32
      %cond3A_193 = arith.cmpi ne, %convert_element_type3A_191, %cond3A_192 : i32
      scf.if %cond3A_193 {
        %mul3A_215 = arith.constant 128 : i32
        %mul3A_216 = arith.muli %add3A_188, %mul3A_215 : i32
        %dma_start3A = arith.constant 1 : i32
        %dma_start3A_217 = arith.constant 0 : i32
        %dma_start3A_218 = arith.constant 0 : i32
        %dma_start3A_219 = tpu.memref_slice %arg4[%dma_start3A, %dma_start3A_217, %dma_start3A_218] : memref<4x64x128xf32, #tpu.memory_space<vmem>> -> memref<1x64x128xf32, #tpu.memory_space<vmem>>
        %dma_start3A_220 = tpu.memref_squeeze %dma_start3A_219 : memref<1x64x128xf32, #tpu.memory_space<vmem>> -> memref<64x128xf32, #tpu.memory_space<vmem>>
        %dma_start3A_221 = arith.constant 0 : i32
        %dma_start3A_222 = tpu.memref_slice %arg2[%dma_start3A_221, %mul3A_216] : memref<64x1000000xf32, #tpu.memory_space<hbm>> -> memref<64x128xf32, #tpu.memory_space<hbm>>
        %dma_start3A_223 = arith.constant 0 : i32
        %dma_start3A_224 = arith.constant 0 : i32
        %dma_start3A_225 = tpu.memref_slice %arg4[%dma_start3A, %dma_start3A_223, %dma_start3A_224] : memref<4x64x128xf32, #tpu.memory_space<vmem>> -> memref<1x64x128xf32, #tpu.memory_space<vmem>>
        %dma_start3A_226 = tpu.memref_squeeze %dma_start3A_225 : memref<1x64x128xf32, #tpu.memory_space<vmem>> -> memref<64x128xf32, #tpu.memory_space<vmem>>
        %dma_start3A_227 = arith.constant 0 : i32
        %dma_start3A_228 = tpu.memref_slice %arg2[%dma_start3A_227, %mul3A_216] : memref<64x1000000xf32, #tpu.memory_space<hbm>> -> memref<64x128xf32, #tpu.memory_space<hbm>>
        tpu.enqueue_dma source(%dma_start3A_228 : memref<64x128xf32, #tpu.memory_space<hbm>>) target(%dma_start3A_226 : memref<64x128xf32, #tpu.memory_space<vmem>>) target_semaphore(%arg7 : memref<!tpu.dma_semaphore, #tpu.memory_space<semaphore_mem>>)
      } else {
      }
      %mul3A_194 = arith.constant 32 : i32
      %mul3A_195 = arith.muli %mul3A_194, %add3A_170 : i32
      %add3A_196 = arith.addi %add3A, %mul3A_195 : i32
      %lt3A_197 = arith.constant 7813 : i32
      %lt3A_198 = arith.cmpi slt, %add3A_196, %lt3A_197 : i32
      %convert_element_type3A_199 = arith.extui %lt3A_198 : i1 to i32
      %cond3A_200 = arith.constant 0 : i32
      %cond3A_201 = arith.cmpi ne, %convert_element_type3A_199, %cond3A_200 : i32
      scf.if %cond3A_201 {
        %scan3A_215 = arith.constant 3 : i32
        %scan3A_216 = arith.constant 3 : i32
        %scan3A_217 = arith.constant 0 : i32
        %scan3A_218 = arith.constant 128 : i32
        %scan3A_219 = arith.addi %scan3A_217, %scan3A_218 : i32
        %scan3A_220 = arith.constant 4 : i32
        scf.for %scan3A_222 = %scan3A_217 to %scan3A_219 step %scan3A_220  : i32 {
          %mul3A_223 = arith.constant 1 : i32
          %mul3A_224 = arith.muli %scan3A_222, %mul3A_223 : i32
          %add3A_225 = arith.constant 0 : i32
          %add3A_226 = arith.addi %add3A_225, %mul3A_224 : i32
          %broadcast_in_dim3A = vector.broadcast %add3A_226 : i32 to vector<16xi32>
          %add3A_227 = arith.addi %broadcast_in_dim3A, %iota3A : vector<16xi32>
          %and3A = arith.constant 127 : i32
          %and3A_228 = vector.broadcast %and3A : i32 to vector<16xi32>
          %and3A_229 = arith.andi %add3A_227, %and3A_228 : vector<16xi32>
          %shift_right_logical3A = arith.constant 1 : i32
          %shift_right_logical3A_230 = vector.broadcast %shift_right_logical3A : i32 to vector<16xi32>
          %shift_right_logical3A_231 = arith.shrui %and3A_229, %shift_right_logical3A_230 : vector<16xi32>
          %and3A_232 = arith.constant 1 : i32
          %and3A_233 = vector.broadcast %and3A_232 : i32 to vector<16xi32>
          %and3A_234 = arith.andi %and3A_229, %and3A_233 : vector<16xi32>
          %mul3A_235 = arith.constant 64 : i32
          %mul3A_236 = vector.broadcast %mul3A_235 : i32 to vector<16xi32>
          %mul3A_237 = arith.muli %and3A_234, %mul3A_236 : vector<16xi32>
          %gather3A = arith.constant 0 : i32
          %gather3A_238 = arith.constant 0 : i32
          %gather3A_239 = tpu.memref_slice %arg4[%scan3A_215, %gather3A, %gather3A_238] : memref<4x64x128xf32, #tpu.memory_space<vmem>> -> memref<1x64x128xf32, #tpu.memory_space<vmem>>
          %gather3A_240 = tpu.memref_squeeze %gather3A_239 : memref<1x64x128xf32, #tpu.memory_space<vmem>> -> memref<64x128xf32, #tpu.memory_space<vmem>>
          %gather3A_241 = tpu.vector_load_idx %gather3A_240[%add3A_3, %and3A_229] : memref<64x128xf32, #tpu.memory_space<vmem>>[vector<16xi32>, vector<16xi32>], vector<16xf32>,
          %add3A_242 = arith.addi %mul3A_237, %add3A_3 : vector<16xi32>
          %scatter3A = arith.constant 0 : i32
          %scatter3A_243 = arith.constant 0 : i32
          %scatter3A_244 = tpu.memref_slice %arg5[%scan3A_216, %scatter3A, %scatter3A_243] : memref<4x64x128xf32, #tpu.memory_space<vmem>> -> memref<1x64x128xf32, #tpu.memory_space<vmem>>
          %scatter3A_245 = tpu.memref_squeeze %scatter3A_244 : memref<1x64x128xf32, #tpu.memory_space<vmem>> -> memref<64x128xf32, #tpu.memory_space<vmem>>
          tpu.vector_store_idx %scatter3A_245[%shift_right_logical3A_231, %add3A_242], %gather3A_241 : memref<64x128xf32, #tpu.memory_space<vmem>>[vector<16xi32>, vector<16xi32>], vector<16xf32>,
          %gather3A_246 = arith.constant 0 : i32
          %gather3A_247 = arith.constant 0 : i32
          %gather3A_248 = tpu.memref_slice %arg4[%scan3A_215, %gather3A_246, %gather3A_247] : memref<4x64x128xf32, #tpu.memory_space<vmem>> -> memref<1x64x128xf32, #tpu.memory_space<vmem>>
          %gather3A_249 = tpu.memref_squeeze %gather3A_248 : memref<1x64x128xf32, #tpu.memory_space<vmem>> -> memref<64x128xf32, #tpu.memory_space<vmem>>
          %gather3A_250 = tpu.vector_load_idx %gather3A_249[%add3A_6, %and3A_229] : memref<64x128xf32, #tpu.memory_space<vmem>>[vector<16xi32>, vector<16xi32>], vector<16xf32>,
          %add3A_251 = arith.addi %mul3A_237, %add3A_6 : vector<16xi32>
          %scatter3A_252 = arith.constant 0 : i32
          %scatter3A_253 = arith.constant 0 : i32
          %scatter3A_254 = tpu.memref_slice %arg5[%scan3A_216, %scatter3A_252, %scatter3A_253] : memref<4x64x128xf32, #tpu.memory_space<vmem>> -> memref<1x64x128xf32, #tpu.memory_space<vmem>>
          %scatter3A_255 = tpu.memref_squeeze %scatter3A_254 : memref<1x64x128xf32, #tpu.memory_space<vmem>> -> memref<64x128xf32, #tpu.memory_space<vmem>>
          tpu.vector_store_idx %scatter3A_255[%shift_right_logical3A_231, %add3A_251], %gather3A_250 : memref<64x128xf32, #tpu.memory_space<vmem>>[vector<16xi32>, vector<16xi32>], vector<16xf32>,
          %gather3A_256 = arith.constant 0 : i32
          %gather3A_257 = arith.constant 0 : i32
          %gather3A_258 = tpu.memref_slice %arg4[%scan3A_215, %gather3A_256, %gather3A_257] : memref<4x64x128xf32, #tpu.memory_space<vmem>> -> memref<1x64x128xf32, #tpu.memory_space<vmem>>
          %gather3A_259 = tpu.memref_squeeze %gather3A_258 : memref<1x64x128xf32, #tpu.memory_space<vmem>> -> memref<64x128xf32, #tpu.memory_space<vmem>>
          %gather3A_260 = tpu.vector_load_idx %gather3A_259[%add3A_9, %and3A_229] : memref<64x128xf32, #tpu.memory_space<vmem>>[vector<16xi32>, vector<16xi32>], vector<16xf32>,
          %add3A_261 = arith.addi %mul3A_237, %add3A_9 : vector<16xi32>
          %scatter3A_262 = arith.constant 0 : i32
          %scatter3A_263 = arith.constant 0 : i32
          %scatter3A_264 = tpu.memref_slice %arg5[%scan3A_216, %scatter3A_262, %scatter3A_263] : memref<4x64x128xf32, #tpu.memory_space<vmem>> -> memref<1x64x128xf32, #tpu.memory_space<vmem>>
          %scatter3A_265 = tpu.memref_squeeze %scatter3A_264 : memref<1x64x128xf32, #tpu.memory_space<vmem>> -> memref<64x128xf32, #tpu.memory_space<vmem>>
          tpu.vector_store_idx %scatter3A_265[%shift_right_logical3A_231, %add3A_261], %gather3A_260 : memref<64x128xf32, #tpu.memory_space<vmem>>[vector<16xi32>, vector<16xi32>], vector<16xf32>,
          %gather3A_266 = arith.constant 0 : i32
          %gather3A_267 = arith.constant 0 : i32
          %gather3A_268 = tpu.memref_slice %arg4[%scan3A_215, %gather3A_266, %gather3A_267] : memref<4x64x128xf32, #tpu.memory_space<vmem>> -> memref<1x64x128xf32, #tpu.memory_space<vmem>>
          %gather3A_269 = tpu.memref_squeeze %gather3A_268 : memref<1x64x128xf32, #tpu.memory_space<vmem>> -> memref<64x128xf32, #tpu.memory_space<vmem>>
          %gather3A_270 = tpu.vector_load_idx %gather3A_269[%add3A_12, %and3A_229] : memref<64x128xf32, #tpu.memory_space<vmem>>[vector<16xi32>, vector<16xi32>], vector<16xf32>,
          %add3A_271 = arith.addi %mul3A_237, %add3A_12 : vector<16xi32>
          %scatter3A_272 = arith.constant 0 : i32
          %scatter3A_273 = arith.constant 0 : i32
          %scatter3A_274 = tpu.memref_slice %arg5[%scan3A_216, %scatter3A_272, %scatter3A_273] : memref<4x64x128xf32, #tpu.memory_space<vmem>> -> memref<1x64x128xf32, #tpu.memory_space<vmem>>
          %scatter3A_275 = tpu.memref_squeeze %scatter3A_274 : memref<1x64x128xf32, #tpu.memory_space<vmem>> -> memref<64x128xf32, #tpu.memory_space<vmem>>
          tpu.vector_store_idx %scatter3A_275[%shift_right_logical3A_231, %add3A_271], %gather3A_270 : memref<64x128xf32, #tpu.memory_space<vmem>>[vector<16xi32>, vector<16xi32>], vector<16xf32>,
          %scan3A_276 = arith.constant 1 : i32
          %scan3A_277 = arith.addi %scan3A_222, %scan3A_276 : i32
          %mul3A_278 = arith.constant 1 : i32
          %mul3A_279 = arith.muli %scan3A_277, %mul3A_278 : i32
          %add3A_280 = arith.constant 0 : i32
          %add3A_281 = arith.addi %add3A_280, %mul3A_279 : i32
          %broadcast_in_dim3A_282 = vector.broadcast %add3A_281 : i32 to vector<16xi32>
          %add3A_283 = arith.addi %broadcast_in_dim3A_282, %iota3A : vector<16xi32>
          %and3A_284 = arith.constant 127 : i32
          %and3A_285 = vector.broadcast %and3A_284 : i32 to vector<16xi32>
          %and3A_286 = arith.andi %add3A_283, %and3A_285 : vector<16xi32>
          %shift_right_logical3A_287 = arith.constant 1 : i32
          %shift_right_logical3A_288 = vector.broadcast %shift_right_logical3A_287 : i32 to vector<16xi32>
          %shift_right_logical3A_289 = arith.shrui %and3A_286, %shift_right_logical3A_288 : vector<16xi32>
          %and3A_290 = arith.constant 1 : i32
          %and3A_291 = vector.broadcast %and3A_290 : i32 to vector<16xi32>
          %and3A_292 = arith.andi %and3A_286, %and3A_291 : vector<16xi32>
          %mul3A_293 = arith.constant 64 : i32
          %mul3A_294 = vector.broadcast %mul3A_293 : i32 to vector<16xi32>
          %mul3A_295 = arith.muli %and3A_292, %mul3A_294 : vector<16xi32>
          %gather3A_296 = arith.constant 0 : i32
          %gather3A_297 = arith.constant 0 : i32
          %gather3A_298 = tpu.memref_slice %arg4[%scan3A_215, %gather3A_296, %gather3A_297] : memref<4x64x128xf32, #tpu.memory_space<vmem>> -> memref<1x64x128xf32, #tpu.memory_space<vmem>>
          %gather3A_299 = tpu.memref_squeeze %gather3A_298 : memref<1x64x128xf32, #tpu.memory_space<vmem>> -> memref<64x128xf32, #tpu.memory_space<vmem>>
          %gather3A_300 = tpu.vector_load_idx %gather3A_299[%add3A_3, %and3A_286] : memref<64x128xf32, #tpu.memory_space<vmem>>[vector<16xi32>, vector<16xi32>], vector<16xf32>,
          %add3A_301 = arith.addi %mul3A_295, %add3A_3 : vector<16xi32>
          %scatter3A_302 = arith.constant 0 : i32
          %scatter3A_303 = arith.constant 0 : i32
          %scatter3A_304 = tpu.memref_slice %arg5[%scan3A_216, %scatter3A_302, %scatter3A_303] : memref<4x64x128xf32, #tpu.memory_space<vmem>> -> memref<1x64x128xf32, #tpu.memory_space<vmem>>
          %scatter3A_305 = tpu.memref_squeeze %scatter3A_304 : memref<1x64x128xf32, #tpu.memory_space<vmem>> -> memref<64x128xf32, #tpu.memory_space<vmem>>
          tpu.vector_store_idx %scatter3A_305[%shift_right_logical3A_289, %add3A_301], %gather3A_300 : memref<64x128xf32, #tpu.memory_space<vmem>>[vector<16xi32>, vector<16xi32>], vector<16xf32>,
          %gather3A_306 = arith.constant 0 : i32
          %gather3A_307 = arith.constant 0 : i32
          %gather3A_308 = tpu.memref_slice %arg4[%scan3A_215, %gather3A_306, %gather3A_307] : memref<4x64x128xf32, #tpu.memory_space<vmem>> -> memref<1x64x128xf32, #tpu.memory_space<vmem>>
          %gather3A_309 = tpu.memref_squeeze %gather3A_308 : memref<1x64x128xf32, #tpu.memory_space<vmem>> -> memref<64x128xf32, #tpu.memory_space<vmem>>
          %gather3A_310 = tpu.vector_load_idx %gather3A_309[%add3A_6, %and3A_286] : memref<64x128xf32, #tpu.memory_space<vmem>>[vector<16xi32>, vector<16xi32>], vector<16xf32>,
          %add3A_311 = arith.addi %mul3A_295, %add3A_6 : vector<16xi32>
          %scatter3A_312 = arith.constant 0 : i32
          %scatter3A_313 = arith.constant 0 : i32
          %scatter3A_314 = tpu.memref_slice %arg5[%scan3A_216, %scatter3A_312, %scatter3A_313] : memref<4x64x128xf32, #tpu.memory_space<vmem>> -> memref<1x64x128xf32, #tpu.memory_space<vmem>>
          %scatter3A_315 = tpu.memref_squeeze %scatter3A_314 : memref<1x64x128xf32, #tpu.memory_space<vmem>> -> memref<64x128xf32, #tpu.memory_space<vmem>>
          tpu.vector_store_idx %scatter3A_315[%shift_right_logical3A_289, %add3A_311], %gather3A_310 : memref<64x128xf32, #tpu.memory_space<vmem>>[vector<16xi32>, vector<16xi32>], vector<16xf32>,
          %gather3A_316 = arith.constant 0 : i32
          %gather3A_317 = arith.constant 0 : i32
          %gather3A_318 = tpu.memref_slice %arg4[%scan3A_215, %gather3A_316, %gather3A_317] : memref<4x64x128xf32, #tpu.memory_space<vmem>> -> memref<1x64x128xf32, #tpu.memory_space<vmem>>
          %gather3A_319 = tpu.memref_squeeze %gather3A_318 : memref<1x64x128xf32, #tpu.memory_space<vmem>> -> memref<64x128xf32, #tpu.memory_space<vmem>>
          %gather3A_320 = tpu.vector_load_idx %gather3A_319[%add3A_9, %and3A_286] : memref<64x128xf32, #tpu.memory_space<vmem>>[vector<16xi32>, vector<16xi32>], vector<16xf32>,
          %add3A_321 = arith.addi %mul3A_295, %add3A_9 : vector<16xi32>
          %scatter3A_322 = arith.constant 0 : i32
          %scatter3A_323 = arith.constant 0 : i32
          %scatter3A_324 = tpu.memref_slice %arg5[%scan3A_216, %scatter3A_322, %scatter3A_323] : memref<4x64x128xf32, #tpu.memory_space<vmem>> -> memref<1x64x128xf32, #tpu.memory_space<vmem>>
          %scatter3A_325 = tpu.memref_squeeze %scatter3A_324 : memref<1x64x128xf32, #tpu.memory_space<vmem>> -> memref<64x128xf32, #tpu.memory_space<vmem>>
          tpu.vector_store_idx %scatter3A_325[%shift_right_logical3A_289, %add3A_321], %gather3A_320 : memref<64x128xf32, #tpu.memory_space<vmem>>[vector<16xi32>, vector<16xi32>], vector<16xf32>,
          %gather3A_326 = arith.constant 0 : i32
          %gather3A_327 = arith.constant 0 : i32
          %gather3A_328 = tpu.memref_slice %arg4[%scan3A_215, %gather3A_326, %gather3A_327] : memref<4x64x128xf32, #tpu.memory_space<vmem>> -> memref<1x64x128xf32, #tpu.memory_space<vmem>>
          %gather3A_329 = tpu.memref_squeeze %gather3A_328 : memref<1x64x128xf32, #tpu.memory_space<vmem>> -> memref<64x128xf32, #tpu.memory_space<vmem>>
          %gather3A_330 = tpu.vector_load_idx %gather3A_329[%add3A_12, %and3A_286] : memref<64x128xf32, #tpu.memory_space<vmem>>[vector<16xi32>, vector<16xi32>], vector<16xf32>,
          %add3A_331 = arith.addi %mul3A_295, %add3A_12 : vector<16xi32>
          %scatter3A_332 = arith.constant 0 : i32
          %scatter3A_333 = arith.constant 0 : i32
          %scatter3A_334 = tpu.memref_slice %arg5[%scan3A_216, %scatter3A_332, %scatter3A_333] : memref<4x64x128xf32, #tpu.memory_space<vmem>> -> memref<1x64x128xf32, #tpu.memory_space<vmem>>
          %scatter3A_335 = tpu.memref_squeeze %scatter3A_334 : memref<1x64x128xf32, #tpu.memory_space<vmem>> -> memref<64x128xf32, #tpu.memory_space<vmem>>
          tpu.vector_store_idx %scatter3A_335[%shift_right_logical3A_289, %add3A_331], %gather3A_330 : memref<64x128xf32, #tpu.memory_space<vmem>>[vector<16xi32>, vector<16xi32>], vector<16xf32>,
          %scan3A_336 = arith.constant 2 : i32
          %scan3A_337 = arith.addi %scan3A_222, %scan3A_336 : i32
          %mul3A_338 = arith.constant 1 : i32
          %mul3A_339 = arith.muli %scan3A_337, %mul3A_338 : i32
          %add3A_340 = arith.constant 0 : i32
          %add3A_341 = arith.addi %add3A_340, %mul3A_339 : i32
          %broadcast_in_dim3A_342 = vector.broadcast %add3A_341 : i32 to vector<16xi32>
          %add3A_343 = arith.addi %broadcast_in_dim3A_342, %iota3A : vector<16xi32>
          %and3A_344 = arith.constant 127 : i32
          %and3A_345 = vector.broadcast %and3A_344 : i32 to vector<16xi32>
          %and3A_346 = arith.andi %add3A_343, %and3A_345 : vector<16xi32>
          %shift_right_logical3A_347 = arith.constant 1 : i32
          %shift_right_logical3A_348 = vector.broadcast %shift_right_logical3A_347 : i32 to vector<16xi32>
          %shift_right_logical3A_349 = arith.shrui %and3A_346, %shift_right_logical3A_348 : vector<16xi32>
          %and3A_350 = arith.constant 1 : i32
          %and3A_351 = vector.broadcast %and3A_350 : i32 to vector<16xi32>
          %and3A_352 = arith.andi %and3A_346, %and3A_351 : vector<16xi32>
          %mul3A_353 = arith.constant 64 : i32
          %mul3A_354 = vector.broadcast %mul3A_353 : i32 to vector<16xi32>
          %mul3A_355 = arith.muli %and3A_352, %mul3A_354 : vector<16xi32>
          %gather3A_356 = arith.constant 0 : i32
          %gather3A_357 = arith.constant 0 : i32
          %gather3A_358 = tpu.memref_slice %arg4[%scan3A_215, %gather3A_356, %gather3A_357] : memref<4x64x128xf32, #tpu.memory_space<vmem>> -> memref<1x64x128xf32, #tpu.memory_space<vmem>>
          %gather3A_359 = tpu.memref_squeeze %gather3A_358 : memref<1x64x128xf32, #tpu.memory_space<vmem>> -> memref<64x128xf32, #tpu.memory_space<vmem>>
          %gather3A_360 = tpu.vector_load_idx %gather3A_359[%add3A_3, %and3A_346] : memref<64x128xf32, #tpu.memory_space<vmem>>[vector<16xi32>, vector<16xi32>], vector<16xf32>,
          %add3A_361 = arith.addi %mul3A_355, %add3A_3 : vector<16xi32>
          %scatter3A_362 = arith.constant 0 : i32
          %scatter3A_363 = arith.constant 0 : i32
          %scatter3A_364 = tpu.memref_slice %arg5[%scan3A_216, %scatter3A_362, %scatter3A_363] : memref<4x64x128xf32, #tpu.memory_space<vmem>> -> memref<1x64x128xf32, #tpu.memory_space<vmem>>
          %scatter3A_365 = tpu.memref_squeeze %scatter3A_364 : memref<1x64x128xf32, #tpu.memory_space<vmem>> -> memref<64x128xf32, #tpu.memory_space<vmem>>
          tpu.vector_store_idx %scatter3A_365[%shift_right_logical3A_349, %add3A_361], %gather3A_360 : memref<64x128xf32, #tpu.memory_space<vmem>>[vector<16xi32>, vector<16xi32>], vector<16xf32>,
          %gather3A_366 = arith.constant 0 : i32
          %gather3A_367 = arith.constant 0 : i32
          %gather3A_368 = tpu.memref_slice %arg4[%scan3A_215, %gather3A_366, %gather3A_367] : memref<4x64x128xf32, #tpu.memory_space<vmem>> -> memref<1x64x128xf32, #tpu.memory_space<vmem>>
          %gather3A_369 = tpu.memref_squeeze %gather3A_368 : memref<1x64x128xf32, #tpu.memory_space<vmem>> -> memref<64x128xf32, #tpu.memory_space<vmem>>
          %gather3A_370 = tpu.vector_load_idx %gather3A_369[%add3A_6, %and3A_346] : memref<64x128xf32, #tpu.memory_space<vmem>>[vector<16xi32>, vector<16xi32>], vector<16xf32>,
          %add3A_371 = arith.addi %mul3A_355, %add3A_6 : vector<16xi32>
          %scatter3A_372 = arith.constant 0 : i32
          %scatter3A_373 = arith.constant 0 : i32
          %scatter3A_374 = tpu.memref_slice %arg5[%scan3A_216, %scatter3A_372, %scatter3A_373] : memref<4x64x128xf32, #tpu.memory_space<vmem>> -> memref<1x64x128xf32, #tpu.memory_space<vmem>>
          %scatter3A_375 = tpu.memref_squeeze %scatter3A_374 : memref<1x64x128xf32, #tpu.memory_space<vmem>> -> memref<64x128xf32, #tpu.memory_space<vmem>>
          tpu.vector_store_idx %scatter3A_375[%shift_right_logical3A_349, %add3A_371], %gather3A_370 : memref<64x128xf32, #tpu.memory_space<vmem>>[vector<16xi32>, vector<16xi32>], vector<16xf32>,
          %gather3A_376 = arith.constant 0 : i32
          %gather3A_377 = arith.constant 0 : i32
          %gather3A_378 = tpu.memref_slice %arg4[%scan3A_215, %gather3A_376, %gather3A_377] : memref<4x64x128xf32, #tpu.memory_space<vmem>> -> memref<1x64x128xf32, #tpu.memory_space<vmem>>
          %gather3A_379 = tpu.memref_squeeze %gather3A_378 : memref<1x64x128xf32, #tpu.memory_space<vmem>> -> memref<64x128xf32, #tpu.memory_space<vmem>>
          %gather3A_380 = tpu.vector_load_idx %gather3A_379[%add3A_9, %and3A_346] : memref<64x128xf32, #tpu.memory_space<vmem>>[vector<16xi32>, vector<16xi32>], vector<16xf32>,
          %add3A_381 = arith.addi %mul3A_355, %add3A_9 : vector<16xi32>
          %scatter3A_382 = arith.constant 0 : i32
          %scatter3A_383 = arith.constant 0 : i32
          %scatter3A_384 = tpu.memref_slice %arg5[%scan3A_216, %scatter3A_382, %scatter3A_383] : memref<4x64x128xf32, #tpu.memory_space<vmem>> -> memref<1x64x128xf32, #tpu.memory_space<vmem>>
          %scatter3A_385 = tpu.memref_squeeze %scatter3A_384 : memref<1x64x128xf32, #tpu.memory_space<vmem>> -> memref<64x128xf32, #tpu.memory_space<vmem>>
          tpu.vector_store_idx %scatter3A_385[%shift_right_logical3A_349, %add3A_381], %gather3A_380 : memref<64x128xf32, #tpu.memory_space<vmem>>[vector<16xi32>, vector<16xi32>], vector<16xf32>,
          %gather3A_386 = arith.constant 0 : i32
          %gather3A_387 = arith.constant 0 : i32
          %gather3A_388 = tpu.memref_slice %arg4[%scan3A_215, %gather3A_386, %gather3A_387] : memref<4x64x128xf32, #tpu.memory_space<vmem>> -> memref<1x64x128xf32, #tpu.memory_space<vmem>>
          %gather3A_389 = tpu.memref_squeeze %gather3A_388 : memref<1x64x128xf32, #tpu.memory_space<vmem>> -> memref<64x128xf32, #tpu.memory_space<vmem>>
          %gather3A_390 = tpu.vector_load_idx %gather3A_389[%add3A_12, %and3A_346] : memref<64x128xf32, #tpu.memory_space<vmem>>[vector<16xi32>, vector<16xi32>], vector<16xf32>,
          %add3A_391 = arith.addi %mul3A_355, %add3A_12 : vector<16xi32>
          %scatter3A_392 = arith.constant 0 : i32
          %scatter3A_393 = arith.constant 0 : i32
          %scatter3A_394 = tpu.memref_slice %arg5[%scan3A_216, %scatter3A_392, %scatter3A_393] : memref<4x64x128xf32, #tpu.memory_space<vmem>> -> memref<1x64x128xf32, #tpu.memory_space<vmem>>
          %scatter3A_395 = tpu.memref_squeeze %scatter3A_394 : memref<1x64x128xf32, #tpu.memory_space<vmem>> -> memref<64x128xf32, #tpu.memory_space<vmem>>
          tpu.vector_store_idx %scatter3A_395[%shift_right_logical3A_349, %add3A_391], %gather3A_390 : memref<64x128xf32, #tpu.memory_space<vmem>>[vector<16xi32>, vector<16xi32>], vector<16xf32>,
          %scan3A_396 = arith.constant 3 : i32
          %scan3A_397 = arith.addi %scan3A_222, %scan3A_396 : i32
          %mul3A_398 = arith.constant 1 : i32
          %mul3A_399 = arith.muli %scan3A_397, %mul3A_398 : i32
          %add3A_400 = arith.constant 0 : i32
          %add3A_401 = arith.addi %add3A_400, %mul3A_399 : i32
          %broadcast_in_dim3A_402 = vector.broadcast %add3A_401 : i32 to vector<16xi32>
          %add3A_403 = arith.addi %broadcast_in_dim3A_402, %iota3A : vector<16xi32>
          %and3A_404 = arith.constant 127 : i32
          %and3A_405 = vector.broadcast %and3A_404 : i32 to vector<16xi32>
          %and3A_406 = arith.andi %add3A_403, %and3A_405 : vector<16xi32>
          %shift_right_logical3A_407 = arith.constant 1 : i32
          %shift_right_logical3A_408 = vector.broadcast %shift_right_logical3A_407 : i32 to vector<16xi32>
          %shift_right_logical3A_409 = arith.shrui %and3A_406, %shift_right_logical3A_408 : vector<16xi32>
          %and3A_410 = arith.constant 1 : i32
          %and3A_411 = vector.broadcast %and3A_410 : i32 to vector<16xi32>
          %and3A_412 = arith.andi %and3A_406, %and3A_411 : vector<16xi32>
          %mul3A_413 = arith.constant 64 : i32
          %mul3A_414 = vector.broadcast %mul3A_413 : i32 to vector<16xi32>
          %mul3A_415 = arith.muli %and3A_412, %mul3A_414 : vector<16xi32>
          %gather3A_416 = arith.constant 0 : i32
          %gather3A_417 = arith.constant 0 : i32
          %gather3A_418 = tpu.memref_slice %arg4[%scan3A_215, %gather3A_416, %gather3A_417] : memref<4x64x128xf32, #tpu.memory_space<vmem>> -> memref<1x64x128xf32, #tpu.memory_space<vmem>>
          %gather3A_419 = tpu.memref_squeeze %gather3A_418 : memref<1x64x128xf32, #tpu.memory_space<vmem>> -> memref<64x128xf32, #tpu.memory_space<vmem>>
          %gather3A_420 = tpu.vector_load_idx %gather3A_419[%add3A_3, %and3A_406] : memref<64x128xf32, #tpu.memory_space<vmem>>[vector<16xi32>, vector<16xi32>], vector<16xf32>,
          %add3A_421 = arith.addi %mul3A_415, %add3A_3 : vector<16xi32>
          %scatter3A_422 = arith.constant 0 : i32
          %scatter3A_423 = arith.constant 0 : i32
          %scatter3A_424 = tpu.memref_slice %arg5[%scan3A_216, %scatter3A_422, %scatter3A_423] : memref<4x64x128xf32, #tpu.memory_space<vmem>> -> memref<1x64x128xf32, #tpu.memory_space<vmem>>
          %scatter3A_425 = tpu.memref_squeeze %scatter3A_424 : memref<1x64x128xf32, #tpu.memory_space<vmem>> -> memref<64x128xf32, #tpu.memory_space<vmem>>
          tpu.vector_store_idx %scatter3A_425[%shift_right_logical3A_409, %add3A_421], %gather3A_420 : memref<64x128xf32, #tpu.memory_space<vmem>>[vector<16xi32>, vector<16xi32>], vector<16xf32>,
          %gather3A_426 = arith.constant 0 : i32
          %gather3A_427 = arith.constant 0 : i32
          %gather3A_428 = tpu.memref_slice %arg4[%scan3A_215, %gather3A_426, %gather3A_427] : memref<4x64x128xf32, #tpu.memory_space<vmem>> -> memref<1x64x128xf32, #tpu.memory_space<vmem>>
          %gather3A_429 = tpu.memref_squeeze %gather3A_428 : memref<1x64x128xf32, #tpu.memory_space<vmem>> -> memref<64x128xf32, #tpu.memory_space<vmem>>
          %gather3A_430 = tpu.vector_load_idx %gather3A_429[%add3A_6, %and3A_406] : memref<64x128xf32, #tpu.memory_space<vmem>>[vector<16xi32>, vector<16xi32>], vector<16xf32>,
          %add3A_431 = arith.addi %mul3A_415, %add3A_6 : vector<16xi32>
          %scatter3A_432 = arith.constant 0 : i32
          %scatter3A_433 = arith.constant 0 : i32
          %scatter3A_434 = tpu.memref_slice %arg5[%scan3A_216, %scatter3A_432, %scatter3A_433] : memref<4x64x128xf32, #tpu.memory_space<vmem>> -> memref<1x64x128xf32, #tpu.memory_space<vmem>>
          %scatter3A_435 = tpu.memref_squeeze %scatter3A_434 : memref<1x64x128xf32, #tpu.memory_space<vmem>> -> memref<64x128xf32, #tpu.memory_space<vmem>>
          tpu.vector_store_idx %scatter3A_435[%shift_right_logical3A_409, %add3A_431], %gather3A_430 : memref<64x128xf32, #tpu.memory_space<vmem>>[vector<16xi32>, vector<16xi32>], vector<16xf32>,
          %gather3A_436 = arith.constant 0 : i32
          %gather3A_437 = arith.constant 0 : i32
          %gather3A_438 = tpu.memref_slice %arg4[%scan3A_215, %gather3A_436, %gather3A_437] : memref<4x64x128xf32, #tpu.memory_space<vmem>> -> memref<1x64x128xf32, #tpu.memory_space<vmem>>
          %gather3A_439 = tpu.memref_squeeze %gather3A_438 : memref<1x64x128xf32, #tpu.memory_space<vmem>> -> memref<64x128xf32, #tpu.memory_space<vmem>>
          %gather3A_440 = tpu.vector_load_idx %gather3A_439[%add3A_9, %and3A_406] : memref<64x128xf32, #tpu.memory_space<vmem>>[vector<16xi32>, vector<16xi32>], vector<16xf32>,
          %add3A_441 = arith.addi %mul3A_415, %add3A_9 : vector<16xi32>
          %scatter3A_442 = arith.constant 0 : i32
          %scatter3A_443 = arith.constant 0 : i32
          %scatter3A_444 = tpu.memref_slice %arg5[%scan3A_216, %scatter3A_442, %scatter3A_443] : memref<4x64x128xf32, #tpu.memory_space<vmem>> -> memref<1x64x128xf32, #tpu.memory_space<vmem>>
          %scatter3A_445 = tpu.memref_squeeze %scatter3A_444 : memref<1x64x128xf32, #tpu.memory_space<vmem>> -> memref<64x128xf32, #tpu.memory_space<vmem>>
          tpu.vector_store_idx %scatter3A_445[%shift_right_logical3A_409, %add3A_441], %gather3A_440 : memref<64x128xf32, #tpu.memory_space<vmem>>[vector<16xi32>, vector<16xi32>], vector<16xf32>,
          %gather3A_446 = arith.constant 0 : i32
          %gather3A_447 = arith.constant 0 : i32
          %gather3A_448 = tpu.memref_slice %arg4[%scan3A_215, %gather3A_446, %gather3A_447] : memref<4x64x128xf32, #tpu.memory_space<vmem>> -> memref<1x64x128xf32, #tpu.memory_space<vmem>>
          %gather3A_449 = tpu.memref_squeeze %gather3A_448 : memref<1x64x128xf32, #tpu.memory_space<vmem>> -> memref<64x128xf32, #tpu.memory_space<vmem>>
          %gather3A_450 = tpu.vector_load_idx %gather3A_449[%add3A_12, %and3A_406] : memref<64x128xf32, #tpu.memory_space<vmem>>[vector<16xi32>, vector<16xi32>], vector<16xf32>,
          %add3A_451 = arith.addi %mul3A_415, %add3A_12 : vector<16xi32>
          %scatter3A_452 = arith.constant 0 : i32
          %scatter3A_453 = arith.constant 0 : i32
          %scatter3A_454 = tpu.memref_slice %arg5[%scan3A_216, %scatter3A_452, %scatter3A_453] : memref<4x64x128xf32, #tpu.memory_space<vmem>> -> memref<1x64x128xf32, #tpu.memory_space<vmem>>
          %scatter3A_455 = tpu.memref_squeeze %scatter3A_454 : memref<1x64x128xf32, #tpu.memory_space<vmem>> -> memref<64x128xf32, #tpu.memory_space<vmem>>
          tpu.vector_store_idx %scatter3A_455[%shift_right_logical3A_409, %add3A_451], %gather3A_450 : memref<64x128xf32, #tpu.memory_space<vmem>>[vector<16xi32>, vector<16xi32>], vector<16xf32>,
        }
        %scan3A_221 = arith.constant 128 : i32
      } else {
      }
      %mul3A_202 = arith.constant 32 : i32
      %mul3A_203 = arith.muli %mul3A_202, %add3A_170 : i32
      %add3A_204 = arith.addi %add3A, %mul3A_203 : i32
      %lt3A_205 = arith.constant 7812 : i32
      %lt3A_206 = arith.cmpi slt, %add3A_204, %lt3A_205 : i32
      %convert_element_type3A_207 = arith.extui %lt3A_206 : i1 to i32
      %cond3A_208 = arith.constant 0 : i32
      %cond3A_209 = arith.cmpi ne, %convert_element_type3A_207, %cond3A_208 : i32
      scf.if %cond3A_209 {
        %mul3A_215 = arith.constant 64 : i32
        %mul3A_216 = arith.muli %add3A_204, %mul3A_215 : i32
        %dma_start3A = arith.constant 3 : i32
        %dma_start3A_217 = arith.constant 0 : i32
        %dma_start3A_218 = arith.constant 0 : i32
        %dma_start3A_219 = tpu.memref_slice %arg5[%dma_start3A, %dma_start3A_217, %dma_start3A_218] : memref<4x64x128xf32, #tpu.memory_space<vmem>> -> memref<1x64x128xf32, #tpu.memory_space<vmem>>
        %dma_start3A_220 = tpu.memref_squeeze %dma_start3A_219 : memref<1x64x128xf32, #tpu.memory_space<vmem>> -> memref<64x128xf32, #tpu.memory_space<vmem>>
        %dma_start3A_221 = arith.constant 0 : i32
        %dma_start3A_222 = tpu.memref_slice %arg3[%mul3A_216, %dma_start3A_221] : memref<500000x128xf32, #tpu.memory_space<hbm>> -> memref<64x128xf32, #tpu.memory_space<hbm>>
        %dma_start3A_223 = arith.constant 0 : i32
        %dma_start3A_224 = tpu.memref_slice %arg3[%mul3A_216, %dma_start3A_223] : memref<500000x128xf32, #tpu.memory_space<hbm>> -> memref<64x128xf32, #tpu.memory_space<hbm>>
        %dma_start3A_225 = arith.constant 0 : i32
        %dma_start3A_226 = arith.constant 0 : i32
        %dma_start3A_227 = tpu.memref_slice %arg5[%dma_start3A, %dma_start3A_225, %dma_start3A_226] : memref<4x64x128xf32, #tpu.memory_space<vmem>> -> memref<1x64x128xf32, #tpu.memory_space<vmem>>
        %dma_start3A_228 = tpu.memref_squeeze %dma_start3A_227 : memref<1x64x128xf32, #tpu.memory_space<vmem>> -> memref<64x128xf32, #tpu.memory_space<vmem>>
        tpu.enqueue_dma source(%dma_start3A_228 : memref<64x128xf32, #tpu.memory_space<vmem>>) target(%dma_start3A_224 : memref<64x128xf32, #tpu.memory_space<hbm>>) target_semaphore(%arg13 : memref<!tpu.dma_semaphore, #tpu.memory_space<semaphore_mem>>)
      } else {
      }
      %eq3A_210 = arith.constant 7812 : i32
      %eq3A_211 = arith.cmpi eq, %add3A_204, %eq3A_210 : i32
      %convert_element_type3A_212 = arith.extui %eq3A_211 : i1 to i32
      %cond3A_213 = arith.constant 0 : i32
      %cond3A_214 = arith.cmpi ne, %convert_element_type3A_212, %cond3A_213 : i32
      scf.if %cond3A_214 {
        %mul3A_215 = arith.constant 64 : i32
        %mul3A_216 = arith.muli %add3A_204, %mul3A_215 : i32
        %dma_start3A = arith.constant 3 : i32
        %dma_start3A_217 = arith.constant 0 : i32
        %dma_start3A_218 = arith.constant 0 : i32
        %dma_start3A_219 = tpu.memref_slice %arg5[%dma_start3A, %dma_start3A_217, %dma_start3A_218] : memref<4x64x128xf32, #tpu.memory_space<vmem>> -> memref<1x32x128xf32, #tpu.memory_space<vmem>>
        %dma_start3A_220 = tpu.memref_squeeze %dma_start3A_219 : memref<1x32x128xf32, #tpu.memory_space<vmem>> -> memref<32x128xf32, #tpu.memory_space<vmem>>
        %dma_start3A_221 = arith.constant 0 : i32
        %dma_start3A_222 = tpu.memref_slice %arg3[%mul3A_216, %dma_start3A_221] : memref<500000x128xf32, #tpu.memory_space<hbm>> -> memref<32x128xf32, #tpu.memory_space<hbm>>
        %dma_start3A_223 = arith.constant 0 : i32
        %dma_start3A_224 = tpu.memref_slice %arg3[%mul3A_216, %dma_start3A_223] : memref<500000x128xf32, #tpu.memory_space<hbm>> -> memref<32x128xf32, #tpu.memory_space<hbm>>
        %dma_start3A_225 = arith.constant 0 : i32
        %dma_start3A_226 = arith.constant 0 : i32
        %dma_start3A_227 = tpu.memref_slice %arg5[%dma_start3A, %dma_start3A_225, %dma_start3A_226] : memref<4x64x128xf32, #tpu.memory_space<vmem>> -> memref<1x32x128xf32, #tpu.memory_space<vmem>>
        %dma_start3A_228 = tpu.memref_squeeze %dma_start3A_227 : memref<1x32x128xf32, #tpu.memory_space<vmem>> -> memref<32x128xf32, #tpu.memory_space<vmem>>
        tpu.enqueue_dma source(%dma_start3A_228 : memref<32x128xf32, #tpu.memory_space<vmem>>) target(%dma_start3A_224 : memref<32x128xf32, #tpu.memory_space<hbm>>) target_semaphore(%arg13 : memref<!tpu.dma_semaphore, #tpu.memory_space<semaphore_mem>>)
      } else {
      }
    }
    %scan3A_27 = arith.constant 63 : i32
    return
  }
}

#map = affine_map<(d0, d1) -> (0, 0)>
#map1 = affine_map<(d0, d1) -> (0, 0, 0)>
module attributes {stable_mosaic.version = 14 : i64} {
  func.func @_sc_body(%arg0: i32, %arg1: i32, %arg2: memref<200x1024xi32, #tpu.memory_space<hbm>>, %arg3: memref<200x64xf32, #tpu.memory_space<hbm>>, %arg4: memref<500000x128xf32, #tpu.memory_space<hbm>>, %arg5: memref<200x1024x64xf32, #tpu.memory_space<hbm>>, %arg6: memref<200x64xf32, #tpu.memory_space<vmem>>, %arg7: memref<16x1024xi32, #tpu.memory_space<vmem>>, %arg8: memref<2x128xi32, #tpu.memory_space<vmem>>, %arg9: memref<2x128xi32, #tpu.memory_space<vmem>>, %arg10: memref<2x128x128xf32, #tpu.memory_space<vmem>>, %arg11: memref<2x128x64xf32, #tpu.memory_space<vmem>>, %arg12: memref<!tpu.dma_semaphore, #tpu.memory_space<semaphore_mem>>, %arg13: memref<!tpu.dma_semaphore, #tpu.memory_space<semaphore_mem>>, %arg14: memref<!tpu.dma_semaphore, #tpu.memory_space<semaphore_mem>>, %arg15: memref<!tpu.dma_semaphore, #tpu.memory_space<semaphore_mem>>) attributes {dimension_semantics = [#tpu.dimension_semantics<core_parallel>, #tpu.dimension_semantics<subcore_parallel>], iteration_bounds = array<i64: 2, 16>, scalar_prefetch = 0 : i64, scratch_operands = 10 : i64, tpu.core_type = #tpu.core_type<sc_vector_subcore>, window_params = [{transform_indices = #map}, {transform_indices = #map}, {transform_indices = #map}, {transform_indices = #map1}]} {
    %mul3A = arith.constant 2 : i32
    %mul3A_0 = arith.muli %arg1, %mul3A : i32
    %add3A = arith.addi %mul3A_0, %arg0 : i32
    %mul3A_1 = arith.constant 50 : i32
    %mul3A_2 = arith.muli %add3A, %mul3A_1 : i32
    "tpu.region"() ({
      %run_scoped3A = tpu.sem_alloc : memref<!tpu.dma_semaphore, #tpu.memory_space<semaphore_mem>>
      tpu.enqueue_dma source(%arg3 : memref<200x64xf32, #tpu.memory_space<hbm>>) target(%arg6 : memref<200x64xf32, #tpu.memory_space<vmem>>) target_semaphore(%run_scoped3A : memref<!tpu.dma_semaphore, #tpu.memory_space<semaphore_mem>>)
      tpu.wait_dma2 semaphore(%run_scoped3A : memref<!tpu.dma_semaphore, #tpu.memory_space<semaphore_mem>>) src(%arg3 : memref<200x64xf32, #tpu.memory_space<hbm>>) dst(%arg6 : memref<200x64xf32, #tpu.memory_space<vmem>>)
      tpu.yield
    }) : () -> ()
    %shift_right_arithmetic3A = arith.constant 3 : i32
    %shift_right_arithmetic3A_3 = arith.shrsi %mul3A_2, %shift_right_arithmetic3A : i32
    %and3A = arith.constant -8 : i32
    %and3A_4 = arith.andi %shift_right_arithmetic3A_3, %and3A : i32
    %min3A = arith.constant 184 : i32
    %min3A_5 = arith.minsi %and3A_4, %min3A : i32
    %multiple_of3A = tpu.assume_multiple %min3A_5, 8 : i32
    "tpu.region"() ({
      %run_scoped3A = tpu.sem_alloc : memref<!tpu.dma_semaphore, #tpu.memory_space<semaphore_mem>>
      %dma_start3A_208 = arith.constant 0 : i32
      %dma_start3A_209 = tpu.memref_slice %arg2[%multiple_of3A, %dma_start3A_208] : memref<200x1024xi32, #tpu.memory_space<hbm>> -> memref<16x1024xi32, #tpu.memory_space<hbm>>
      %dma_start3A_210 = arith.constant 0 : i32
      %dma_start3A_211 = tpu.memref_slice %arg2[%multiple_of3A, %dma_start3A_210] : memref<200x1024xi32, #tpu.memory_space<hbm>> -> memref<16x1024xi32, #tpu.memory_space<hbm>>
      tpu.enqueue_dma source(%dma_start3A_211 : memref<16x1024xi32, #tpu.memory_space<hbm>>) target(%arg7 : memref<16x1024xi32, #tpu.memory_space<vmem>>) target_semaphore(%run_scoped3A : memref<!tpu.dma_semaphore, #tpu.memory_space<semaphore_mem>>)
      %dma_wait3A_212 = arith.constant 0 : i32
      %dma_wait3A_213 = tpu.memref_slice %arg2[%multiple_of3A, %dma_wait3A_212] : memref<200x1024xi32, #tpu.memory_space<hbm>> -> memref<16x1024xi32, #tpu.memory_space<hbm>>
      %dma_wait3A_214 = arith.constant 0 : i32
      %dma_wait3A_215 = tpu.memref_slice %arg2[%multiple_of3A, %dma_wait3A_214] : memref<200x1024xi32, #tpu.memory_space<hbm>> -> memref<16x1024xi32, #tpu.memory_space<hbm>>
      tpu.wait_dma2 semaphore(%run_scoped3A : memref<!tpu.dma_semaphore, #tpu.memory_space<semaphore_mem>>) src(%dma_wait3A_215 : memref<16x1024xi32, #tpu.memory_space<hbm>>) dst(%arg7 : memref<16x1024xi32, #tpu.memory_space<vmem>>)
      tpu.yield
    }) : () -> ()
    %shift_right_arithmetic3A_6 = arith.constant 3 : i32
    %shift_right_arithmetic3A_7 = arith.shrsi %mul3A_2, %shift_right_arithmetic3A_6 : i32
    %and3A_8 = arith.constant 7 : i32
    %and3A_9 = arith.andi %mul3A_2, %and3A_8 : i32
    %sub3A = arith.subi %shift_right_arithmetic3A_7, %multiple_of3A : i32
    %mul3A_10 = arith.constant 128 : i32
    %mul3A_11 = arith.muli %and3A_9, %mul3A_10 : i32
    %add3A_12 = arith.constant 0 : i32
    %add3A_13 = arith.addi %mul3A_11, %add3A_12 : i32
    %get3A = arith.index_cast %sub3A : i32 to index
    %get3A_14 = arith.index_cast %add3A_13 : i32 to index
    %get3A_15 = tpu.vector_load %arg7[%get3A, %get3A_14] {strides = array<i32>} : memref<16x1024xi32, #tpu.memory_space<vmem>>, vector<16xi32>,
    %swap3A = arith.constant 0 : i32
    %swap3A_16 = arith.index_cast %swap3A : i32 to index
    %swap3A_17 = arith.constant 0 : index
    %swap3A_18 = tpu.vector_load %arg8[%swap3A_16, %swap3A_17] {strides = array<i32>} : memref<2x128xi32, #tpu.memory_space<vmem>>, vector<16xi32>,
    tpu.vector_store %arg8[%swap3A_16, %swap3A_17], %get3A_15 {strides = array<i32>} : memref<2x128xi32, #tpu.memory_space<vmem>>, vector<16xi32>,
    %shift_right_logical3A = arith.constant 1 : i32
    %shift_right_logical3A_19 = vector.broadcast %shift_right_logical3A : i32 to vector<16xi32>
    %shift_right_logical3A_20 = arith.shrui %get3A_15, %shift_right_logical3A_19 : vector<16xi32>
    %swap3A_21 = arith.constant 0 : i32
    %swap3A_22 = arith.index_cast %swap3A_21 : i32 to index
    %swap3A_23 = arith.constant 0 : index
    %swap3A_24 = tpu.vector_load %arg9[%swap3A_22, %swap3A_23] {strides = array<i32>} : memref<2x128xi32, #tpu.memory_space<vmem>>, vector<16xi32>,
    tpu.vector_store %arg9[%swap3A_22, %swap3A_23], %shift_right_logical3A_20 {strides = array<i32>} : memref<2x128xi32, #tpu.memory_space<vmem>>, vector<16xi32>,
    %sub3A_25 = arith.subi %shift_right_arithmetic3A_7, %multiple_of3A : i32
    %mul3A_26 = arith.constant 128 : i32
    %mul3A_27 = arith.muli %and3A_9, %mul3A_26 : i32
    %add3A_28 = arith.constant 16 : i32
    %add3A_29 = arith.addi %mul3A_27, %add3A_28 : i32
    %get3A_30 = arith.index_cast %sub3A_25 : i32 to index
    %get3A_31 = arith.index_cast %add3A_29 : i32 to index
    %get3A_32 = tpu.vector_load %arg7[%get3A_30, %get3A_31] {strides = array<i32>} : memref<16x1024xi32, #tpu.memory_space<vmem>>, vector<16xi32>,
    %swap3A_33 = arith.constant 0 : i32
    %swap3A_34 = arith.index_cast %swap3A_33 : i32 to index
    %swap3A_35 = arith.constant 16 : index
    %swap3A_36 = tpu.vector_load %arg8[%swap3A_34, %swap3A_35] {strides = array<i32>} : memref<2x128xi32, #tpu.memory_space<vmem>>, vector<16xi32>,
    tpu.vector_store %arg8[%swap3A_34, %swap3A_35], %get3A_32 {strides = array<i32>} : memref<2x128xi32, #tpu.memory_space<vmem>>, vector<16xi32>,
    %shift_right_logical3A_37 = arith.constant 1 : i32
    %shift_right_logical3A_38 = vector.broadcast %shift_right_logical3A_37 : i32 to vector<16xi32>
    %shift_right_logical3A_39 = arith.shrui %get3A_32, %shift_right_logical3A_38 : vector<16xi32>
    %swap3A_40 = arith.constant 0 : i32
    %swap3A_41 = arith.index_cast %swap3A_40 : i32 to index
    %swap3A_42 = arith.constant 16 : index
    %swap3A_43 = tpu.vector_load %arg9[%swap3A_41, %swap3A_42] {strides = array<i32>} : memref<2x128xi32, #tpu.memory_space<vmem>>, vector<16xi32>,
    tpu.vector_store %arg9[%swap3A_41, %swap3A_42], %shift_right_logical3A_39 {strides = array<i32>} : memref<2x128xi32, #tpu.memory_space<vmem>>, vector<16xi32>,
    %sub3A_44 = arith.subi %shift_right_arithmetic3A_7, %multiple_of3A : i32
    %mul3A_45 = arith.constant 128 : i32
    %mul3A_46 = arith.muli %and3A_9, %mul3A_45 : i32
    %add3A_47 = arith.constant 32 : i32
    %add3A_48 = arith.addi %mul3A_46, %add3A_47 : i32
    %get3A_49 = arith.index_cast %sub3A_44 : i32 to index
    %get3A_50 = arith.index_cast %add3A_48 : i32 to index
    %get3A_51 = tpu.vector_load %arg7[%get3A_49, %get3A_50] {strides = array<i32>} : memref<16x1024xi32, #tpu.memory_space<vmem>>, vector<16xi32>,
    %swap3A_52 = arith.constant 0 : i32
    %swap3A_53 = arith.index_cast %swap3A_52 : i32 to index
    %swap3A_54 = arith.constant 32 : index
    %swap3A_55 = tpu.vector_load %arg8[%swap3A_53, %swap3A_54] {strides = array<i32>} : memref<2x128xi32, #tpu.memory_space<vmem>>, vector<16xi32>,
    tpu.vector_store %arg8[%swap3A_53, %swap3A_54], %get3A_51 {strides = array<i32>} : memref<2x128xi32, #tpu.memory_space<vmem>>, vector<16xi32>,
    %shift_right_logical3A_56 = arith.constant 1 : i32
    %shift_right_logical3A_57 = vector.broadcast %shift_right_logical3A_56 : i32 to vector<16xi32>
    %shift_right_logical3A_58 = arith.shrui %get3A_51, %shift_right_logical3A_57 : vector<16xi32>
    %swap3A_59 = arith.constant 0 : i32
    %swap3A_60 = arith.index_cast %swap3A_59 : i32 to index
    %swap3A_61 = arith.constant 32 : index
    %swap3A_62 = tpu.vector_load %arg9[%swap3A_60, %swap3A_61] {strides = array<i32>} : memref<2x128xi32, #tpu.memory_space<vmem>>, vector<16xi32>,
    tpu.vector_store %arg9[%swap3A_60, %swap3A_61], %shift_right_logical3A_58 {strides = array<i32>} : memref<2x128xi32, #tpu.memory_space<vmem>>, vector<16xi32>,
    %sub3A_63 = arith.subi %shift_right_arithmetic3A_7, %multiple_of3A : i32
    %mul3A_64 = arith.constant 128 : i32
    %mul3A_65 = arith.muli %and3A_9, %mul3A_64 : i32
    %add3A_66 = arith.constant 48 : i32
    %add3A_67 = arith.addi %mul3A_65, %add3A_66 : i32
    %get3A_68 = arith.index_cast %sub3A_63 : i32 to index
    %get3A_69 = arith.index_cast %add3A_67 : i32 to index
    %get3A_70 = tpu.vector_load %arg7[%get3A_68, %get3A_69] {strides = array<i32>} : memref<16x1024xi32, #tpu.memory_space<vmem>>, vector<16xi32>,
    %swap3A_71 = arith.constant 0 : i32
    %swap3A_72 = arith.index_cast %swap3A_71 : i32 to index
    %swap3A_73 = arith.constant 48 : index
    %swap3A_74 = tpu.vector_load %arg8[%swap3A_72, %swap3A_73] {strides = array<i32>} : memref<2x128xi32, #tpu.memory_space<vmem>>, vector<16xi32>,
    tpu.vector_store %arg8[%swap3A_72, %swap3A_73], %get3A_70 {strides = array<i32>} : memref<2x128xi32, #tpu.memory_space<vmem>>, vector<16xi32>,
    %shift_right_logical3A_75 = arith.constant 1 : i32
    %shift_right_logical3A_76 = vector.broadcast %shift_right_logical3A_75 : i32 to vector<16xi32>
    %shift_right_logical3A_77 = arith.shrui %get3A_70, %shift_right_logical3A_76 : vector<16xi32>
    %swap3A_78 = arith.constant 0 : i32
    %swap3A_79 = arith.index_cast %swap3A_78 : i32 to index
    %swap3A_80 = arith.constant 48 : index
    %swap3A_81 = tpu.vector_load %arg9[%swap3A_79, %swap3A_80] {strides = array<i32>} : memref<2x128xi32, #tpu.memory_space<vmem>>, vector<16xi32>,
    tpu.vector_store %arg9[%swap3A_79, %swap3A_80], %shift_right_logical3A_77 {strides = array<i32>} : memref<2x128xi32, #tpu.memory_space<vmem>>, vector<16xi32>,
    %sub3A_82 = arith.subi %shift_right_arithmetic3A_7, %multiple_of3A : i32
    %mul3A_83 = arith.constant 128 : i32
    %mul3A_84 = arith.muli %and3A_9, %mul3A_83 : i32
    %add3A_85 = arith.constant 64 : i32
    %add3A_86 = arith.addi %mul3A_84, %add3A_85 : i32
    %get3A_87 = arith.index_cast %sub3A_82 : i32 to index
    %get3A_88 = arith.index_cast %add3A_86 : i32 to index
    %get3A_89 = tpu.vector_load %arg7[%get3A_87, %get3A_88] {strides = array<i32>} : memref<16x1024xi32, #tpu.memory_space<vmem>>, vector<16xi32>,
    %swap3A_90 = arith.constant 0 : i32
    %swap3A_91 = arith.index_cast %swap3A_90 : i32 to index
    %swap3A_92 = arith.constant 64 : index
    %swap3A_93 = tpu.vector_load %arg8[%swap3A_91, %swap3A_92] {strides = array<i32>} : memref<2x128xi32, #tpu.memory_space<vmem>>, vector<16xi32>,
    tpu.vector_store %arg8[%swap3A_91, %swap3A_92], %get3A_89 {strides = array<i32>} : memref<2x128xi32, #tpu.memory_space<vmem>>, vector<16xi32>,
    %shift_right_logical3A_94 = arith.constant 1 : i32
    %shift_right_logical3A_95 = vector.broadcast %shift_right_logical3A_94 : i32 to vector<16xi32>
    %shift_right_logical3A_96 = arith.shrui %get3A_89, %shift_right_logical3A_95 : vector<16xi32>
    %swap3A_97 = arith.constant 0 : i32
    %swap3A_98 = arith.index_cast %swap3A_97 : i32 to index
    %swap3A_99 = arith.constant 64 : index
    %swap3A_100 = tpu.vector_load %arg9[%swap3A_98, %swap3A_99] {strides = array<i32>} : memref<2x128xi32, #tpu.memory_space<vmem>>, vector<16xi32>,
    tpu.vector_store %arg9[%swap3A_98, %swap3A_99], %shift_right_logical3A_96 {strides = array<i32>} : memref<2x128xi32, #tpu.memory_space<vmem>>, vector<16xi32>,
    %sub3A_101 = arith.subi %shift_right_arithmetic3A_7, %multiple_of3A : i32
    %mul3A_102 = arith.constant 128 : i32
    %mul3A_103 = arith.muli %and3A_9, %mul3A_102 : i32
    %add3A_104 = arith.constant 80 : i32
    %add3A_105 = arith.addi %mul3A_103, %add3A_104 : i32
    %get3A_106 = arith.index_cast %sub3A_101 : i32 to index
    %get3A_107 = arith.index_cast %add3A_105 : i32 to index
    %get3A_108 = tpu.vector_load %arg7[%get3A_106, %get3A_107] {strides = array<i32>} : memref<16x1024xi32, #tpu.memory_space<vmem>>, vector<16xi32>,
    %swap3A_109 = arith.constant 0 : i32
    %swap3A_110 = arith.index_cast %swap3A_109 : i32 to index
    %swap3A_111 = arith.constant 80 : index
    %swap3A_112 = tpu.vector_load %arg8[%swap3A_110, %swap3A_111] {strides = array<i32>} : memref<2x128xi32, #tpu.memory_space<vmem>>, vector<16xi32>,
    tpu.vector_store %arg8[%swap3A_110, %swap3A_111], %get3A_108 {strides = array<i32>} : memref<2x128xi32, #tpu.memory_space<vmem>>, vector<16xi32>,
    %shift_right_logical3A_113 = arith.constant 1 : i32
    %shift_right_logical3A_114 = vector.broadcast %shift_right_logical3A_113 : i32 to vector<16xi32>
    %shift_right_logical3A_115 = arith.shrui %get3A_108, %shift_right_logical3A_114 : vector<16xi32>
    %swap3A_116 = arith.constant 0 : i32
    %swap3A_117 = arith.index_cast %swap3A_116 : i32 to index
    %swap3A_118 = arith.constant 80 : index
    %swap3A_119 = tpu.vector_load %arg9[%swap3A_117, %swap3A_118] {strides = array<i32>} : memref<2x128xi32, #tpu.memory_space<vmem>>, vector<16xi32>,
    tpu.vector_store %arg9[%swap3A_117, %swap3A_118], %shift_right_logical3A_115 {strides = array<i32>} : memref<2x128xi32, #tpu.memory_space<vmem>>, vector<16xi32>,
    %sub3A_120 = arith.subi %shift_right_arithmetic3A_7, %multiple_of3A : i32
    %mul3A_121 = arith.constant 128 : i32
    %mul3A_122 = arith.muli %and3A_9, %mul3A_121 : i32
    %add3A_123 = arith.constant 96 : i32
    %add3A_124 = arith.addi %mul3A_122, %add3A_123 : i32
    %get3A_125 = arith.index_cast %sub3A_120 : i32 to index
    %get3A_126 = arith.index_cast %add3A_124 : i32 to index
    %get3A_127 = tpu.vector_load %arg7[%get3A_125, %get3A_126] {strides = array<i32>} : memref<16x1024xi32, #tpu.memory_space<vmem>>, vector<16xi32>,
    %swap3A_128 = arith.constant 0 : i32
    %swap3A_129 = arith.index_cast %swap3A_128 : i32 to index
    %swap3A_130 = arith.constant 96 : index
    %swap3A_131 = tpu.vector_load %arg8[%swap3A_129, %swap3A_130] {strides = array<i32>} : memref<2x128xi32, #tpu.memory_space<vmem>>, vector<16xi32>,
    tpu.vector_store %arg8[%swap3A_129, %swap3A_130], %get3A_127 {strides = array<i32>} : memref<2x128xi32, #tpu.memory_space<vmem>>, vector<16xi32>,
    %shift_right_logical3A_132 = arith.constant 1 : i32
    %shift_right_logical3A_133 = vector.broadcast %shift_right_logical3A_132 : i32 to vector<16xi32>
    %shift_right_logical3A_134 = arith.shrui %get3A_127, %shift_right_logical3A_133 : vector<16xi32>
    %swap3A_135 = arith.constant 0 : i32
    %swap3A_136 = arith.index_cast %swap3A_135 : i32 to index
    %swap3A_137 = arith.constant 96 : index
    %swap3A_138 = tpu.vector_load %arg9[%swap3A_136, %swap3A_137] {strides = array<i32>} : memref<2x128xi32, #tpu.memory_space<vmem>>, vector<16xi32>,
    tpu.vector_store %arg9[%swap3A_136, %swap3A_137], %shift_right_logical3A_134 {strides = array<i32>} : memref<2x128xi32, #tpu.memory_space<vmem>>, vector<16xi32>,
    %sub3A_139 = arith.subi %shift_right_arithmetic3A_7, %multiple_of3A : i32
    %mul3A_140 = arith.constant 128 : i32
    %mul3A_141 = arith.muli %and3A_9, %mul3A_140 : i32
    %add3A_142 = arith.constant 112 : i32
    %add3A_143 = arith.addi %mul3A_141, %add3A_142 : i32
    %get3A_144 = arith.index_cast %sub3A_139 : i32 to index
    %get3A_145 = arith.index_cast %add3A_143 : i32 to index
    %get3A_146 = tpu.vector_load %arg7[%get3A_144, %get3A_145] {strides = array<i32>} : memref<16x1024xi32, #tpu.memory_space<vmem>>, vector<16xi32>,
    %swap3A_147 = arith.constant 0 : i32
    %swap3A_148 = arith.index_cast %swap3A_147 : i32 to index
    %swap3A_149 = arith.constant 112 : index
    %swap3A_150 = tpu.vector_load %arg8[%swap3A_148, %swap3A_149] {strides = array<i32>} : memref<2x128xi32, #tpu.memory_space<vmem>>, vector<16xi32>,
    tpu.vector_store %arg8[%swap3A_148, %swap3A_149], %get3A_146 {strides = array<i32>} : memref<2x128xi32, #tpu.memory_space<vmem>>, vector<16xi32>,
    %shift_right_logical3A_151 = arith.constant 1 : i32
    %shift_right_logical3A_152 = vector.broadcast %shift_right_logical3A_151 : i32 to vector<16xi32>
    %shift_right_logical3A_153 = arith.shrui %get3A_146, %shift_right_logical3A_152 : vector<16xi32>
    %swap3A_154 = arith.constant 0 : i32
    %swap3A_155 = arith.index_cast %swap3A_154 : i32 to index
    %swap3A_156 = arith.constant 112 : index
    %swap3A_157 = tpu.vector_load %arg9[%swap3A_155, %swap3A_156] {strides = array<i32>} : memref<2x128xi32, #tpu.memory_space<vmem>>, vector<16xi32>,
    tpu.vector_store %arg9[%swap3A_155, %swap3A_156], %shift_right_logical3A_153 {strides = array<i32>} : memref<2x128xi32, #tpu.memory_space<vmem>>, vector<16xi32>,
    %dma_start3A = arith.constant 0 : i32
    %dma_start3A_158 = arith.constant 0 : i32
    %dma_start3A_159 = arith.constant 0 : i32
    %dma_start3A_160 = arith.constant 0 : i32
    %dma_start3A_161 = tpu.memref_slice %arg10[%dma_start3A_158, %dma_start3A_159, %dma_start3A_160] : memref<2x128x128xf32, #tpu.memory_space<vmem>> -> memref<1x128x128xf32, #tpu.memory_space<vmem>>
    %dma_start3A_162 = tpu.memref_squeeze %dma_start3A_161 : memref<1x128x128xf32, #tpu.memory_space<vmem>> -> memref<128x128xf32, #tpu.memory_space<vmem>>
    %dma_start3A_163 = arith.constant 0 : i32
    %dma_start3A_164 = tpu.memref_slice %arg9[%dma_start3A, %dma_start3A_163] : memref<2x128xi32, #tpu.memory_space<vmem>> -> memref<1x128xi32, #tpu.memory_space<vmem>>
    %dma_start3A_165 = tpu.memref_squeeze %dma_start3A_164 : memref<1x128xi32, #tpu.memory_space<vmem>> -> memref<128xi32, #tpu.memory_space<vmem>>
    %dma_start3A_166 = arith.constant 0 : i32
    %dma_start3A_167 = arith.constant 0 : i32
    %dma_start3A_168 = tpu.memref_slice %arg4[%dma_start3A_166, %dma_start3A_167] : memref<500000x128xf32, #tpu.memory_space<hbm>> -> memref<500000x128xf32, #tpu.memory_space<hbm>>
    tpu.enqueue_indirect_dma source(%dma_start3A_168 : memref<500000x128xf32, #tpu.memory_space<hbm>>) target(%dma_start3A_162 : memref<128x128xf32, #tpu.memory_space<vmem>>) offsets(%dma_start3A_165 : memref<128xi32, #tpu.memory_space<vmem>>) semaphore(%arg12 : memref<!tpu.dma_semaphore, #tpu.memory_space<semaphore_mem>>)
    %scan3A = arith.constant 0 : i32
    %scan3A_169 = arith.constant 25 : i32
    %scan3A_170 = arith.addi %scan3A, %scan3A_169 : i32
    %scan3A_171 = arith.constant 1 : i32
    scf.for %scan3A_208 = %scan3A to %scan3A_170 step %scan3A_171  : i32 {
      %mul3A_209 = arith.constant 2 : i32
      %mul3A_210 = arith.muli %scan3A_208, %mul3A_209 : i32
      %add3A_211 = arith.constant 0 : i32
      %add3A_212 = arith.addi %add3A_211, %mul3A_210 : i32
      %add3A_213 = arith.constant 0 : i32
      %add3A_214 = arith.addi %add3A_212, %add3A_213 : i32
      %add3A_215 = arith.addi %mul3A_2, %add3A_214 : i32
      %dma_wait3A_216 = arith.constant 0 : i32
      %dma_wait3A_217 = arith.constant 0 : i32
      %dma_wait3A_218 = arith.constant 0 : i32
      %dma_wait3A_219 = arith.constant 0 : i32
      %dma_wait3A_220 = tpu.memref_slice %arg10[%dma_wait3A_217, %dma_wait3A_218, %dma_wait3A_219] : memref<2x128x128xf32, #tpu.memory_space<vmem>> -> memref<1x128x128xf32, #tpu.memory_space<vmem>>
      %dma_wait3A_221 = tpu.memref_squeeze %dma_wait3A_220 : memref<1x128x128xf32, #tpu.memory_space<vmem>> -> memref<128x128xf32, #tpu.memory_space<vmem>>
      %dma_wait3A_222 = arith.constant 0 : i32
      %dma_wait3A_223 = tpu.memref_slice %arg9[%dma_wait3A_216, %dma_wait3A_222] : memref<2x128xi32, #tpu.memory_space<vmem>> -> memref<1x128xi32, #tpu.memory_space<vmem>>
      %dma_wait3A_224 = tpu.memref_squeeze %dma_wait3A_223 : memref<1x128xi32, #tpu.memory_space<vmem>> -> memref<128xi32, #tpu.memory_space<vmem>>
      %dma_wait3A_225 = arith.constant 0 : i32
      %dma_wait3A_226 = arith.constant 0 : i32
      %dma_wait3A_227 = tpu.memref_slice %arg4[%dma_wait3A_225, %dma_wait3A_226] : memref<500000x128xf32, #tpu.memory_space<hbm>> -> memref<500000x128xf32, #tpu.memory_space<hbm>>
      tpu.wait_indirect_dma semaphore(%arg12 : memref<!tpu.dma_semaphore, #tpu.memory_space<semaphore_mem>>) src(%dma_wait3A_227 : memref<500000x128xf32, #tpu.memory_space<hbm>>) dst(%dma_wait3A_221 : memref<128x128xf32, #tpu.memory_space<vmem>>)
      %add3A_228 = arith.constant 1 : i32
      %add3A_229 = arith.addi %add3A_214, %add3A_228 : i32
      %lt3A = arith.constant 50 : i32
      %lt3A_230 = arith.cmpi slt, %add3A_229, %lt3A : i32
      %convert_element_type3A = arith.extui %lt3A_230 : i1 to i32
      %cond3A = arith.constant 0 : i32
      %cond3A_231 = arith.cmpi ne, %convert_element_type3A, %cond3A : i32
      scf.if %cond3A_231 {
        %add3A_345 = arith.constant 1 : i32
        %add3A_346 = arith.addi %add3A_215, %add3A_345 : i32
        %shift_right_arithmetic3A_347 = arith.constant 3 : i32
        %shift_right_arithmetic3A_348 = arith.shrsi %add3A_346, %shift_right_arithmetic3A_347 : i32
        %and3A_349 = arith.constant 7 : i32
        %and3A_350 = arith.andi %add3A_346, %and3A_349 : i32
        %sub3A_351 = arith.subi %shift_right_arithmetic3A_348, %multiple_of3A : i32
        %mul3A_352 = arith.constant 128 : i32
        %mul3A_353 = arith.muli %and3A_350, %mul3A_352 : i32
        %add3A_354 = arith.constant 0 : i32
        %add3A_355 = arith.addi %mul3A_353, %add3A_354 : i32
        %get3A_356 = arith.index_cast %sub3A_351 : i32 to index
        %get3A_357 = arith.index_cast %add3A_355 : i32 to index
        %get3A_358 = tpu.vector_load %arg7[%get3A_356, %get3A_357] {strides = array<i32>} : memref<16x1024xi32, #tpu.memory_space<vmem>>, vector<16xi32>,
        %swap3A_359 = arith.constant 1 : i32
        %swap3A_360 = arith.index_cast %swap3A_359 : i32 to index
        %swap3A_361 = arith.constant 0 : index
        %swap3A_362 = tpu.vector_load %arg8[%swap3A_360, %swap3A_361] {strides = array<i32>} : memref<2x128xi32, #tpu.memory_space<vmem>>, vector<16xi32>,
        tpu.vector_store %arg8[%swap3A_360, %swap3A_361], %get3A_358 {strides = array<i32>} : memref<2x128xi32, #tpu.memory_space<vmem>>, vector<16xi32>,
        %shift_right_logical3A_363 = arith.constant 1 : i32
        %shift_right_logical3A_364 = vector.broadcast %shift_right_logical3A_363 : i32 to vector<16xi32>
        %shift_right_logical3A_365 = arith.shrui %get3A_358, %shift_right_logical3A_364 : vector<16xi32>
        %swap3A_366 = arith.constant 1 : i32
        %swap3A_367 = arith.index_cast %swap3A_366 : i32 to index
        %swap3A_368 = arith.constant 0 : index
        %swap3A_369 = tpu.vector_load %arg9[%swap3A_367, %swap3A_368] {strides = array<i32>} : memref<2x128xi32, #tpu.memory_space<vmem>>, vector<16xi32>,
        tpu.vector_store %arg9[%swap3A_367, %swap3A_368], %shift_right_logical3A_365 {strides = array<i32>} : memref<2x128xi32, #tpu.memory_space<vmem>>, vector<16xi32>,
        %sub3A_370 = arith.subi %shift_right_arithmetic3A_348, %multiple_of3A : i32
        %mul3A_371 = arith.constant 128 : i32
        %mul3A_372 = arith.muli %and3A_350, %mul3A_371 : i32
        %add3A_373 = arith.constant 16 : i32
        %add3A_374 = arith.addi %mul3A_372, %add3A_373 : i32
        %get3A_375 = arith.index_cast %sub3A_370 : i32 to index
        %get3A_376 = arith.index_cast %add3A_374 : i32 to index
        %get3A_377 = tpu.vector_load %arg7[%get3A_375, %get3A_376] {strides = array<i32>} : memref<16x1024xi32, #tpu.memory_space<vmem>>, vector<16xi32>,
        %swap3A_378 = arith.constant 1 : i32
        %swap3A_379 = arith.index_cast %swap3A_378 : i32 to index
        %swap3A_380 = arith.constant 16 : index
        %swap3A_381 = tpu.vector_load %arg8[%swap3A_379, %swap3A_380] {strides = array<i32>} : memref<2x128xi32, #tpu.memory_space<vmem>>, vector<16xi32>,
        tpu.vector_store %arg8[%swap3A_379, %swap3A_380], %get3A_377 {strides = array<i32>} : memref<2x128xi32, #tpu.memory_space<vmem>>, vector<16xi32>,
        %shift_right_logical3A_382 = arith.constant 1 : i32
        %shift_right_logical3A_383 = vector.broadcast %shift_right_logical3A_382 : i32 to vector<16xi32>
        %shift_right_logical3A_384 = arith.shrui %get3A_377, %shift_right_logical3A_383 : vector<16xi32>
        %swap3A_385 = arith.constant 1 : i32
        %swap3A_386 = arith.index_cast %swap3A_385 : i32 to index
        %swap3A_387 = arith.constant 16 : index
        %swap3A_388 = tpu.vector_load %arg9[%swap3A_386, %swap3A_387] {strides = array<i32>} : memref<2x128xi32, #tpu.memory_space<vmem>>, vector<16xi32>,
        tpu.vector_store %arg9[%swap3A_386, %swap3A_387], %shift_right_logical3A_384 {strides = array<i32>} : memref<2x128xi32, #tpu.memory_space<vmem>>, vector<16xi32>,
        %sub3A_389 = arith.subi %shift_right_arithmetic3A_348, %multiple_of3A : i32
        %mul3A_390 = arith.constant 128 : i32
        %mul3A_391 = arith.muli %and3A_350, %mul3A_390 : i32
        %add3A_392 = arith.constant 32 : i32
        %add3A_393 = arith.addi %mul3A_391, %add3A_392 : i32
        %get3A_394 = arith.index_cast %sub3A_389 : i32 to index
        %get3A_395 = arith.index_cast %add3A_393 : i32 to index
        %get3A_396 = tpu.vector_load %arg7[%get3A_394, %get3A_395] {strides = array<i32>} : memref<16x1024xi32, #tpu.memory_space<vmem>>, vector<16xi32>,
        %swap3A_397 = arith.constant 1 : i32
        %swap3A_398 = arith.index_cast %swap3A_397 : i32 to index
        %swap3A_399 = arith.constant 32 : index
        %swap3A_400 = tpu.vector_load %arg8[%swap3A_398, %swap3A_399] {strides = array<i32>} : memref<2x128xi32, #tpu.memory_space<vmem>>, vector<16xi32>,
        tpu.vector_store %arg8[%swap3A_398, %swap3A_399], %get3A_396 {strides = array<i32>} : memref<2x128xi32, #tpu.memory_space<vmem>>, vector<16xi32>,
        %shift_right_logical3A_401 = arith.constant 1 : i32
        %shift_right_logical3A_402 = vector.broadcast %shift_right_logical3A_401 : i32 to vector<16xi32>
        %shift_right_logical3A_403 = arith.shrui %get3A_396, %shift_right_logical3A_402 : vector<16xi32>
        %swap3A_404 = arith.constant 1 : i32
        %swap3A_405 = arith.index_cast %swap3A_404 : i32 to index
        %swap3A_406 = arith.constant 32 : index
        %swap3A_407 = tpu.vector_load %arg9[%swap3A_405, %swap3A_406] {strides = array<i32>} : memref<2x128xi32, #tpu.memory_space<vmem>>, vector<16xi32>,
        tpu.vector_store %arg9[%swap3A_405, %swap3A_406], %shift_right_logical3A_403 {strides = array<i32>} : memref<2x128xi32, #tpu.memory_space<vmem>>, vector<16xi32>,
        %sub3A_408 = arith.subi %shift_right_arithmetic3A_348, %multiple_of3A : i32
        %mul3A_409 = arith.constant 128 : i32
        %mul3A_410 = arith.muli %and3A_350, %mul3A_409 : i32
        %add3A_411 = arith.constant 48 : i32
        %add3A_412 = arith.addi %mul3A_410, %add3A_411 : i32
        %get3A_413 = arith.index_cast %sub3A_408 : i32 to index
        %get3A_414 = arith.index_cast %add3A_412 : i32 to index
        %get3A_415 = tpu.vector_load %arg7[%get3A_413, %get3A_414] {strides = array<i32>} : memref<16x1024xi32, #tpu.memory_space<vmem>>, vector<16xi32>,
        %swap3A_416 = arith.constant 1 : i32
        %swap3A_417 = arith.index_cast %swap3A_416 : i32 to index
        %swap3A_418 = arith.constant 48 : index
        %swap3A_419 = tpu.vector_load %arg8[%swap3A_417, %swap3A_418] {strides = array<i32>} : memref<2x128xi32, #tpu.memory_space<vmem>>, vector<16xi32>,
        tpu.vector_store %arg8[%swap3A_417, %swap3A_418], %get3A_415 {strides = array<i32>} : memref<2x128xi32, #tpu.memory_space<vmem>>, vector<16xi32>,
        %shift_right_logical3A_420 = arith.constant 1 : i32
        %shift_right_logical3A_421 = vector.broadcast %shift_right_logical3A_420 : i32 to vector<16xi32>
        %shift_right_logical3A_422 = arith.shrui %get3A_415, %shift_right_logical3A_421 : vector<16xi32>
        %swap3A_423 = arith.constant 1 : i32
        %swap3A_424 = arith.index_cast %swap3A_423 : i32 to index
        %swap3A_425 = arith.constant 48 : index
        %swap3A_426 = tpu.vector_load %arg9[%swap3A_424, %swap3A_425] {strides = array<i32>} : memref<2x128xi32, #tpu.memory_space<vmem>>, vector<16xi32>,
        tpu.vector_store %arg9[%swap3A_424, %swap3A_425], %shift_right_logical3A_422 {strides = array<i32>} : memref<2x128xi32, #tpu.memory_space<vmem>>, vector<16xi32>,
        %sub3A_427 = arith.subi %shift_right_arithmetic3A_348, %multiple_of3A : i32
        %mul3A_428 = arith.constant 128 : i32
        %mul3A_429 = arith.muli %and3A_350, %mul3A_428 : i32
        %add3A_430 = arith.constant 64 : i32
        %add3A_431 = arith.addi %mul3A_429, %add3A_430 : i32
        %get3A_432 = arith.index_cast %sub3A_427 : i32 to index
        %get3A_433 = arith.index_cast %add3A_431 : i32 to index
        %get3A_434 = tpu.vector_load %arg7[%get3A_432, %get3A_433] {strides = array<i32>} : memref<16x1024xi32, #tpu.memory_space<vmem>>, vector<16xi32>,
        %swap3A_435 = arith.constant 1 : i32
        %swap3A_436 = arith.index_cast %swap3A_435 : i32 to index
        %swap3A_437 = arith.constant 64 : index
        %swap3A_438 = tpu.vector_load %arg8[%swap3A_436, %swap3A_437] {strides = array<i32>} : memref<2x128xi32, #tpu.memory_space<vmem>>, vector<16xi32>,
        tpu.vector_store %arg8[%swap3A_436, %swap3A_437], %get3A_434 {strides = array<i32>} : memref<2x128xi32, #tpu.memory_space<vmem>>, vector<16xi32>,
        %shift_right_logical3A_439 = arith.constant 1 : i32
        %shift_right_logical3A_440 = vector.broadcast %shift_right_logical3A_439 : i32 to vector<16xi32>
        %shift_right_logical3A_441 = arith.shrui %get3A_434, %shift_right_logical3A_440 : vector<16xi32>
        %swap3A_442 = arith.constant 1 : i32
        %swap3A_443 = arith.index_cast %swap3A_442 : i32 to index
        %swap3A_444 = arith.constant 64 : index
        %swap3A_445 = tpu.vector_load %arg9[%swap3A_443, %swap3A_444] {strides = array<i32>} : memref<2x128xi32, #tpu.memory_space<vmem>>, vector<16xi32>,
        tpu.vector_store %arg9[%swap3A_443, %swap3A_444], %shift_right_logical3A_441 {strides = array<i32>} : memref<2x128xi32, #tpu.memory_space<vmem>>, vector<16xi32>,
        %sub3A_446 = arith.subi %shift_right_arithmetic3A_348, %multiple_of3A : i32
        %mul3A_447 = arith.constant 128 : i32
        %mul3A_448 = arith.muli %and3A_350, %mul3A_447 : i32
        %add3A_449 = arith.constant 80 : i32
        %add3A_450 = arith.addi %mul3A_448, %add3A_449 : i32
        %get3A_451 = arith.index_cast %sub3A_446 : i32 to index
        %get3A_452 = arith.index_cast %add3A_450 : i32 to index
        %get3A_453 = tpu.vector_load %arg7[%get3A_451, %get3A_452] {strides = array<i32>} : memref<16x1024xi32, #tpu.memory_space<vmem>>, vector<16xi32>,
        %swap3A_454 = arith.constant 1 : i32
        %swap3A_455 = arith.index_cast %swap3A_454 : i32 to index
        %swap3A_456 = arith.constant 80 : index
        %swap3A_457 = tpu.vector_load %arg8[%swap3A_455, %swap3A_456] {strides = array<i32>} : memref<2x128xi32, #tpu.memory_space<vmem>>, vector<16xi32>,
        tpu.vector_store %arg8[%swap3A_455, %swap3A_456], %get3A_453 {strides = array<i32>} : memref<2x128xi32, #tpu.memory_space<vmem>>, vector<16xi32>,
        %shift_right_logical3A_458 = arith.constant 1 : i32
        %shift_right_logical3A_459 = vector.broadcast %shift_right_logical3A_458 : i32 to vector<16xi32>
        %shift_right_logical3A_460 = arith.shrui %get3A_453, %shift_right_logical3A_459 : vector<16xi32>
        %swap3A_461 = arith.constant 1 : i32
        %swap3A_462 = arith.index_cast %swap3A_461 : i32 to index
        %swap3A_463 = arith.constant 80 : index
        %swap3A_464 = tpu.vector_load %arg9[%swap3A_462, %swap3A_463] {strides = array<i32>} : memref<2x128xi32, #tpu.memory_space<vmem>>, vector<16xi32>,
        tpu.vector_store %arg9[%swap3A_462, %swap3A_463], %shift_right_logical3A_460 {strides = array<i32>} : memref<2x128xi32, #tpu.memory_space<vmem>>, vector<16xi32>,
        %sub3A_465 = arith.subi %shift_right_arithmetic3A_348, %multiple_of3A : i32
        %mul3A_466 = arith.constant 128 : i32
        %mul3A_467 = arith.muli %and3A_350, %mul3A_466 : i32
        %add3A_468 = arith.constant 96 : i32
        %add3A_469 = arith.addi %mul3A_467, %add3A_468 : i32
        %get3A_470 = arith.index_cast %sub3A_465 : i32 to index
        %get3A_471 = arith.index_cast %add3A_469 : i32 to index
        %get3A_472 = tpu.vector_load %arg7[%get3A_470, %get3A_471] {strides = array<i32>} : memref<16x1024xi32, #tpu.memory_space<vmem>>, vector<16xi32>,
        %swap3A_473 = arith.constant 1 : i32
        %swap3A_474 = arith.index_cast %swap3A_473 : i32 to index
        %swap3A_475 = arith.constant 96 : index
        %swap3A_476 = tpu.vector_load %arg8[%swap3A_474, %swap3A_475] {strides = array<i32>} : memref<2x128xi32, #tpu.memory_space<vmem>>, vector<16xi32>,
        tpu.vector_store %arg8[%swap3A_474, %swap3A_475], %get3A_472 {strides = array<i32>} : memref<2x128xi32, #tpu.memory_space<vmem>>, vector<16xi32>,
        %shift_right_logical3A_477 = arith.constant 1 : i32
        %shift_right_logical3A_478 = vector.broadcast %shift_right_logical3A_477 : i32 to vector<16xi32>
        %shift_right_logical3A_479 = arith.shrui %get3A_472, %shift_right_logical3A_478 : vector<16xi32>
        %swap3A_480 = arith.constant 1 : i32
        %swap3A_481 = arith.index_cast %swap3A_480 : i32 to index
        %swap3A_482 = arith.constant 96 : index
        %swap3A_483 = tpu.vector_load %arg9[%swap3A_481, %swap3A_482] {strides = array<i32>} : memref<2x128xi32, #tpu.memory_space<vmem>>, vector<16xi32>,
        tpu.vector_store %arg9[%swap3A_481, %swap3A_482], %shift_right_logical3A_479 {strides = array<i32>} : memref<2x128xi32, #tpu.memory_space<vmem>>, vector<16xi32>,
        %sub3A_484 = arith.subi %shift_right_arithmetic3A_348, %multiple_of3A : i32
        %mul3A_485 = arith.constant 128 : i32
        %mul3A_486 = arith.muli %and3A_350, %mul3A_485 : i32
        %add3A_487 = arith.constant 112 : i32
        %add3A_488 = arith.addi %mul3A_486, %add3A_487 : i32
        %get3A_489 = arith.index_cast %sub3A_484 : i32 to index
        %get3A_490 = arith.index_cast %add3A_488 : i32 to index
        %get3A_491 = tpu.vector_load %arg7[%get3A_489, %get3A_490] {strides = array<i32>} : memref<16x1024xi32, #tpu.memory_space<vmem>>, vector<16xi32>,
        %swap3A_492 = arith.constant 1 : i32
        %swap3A_493 = arith.index_cast %swap3A_492 : i32 to index
        %swap3A_494 = arith.constant 112 : index
        %swap3A_495 = tpu.vector_load %arg8[%swap3A_493, %swap3A_494] {strides = array<i32>} : memref<2x128xi32, #tpu.memory_space<vmem>>, vector<16xi32>,
        tpu.vector_store %arg8[%swap3A_493, %swap3A_494], %get3A_491 {strides = array<i32>} : memref<2x128xi32, #tpu.memory_space<vmem>>, vector<16xi32>,
        %shift_right_logical3A_496 = arith.constant 1 : i32
        %shift_right_logical3A_497 = vector.broadcast %shift_right_logical3A_496 : i32 to vector<16xi32>
        %shift_right_logical3A_498 = arith.shrui %get3A_491, %shift_right_logical3A_497 : vector<16xi32>
        %swap3A_499 = arith.constant 1 : i32
        %swap3A_500 = arith.index_cast %swap3A_499 : i32 to index
        %swap3A_501 = arith.constant 112 : index
        %swap3A_502 = tpu.vector_load %arg9[%swap3A_500, %swap3A_501] {strides = array<i32>} : memref<2x128xi32, #tpu.memory_space<vmem>>, vector<16xi32>,
        tpu.vector_store %arg9[%swap3A_500, %swap3A_501], %shift_right_logical3A_498 {strides = array<i32>} : memref<2x128xi32, #tpu.memory_space<vmem>>, vector<16xi32>,
        %dma_start3A_503 = arith.constant 1 : i32
        %dma_start3A_504 = arith.constant 1 : i32
        %dma_start3A_505 = arith.constant 0 : i32
        %dma_start3A_506 = arith.constant 0 : i32
        %dma_start3A_507 = tpu.memref_slice %arg10[%dma_start3A_504, %dma_start3A_505, %dma_start3A_506] : memref<2x128x128xf32, #tpu.memory_space<vmem>> -> memref<1x128x128xf32, #tpu.memory_space<vmem>>
        %dma_start3A_508 = tpu.memref_squeeze %dma_start3A_507 : memref<1x128x128xf32, #tpu.memory_space<vmem>> -> memref<128x128xf32, #tpu.memory_space<vmem>>
        %dma_start3A_509 = arith.constant 0 : i32
        %dma_start3A_510 = tpu.memref_slice %arg9[%dma_start3A_503, %dma_start3A_509] : memref<2x128xi32, #tpu.memory_space<vmem>> -> memref<1x128xi32, #tpu.memory_space<vmem>>
        %dma_start3A_511 = tpu.memref_squeeze %dma_start3A_510 : memref<1x128xi32, #tpu.memory_space<vmem>> -> memref<128xi32, #tpu.memory_space<vmem>>
        %dma_start3A_512 = arith.constant 0 : i32
        %dma_start3A_513 = arith.constant 0 : i32
        %dma_start3A_514 = tpu.memref_slice %arg4[%dma_start3A_512, %dma_start3A_513] : memref<500000x128xf32, #tpu.memory_space<hbm>> -> memref<500000x128xf32, #tpu.memory_space<hbm>>
        tpu.enqueue_indirect_dma source(%dma_start3A_514 : memref<500000x128xf32, #tpu.memory_space<hbm>>) target(%dma_start3A_508 : memref<128x128xf32, #tpu.memory_space<vmem>>) offsets(%dma_start3A_511 : memref<128xi32, #tpu.memory_space<vmem>>) semaphore(%arg13 : memref<!tpu.dma_semaphore, #tpu.memory_space<semaphore_mem>>)
      } else {
      }
      %ge3A = arith.constant 2 : i32
      %ge3A_232 = arith.cmpi sge, %add3A_214, %ge3A : i32
      %convert_element_type3A_233 = arith.extui %ge3A_232 : i1 to i32
      %cond3A_234 = arith.constant 0 : i32
      %cond3A_235 = arith.cmpi ne, %convert_element_type3A_233, %cond3A_234 : i32
      scf.if %cond3A_235 {
        %dma_wait3A_345 = arith.constant 0 : i32
        %dma_wait3A_346 = arith.constant 0 : i32
        %dma_wait3A_347 = arith.constant 0 : i32
        %dma_wait3A_348 = arith.constant 0 : i32
        %dma_wait3A_349 = tpu.memref_slice %arg11[%dma_wait3A_345, %dma_wait3A_347, %dma_wait3A_348] : memref<2x128x64xf32, #tpu.memory_space<vmem>> -> memref<1x128x64xf32, #tpu.memory_space<vmem>>
        %dma_wait3A_350 = tpu.memref_squeeze %dma_wait3A_349 : memref<1x128x64xf32, #tpu.memory_space<vmem>> -> memref<128x64xf32, #tpu.memory_space<vmem>>
        %dma_wait3A_351 = arith.constant 0 : i32
        %dma_wait3A_352 = arith.constant 0 : i32
        %dma_wait3A_353 = tpu.memref_slice %arg5[%dma_wait3A_346, %dma_wait3A_351, %dma_wait3A_352] : memref<200x1024x64xf32, #tpu.memory_space<hbm>> -> memref<1x128x64xf32, #tpu.memory_space<hbm>>
        %dma_wait3A_354 = tpu.memref_squeeze %dma_wait3A_353 : memref<1x128x64xf32, #tpu.memory_space<hbm>> -> memref<128x64xf32, #tpu.memory_space<hbm>>
        %dma_wait3A_355 = arith.constant 0 : i32
        %dma_wait3A_356 = arith.constant 0 : i32
        %dma_wait3A_357 = tpu.memref_slice %arg5[%dma_wait3A_346, %dma_wait3A_355, %dma_wait3A_356] : memref<200x1024x64xf32, #tpu.memory_space<hbm>> -> memref<1x128x64xf32, #tpu.memory_space<hbm>>
        %dma_wait3A_358 = tpu.memref_squeeze %dma_wait3A_357 : memref<1x128x64xf32, #tpu.memory_space<hbm>> -> memref<128x64xf32, #tpu.memory_space<hbm>>
        %dma_wait3A_359 = arith.constant 0 : i32
        %dma_wait3A_360 = arith.constant 0 : i32
        %dma_wait3A_361 = tpu.memref_slice %arg11[%dma_wait3A_345, %dma_wait3A_359, %dma_wait3A_360] : memref<2x128x64xf32, #tpu.memory_space<vmem>> -> memref<1x128x64xf32, #tpu.memory_space<vmem>>
        %dma_wait3A_362 = tpu.memref_squeeze %dma_wait3A_361 : memref<1x128x64xf32, #tpu.memory_space<vmem>> -> memref<128x64xf32, #tpu.memory_space<vmem>>
        tpu.wait_dma2 semaphore(%arg14 : memref<!tpu.dma_semaphore, #tpu.memory_space<semaphore_mem>>) src(%dma_wait3A_362 : memref<128x64xf32, #tpu.memory_space<vmem>>) dst(%dma_wait3A_358 : memref<128x64xf32, #tpu.memory_space<hbm>>)
      } else {
      }
      %shift_right_arithmetic3A_236 = arith.constant 3 : i32
      %shift_right_arithmetic3A_237 = arith.shrsi %add3A_215, %shift_right_arithmetic3A_236 : i32
      %get3A_238 = arith.index_cast %shift_right_arithmetic3A_237 : i32 to index
      %get3A_239 = arith.constant 0 : index
      %get3A_240 = tpu.vector_load %arg6[%get3A_238, %get3A_239] {strides = array<i32>} : memref<200x64xf32, #tpu.memory_space<vmem>>, vector<16xf32>,
      %get3A_241 = arith.index_cast %shift_right_arithmetic3A_237 : i32 to index
      %get3A_242 = arith.constant 16 : index
      %get3A_243 = tpu.vector_load %arg6[%get3A_241, %get3A_242] {strides = array<i32>} : memref<200x64xf32, #tpu.memory_space<vmem>>, vector<16xf32>,
      %get3A_244 = arith.index_cast %shift_right_arithmetic3A_237 : i32 to index
      %get3A_245 = arith.constant 32 : index
      %get3A_246 = tpu.vector_load %arg6[%get3A_244, %get3A_245] {strides = array<i32>} : memref<200x64xf32, #tpu.memory_space<vmem>>, vector<16xf32>,
      %get3A_247 = arith.index_cast %shift_right_arithmetic3A_237 : i32 to index
      %get3A_248 = arith.constant 48 : index
      %get3A_249 = tpu.vector_load %arg6[%get3A_247, %get3A_248] {strides = array<i32>} : memref<200x64xf32, #tpu.memory_space<vmem>>, vector<16xf32>,
      %scan3A_250 = arith.constant 0 : i32
      %scan3A_251 = arith.constant 0 : i32
      %scan3A_252 = arith.constant 128 : i32
      %scan3A_253 = arith.addi %scan3A_251, %scan3A_252 : i32
      %scan3A_254 = arith.constant 2 : i32
      scf.for %scan3A_345 = %scan3A_251 to %scan3A_253 step %scan3A_254  : i32 {
        %mul3A_346 = arith.constant 1 : i32
        %mul3A_347 = arith.muli %scan3A_345, %mul3A_346 : i32
        %add3A_348 = arith.constant 0 : i32
        %add3A_349 = arith.addi %add3A_348, %mul3A_347 : i32
        %broadcast_in_dim3A = vector.broadcast %add3A_349 : i32 to vector<16xi32>
        %gather3A = arith.constant 0 : i32
        %gather3A_350 = tpu.memref_slice %arg8[%scan3A_250, %gather3A] : memref<2x128xi32, #tpu.memory_space<vmem>> -> memref<1x128xi32, #tpu.memory_space<vmem>>
        %gather3A_351 = tpu.memref_squeeze %gather3A_350 : memref<1x128xi32, #tpu.memory_space<vmem>> -> memref<128xi32, #tpu.memory_space<vmem>>
        %gather3A_352 = tpu.vector_load_idx %gather3A_351[%broadcast_in_dim3A] : memref<128xi32, #tpu.memory_space<vmem>>[vector<16xi32>], vector<16xi32>,
        %and3A_353 = arith.constant 1 : i32
        %and3A_354 = vector.broadcast %and3A_353 : i32 to vector<16xi32>
        %and3A_355 = arith.andi %gather3A_352, %and3A_354 : vector<16xi32>
        %gt3A = arith.constant 0 : i32
        %gt3A_356 = vector.broadcast %gt3A : i32 to vector<16xi32>
        %gt3A_357 = arith.cmpi sgt, %and3A_355, %gt3A_356 : vector<16xi32>
        %get3A_358 = arith.constant 0 : i32
        %get3A_359 = arith.index_cast %get3A_358 : i32 to index
        %get3A_360 = arith.index_cast %add3A_349 : i32 to index
        %get3A_361 = arith.constant 0 : index
        %get3A_362 = tpu.vector_load %arg10[%get3A_359, %get3A_360, %get3A_361] {strides = array<i32>} : memref<2x128x128xf32, #tpu.memory_space<vmem>>, vector<16xf32>,
        %get3A_363 = arith.constant 0 : i32
        %get3A_364 = arith.index_cast %get3A_363 : i32 to index
        %get3A_365 = arith.index_cast %add3A_349 : i32 to index
        %get3A_366 = arith.constant 64 : index
        %get3A_367 = tpu.vector_load %arg10[%get3A_364, %get3A_365, %get3A_366] {strides = array<i32>} : memref<2x128x128xf32, #tpu.memory_space<vmem>>, vector<16xf32>,
        %select_n3A = arith.select %gt3A_357, %get3A_367, %get3A_362 : vector<16xi1>, vector<16xf32>
        %mul3A_368 = arith.constant 8.000000e+00 : f32
        %mul3A_369 = vector.broadcast %mul3A_368 : f32 to vector<16xf32>
        %mul3A_370 = arith.mulf %select_n3A, %mul3A_369 : vector<16xf32>
        %add3A_371 = arith.addf %mul3A_370, %get3A_240 : vector<16xf32>
        %swap3A_372 = arith.constant 0 : i32
        %swap3A_373 = arith.index_cast %swap3A_372 : i32 to index
        %swap3A_374 = arith.index_cast %add3A_349 : i32 to index
        %swap3A_375 = arith.constant 0 : index
        %swap3A_376 = tpu.vector_load %arg11[%swap3A_373, %swap3A_374, %swap3A_375] {strides = array<i32>} : memref<2x128x64xf32, #tpu.memory_space<vmem>>, vector<16xf32>,
        tpu.vector_store %arg11[%swap3A_373, %swap3A_374, %swap3A_375], %add3A_371 {strides = array<i32>} : memref<2x128x64xf32, #tpu.memory_space<vmem>>, vector<16xf32>,
        %get3A_377 = arith.constant 0 : i32
        %get3A_378 = arith.index_cast %get3A_377 : i32 to index
        %get3A_379 = arith.index_cast %add3A_349 : i32 to index
        %get3A_380 = arith.constant 16 : index
        %get3A_381 = tpu.vector_load %arg10[%get3A_378, %get3A_379, %get3A_380] {strides = array<i32>} : memref<2x128x128xf32, #tpu.memory_space<vmem>>, vector<16xf32>,
        %get3A_382 = arith.constant 0 : i32
        %get3A_383 = arith.index_cast %get3A_382 : i32 to index
        %get3A_384 = arith.index_cast %add3A_349 : i32 to index
        %get3A_385 = arith.constant 80 : index
        %get3A_386 = tpu.vector_load %arg10[%get3A_383, %get3A_384, %get3A_385] {strides = array<i32>} : memref<2x128x128xf32, #tpu.memory_space<vmem>>, vector<16xf32>,
        %select_n3A_387 = arith.select %gt3A_357, %get3A_386, %get3A_381 : vector<16xi1>, vector<16xf32>
        %mul3A_388 = arith.constant 8.000000e+00 : f32
        %mul3A_389 = vector.broadcast %mul3A_388 : f32 to vector<16xf32>
        %mul3A_390 = arith.mulf %select_n3A_387, %mul3A_389 : vector<16xf32>
        %add3A_391 = arith.addf %mul3A_390, %get3A_243 : vector<16xf32>
        %swap3A_392 = arith.constant 0 : i32
        %swap3A_393 = arith.index_cast %swap3A_392 : i32 to index
        %swap3A_394 = arith.index_cast %add3A_349 : i32 to index
        %swap3A_395 = arith.constant 16 : index
        %swap3A_396 = tpu.vector_load %arg11[%swap3A_393, %swap3A_394, %swap3A_395] {strides = array<i32>} : memref<2x128x64xf32, #tpu.memory_space<vmem>>, vector<16xf32>,
        tpu.vector_store %arg11[%swap3A_393, %swap3A_394, %swap3A_395], %add3A_391 {strides = array<i32>} : memref<2x128x64xf32, #tpu.memory_space<vmem>>, vector<16xf32>,
        %get3A_397 = arith.constant 0 : i32
        %get3A_398 = arith.index_cast %get3A_397 : i32 to index
        %get3A_399 = arith.index_cast %add3A_349 : i32 to index
        %get3A_400 = arith.constant 32 : index
        %get3A_401 = tpu.vector_load %arg10[%get3A_398, %get3A_399, %get3A_400] {strides = array<i32>} : memref<2x128x128xf32, #tpu.memory_space<vmem>>, vector<16xf32>,
        %get3A_402 = arith.constant 0 : i32
        %get3A_403 = arith.index_cast %get3A_402 : i32 to index
        %get3A_404 = arith.index_cast %add3A_349 : i32 to index
        %get3A_405 = arith.constant 96 : index
        %get3A_406 = tpu.vector_load %arg10[%get3A_403, %get3A_404, %get3A_405] {strides = array<i32>} : memref<2x128x128xf32, #tpu.memory_space<vmem>>, vector<16xf32>,
        %select_n3A_407 = arith.select %gt3A_357, %get3A_406, %get3A_401 : vector<16xi1>, vector<16xf32>
        %mul3A_408 = arith.constant 8.000000e+00 : f32
        %mul3A_409 = vector.broadcast %mul3A_408 : f32 to vector<16xf32>
        %mul3A_410 = arith.mulf %select_n3A_407, %mul3A_409 : vector<16xf32>
        %add3A_411 = arith.addf %mul3A_410, %get3A_246 : vector<16xf32>
        %swap3A_412 = arith.constant 0 : i32
        %swap3A_413 = arith.index_cast %swap3A_412 : i32 to index
        %swap3A_414 = arith.index_cast %add3A_349 : i32 to index
        %swap3A_415 = arith.constant 32 : index
        %swap3A_416 = tpu.vector_load %arg11[%swap3A_413, %swap3A_414, %swap3A_415] {strides = array<i32>} : memref<2x128x64xf32, #tpu.memory_space<vmem>>, vector<16xf32>,
        tpu.vector_store %arg11[%swap3A_413, %swap3A_414, %swap3A_415], %add3A_411 {strides = array<i32>} : memref<2x128x64xf32, #tpu.memory_space<vmem>>, vector<16xf32>,
        %get3A_417 = arith.constant 0 : i32
        %get3A_418 = arith.index_cast %get3A_417 : i32 to index
        %get3A_419 = arith.index_cast %add3A_349 : i32 to index
        %get3A_420 = arith.constant 48 : index
        %get3A_421 = tpu.vector_load %arg10[%get3A_418, %get3A_419, %get3A_420] {strides = array<i32>} : memref<2x128x128xf32, #tpu.memory_space<vmem>>, vector<16xf32>,
        %get3A_422 = arith.constant 0 : i32
        %get3A_423 = arith.index_cast %get3A_422 : i32 to index
        %get3A_424 = arith.index_cast %add3A_349 : i32 to index
        %get3A_425 = arith.constant 112 : index
        %get3A_426 = tpu.vector_load %arg10[%get3A_423, %get3A_424, %get3A_425] {strides = array<i32>} : memref<2x128x128xf32, #tpu.memory_space<vmem>>, vector<16xf32>,
        %select_n3A_427 = arith.select %gt3A_357, %get3A_426, %get3A_421 : vector<16xi1>, vector<16xf32>
        %mul3A_428 = arith.constant 8.000000e+00 : f32
        %mul3A_429 = vector.broadcast %mul3A_428 : f32 to vector<16xf32>
        %mul3A_430 = arith.mulf %select_n3A_427, %mul3A_429 : vector<16xf32>
        %add3A_431 = arith.addf %mul3A_430, %get3A_249 : vector<16xf32>
        %swap3A_432 = arith.constant 0 : i32
        %swap3A_433 = arith.index_cast %swap3A_432 : i32 to index
        %swap3A_434 = arith.index_cast %add3A_349 : i32 to index
        %swap3A_435 = arith.constant 48 : index
        %swap3A_436 = tpu.vector_load %arg11[%swap3A_433, %swap3A_434, %swap3A_435] {strides = array<i32>} : memref<2x128x64xf32, #tpu.memory_space<vmem>>, vector<16xf32>,
        tpu.vector_store %arg11[%swap3A_433, %swap3A_434, %swap3A_435], %add3A_431 {strides = array<i32>} : memref<2x128x64xf32, #tpu.memory_space<vmem>>, vector<16xf32>,
        %scan3A_437 = arith.constant 1 : i32
        %scan3A_438 = arith.addi %scan3A_345, %scan3A_437 : i32
        %mul3A_439 = arith.constant 1 : i32
        %mul3A_440 = arith.muli %scan3A_438, %mul3A_439 : i32
        %add3A_441 = arith.constant 0 : i32
        %add3A_442 = arith.addi %add3A_441, %mul3A_440 : i32
        %broadcast_in_dim3A_443 = vector.broadcast %add3A_442 : i32 to vector<16xi32>
        %gather3A_444 = arith.constant 0 : i32
        %gather3A_445 = tpu.memref_slice %arg8[%scan3A_250, %gather3A_444] : memref<2x128xi32, #tpu.memory_space<vmem>> -> memref<1x128xi32, #tpu.memory_space<vmem>>
        %gather3A_446 = tpu.memref_squeeze %gather3A_445 : memref<1x128xi32, #tpu.memory_space<vmem>> -> memref<128xi32, #tpu.memory_space<vmem>>
        %gather3A_447 = tpu.vector_load_idx %gather3A_446[%broadcast_in_dim3A_443] : memref<128xi32, #tpu.memory_space<vmem>>[vector<16xi32>], vector<16xi32>,
        %and3A_448 = arith.constant 1 : i32
        %and3A_449 = vector.broadcast %and3A_448 : i32 to vector<16xi32>
        %and3A_450 = arith.andi %gather3A_447, %and3A_449 : vector<16xi32>
        %gt3A_451 = arith.constant 0 : i32
        %gt3A_452 = vector.broadcast %gt3A_451 : i32 to vector<16xi32>
        %gt3A_453 = arith.cmpi sgt, %and3A_450, %gt3A_452 : vector<16xi32>
        %get3A_454 = arith.constant 0 : i32
        %get3A_455 = arith.index_cast %get3A_454 : i32 to index
        %get3A_456 = arith.index_cast %add3A_442 : i32 to index
        %get3A_457 = arith.constant 0 : index
        %get3A_458 = tpu.vector_load %arg10[%get3A_455, %get3A_456, %get3A_457] {strides = array<i32>} : memref<2x128x128xf32, #tpu.memory_space<vmem>>, vector<16xf32>,
        %get3A_459 = arith.constant 0 : i32
        %get3A_460 = arith.index_cast %get3A_459 : i32 to index
        %get3A_461 = arith.index_cast %add3A_442 : i32 to index
        %get3A_462 = arith.constant 64 : index
        %get3A_463 = tpu.vector_load %arg10[%get3A_460, %get3A_461, %get3A_462] {strides = array<i32>} : memref<2x128x128xf32, #tpu.memory_space<vmem>>, vector<16xf32>,
        %select_n3A_464 = arith.select %gt3A_453, %get3A_463, %get3A_458 : vector<16xi1>, vector<16xf32>
        %mul3A_465 = arith.constant 8.000000e+00 : f32
        %mul3A_466 = vector.broadcast %mul3A_465 : f32 to vector<16xf32>
        %mul3A_467 = arith.mulf %select_n3A_464, %mul3A_466 : vector<16xf32>
        %add3A_468 = arith.addf %mul3A_467, %get3A_240 : vector<16xf32>
        %swap3A_469 = arith.constant 0 : i32
        %swap3A_470 = arith.index_cast %swap3A_469 : i32 to index
        %swap3A_471 = arith.index_cast %add3A_442 : i32 to index
        %swap3A_472 = arith.constant 0 : index
        %swap3A_473 = tpu.vector_load %arg11[%swap3A_470, %swap3A_471, %swap3A_472] {strides = array<i32>} : memref<2x128x64xf32, #tpu.memory_space<vmem>>, vector<16xf32>,
        tpu.vector_store %arg11[%swap3A_470, %swap3A_471, %swap3A_472], %add3A_468 {strides = array<i32>} : memref<2x128x64xf32, #tpu.memory_space<vmem>>, vector<16xf32>,
        %get3A_474 = arith.constant 0 : i32
        %get3A_475 = arith.index_cast %get3A_474 : i32 to index
        %get3A_476 = arith.index_cast %add3A_442 : i32 to index
        %get3A_477 = arith.constant 16 : index
        %get3A_478 = tpu.vector_load %arg10[%get3A_475, %get3A_476, %get3A_477] {strides = array<i32>} : memref<2x128x128xf32, #tpu.memory_space<vmem>>, vector<16xf32>,
        %get3A_479 = arith.constant 0 : i32
        %get3A_480 = arith.index_cast %get3A_479 : i32 to index
        %get3A_481 = arith.index_cast %add3A_442 : i32 to index
        %get3A_482 = arith.constant 80 : index
        %get3A_483 = tpu.vector_load %arg10[%get3A_480, %get3A_481, %get3A_482] {strides = array<i32>} : memref<2x128x128xf32, #tpu.memory_space<vmem>>, vector<16xf32>,
        %select_n3A_484 = arith.select %gt3A_453, %get3A_483, %get3A_478 : vector<16xi1>, vector<16xf32>
        %mul3A_485 = arith.constant 8.000000e+00 : f32
        %mul3A_486 = vector.broadcast %mul3A_485 : f32 to vector<16xf32>
        %mul3A_487 = arith.mulf %select_n3A_484, %mul3A_486 : vector<16xf32>
        %add3A_488 = arith.addf %mul3A_487, %get3A_243 : vector<16xf32>
        %swap3A_489 = arith.constant 0 : i32
        %swap3A_490 = arith.index_cast %swap3A_489 : i32 to index
        %swap3A_491 = arith.index_cast %add3A_442 : i32 to index
        %swap3A_492 = arith.constant 16 : index
        %swap3A_493 = tpu.vector_load %arg11[%swap3A_490, %swap3A_491, %swap3A_492] {strides = array<i32>} : memref<2x128x64xf32, #tpu.memory_space<vmem>>, vector<16xf32>,
        tpu.vector_store %arg11[%swap3A_490, %swap3A_491, %swap3A_492], %add3A_488 {strides = array<i32>} : memref<2x128x64xf32, #tpu.memory_space<vmem>>, vector<16xf32>,
        %get3A_494 = arith.constant 0 : i32
        %get3A_495 = arith.index_cast %get3A_494 : i32 to index
        %get3A_496 = arith.index_cast %add3A_442 : i32 to index
        %get3A_497 = arith.constant 32 : index
        %get3A_498 = tpu.vector_load %arg10[%get3A_495, %get3A_496, %get3A_497] {strides = array<i32>} : memref<2x128x128xf32, #tpu.memory_space<vmem>>, vector<16xf32>,
        %get3A_499 = arith.constant 0 : i32
        %get3A_500 = arith.index_cast %get3A_499 : i32 to index
        %get3A_501 = arith.index_cast %add3A_442 : i32 to index
        %get3A_502 = arith.constant 96 : index
        %get3A_503 = tpu.vector_load %arg10[%get3A_500, %get3A_501, %get3A_502] {strides = array<i32>} : memref<2x128x128xf32, #tpu.memory_space<vmem>>, vector<16xf32>,
        %select_n3A_504 = arith.select %gt3A_453, %get3A_503, %get3A_498 : vector<16xi1>, vector<16xf32>
        %mul3A_505 = arith.constant 8.000000e+00 : f32
        %mul3A_506 = vector.broadcast %mul3A_505 : f32 to vector<16xf32>
        %mul3A_507 = arith.mulf %select_n3A_504, %mul3A_506 : vector<16xf32>
        %add3A_508 = arith.addf %mul3A_507, %get3A_246 : vector<16xf32>
        %swap3A_509 = arith.constant 0 : i32
        %swap3A_510 = arith.index_cast %swap3A_509 : i32 to index
        %swap3A_511 = arith.index_cast %add3A_442 : i32 to index
        %swap3A_512 = arith.constant 32 : index
        %swap3A_513 = tpu.vector_load %arg11[%swap3A_510, %swap3A_511, %swap3A_512] {strides = array<i32>} : memref<2x128x64xf32, #tpu.memory_space<vmem>>, vector<16xf32>,
        tpu.vector_store %arg11[%swap3A_510, %swap3A_511, %swap3A_512], %add3A_508 {strides = array<i32>} : memref<2x128x64xf32, #tpu.memory_space<vmem>>, vector<16xf32>,
        %get3A_514 = arith.constant 0 : i32
        %get3A_515 = arith.index_cast %get3A_514 : i32 to index
        %get3A_516 = arith.index_cast %add3A_442 : i32 to index
        %get3A_517 = arith.constant 48 : index
        %get3A_518 = tpu.vector_load %arg10[%get3A_515, %get3A_516, %get3A_517] {strides = array<i32>} : memref<2x128x128xf32, #tpu.memory_space<vmem>>, vector<16xf32>,
        %get3A_519 = arith.constant 0 : i32
        %get3A_520 = arith.index_cast %get3A_519 : i32 to index
        %get3A_521 = arith.index_cast %add3A_442 : i32 to index
        %get3A_522 = arith.constant 112 : index
        %get3A_523 = tpu.vector_load %arg10[%get3A_520, %get3A_521, %get3A_522] {strides = array<i32>} : memref<2x128x128xf32, #tpu.memory_space<vmem>>, vector<16xf32>,
        %select_n3A_524 = arith.select %gt3A_453, %get3A_523, %get3A_518 : vector<16xi1>, vector<16xf32>
        %mul3A_525 = arith.constant 8.000000e+00 : f32
        %mul3A_526 = vector.broadcast %mul3A_525 : f32 to vector<16xf32>
        %mul3A_527 = arith.mulf %select_n3A_524, %mul3A_526 : vector<16xf32>
        %add3A_528 = arith.addf %mul3A_527, %get3A_249 : vector<16xf32>
        %swap3A_529 = arith.constant 0 : i32
        %swap3A_530 = arith.index_cast %swap3A_529 : i32 to index
        %swap3A_531 = arith.index_cast %add3A_442 : i32 to index
        %swap3A_532 = arith.constant 48 : index
        %swap3A_533 = tpu.vector_load %arg11[%swap3A_530, %swap3A_531, %swap3A_532] {strides = array<i32>} : memref<2x128x64xf32, #tpu.memory_space<vmem>>, vector<16xf32>,
        tpu.vector_store %arg11[%swap3A_530, %swap3A_531, %swap3A_532], %add3A_528 {strides = array<i32>} : memref<2x128x64xf32, #tpu.memory_space<vmem>>, vector<16xf32>,
      }
      %scan3A_255 = arith.constant 128 : i32
      %shift_right_arithmetic3A_256 = arith.constant 3 : i32
      %shift_right_arithmetic3A_257 = arith.shrsi %add3A_215, %shift_right_arithmetic3A_256 : i32
      %and3A_258 = arith.constant 7 : i32
      %and3A_259 = arith.andi %add3A_215, %and3A_258 : i32
      %mul3A_260 = arith.constant 128 : i32
      %mul3A_261 = arith.muli %and3A_259, %mul3A_260 : i32
      %dma_start3A_262 = arith.constant 0 : i32
      %dma_start3A_263 = arith.constant 0 : i32
      %dma_start3A_264 = arith.constant 0 : i32
      %dma_start3A_265 = tpu.memref_slice %arg11[%dma_start3A_262, %dma_start3A_263, %dma_start3A_264] : memref<2x128x64xf32, #tpu.memory_space<vmem>> -> memref<1x128x64xf32, #tpu.memory_space<vmem>>
      %dma_start3A_266 = tpu.memref_squeeze %dma_start3A_265 : memref<1x128x64xf32, #tpu.memory_space<vmem>> -> memref<128x64xf32, #tpu.memory_space<vmem>>
      %dma_start3A_267 = arith.constant 0 : i32
      %dma_start3A_268 = tpu.memref_slice %arg5[%shift_right_arithmetic3A_257, %mul3A_261, %dma_start3A_267] : memref<200x1024x64xf32, #tpu.memory_space<hbm>> -> memref<1x128x64xf32, #tpu.memory_space<hbm>>
      %dma_start3A_269 = tpu.memref_squeeze %dma_start3A_268 : memref<1x128x64xf32, #tpu.memory_space<hbm>> -> memref<128x64xf32, #tpu.memory_space<hbm>>
      %dma_start3A_270 = arith.constant 0 : i32
      %dma_start3A_271 = tpu.memref_slice %arg5[%shift_right_arithmetic3A_257, %mul3A_261, %dma_start3A_270] : memref<200x1024x64xf32, #tpu.memory_space<hbm>> -> memref<1x128x64xf32, #tpu.memory_space<hbm>>
      %dma_start3A_272 = tpu.memref_squeeze %dma_start3A_271 : memref<1x128x64xf32, #tpu.memory_space<hbm>> -> memref<128x64xf32, #tpu.memory_space<hbm>>
      %dma_start3A_273 = arith.constant 0 : i32
      %dma_start3A_274 = arith.constant 0 : i32
      %dma_start3A_275 = tpu.memref_slice %arg11[%dma_start3A_262, %dma_start3A_273, %dma_start3A_274] : memref<2x128x64xf32, #tpu.memory_space<vmem>> -> memref<1x128x64xf32, #tpu.memory_space<vmem>>
      %dma_start3A_276 = tpu.memref_squeeze %dma_start3A_275 : memref<1x128x64xf32, #tpu.memory_space<vmem>> -> memref<128x64xf32, #tpu.memory_space<vmem>>
      tpu.enqueue_dma source(%dma_start3A_276 : memref<128x64xf32, #tpu.memory_space<vmem>>) target(%dma_start3A_272 : memref<128x64xf32, #tpu.memory_space<hbm>>) target_semaphore(%arg14 : memref<!tpu.dma_semaphore, #tpu.memory_space<semaphore_mem>>)
      %add3A_277 = arith.constant 1 : i32
      %add3A_278 = arith.addi %add3A_212, %add3A_277 : i32
      %add3A_279 = arith.addi %mul3A_2, %add3A_278 : i32
      %dma_wait3A_280 = arith.constant 1 : i32
      %dma_wait3A_281 = arith.constant 1 : i32
      %dma_wait3A_282 = arith.constant 0 : i32
      %dma_wait3A_283 = arith.constant 0 : i32
      %dma_wait3A_284 = tpu.memref_slice %arg10[%dma_wait3A_281, %dma_wait3A_282, %dma_wait3A_283] : memref<2x128x128xf32, #tpu.memory_space<vmem>> -> memref<1x128x128xf32, #tpu.memory_space<vmem>>
      %dma_wait3A_285 = tpu.memref_squeeze %dma_wait3A_284 : memref<1x128x128xf32, #tpu.memory_space<vmem>> -> memref<128x128xf32, #tpu.memory_space<vmem>>
      %dma_wait3A_286 = arith.constant 0 : i32
      %dma_wait3A_287 = tpu.memref_slice %arg9[%dma_wait3A_280, %dma_wait3A_286] : memref<2x128xi32, #tpu.memory_space<vmem>> -> memref<1x128xi32, #tpu.memory_space<vmem>>
      %dma_wait3A_288 = tpu.memref_squeeze %dma_wait3A_287 : memref<1x128xi32, #tpu.memory_space<vmem>> -> memref<128xi32, #tpu.memory_space<vmem>>
      %dma_wait3A_289 = arith.constant 0 : i32
      %dma_wait3A_290 = arith.constant 0 : i32
      %dma_wait3A_291 = tpu.memref_slice %arg4[%dma_wait3A_289, %dma_wait3A_290] : memref<500000x128xf32, #tpu.memory_space<hbm>> -> memref<500000x128xf32, #tpu.memory_space<hbm>>
      tpu.wait_indirect_dma semaphore(%arg13 : memref<!tpu.dma_semaphore, #tpu.memory_space<semaphore_mem>>) src(%dma_wait3A_291 : memref<500000x128xf32, #tpu.memory_space<hbm>>) dst(%dma_wait3A_285 : memref<128x128xf32, #tpu.memory_space<vmem>>)
      %add3A_292 = arith.constant 1 : i32
      %add3A_293 = arith.addi %add3A_278, %add3A_292 : i32
      %lt3A_294 = arith.constant 50 : i32
      %lt3A_295 = arith.cmpi slt, %add3A_293, %lt3A_294 : i32
      %convert_element_type3A_296 = arith.extui %lt3A_295 : i1 to i32
      %cond3A_297 = arith.constant 0 : i32
      %cond3A_298 = arith.cmpi ne, %convert_element_type3A_296, %cond3A_297 : i32
      scf.if %cond3A_298 {
        %add3A_345 = arith.constant 1 : i32
        %add3A_346 = arith.addi %add3A_279, %add3A_345 : i32
        %shift_right_arithmetic3A_347 = arith.constant 3 : i32
        %shift_right_arithmetic3A_348 = arith.shrsi %add3A_346, %shift_right_arithmetic3A_347 : i32
        %and3A_349 = arith.constant 7 : i32
        %and3A_350 = arith.andi %add3A_346, %and3A_349 : i32
        %sub3A_351 = arith.subi %shift_right_arithmetic3A_348, %multiple_of3A : i32
        %mul3A_352 = arith.constant 128 : i32
        %mul3A_353 = arith.muli %and3A_350, %mul3A_352 : i32
        %add3A_354 = arith.constant 0 : i32
        %add3A_355 = arith.addi %mul3A_353, %add3A_354 : i32
        %get3A_356 = arith.index_cast %sub3A_351 : i32 to index
        %get3A_357 = arith.index_cast %add3A_355 : i32 to index
        %get3A_358 = tpu.vector_load %arg7[%get3A_356, %get3A_357] {strides = array<i32>} : memref<16x1024xi32, #tpu.memory_space<vmem>>, vector<16xi32>,
        %swap3A_359 = arith.constant 0 : i32
        %swap3A_360 = arith.index_cast %swap3A_359 : i32 to index
        %swap3A_361 = arith.constant 0 : index
        %swap3A_362 = tpu.vector_load %arg8[%swap3A_360, %swap3A_361] {strides = array<i32>} : memref<2x128xi32, #tpu.memory_space<vmem>>, vector<16xi32>,
        tpu.vector_store %arg8[%swap3A_360, %swap3A_361], %get3A_358 {strides = array<i32>} : memref<2x128xi32, #tpu.memory_space<vmem>>, vector<16xi32>,
        %shift_right_logical3A_363 = arith.constant 1 : i32
        %shift_right_logical3A_364 = vector.broadcast %shift_right_logical3A_363 : i32 to vector<16xi32>
        %shift_right_logical3A_365 = arith.shrui %get3A_358, %shift_right_logical3A_364 : vector<16xi32>
        %swap3A_366 = arith.constant 0 : i32
        %swap3A_367 = arith.index_cast %swap3A_366 : i32 to index
        %swap3A_368 = arith.constant 0 : index
        %swap3A_369 = tpu.vector_load %arg9[%swap3A_367, %swap3A_368] {strides = array<i32>} : memref<2x128xi32, #tpu.memory_space<vmem>>, vector<16xi32>,
        tpu.vector_store %arg9[%swap3A_367, %swap3A_368], %shift_right_logical3A_365 {strides = array<i32>} : memref<2x128xi32, #tpu.memory_space<vmem>>, vector<16xi32>,
        %sub3A_370 = arith.subi %shift_right_arithmetic3A_348, %multiple_of3A : i32
        %mul3A_371 = arith.constant 128 : i32
        %mul3A_372 = arith.muli %and3A_350, %mul3A_371 : i32
        %add3A_373 = arith.constant 16 : i32
        %add3A_374 = arith.addi %mul3A_372, %add3A_373 : i32
        %get3A_375 = arith.index_cast %sub3A_370 : i32 to index
        %get3A_376 = arith.index_cast %add3A_374 : i32 to index
        %get3A_377 = tpu.vector_load %arg7[%get3A_375, %get3A_376] {strides = array<i32>} : memref<16x1024xi32, #tpu.memory_space<vmem>>, vector<16xi32>,
        %swap3A_378 = arith.constant 0 : i32
        %swap3A_379 = arith.index_cast %swap3A_378 : i32 to index
        %swap3A_380 = arith.constant 16 : index
        %swap3A_381 = tpu.vector_load %arg8[%swap3A_379, %swap3A_380] {strides = array<i32>} : memref<2x128xi32, #tpu.memory_space<vmem>>, vector<16xi32>,
        tpu.vector_store %arg8[%swap3A_379, %swap3A_380], %get3A_377 {strides = array<i32>} : memref<2x128xi32, #tpu.memory_space<vmem>>, vector<16xi32>,
        %shift_right_logical3A_382 = arith.constant 1 : i32
        %shift_right_logical3A_383 = vector.broadcast %shift_right_logical3A_382 : i32 to vector<16xi32>
        %shift_right_logical3A_384 = arith.shrui %get3A_377, %shift_right_logical3A_383 : vector<16xi32>
        %swap3A_385 = arith.constant 0 : i32
        %swap3A_386 = arith.index_cast %swap3A_385 : i32 to index
        %swap3A_387 = arith.constant 16 : index
        %swap3A_388 = tpu.vector_load %arg9[%swap3A_386, %swap3A_387] {strides = array<i32>} : memref<2x128xi32, #tpu.memory_space<vmem>>, vector<16xi32>,
        tpu.vector_store %arg9[%swap3A_386, %swap3A_387], %shift_right_logical3A_384 {strides = array<i32>} : memref<2x128xi32, #tpu.memory_space<vmem>>, vector<16xi32>,
        %sub3A_389 = arith.subi %shift_right_arithmetic3A_348, %multiple_of3A : i32
        %mul3A_390 = arith.constant 128 : i32
        %mul3A_391 = arith.muli %and3A_350, %mul3A_390 : i32
        %add3A_392 = arith.constant 32 : i32
        %add3A_393 = arith.addi %mul3A_391, %add3A_392 : i32
        %get3A_394 = arith.index_cast %sub3A_389 : i32 to index
        %get3A_395 = arith.index_cast %add3A_393 : i32 to index
        %get3A_396 = tpu.vector_load %arg7[%get3A_394, %get3A_395] {strides = array<i32>} : memref<16x1024xi32, #tpu.memory_space<vmem>>, vector<16xi32>,
        %swap3A_397 = arith.constant 0 : i32
        %swap3A_398 = arith.index_cast %swap3A_397 : i32 to index
        %swap3A_399 = arith.constant 32 : index
        %swap3A_400 = tpu.vector_load %arg8[%swap3A_398, %swap3A_399] {strides = array<i32>} : memref<2x128xi32, #tpu.memory_space<vmem>>, vector<16xi32>,
        tpu.vector_store %arg8[%swap3A_398, %swap3A_399], %get3A_396 {strides = array<i32>} : memref<2x128xi32, #tpu.memory_space<vmem>>, vector<16xi32>,
        %shift_right_logical3A_401 = arith.constant 1 : i32
        %shift_right_logical3A_402 = vector.broadcast %shift_right_logical3A_401 : i32 to vector<16xi32>
        %shift_right_logical3A_403 = arith.shrui %get3A_396, %shift_right_logical3A_402 : vector<16xi32>
        %swap3A_404 = arith.constant 0 : i32
        %swap3A_405 = arith.index_cast %swap3A_404 : i32 to index
        %swap3A_406 = arith.constant 32 : index
        %swap3A_407 = tpu.vector_load %arg9[%swap3A_405, %swap3A_406] {strides = array<i32>} : memref<2x128xi32, #tpu.memory_space<vmem>>, vector<16xi32>,
        tpu.vector_store %arg9[%swap3A_405, %swap3A_406], %shift_right_logical3A_403 {strides = array<i32>} : memref<2x128xi32, #tpu.memory_space<vmem>>, vector<16xi32>,
        %sub3A_408 = arith.subi %shift_right_arithmetic3A_348, %multiple_of3A : i32
        %mul3A_409 = arith.constant 128 : i32
        %mul3A_410 = arith.muli %and3A_350, %mul3A_409 : i32
        %add3A_411 = arith.constant 48 : i32
        %add3A_412 = arith.addi %mul3A_410, %add3A_411 : i32
        %get3A_413 = arith.index_cast %sub3A_408 : i32 to index
        %get3A_414 = arith.index_cast %add3A_412 : i32 to index
        %get3A_415 = tpu.vector_load %arg7[%get3A_413, %get3A_414] {strides = array<i32>} : memref<16x1024xi32, #tpu.memory_space<vmem>>, vector<16xi32>,
        %swap3A_416 = arith.constant 0 : i32
        %swap3A_417 = arith.index_cast %swap3A_416 : i32 to index
        %swap3A_418 = arith.constant 48 : index
        %swap3A_419 = tpu.vector_load %arg8[%swap3A_417, %swap3A_418] {strides = array<i32>} : memref<2x128xi32, #tpu.memory_space<vmem>>, vector<16xi32>,
        tpu.vector_store %arg8[%swap3A_417, %swap3A_418], %get3A_415 {strides = array<i32>} : memref<2x128xi32, #tpu.memory_space<vmem>>, vector<16xi32>,
        %shift_right_logical3A_420 = arith.constant 1 : i32
        %shift_right_logical3A_421 = vector.broadcast %shift_right_logical3A_420 : i32 to vector<16xi32>
        %shift_right_logical3A_422 = arith.shrui %get3A_415, %shift_right_logical3A_421 : vector<16xi32>
        %swap3A_423 = arith.constant 0 : i32
        %swap3A_424 = arith.index_cast %swap3A_423 : i32 to index
        %swap3A_425 = arith.constant 48 : index
        %swap3A_426 = tpu.vector_load %arg9[%swap3A_424, %swap3A_425] {strides = array<i32>} : memref<2x128xi32, #tpu.memory_space<vmem>>, vector<16xi32>,
        tpu.vector_store %arg9[%swap3A_424, %swap3A_425], %shift_right_logical3A_422 {strides = array<i32>} : memref<2x128xi32, #tpu.memory_space<vmem>>, vector<16xi32>,
        %sub3A_427 = arith.subi %shift_right_arithmetic3A_348, %multiple_of3A : i32
        %mul3A_428 = arith.constant 128 : i32
        %mul3A_429 = arith.muli %and3A_350, %mul3A_428 : i32
        %add3A_430 = arith.constant 64 : i32
        %add3A_431 = arith.addi %mul3A_429, %add3A_430 : i32
        %get3A_432 = arith.index_cast %sub3A_427 : i32 to index
        %get3A_433 = arith.index_cast %add3A_431 : i32 to index
        %get3A_434 = tpu.vector_load %arg7[%get3A_432, %get3A_433] {strides = array<i32>} : memref<16x1024xi32, #tpu.memory_space<vmem>>, vector<16xi32>,
        %swap3A_435 = arith.constant 0 : i32
        %swap3A_436 = arith.index_cast %swap3A_435 : i32 to index
        %swap3A_437 = arith.constant 64 : index
        %swap3A_438 = tpu.vector_load %arg8[%swap3A_436, %swap3A_437] {strides = array<i32>} : memref<2x128xi32, #tpu.memory_space<vmem>>, vector<16xi32>,
        tpu.vector_store %arg8[%swap3A_436, %swap3A_437], %get3A_434 {strides = array<i32>} : memref<2x128xi32, #tpu.memory_space<vmem>>, vector<16xi32>,
        %shift_right_logical3A_439 = arith.constant 1 : i32
        %shift_right_logical3A_440 = vector.broadcast %shift_right_logical3A_439 : i32 to vector<16xi32>
        %shift_right_logical3A_441 = arith.shrui %get3A_434, %shift_right_logical3A_440 : vector<16xi32>
        %swap3A_442 = arith.constant 0 : i32
        %swap3A_443 = arith.index_cast %swap3A_442 : i32 to index
        %swap3A_444 = arith.constant 64 : index
        %swap3A_445 = tpu.vector_load %arg9[%swap3A_443, %swap3A_444] {strides = array<i32>} : memref<2x128xi32, #tpu.memory_space<vmem>>, vector<16xi32>,
        tpu.vector_store %arg9[%swap3A_443, %swap3A_444], %shift_right_logical3A_441 {strides = array<i32>} : memref<2x128xi32, #tpu.memory_space<vmem>>, vector<16xi32>,
        %sub3A_446 = arith.subi %shift_right_arithmetic3A_348, %multiple_of3A : i32
        %mul3A_447 = arith.constant 128 : i32
        %mul3A_448 = arith.muli %and3A_350, %mul3A_447 : i32
        %add3A_449 = arith.constant 80 : i32
        %add3A_450 = arith.addi %mul3A_448, %add3A_449 : i32
        %get3A_451 = arith.index_cast %sub3A_446 : i32 to index
        %get3A_452 = arith.index_cast %add3A_450 : i32 to index
        %get3A_453 = tpu.vector_load %arg7[%get3A_451, %get3A_452] {strides = array<i32>} : memref<16x1024xi32, #tpu.memory_space<vmem>>, vector<16xi32>,
        %swap3A_454 = arith.constant 0 : i32
        %swap3A_455 = arith.index_cast %swap3A_454 : i32 to index
        %swap3A_456 = arith.constant 80 : index
        %swap3A_457 = tpu.vector_load %arg8[%swap3A_455, %swap3A_456] {strides = array<i32>} : memref<2x128xi32, #tpu.memory_space<vmem>>, vector<16xi32>,
        tpu.vector_store %arg8[%swap3A_455, %swap3A_456], %get3A_453 {strides = array<i32>} : memref<2x128xi32, #tpu.memory_space<vmem>>, vector<16xi32>,
        %shift_right_logical3A_458 = arith.constant 1 : i32
        %shift_right_logical3A_459 = vector.broadcast %shift_right_logical3A_458 : i32 to vector<16xi32>
        %shift_right_logical3A_460 = arith.shrui %get3A_453, %shift_right_logical3A_459 : vector<16xi32>
        %swap3A_461 = arith.constant 0 : i32
        %swap3A_462 = arith.index_cast %swap3A_461 : i32 to index
        %swap3A_463 = arith.constant 80 : index
        %swap3A_464 = tpu.vector_load %arg9[%swap3A_462, %swap3A_463] {strides = array<i32>} : memref<2x128xi32, #tpu.memory_space<vmem>>, vector<16xi32>,
        tpu.vector_store %arg9[%swap3A_462, %swap3A_463], %shift_right_logical3A_460 {strides = array<i32>} : memref<2x128xi32, #tpu.memory_space<vmem>>, vector<16xi32>,
        %sub3A_465 = arith.subi %shift_right_arithmetic3A_348, %multiple_of3A : i32
        %mul3A_466 = arith.constant 128 : i32
        %mul3A_467 = arith.muli %and3A_350, %mul3A_466 : i32
        %add3A_468 = arith.constant 96 : i32
        %add3A_469 = arith.addi %mul3A_467, %add3A_468 : i32
        %get3A_470 = arith.index_cast %sub3A_465 : i32 to index
        %get3A_471 = arith.index_cast %add3A_469 : i32 to index
        %get3A_472 = tpu.vector_load %arg7[%get3A_470, %get3A_471] {strides = array<i32>} : memref<16x1024xi32, #tpu.memory_space<vmem>>, vector<16xi32>,
        %swap3A_473 = arith.constant 0 : i32
        %swap3A_474 = arith.index_cast %swap3A_473 : i32 to index
        %swap3A_475 = arith.constant 96 : index
        %swap3A_476 = tpu.vector_load %arg8[%swap3A_474, %swap3A_475] {strides = array<i32>} : memref<2x128xi32, #tpu.memory_space<vmem>>, vector<16xi32>,
        tpu.vector_store %arg8[%swap3A_474, %swap3A_475], %get3A_472 {strides = array<i32>} : memref<2x128xi32, #tpu.memory_space<vmem>>, vector<16xi32>,
        %shift_right_logical3A_477 = arith.constant 1 : i32
        %shift_right_logical3A_478 = vector.broadcast %shift_right_logical3A_477 : i32 to vector<16xi32>
        %shift_right_logical3A_479 = arith.shrui %get3A_472, %shift_right_logical3A_478 : vector<16xi32>
        %swap3A_480 = arith.constant 0 : i32
        %swap3A_481 = arith.index_cast %swap3A_480 : i32 to index
        %swap3A_482 = arith.constant 96 : index
        %swap3A_483 = tpu.vector_load %arg9[%swap3A_481, %swap3A_482] {strides = array<i32>} : memref<2x128xi32, #tpu.memory_space<vmem>>, vector<16xi32>,
        tpu.vector_store %arg9[%swap3A_481, %swap3A_482], %shift_right_logical3A_479 {strides = array<i32>} : memref<2x128xi32, #tpu.memory_space<vmem>>, vector<16xi32>,
        %sub3A_484 = arith.subi %shift_right_arithmetic3A_348, %multiple_of3A : i32
        %mul3A_485 = arith.constant 128 : i32
        %mul3A_486 = arith.muli %and3A_350, %mul3A_485 : i32
        %add3A_487 = arith.constant 112 : i32
        %add3A_488 = arith.addi %mul3A_486, %add3A_487 : i32
        %get3A_489 = arith.index_cast %sub3A_484 : i32 to index
        %get3A_490 = arith.index_cast %add3A_488 : i32 to index
        %get3A_491 = tpu.vector_load %arg7[%get3A_489, %get3A_490] {strides = array<i32>} : memref<16x1024xi32, #tpu.memory_space<vmem>>, vector<16xi32>,
        %swap3A_492 = arith.constant 0 : i32
        %swap3A_493 = arith.index_cast %swap3A_492 : i32 to index
        %swap3A_494 = arith.constant 112 : index
        %swap3A_495 = tpu.vector_load %arg8[%swap3A_493, %swap3A_494] {strides = array<i32>} : memref<2x128xi32, #tpu.memory_space<vmem>>, vector<16xi32>,
        tpu.vector_store %arg8[%swap3A_493, %swap3A_494], %get3A_491 {strides = array<i32>} : memref<2x128xi32, #tpu.memory_space<vmem>>, vector<16xi32>,
        %shift_right_logical3A_496 = arith.constant 1 : i32
        %shift_right_logical3A_497 = vector.broadcast %shift_right_logical3A_496 : i32 to vector<16xi32>
        %shift_right_logical3A_498 = arith.shrui %get3A_491, %shift_right_logical3A_497 : vector<16xi32>
        %swap3A_499 = arith.constant 0 : i32
        %swap3A_500 = arith.index_cast %swap3A_499 : i32 to index
        %swap3A_501 = arith.constant 112 : index
        %swap3A_502 = tpu.vector_load %arg9[%swap3A_500, %swap3A_501] {strides = array<i32>} : memref<2x128xi32, #tpu.memory_space<vmem>>, vector<16xi32>,
        tpu.vector_store %arg9[%swap3A_500, %swap3A_501], %shift_right_logical3A_498 {strides = array<i32>} : memref<2x128xi32, #tpu.memory_space<vmem>>, vector<16xi32>,
        %dma_start3A_503 = arith.constant 0 : i32
        %dma_start3A_504 = arith.constant 0 : i32
        %dma_start3A_505 = arith.constant 0 : i32
        %dma_start3A_506 = arith.constant 0 : i32
        %dma_start3A_507 = tpu.memref_slice %arg10[%dma_start3A_504, %dma_start3A_505, %dma_start3A_506] : memref<2x128x128xf32, #tpu.memory_space<vmem>> -> memref<1x128x128xf32, #tpu.memory_space<vmem>>
        %dma_start3A_508 = tpu.memref_squeeze %dma_start3A_507 : memref<1x128x128xf32, #tpu.memory_space<vmem>> -> memref<128x128xf32, #tpu.memory_space<vmem>>
        %dma_start3A_509 = arith.constant 0 : i32
        %dma_start3A_510 = tpu.memref_slice %arg9[%dma_start3A_503, %dma_start3A_509] : memref<2x128xi32, #tpu.memory_space<vmem>> -> memref<1x128xi32, #tpu.memory_space<vmem>>
        %dma_start3A_511 = tpu.memref_squeeze %dma_start3A_510 : memref<1x128xi32, #tpu.memory_space<vmem>> -> memref<128xi32, #tpu.memory_space<vmem>>
        %dma_start3A_512 = arith.constant 0 : i32
        %dma_start3A_513 = arith.constant 0 : i32
        %dma_start3A_514 = tpu.memref_slice %arg4[%dma_start3A_512, %dma_start3A_513] : memref<500000x128xf32, #tpu.memory_space<hbm>> -> memref<500000x128xf32, #tpu.memory_space<hbm>>
        tpu.enqueue_indirect_dma source(%dma_start3A_514 : memref<500000x128xf32, #tpu.memory_space<hbm>>) target(%dma_start3A_508 : memref<128x128xf32, #tpu.memory_space<vmem>>) offsets(%dma_start3A_511 : memref<128xi32, #tpu.memory_space<vmem>>) semaphore(%arg12 : memref<!tpu.dma_semaphore, #tpu.memory_space<semaphore_mem>>)
      } else {
      }
      %ge3A_299 = arith.constant 2 : i32
      %ge3A_300 = arith.cmpi sge, %add3A_278, %ge3A_299 : i32
      %convert_element_type3A_301 = arith.extui %ge3A_300 : i1 to i32
      %cond3A_302 = arith.constant 0 : i32
      %cond3A_303 = arith.cmpi ne, %convert_element_type3A_301, %cond3A_302 : i32
      scf.if %cond3A_303 {
        %dma_wait3A_345 = arith.constant 1 : i32
        %dma_wait3A_346 = arith.constant 0 : i32
        %dma_wait3A_347 = arith.constant 0 : i32
        %dma_wait3A_348 = arith.constant 0 : i32
        %dma_wait3A_349 = tpu.memref_slice %arg11[%dma_wait3A_345, %dma_wait3A_347, %dma_wait3A_348] : memref<2x128x64xf32, #tpu.memory_space<vmem>> -> memref<1x128x64xf32, #tpu.memory_space<vmem>>
        %dma_wait3A_350 = tpu.memref_squeeze %dma_wait3A_349 : memref<1x128x64xf32, #tpu.memory_space<vmem>> -> memref<128x64xf32, #tpu.memory_space<vmem>>
        %dma_wait3A_351 = arith.constant 0 : i32
        %dma_wait3A_352 = arith.constant 0 : i32
        %dma_wait3A_353 = tpu.memref_slice %arg5[%dma_wait3A_346, %dma_wait3A_351, %dma_wait3A_352] : memref<200x1024x64xf32, #tpu.memory_space<hbm>> -> memref<1x128x64xf32, #tpu.memory_space<hbm>>
        %dma_wait3A_354 = tpu.memref_squeeze %dma_wait3A_353 : memref<1x128x64xf32, #tpu.memory_space<hbm>> -> memref<128x64xf32, #tpu.memory_space<hbm>>
        %dma_wait3A_355 = arith.constant 0 : i32
        %dma_wait3A_356 = arith.constant 0 : i32
        %dma_wait3A_357 = tpu.memref_slice %arg5[%dma_wait3A_346, %dma_wait3A_355, %dma_wait3A_356] : memref<200x1024x64xf32, #tpu.memory_space<hbm>> -> memref<1x128x64xf32, #tpu.memory_space<hbm>>
        %dma_wait3A_358 = tpu.memref_squeeze %dma_wait3A_357 : memref<1x128x64xf32, #tpu.memory_space<hbm>> -> memref<128x64xf32, #tpu.memory_space<hbm>>
        %dma_wait3A_359 = arith.constant 0 : i32
        %dma_wait3A_360 = arith.constant 0 : i32
        %dma_wait3A_361 = tpu.memref_slice %arg11[%dma_wait3A_345, %dma_wait3A_359, %dma_wait3A_360] : memref<2x128x64xf32, #tpu.memory_space<vmem>> -> memref<1x128x64xf32, #tpu.memory_space<vmem>>
        %dma_wait3A_362 = tpu.memref_squeeze %dma_wait3A_361 : memref<1x128x64xf32, #tpu.memory_space<vmem>> -> memref<128x64xf32, #tpu.memory_space<vmem>>
        tpu.wait_dma2 semaphore(%arg15 : memref<!tpu.dma_semaphore, #tpu.memory_space<semaphore_mem>>) src(%dma_wait3A_362 : memref<128x64xf32, #tpu.memory_space<vmem>>) dst(%dma_wait3A_358 : memref<128x64xf32, #tpu.memory_space<hbm>>)
      } else {
      }
      %shift_right_arithmetic3A_304 = arith.constant 3 : i32
      %shift_right_arithmetic3A_305 = arith.shrsi %add3A_279, %shift_right_arithmetic3A_304 : i32
      %get3A_306 = arith.index_cast %shift_right_arithmetic3A_305 : i32 to index
      %get3A_307 = arith.constant 0 : index
      %get3A_308 = tpu.vector_load %arg6[%get3A_306, %get3A_307] {strides = array<i32>} : memref<200x64xf32, #tpu.memory_space<vmem>>, vector<16xf32>,
      %get3A_309 = arith.index_cast %shift_right_arithmetic3A_305 : i32 to index
      %get3A_310 = arith.constant 16 : index
      %get3A_311 = tpu.vector_load %arg6[%get3A_309, %get3A_310] {strides = array<i32>} : memref<200x64xf32, #tpu.memory_space<vmem>>, vector<16xf32>,
      %get3A_312 = arith.index_cast %shift_right_arithmetic3A_305 : i32 to index
      %get3A_313 = arith.constant 32 : index
      %get3A_314 = tpu.vector_load %arg6[%get3A_312, %get3A_313] {strides = array<i32>} : memref<200x64xf32, #tpu.memory_space<vmem>>, vector<16xf32>,
      %get3A_315 = arith.index_cast %shift_right_arithmetic3A_305 : i32 to index
      %get3A_316 = arith.constant 48 : index
      %get3A_317 = tpu.vector_load %arg6[%get3A_315, %get3A_316] {strides = array<i32>} : memref<200x64xf32, #tpu.memory_space<vmem>>, vector<16xf32>,
      %scan3A_318 = arith.constant 1 : i32
      %scan3A_319 = arith.constant 0 : i32
      %scan3A_320 = arith.constant 128 : i32
      %scan3A_321 = arith.addi %scan3A_319, %scan3A_320 : i32
      %scan3A_322 = arith.constant 2 : i32
      scf.for %scan3A_345 = %scan3A_319 to %scan3A_321 step %scan3A_322  : i32 {
        %mul3A_346 = arith.constant 1 : i32
        %mul3A_347 = arith.muli %scan3A_345, %mul3A_346 : i32
        %add3A_348 = arith.constant 0 : i32
        %add3A_349 = arith.addi %add3A_348, %mul3A_347 : i32
        %broadcast_in_dim3A = vector.broadcast %add3A_349 : i32 to vector<16xi32>
        %gather3A = arith.constant 0 : i32
        %gather3A_350 = tpu.memref_slice %arg8[%scan3A_318, %gather3A] : memref<2x128xi32, #tpu.memory_space<vmem>> -> memref<1x128xi32, #tpu.memory_space<vmem>>
        %gather3A_351 = tpu.memref_squeeze %gather3A_350 : memref<1x128xi32, #tpu.memory_space<vmem>> -> memref<128xi32, #tpu.memory_space<vmem>>
        %gather3A_352 = tpu.vector_load_idx %gather3A_351[%broadcast_in_dim3A] : memref<128xi32, #tpu.memory_space<vmem>>[vector<16xi32>], vector<16xi32>,
        %and3A_353 = arith.constant 1 : i32
        %and3A_354 = vector.broadcast %and3A_353 : i32 to vector<16xi32>
        %and3A_355 = arith.andi %gather3A_352, %and3A_354 : vector<16xi32>
        %gt3A = arith.constant 0 : i32
        %gt3A_356 = vector.broadcast %gt3A : i32 to vector<16xi32>
        %gt3A_357 = arith.cmpi sgt, %and3A_355, %gt3A_356 : vector<16xi32>
        %get3A_358 = arith.constant 1 : i32
        %get3A_359 = arith.index_cast %get3A_358 : i32 to index
        %get3A_360 = arith.index_cast %add3A_349 : i32 to index
        %get3A_361 = arith.constant 0 : index
        %get3A_362 = tpu.vector_load %arg10[%get3A_359, %get3A_360, %get3A_361] {strides = array<i32>} : memref<2x128x128xf32, #tpu.memory_space<vmem>>, vector<16xf32>,
        %get3A_363 = arith.constant 1 : i32
        %get3A_364 = arith.index_cast %get3A_363 : i32 to index
        %get3A_365 = arith.index_cast %add3A_349 : i32 to index
        %get3A_366 = arith.constant 64 : index
        %get3A_367 = tpu.vector_load %arg10[%get3A_364, %get3A_365, %get3A_366] {strides = array<i32>} : memref<2x128x128xf32, #tpu.memory_space<vmem>>, vector<16xf32>,
        %select_n3A = arith.select %gt3A_357, %get3A_367, %get3A_362 : vector<16xi1>, vector<16xf32>
        %mul3A_368 = arith.constant 8.000000e+00 : f32
        %mul3A_369 = vector.broadcast %mul3A_368 : f32 to vector<16xf32>
        %mul3A_370 = arith.mulf %select_n3A, %mul3A_369 : vector<16xf32>
        %add3A_371 = arith.addf %mul3A_370, %get3A_308 : vector<16xf32>
        %swap3A_372 = arith.constant 1 : i32
        %swap3A_373 = arith.index_cast %swap3A_372 : i32 to index
        %swap3A_374 = arith.index_cast %add3A_349 : i32 to index
        %swap3A_375 = arith.constant 0 : index
        %swap3A_376 = tpu.vector_load %arg11[%swap3A_373, %swap3A_374, %swap3A_375] {strides = array<i32>} : memref<2x128x64xf32, #tpu.memory_space<vmem>>, vector<16xf32>,
        tpu.vector_store %arg11[%swap3A_373, %swap3A_374, %swap3A_375], %add3A_371 {strides = array<i32>} : memref<2x128x64xf32, #tpu.memory_space<vmem>>, vector<16xf32>,
        %get3A_377 = arith.constant 1 : i32
        %get3A_378 = arith.index_cast %get3A_377 : i32 to index
        %get3A_379 = arith.index_cast %add3A_349 : i32 to index
        %get3A_380 = arith.constant 16 : index
        %get3A_381 = tpu.vector_load %arg10[%get3A_378, %get3A_379, %get3A_380] {strides = array<i32>} : memref<2x128x128xf32, #tpu.memory_space<vmem>>, vector<16xf32>,
        %get3A_382 = arith.constant 1 : i32
        %get3A_383 = arith.index_cast %get3A_382 : i32 to index
        %get3A_384 = arith.index_cast %add3A_349 : i32 to index
        %get3A_385 = arith.constant 80 : index
        %get3A_386 = tpu.vector_load %arg10[%get3A_383, %get3A_384, %get3A_385] {strides = array<i32>} : memref<2x128x128xf32, #tpu.memory_space<vmem>>, vector<16xf32>,
        %select_n3A_387 = arith.select %gt3A_357, %get3A_386, %get3A_381 : vector<16xi1>, vector<16xf32>
        %mul3A_388 = arith.constant 8.000000e+00 : f32
        %mul3A_389 = vector.broadcast %mul3A_388 : f32 to vector<16xf32>
        %mul3A_390 = arith.mulf %select_n3A_387, %mul3A_389 : vector<16xf32>
        %add3A_391 = arith.addf %mul3A_390, %get3A_311 : vector<16xf32>
        %swap3A_392 = arith.constant 1 : i32
        %swap3A_393 = arith.index_cast %swap3A_392 : i32 to index
        %swap3A_394 = arith.index_cast %add3A_349 : i32 to index
        %swap3A_395 = arith.constant 16 : index
        %swap3A_396 = tpu.vector_load %arg11[%swap3A_393, %swap3A_394, %swap3A_395] {strides = array<i32>} : memref<2x128x64xf32, #tpu.memory_space<vmem>>, vector<16xf32>,
        tpu.vector_store %arg11[%swap3A_393, %swap3A_394, %swap3A_395], %add3A_391 {strides = array<i32>} : memref<2x128x64xf32, #tpu.memory_space<vmem>>, vector<16xf32>,
        %get3A_397 = arith.constant 1 : i32
        %get3A_398 = arith.index_cast %get3A_397 : i32 to index
        %get3A_399 = arith.index_cast %add3A_349 : i32 to index
        %get3A_400 = arith.constant 32 : index
        %get3A_401 = tpu.vector_load %arg10[%get3A_398, %get3A_399, %get3A_400] {strides = array<i32>} : memref<2x128x128xf32, #tpu.memory_space<vmem>>, vector<16xf32>,
        %get3A_402 = arith.constant 1 : i32
        %get3A_403 = arith.index_cast %get3A_402 : i32 to index
        %get3A_404 = arith.index_cast %add3A_349 : i32 to index
        %get3A_405 = arith.constant 96 : index
        %get3A_406 = tpu.vector_load %arg10[%get3A_403, %get3A_404, %get3A_405] {strides = array<i32>} : memref<2x128x128xf32, #tpu.memory_space<vmem>>, vector<16xf32>,
        %select_n3A_407 = arith.select %gt3A_357, %get3A_406, %get3A_401 : vector<16xi1>, vector<16xf32>
        %mul3A_408 = arith.constant 8.000000e+00 : f32
        %mul3A_409 = vector.broadcast %mul3A_408 : f32 to vector<16xf32>
        %mul3A_410 = arith.mulf %select_n3A_407, %mul3A_409 : vector<16xf32>
        %add3A_411 = arith.addf %mul3A_410, %get3A_314 : vector<16xf32>
        %swap3A_412 = arith.constant 1 : i32
        %swap3A_413 = arith.index_cast %swap3A_412 : i32 to index
        %swap3A_414 = arith.index_cast %add3A_349 : i32 to index
        %swap3A_415 = arith.constant 32 : index
        %swap3A_416 = tpu.vector_load %arg11[%swap3A_413, %swap3A_414, %swap3A_415] {strides = array<i32>} : memref<2x128x64xf32, #tpu.memory_space<vmem>>, vector<16xf32>,
        tpu.vector_store %arg11[%swap3A_413, %swap3A_414, %swap3A_415], %add3A_411 {strides = array<i32>} : memref<2x128x64xf32, #tpu.memory_space<vmem>>, vector<16xf32>,
        %get3A_417 = arith.constant 1 : i32
        %get3A_418 = arith.index_cast %get3A_417 : i32 to index
        %get3A_419 = arith.index_cast %add3A_349 : i32 to index
        %get3A_420 = arith.constant 48 : index
        %get3A_421 = tpu.vector_load %arg10[%get3A_418, %get3A_419, %get3A_420] {strides = array<i32>} : memref<2x128x128xf32, #tpu.memory_space<vmem>>, vector<16xf32>,
        %get3A_422 = arith.constant 1 : i32
        %get3A_423 = arith.index_cast %get3A_422 : i32 to index
        %get3A_424 = arith.index_cast %add3A_349 : i32 to index
        %get3A_425 = arith.constant 112 : index
        %get3A_426 = tpu.vector_load %arg10[%get3A_423, %get3A_424, %get3A_425] {strides = array<i32>} : memref<2x128x128xf32, #tpu.memory_space<vmem>>, vector<16xf32>,
        %select_n3A_427 = arith.select %gt3A_357, %get3A_426, %get3A_421 : vector<16xi1>, vector<16xf32>
        %mul3A_428 = arith.constant 8.000000e+00 : f32
        %mul3A_429 = vector.broadcast %mul3A_428 : f32 to vector<16xf32>
        %mul3A_430 = arith.mulf %select_n3A_427, %mul3A_429 : vector<16xf32>
        %add3A_431 = arith.addf %mul3A_430, %get3A_317 : vector<16xf32>
        %swap3A_432 = arith.constant 1 : i32
        %swap3A_433 = arith.index_cast %swap3A_432 : i32 to index
        %swap3A_434 = arith.index_cast %add3A_349 : i32 to index
        %swap3A_435 = arith.constant 48 : index
        %swap3A_436 = tpu.vector_load %arg11[%swap3A_433, %swap3A_434, %swap3A_435] {strides = array<i32>} : memref<2x128x64xf32, #tpu.memory_space<vmem>>, vector<16xf32>,
        tpu.vector_store %arg11[%swap3A_433, %swap3A_434, %swap3A_435], %add3A_431 {strides = array<i32>} : memref<2x128x64xf32, #tpu.memory_space<vmem>>, vector<16xf32>,
        %scan3A_437 = arith.constant 1 : i32
        %scan3A_438 = arith.addi %scan3A_345, %scan3A_437 : i32
        %mul3A_439 = arith.constant 1 : i32
        %mul3A_440 = arith.muli %scan3A_438, %mul3A_439 : i32
        %add3A_441 = arith.constant 0 : i32
        %add3A_442 = arith.addi %add3A_441, %mul3A_440 : i32
        %broadcast_in_dim3A_443 = vector.broadcast %add3A_442 : i32 to vector<16xi32>
        %gather3A_444 = arith.constant 0 : i32
        %gather3A_445 = tpu.memref_slice %arg8[%scan3A_318, %gather3A_444] : memref<2x128xi32, #tpu.memory_space<vmem>> -> memref<1x128xi32, #tpu.memory_space<vmem>>
        %gather3A_446 = tpu.memref_squeeze %gather3A_445 : memref<1x128xi32, #tpu.memory_space<vmem>> -> memref<128xi32, #tpu.memory_space<vmem>>
        %gather3A_447 = tpu.vector_load_idx %gather3A_446[%broadcast_in_dim3A_443] : memref<128xi32, #tpu.memory_space<vmem>>[vector<16xi32>], vector<16xi32>,
        %and3A_448 = arith.constant 1 : i32
        %and3A_449 = vector.broadcast %and3A_448 : i32 to vector<16xi32>
        %and3A_450 = arith.andi %gather3A_447, %and3A_449 : vector<16xi32>
        %gt3A_451 = arith.constant 0 : i32
        %gt3A_452 = vector.broadcast %gt3A_451 : i32 to vector<16xi32>
        %gt3A_453 = arith.cmpi sgt, %and3A_450, %gt3A_452 : vector<16xi32>
        %get3A_454 = arith.constant 1 : i32
        %get3A_455 = arith.index_cast %get3A_454 : i32 to index
        %get3A_456 = arith.index_cast %add3A_442 : i32 to index
        %get3A_457 = arith.constant 0 : index
        %get3A_458 = tpu.vector_load %arg10[%get3A_455, %get3A_456, %get3A_457] {strides = array<i32>} : memref<2x128x128xf32, #tpu.memory_space<vmem>>, vector<16xf32>,
        %get3A_459 = arith.constant 1 : i32
        %get3A_460 = arith.index_cast %get3A_459 : i32 to index
        %get3A_461 = arith.index_cast %add3A_442 : i32 to index
        %get3A_462 = arith.constant 64 : index
        %get3A_463 = tpu.vector_load %arg10[%get3A_460, %get3A_461, %get3A_462] {strides = array<i32>} : memref<2x128x128xf32, #tpu.memory_space<vmem>>, vector<16xf32>,
        %select_n3A_464 = arith.select %gt3A_453, %get3A_463, %get3A_458 : vector<16xi1>, vector<16xf32>
        %mul3A_465 = arith.constant 8.000000e+00 : f32
        %mul3A_466 = vector.broadcast %mul3A_465 : f32 to vector<16xf32>
        %mul3A_467 = arith.mulf %select_n3A_464, %mul3A_466 : vector<16xf32>
        %add3A_468 = arith.addf %mul3A_467, %get3A_308 : vector<16xf32>
        %swap3A_469 = arith.constant 1 : i32
        %swap3A_470 = arith.index_cast %swap3A_469 : i32 to index
        %swap3A_471 = arith.index_cast %add3A_442 : i32 to index
        %swap3A_472 = arith.constant 0 : index
        %swap3A_473 = tpu.vector_load %arg11[%swap3A_470, %swap3A_471, %swap3A_472] {strides = array<i32>} : memref<2x128x64xf32, #tpu.memory_space<vmem>>, vector<16xf32>,
        tpu.vector_store %arg11[%swap3A_470, %swap3A_471, %swap3A_472], %add3A_468 {strides = array<i32>} : memref<2x128x64xf32, #tpu.memory_space<vmem>>, vector<16xf32>,
        %get3A_474 = arith.constant 1 : i32
        %get3A_475 = arith.index_cast %get3A_474 : i32 to index
        %get3A_476 = arith.index_cast %add3A_442 : i32 to index
        %get3A_477 = arith.constant 16 : index
        %get3A_478 = tpu.vector_load %arg10[%get3A_475, %get3A_476, %get3A_477] {strides = array<i32>} : memref<2x128x128xf32, #tpu.memory_space<vmem>>, vector<16xf32>,
        %get3A_479 = arith.constant 1 : i32
        %get3A_480 = arith.index_cast %get3A_479 : i32 to index
        %get3A_481 = arith.index_cast %add3A_442 : i32 to index
        %get3A_482 = arith.constant 80 : index
        %get3A_483 = tpu.vector_load %arg10[%get3A_480, %get3A_481, %get3A_482] {strides = array<i32>} : memref<2x128x128xf32, #tpu.memory_space<vmem>>, vector<16xf32>,
        %select_n3A_484 = arith.select %gt3A_453, %get3A_483, %get3A_478 : vector<16xi1>, vector<16xf32>
        %mul3A_485 = arith.constant 8.000000e+00 : f32
        %mul3A_486 = vector.broadcast %mul3A_485 : f32 to vector<16xf32>
        %mul3A_487 = arith.mulf %select_n3A_484, %mul3A_486 : vector<16xf32>
        %add3A_488 = arith.addf %mul3A_487, %get3A_311 : vector<16xf32>
        %swap3A_489 = arith.constant 1 : i32
        %swap3A_490 = arith.index_cast %swap3A_489 : i32 to index
        %swap3A_491 = arith.index_cast %add3A_442 : i32 to index
        %swap3A_492 = arith.constant 16 : index
        %swap3A_493 = tpu.vector_load %arg11[%swap3A_490, %swap3A_491, %swap3A_492] {strides = array<i32>} : memref<2x128x64xf32, #tpu.memory_space<vmem>>, vector<16xf32>,
        tpu.vector_store %arg11[%swap3A_490, %swap3A_491, %swap3A_492], %add3A_488 {strides = array<i32>} : memref<2x128x64xf32, #tpu.memory_space<vmem>>, vector<16xf32>,
        %get3A_494 = arith.constant 1 : i32
        %get3A_495 = arith.index_cast %get3A_494 : i32 to index
        %get3A_496 = arith.index_cast %add3A_442 : i32 to index
        %get3A_497 = arith.constant 32 : index
        %get3A_498 = tpu.vector_load %arg10[%get3A_495, %get3A_496, %get3A_497] {strides = array<i32>} : memref<2x128x128xf32, #tpu.memory_space<vmem>>, vector<16xf32>,
        %get3A_499 = arith.constant 1 : i32
        %get3A_500 = arith.index_cast %get3A_499 : i32 to index
        %get3A_501 = arith.index_cast %add3A_442 : i32 to index
        %get3A_502 = arith.constant 96 : index
        %get3A_503 = tpu.vector_load %arg10[%get3A_500, %get3A_501, %get3A_502] {strides = array<i32>} : memref<2x128x128xf32, #tpu.memory_space<vmem>>, vector<16xf32>,
        %select_n3A_504 = arith.select %gt3A_453, %get3A_503, %get3A_498 : vector<16xi1>, vector<16xf32>
        %mul3A_505 = arith.constant 8.000000e+00 : f32
        %mul3A_506 = vector.broadcast %mul3A_505 : f32 to vector<16xf32>
        %mul3A_507 = arith.mulf %select_n3A_504, %mul3A_506 : vector<16xf32>
        %add3A_508 = arith.addf %mul3A_507, %get3A_314 : vector<16xf32>
        %swap3A_509 = arith.constant 1 : i32
        %swap3A_510 = arith.index_cast %swap3A_509 : i32 to index
        %swap3A_511 = arith.index_cast %add3A_442 : i32 to index
        %swap3A_512 = arith.constant 32 : index
        %swap3A_513 = tpu.vector_load %arg11[%swap3A_510, %swap3A_511, %swap3A_512] {strides = array<i32>} : memref<2x128x64xf32, #tpu.memory_space<vmem>>, vector<16xf32>,
        tpu.vector_store %arg11[%swap3A_510, %swap3A_511, %swap3A_512], %add3A_508 {strides = array<i32>} : memref<2x128x64xf32, #tpu.memory_space<vmem>>, vector<16xf32>,
        %get3A_514 = arith.constant 1 : i32
        %get3A_515 = arith.index_cast %get3A_514 : i32 to index
        %get3A_516 = arith.index_cast %add3A_442 : i32 to index
        %get3A_517 = arith.constant 48 : index
        %get3A_518 = tpu.vector_load %arg10[%get3A_515, %get3A_516, %get3A_517] {strides = array<i32>} : memref<2x128x128xf32, #tpu.memory_space<vmem>>, vector<16xf32>,
        %get3A_519 = arith.constant 1 : i32
        %get3A_520 = arith.index_cast %get3A_519 : i32 to index
        %get3A_521 = arith.index_cast %add3A_442 : i32 to index
        %get3A_522 = arith.constant 112 : index
        %get3A_523 = tpu.vector_load %arg10[%get3A_520, %get3A_521, %get3A_522] {strides = array<i32>} : memref<2x128x128xf32, #tpu.memory_space<vmem>>, vector<16xf32>,
        %select_n3A_524 = arith.select %gt3A_453, %get3A_523, %get3A_518 : vector<16xi1>, vector<16xf32>
        %mul3A_525 = arith.constant 8.000000e+00 : f32
        %mul3A_526 = vector.broadcast %mul3A_525 : f32 to vector<16xf32>
        %mul3A_527 = arith.mulf %select_n3A_524, %mul3A_526 : vector<16xf32>
        %add3A_528 = arith.addf %mul3A_527, %get3A_317 : vector<16xf32>
        %swap3A_529 = arith.constant 1 : i32
        %swap3A_530 = arith.index_cast %swap3A_529 : i32 to index
        %swap3A_531 = arith.index_cast %add3A_442 : i32 to index
        %swap3A_532 = arith.constant 48 : index
        %swap3A_533 = tpu.vector_load %arg11[%swap3A_530, %swap3A_531, %swap3A_532] {strides = array<i32>} : memref<2x128x64xf32, #tpu.memory_space<vmem>>, vector<16xf32>,
        tpu.vector_store %arg11[%swap3A_530, %swap3A_531, %swap3A_532], %add3A_528 {strides = array<i32>} : memref<2x128x64xf32, #tpu.memory_space<vmem>>, vector<16xf32>,
      }
      %scan3A_323 = arith.constant 128 : i32
      %shift_right_arithmetic3A_324 = arith.constant 3 : i32
      %shift_right_arithmetic3A_325 = arith.shrsi %add3A_279, %shift_right_arithmetic3A_324 : i32
      %and3A_326 = arith.constant 7 : i32
      %and3A_327 = arith.andi %add3A_279, %and3A_326 : i32
      %mul3A_328 = arith.constant 128 : i32
      %mul3A_329 = arith.muli %and3A_327, %mul3A_328 : i32
      %dma_start3A_330 = arith.constant 1 : i32
      %dma_start3A_331 = arith.constant 0 : i32
      %dma_start3A_332 = arith.constant 0 : i32
      %dma_start3A_333 = tpu.memref_slice %arg11[%dma_start3A_330, %dma_start3A_331, %dma_start3A_332] : memref<2x128x64xf32, #tpu.memory_space<vmem>> -> memref<1x128x64xf32, #tpu.memory_space<vmem>>
      %dma_start3A_334 = tpu.memref_squeeze %dma_start3A_333 : memref<1x128x64xf32, #tpu.memory_space<vmem>> -> memref<128x64xf32, #tpu.memory_space<vmem>>
      %dma_start3A_335 = arith.constant 0 : i32
      %dma_start3A_336 = tpu.memref_slice %arg5[%shift_right_arithmetic3A_325, %mul3A_329, %dma_start3A_335] : memref<200x1024x64xf32, #tpu.memory_space<hbm>> -> memref<1x128x64xf32, #tpu.memory_space<hbm>>
      %dma_start3A_337 = tpu.memref_squeeze %dma_start3A_336 : memref<1x128x64xf32, #tpu.memory_space<hbm>> -> memref<128x64xf32, #tpu.memory_space<hbm>>
      %dma_start3A_338 = arith.constant 0 : i32
      %dma_start3A_339 = tpu.memref_slice %arg5[%shift_right_arithmetic3A_325, %mul3A_329, %dma_start3A_338] : memref<200x1024x64xf32, #tpu.memory_space<hbm>> -> memref<1x128x64xf32, #tpu.memory_space<hbm>>
      %dma_start3A_340 = tpu.memref_squeeze %dma_start3A_339 : memref<1x128x64xf32, #tpu.memory_space<hbm>> -> memref<128x64xf32, #tpu.memory_space<hbm>>
      %dma_start3A_341 = arith.constant 0 : i32
      %dma_start3A_342 = arith.constant 0 : i32
      %dma_start3A_343 = tpu.memref_slice %arg11[%dma_start3A_330, %dma_start3A_341, %dma_start3A_342] : memref<2x128x64xf32, #tpu.memory_space<vmem>> -> memref<1x128x64xf32, #tpu.memory_space<vmem>>
      %dma_start3A_344 = tpu.memref_squeeze %dma_start3A_343 : memref<1x128x64xf32, #tpu.memory_space<vmem>> -> memref<128x64xf32, #tpu.memory_space<vmem>>
      tpu.enqueue_dma source(%dma_start3A_344 : memref<128x64xf32, #tpu.memory_space<vmem>>) target(%dma_start3A_340 : memref<128x64xf32, #tpu.memory_space<hbm>>) target_semaphore(%arg15 : memref<!tpu.dma_semaphore, #tpu.memory_space<semaphore_mem>>)
    }
    %scan3A_172 = arith.constant 25 : i32
    %dma_wait3A = arith.constant 0 : i32
    %dma_wait3A_173 = arith.constant 0 : i32
    %dma_wait3A_174 = arith.constant 0 : i32
    %dma_wait3A_175 = arith.constant 0 : i32
    %dma_wait3A_176 = tpu.memref_slice %arg11[%dma_wait3A, %dma_wait3A_174, %dma_wait3A_175] : memref<2x128x64xf32, #tpu.memory_space<vmem>> -> memref<1x128x64xf32, #tpu.memory_space<vmem>>
    %dma_wait3A_177 = tpu.memref_squeeze %dma_wait3A_176 : memref<1x128x64xf32, #tpu.memory_space<vmem>> -> memref<128x64xf32, #tpu.memory_space<vmem>>
    %dma_wait3A_178 = arith.constant 0 : i32
    %dma_wait3A_179 = arith.constant 0 : i32
    %dma_wait3A_180 = tpu.memref_slice %arg5[%dma_wait3A_173, %dma_wait3A_178, %dma_wait3A_179] : memref<200x1024x64xf32, #tpu.memory_space<hbm>> -> memref<1x128x64xf32, #tpu.memory_space<hbm>>
    %dma_wait3A_181 = tpu.memref_squeeze %dma_wait3A_180 : memref<1x128x64xf32, #tpu.memory_space<hbm>> -> memref<128x64xf32, #tpu.memory_space<hbm>>
    %dma_wait3A_182 = arith.constant 0 : i32
    %dma_wait3A_183 = arith.constant 0 : i32
    %dma_wait3A_184 = tpu.memref_slice %arg5[%dma_wait3A_173, %dma_wait3A_182, %dma_wait3A_183] : memref<200x1024x64xf32, #tpu.memory_space<hbm>> -> memref<1x128x64xf32, #tpu.memory_space<hbm>>
    %dma_wait3A_185 = tpu.memref_squeeze %dma_wait3A_184 : memref<1x128x64xf32, #tpu.memory_space<hbm>> -> memref<128x64xf32, #tpu.memory_space<hbm>>
    %dma_wait3A_186 = arith.constant 0 : i32
    %dma_wait3A_187 = arith.constant 0 : i32
    %dma_wait3A_188 = tpu.memref_slice %arg11[%dma_wait3A, %dma_wait3A_186, %dma_wait3A_187] : memref<2x128x64xf32, #tpu.memory_space<vmem>> -> memref<1x128x64xf32, #tpu.memory_space<vmem>>
    %dma_wait3A_189 = tpu.memref_squeeze %dma_wait3A_188 : memref<1x128x64xf32, #tpu.memory_space<vmem>> -> memref<128x64xf32, #tpu.memory_space<vmem>>
    tpu.wait_dma2 semaphore(%arg14 : memref<!tpu.dma_semaphore, #tpu.memory_space<semaphore_mem>>) src(%dma_wait3A_189 : memref<128x64xf32, #tpu.memory_space<vmem>>) dst(%dma_wait3A_185 : memref<128x64xf32, #tpu.memory_space<hbm>>)
    %dma_wait3A_190 = arith.constant 1 : i32
    %dma_wait3A_191 = arith.constant 0 : i32
    %dma_wait3A_192 = arith.constant 0 : i32
    %dma_wait3A_193 = arith.constant 0 : i32
    %dma_wait3A_194 = tpu.memref_slice %arg11[%dma_wait3A_190, %dma_wait3A_192, %dma_wait3A_193] : memref<2x128x64xf32, #tpu.memory_space<vmem>> -> memref<1x128x64xf32, #tpu.memory_space<vmem>>
    %dma_wait3A_195 = tpu.memref_squeeze %dma_wait3A_194 : memref<1x128x64xf32, #tpu.memory_space<vmem>> -> memref<128x64xf32, #tpu.memory_space<vmem>>
    %dma_wait3A_196 = arith.constant 0 : i32
    %dma_wait3A_197 = arith.constant 0 : i32
    %dma_wait3A_198 = tpu.memref_slice %arg5[%dma_wait3A_191, %dma_wait3A_196, %dma_wait3A_197] : memref<200x1024x64xf32, #tpu.memory_space<hbm>> -> memref<1x128x64xf32, #tpu.memory_space<hbm>>
    %dma_wait3A_199 = tpu.memref_squeeze %dma_wait3A_198 : memref<1x128x64xf32, #tpu.memory_space<hbm>> -> memref<128x64xf32, #tpu.memory_space<hbm>>
    %dma_wait3A_200 = arith.constant 0 : i32
    %dma_wait3A_201 = arith.constant 0 : i32
    %dma_wait3A_202 = tpu.memref_slice %arg5[%dma_wait3A_191, %dma_wait3A_200, %dma_wait3A_201] : memref<200x1024x64xf32, #tpu.memory_space<hbm>> -> memref<1x128x64xf32, #tpu.memory_space<hbm>>
    %dma_wait3A_203 = tpu.memref_squeeze %dma_wait3A_202 : memref<1x128x64xf32, #tpu.memory_space<hbm>> -> memref<128x64xf32, #tpu.memory_space<hbm>>
    %dma_wait3A_204 = arith.constant 0 : i32
    %dma_wait3A_205 = arith.constant 0 : i32
    %dma_wait3A_206 = tpu.memref_slice %arg11[%dma_wait3A_190, %dma_wait3A_204, %dma_wait3A_205] : memref<2x128x64xf32, #tpu.memory_space<vmem>> -> memref<1x128x64xf32, #tpu.memory_space<vmem>>
    %dma_wait3A_207 = tpu.memref_squeeze %dma_wait3A_206 : memref<1x128x64xf32, #tpu.memory_space<vmem>> -> memref<128x64xf32, #tpu.memory_space<vmem>>
    tpu.wait_dma2 semaphore(%arg15 : memref<!tpu.dma_semaphore, #tpu.memory_space<semaphore_mem>>) src(%dma_wait3A_207 : memref<128x64xf32, #tpu.memory_space<vmem>>) dst(%dma_wait3A_203 : memref<128x64xf32, #tpu.memory_space<hbm>>)
    return
  }
}

</mosaic_0001>

<sc_bundles>
// kernel: kernel.4.cloned.1.call-start
scs
__scs_entry_jumppad:
0x0: {  	(pc) =	sbr.rel $0x88, $3  }
0x1: {  	(tag) =	ssettag $0x0;
	lr =	simm.s32 $0x1  }
0x2: {  	[smem:$0x3F9F] =	sst lr;
	_ =	strace $0xD0000000  }
0x3: {  	_ = 	snop  }
0x4: {  	_ = 	snop  }
0x5: {  	_ = 	snop  }
0x6: {  	_ = 	snop  }
0x7: {  	_ = 	snop  }
__scs_overlays_trampoline_lowered:
0x8: {  	[smem:$0x3FAE] =	sst s0  }
0x9: {  	[smem:$0x3FAF] =	sst s1  }
0xa: {  	[smem:$0x3FB0] =	sst s2  }
0xb: {  	[smem:$0x3FB1] =	sst s3  }
0xc: {  	[smem:$0x3FB2] =	sst s4  }
0xd: {  	[smem:$0x3FB3] =	sst s5  }
0xe: {  	[smem:$0x3FB4] =	sst s6  }
0xf: {  	[smem:$0x3FB5] =	sst s7  }
0x10: {  	[smem:$0x3FB6] =	sst s8  }
0x11: {  	[smem:$0x3FB7] =	sst s9;
	s0 =	simm.s32 @!p0 $0x0  }
0x12: {  	s1 =	sld [smem:$0x3F9D];
	s0 =	simm.s32 @p0 $0x1  }
0x13: {  	[smem:$0x3FB8] =	sst s0;
	s0 =	simm.s32 @!p1 $0x0  }
0x14: {  	s2 =	sld [smem:$0x3F9C];
	s0 =	simm.s32 @p1 $0x1  }
0x15: {  	[smem:$0x3FB9] =	sst s0;
	s0 =	simm.s32 @!p2 $0x0  }
0x16: {  	s3 =	sld [smem:$0x3FDB];
	s0 =	simm.s32 @p2 $0x1  }
0x17: {  	s4 =	simm.s32 $0x1BF5;
	[smem:$0x3FBB] =	sst s0  }
0x18: {  	s0 =	sld [smem:$0x3F9E];
	_ =	swait.ge [sflag:s4], $0x0  }
0x19: {  	s7 =	sld [smem:$0x3F9F]  }
0x1a: {  	s8 =	sadd.s32 $0xFFFFE003, lr  }
0x1b: {  	s9 =	sadd.s32 $0xFFFFFEF7, lr;
	s5 =	simm.s32 $0xFFFFFFFF;
	p2 =	slt.u32 s8, $0xFFFFF086  }
0x1c: {  	p1 =	slt.u32 s9, $0xF7A;
	s5 =	simm.s32 @!p2 $0x0  }
0x1d: {  	s5 =	simm.s32 @p1 $0x1;
	p0 =	seq.s32 s7, s2  }
0x1e: {  	s7 =	smul.u32 @!p0 $0xF7A, s2;
	p2 =	seq.s32 @!p0 s5, $0x0  }
0x1f: {  	s9 =	smul.u32 $0xF7A, s1;
	s8 =	simm.s32 @!p0 $0x1BF5;
	p2 =	por !p2, p0  }
0x20: {  	[sflag:s8] =	ssyncset.s32 @!p0 $0xFFFFF086;
	s6 =	sadd.s32 @!p0 s3, s7;
	s7 =	simm.s32 @!p0 $0x108  }
0x21: {  	s3 =	sadd.s32 s3, s9;
	s6 =	sadd.s32 @!p0 $0x88, s6;
	s7 =	simm.s32 @p2 $0x1082  }
0x22: {  	[simem:s7], [sflag:s8] =	dma.local @!p0 [hbm:s6], $0xF7A  }
0x23: {  	s9 =	sor.u32 $0xD0000000, s2;
	s6 =	simm.s32 $0x108;
	_ =	swait.ge @!p0 [sflag:s8], $0x0  }
0x24: {  	s3 =	sadd.s32 $0x88, s3;
	s6 =	simm.s32 @!p1 $0x1082;
	[sflag:s4] =	ssyncset.s32 $0xFFFFF086  }
0x25: {  	[simem:s6], [sflag:s4] =	dma.local [hbm:s3], $0xF7A  }
0x26: {  	[smem:$0x3F9F] =	sst s1;
	(tag) =	ssettag s2;
	_ =	strace s9  }
0x27: {  	s1 =	sld [smem:$0x3FAF]  }
0x28: {  	s2 =	sld [smem:$0x3FB0]  }
0x29: {  	s4 =	sld [smem:$0x3FB2]  }
0x2a: {  	p0 =	seq.s32 s5, $0x0;
	s5 =	sld [smem:$0x3FB3]  }
0x2b: {  	s6 =	sld [smem:$0x3FB4]  }
0x2c: {  	s7 =	sld [smem:$0x3FB5]  }
0x2d: {  	s3 =	simm.s32 $0x108;
	s8 =	sld [smem:$0x3FB6]  }
0x2e: {  	s3 =	simm.s32 @!p0 $0x1082;
	s9 =	sld [smem:$0x3FB7]  }
0x2f: {  	lr =	sadd.s32 s0, s3;
	s0 =	sld [smem:$0x3FAE]  }
0x30: {  	s3 =	sld [smem:$0x3FB1]  }
0x31: {  	[smem:$0x3FBA] =	sst s10  }
0x32: {  	s10 =	sld [smem:$0x3FB8];
	_ =	sdelay $0x3  }
0x33: {  	p0 =	seq.s32 s10, $0x1;
	s10 =	sld [smem:$0x3FBA];
	_ =	sdelay $0x3  }
0x34: {  	[smem:$0x3FBA] =	sst s10  }
0x35: {  	s10 =	sld [smem:$0x3FB9];
	_ =	sdelay $0x3  }
0x36: {  	p1 =	seq.s32 s10, $0x1;
	s10 =	sld [smem:$0x3FBA];
	_ =	sdelay $0x3  }
0x37: {  	[smem:$0x3FBA] =	sst s10  }
0x38: {  	s10 =	sld [smem:$0x3FBB]  }
0x39: {  	_ = 	snop;
	(pc) =	sbr.ind lr, $3  }
0x3a: {  	_ = 	snop  }
0x3b: {  	_ = 	snop  }
0x3c: {  	p2 =	seq.s32 s10, $0x1;
	s10 =	sld [smem:$0x3FBA]  }
0x3d: {  	_ =	shalt  }
0x3e: {  	_ =	shalt  }
0x3f: {  	_ =	shalt  }
0x40: {  	_ =	shalt  }
0x41: {  	_ =	shalt  }
0x42: {  	_ =	shalt  }
0x43: {  	_ =	shalt  }
0x44: {  	_ =	shalt  }
0x45: {  	_ =	shalt  }
0x46: {  	_ =	shalt  }
0x47: {  	_ =	shalt  }
0x48: {  	_ =	shalt  }
0x49: {  	_ =	shalt  }
0x4a: {  	_ =	shalt  }
0x4b: {  	_ =	shalt  }
0x4c: {  	_ =	shalt  }
0x4d: {  	_ =	shalt  }
0x4e: {  	_ =	shalt  }
0x4f: {  	_ =	shalt  }
0x50: {  	_ =	shalt  }
0x51: {  	_ =	shalt  }
0x52: {  	_ =	shalt  }
0x53: {  	_ =	shalt  }
0x54: {  	_ =	shalt  }
0x55: {  	_ =	shalt  }
0x56: {  	_ =	shalt  }
0x57: {  	_ =	shalt  }
0x58: {  	_ =	shalt  }
0x59: {  	_ =	shalt  }
0x5a: {  	_ =	shalt  }
0x5b: {  	_ =	shalt  }
0x5c: {  	_ =	shalt  }
0x5d: {  	_ =	shalt  }
0x5e: {  	_ =	shalt  }
0x5f: {  	_ =	shalt  }
0x60: {  	_ =	shalt  }
0x61: {  	_ =	shalt  }
0x62: {  	_ =	shalt  }
0x63: {  	_ =	shalt  }
0x64: {  	_ =	shalt  }
0x65: {  	_ =	shalt  }
0x66: {  	_ =	shalt  }
0x67: {  	_ =	shalt  }
0x68: {  	_ =	shalt  }
0x69: {  	_ =	shalt  }
0x6a: {  	_ =	shalt  }
0x6b: {  	_ =	shalt  }
0x6c: {  	_ =	shalt  }
0x6d: {  	_ =	shalt  }
0x6e: {  	_ =	shalt  }
0x6f: {  	_ =	shalt  }
0x70: {  	_ =	shalt  }
0x71: {  	_ =	shalt  }
0x72: {  	_ =	shalt  }
0x73: {  	_ =	shalt  }
0x74: {  	_ =	shalt  }
0x75: {  	_ =	shalt  }
0x76: {  	_ =	shalt  }
0x77: {  	_ =	shalt  }
0x78: {  	_ =	shalt  }
0x79: {  	_ =	shalt  }
0x7a: {  	_ =	shalt  }
0x7b: {  	_ =	shalt  }
0x7c: {  	_ =	shalt  }
0x7d: {  	_ =	shalt  }
0x7e: {  	_ =	shalt  }
0x7f: {  	_ =	shalt  }
0x80: {  	_ =	shalt  }
0x81: {  	_ =	shalt  }
0x82: {  	_ =	shalt  }
0x83: {  	_ =	shalt  }
0x84: {  	_ =	shalt  }
0x85: {  	_ =	shalt  }
0x86: {  	_ =	shalt  }
0x87: {  	_ =	shalt  }
.Lfunc_end0:
.L_simem_size_0:
called_computation.1_lowered:
.L_overlay_start_0:
0x88: {  	s2 =	sld [smem:$0x3FD9]  }
0x89: {  	s3 =	sld [smem:$0x3FFE];
	_ =	sdelay $0x1  }
0x8a: {  	s1 =	srdreg.scid  }
0x8b: {  	s0 =	sand.u32 $0x1, s1  }
0x8c: {  	s17 =	sshll.u32 s0, $0xA;
	s2 =	sadd.s32 s3, s2  }
0x8d: {  	s2 =	sadd.s32 s2, s17  }
0x8e: {  	[smem:$0x3FC6] =	sst s2  }
0x8f: {  	_ = 	snop  }
0x90: {  	s2 =	sld [smem:$0x3FC8];
	(tm) =	ssettm $0x1  }
0x91: {  	s18 =	sld [smem:$0x3FFB];
	_ =	sdelay $0x3  }
0x92: {  	_ =	strace s18  }
0x93: {  	s3 =	sld [smem:$0x3FFC];
	_ =	sdelay $0x3  }
0x94: {  	_ =	strace s3  }
0x95: {  	s3 =	sld [smem:$0x3FFD];
	_ =	sdelay $0x3  }
0x96: {  	_ =	strace s3  }
0x97: {  	_ =	strace $0x8FFFFFFF  }
0x98: {  	s19 =	sld [smem:$0x3FDB];
	_ =	sdelay $0x1  }
0x99: {  	s4 =	simm.s32 $_scs_section_size  }
0x9a: {  	s5 =	simm.s32 $_size__tile_overlayer_lowered;
	s6 =	simm.s32 $_tile_overlayer_lowered  }
0x9b: {  	s22 =	simm.s32 $0x1BFF;
	s21 =	sshll.u32 s6, $0x1;
	s3 =	sadd.s32 s4, s19  }
0x9c: {  	s7 =	simm.s32 $0x0;
	s20 =	sshll.u32 s5, $0x1;
	s5 =	sadd.s32 s21, s3  }
0x9d: {  	[timem:s7], [sflag:s22] =	dma.local [hbm:s5], s20  }
0x9e: {  	_ =	swait.ge [sflag:s22], s20  }
0x9f: {  	s4 =	ssub.s32 $0x0, s20;
	[sflag:s22] =	ssyncset.done $0x0  }
0xa0: {  	[sflag:s22] =	ssyncadd.s32 s4;
	_ =	sdelay $0x1  }
0xa1: {  	s23 =	simm.s32 $0x1B8B  }
0xa2: {  	_ =	swait.ge [sflag:s23], $0x1  }
0xa3: {  	[sflag:s23] =	ssyncset.done $0x0  }
0xa4: {  	s25 =	simm.s32 $0x1B8E;
	s24 =	sld [smem:$0x3FFE];
	[sflag:s23] =	ssyncadd.s32 $0xFFFFFFFF  }
0xa5: {  	s26 =	simm.s32 $execute0_lowered;
	[smem:$0x3FD2] =	sst s25  }
0xa6: {  	s5 =	sshll.u32 s26, $0x1;
	_ =	strace $0x80000046;
	[dreg:$0x1] =	wrdreg $0xFFFFFFFF  }
0xa7: {  	s28 =	simm.s32 $_size_execute0_lowered;
	s3 =	sadd.s32 s3, s5;
	[dreg:$0x0] =	wrdreg $0x0  }
0xa8: {  	s5 =	sshll.u32 s28, $0x1;
	[dreg:$0x2] =	wrdreg s3  }
0xa9: {  	[dreg:$0x3] =	wrdreg s5  }
0xaa: {  	[dreg:$0x4] =	wrdreg $0xC0  }
0xab: {  	_ =	task [dreg:s7], $0x5FFFF  }
0xac: {  	[dreg:$0x1] =	wrdreg $0xFFFFFFFF  }
0xad: {  	[dreg:$0x0] =	wrdreg $0x60  }
0xae: {  	[dreg:$0x2] =	wrdreg s2  }
0xaf: {  	[dreg:$0x3] =	wrdreg s24  }
0xb0: {  	[dreg:$0x4] =	wrdreg $0x9  }
0xb1: {  	_ =	task.clear_ibuf [dreg:s7], $0x5FFFF;
	_ =	strace $0x90000046  }
0xb2: {  	s29 =	simm.s32 $0x9;
	_ =	strace $0x80000048  }
0xb3: {  	_ =	swait.ge [sflag:s29], $0x1  }
0xb4: {  	[sflag:s29] =	ssyncadd.s32 $0xFFFFFFFF  }
0xb5: {  	_ =	strace $0x90000048  }
0xb6: {  	_ =	sfence  }
0xb7: {  	s30 =	sld [smem:$0x0];
	_ =	sdelay $0x2  }
0xb8: {  	s31 =	sshll.u32 s1, $0xD;
	s1 =	sshrl.u32 s1, $0x2  }
0xb9: {  	s3 =	sand.u32 $0x4000, s31;
	s1 =	sadd.s32 s1, s30  }
0xba: {  	s0 =	sor.u32 s3, s0;
	s1 =	sshll.u32 s1, $0x11  }
0xbb: {  	s0 =	sor.u32 s1, s0  }
0xbc: {  	s0 =	sadd.s32 $0x8F2B, s0  }
0xbd: {  	[sflag:s0] =	ssyncadd.remote.s32 $0x1  }
0xbe: {  	_ =	sfence.sel $0xFFFF  }
0xbf: {  	[dreg:$0x0] =	wrdreg $0xFFFFFFFF;
	(pc) =	sbr.abs _section_cstart, $3  }
0xc0: {  	[dreg:$0x1] =	wrdreg $0xFFFFFFFF  }
0xc1: {  	_ =	task.clear_ibuf [dreg:s7], $0x2FFFF;
	_ =	strace $0x9FFFFFFF  }
0xc2: {  	(tm) =	ssettm $0x7FFFFFFF  }
0xc3: {  	_ =	shalt  }
tec
execute0_lowered:
.L_overlay_start_1:
0x0: {  	(tag) =	ssettag $0x1  }
0x1: {  	v0 =	vimm.s32 $0x4B0A4908;
	v1 =	vimm.s32 $0x4F0E4D0C  }
0x2: {  	vm0 =	vcmask $0x1F10;
	v3 =	vimm.s32 $0x47064504;
	v4 =	vimm.s32 $0x5B1A5918  }
0x3: {  	v5 =	vimm.s32 $0x5F1E5D1C;
	v6 =	vimm.s32 $0x53125110;
	v7 =	vimm.s32 $0x57165514  }
0x4: {  	v8 =	vimm.s32 $0x7B3A7938;
	v9 =	vimm.s32 $0x7F3E7D3C;
	v10 =	vimm.s32 $0x73327130  }
0x5: {  	v11 =	vimm.s32 $0x77367534;
	v2 =	vunpack.c.0.s8.s32 v0;
	v1 =	vunpack.c.0.s8.s32 v1  }
0x6: {  	s0 =	rddreg [dreg:$0x0];
	v0 =	vlaneseq.u32;
	v3 =	vunpack.c.0.s8.s32 v3;
	v4 =	vunpack.c.0.s8.s32 v4  }
0x7: {  	s1 =	rddreg [dreg:$0x1];
	v5 =	vunpack.c.0.s8.s32 v5;
	v2 =	vsel vm0, v1, v2;
	v1 =	vimm.s32 $0x43024100  }
0x8: {  	s4 =	srdreg.scid;
	s2 =	stileid.u32;
	v8 =	vunpack.c.0.s8.s32 v8;
	v9 =	vunpack.c.0.s8.s32 v9;
	v1 =	vunpack.c.0.s8.s32 v1  }
0x9: {  	s3 =	simm.s32 $0x0;
	s14 =	simm.s32 $0x400;
	s15 =	simm.s32 $0x7A1400;
	v6 =	vunpack.c.0.s8.s32 v6;
	v10 =	vunpack.c.0.s8.s32 v10;
	v11 =	vunpack.c.0.s8.s32 v11  }
0xa: {  	s16 =	simm.s32 $0x2000;
	s17 =	simm.s32 $0x8000;
	s18 =	simm.s32 $0xA000;
	v7 =	vunpack.c.0.s8.s32 v7;
	v8 =	vsel vm0, v9, v8;
	v3 =	vsel vm0, v3, v1  }
0xb: {  	s19 =	simm.s32 $0x4000;
	s20 =	simm.s32 $0xC000;
	s21 =	simm.s32 $0x6000;
	v9 =	vsel vm0, v11, v10;
	v10 =	vor.u32 $0x20, v0;
	v2 =	vcombine.low v3, v2  }
0xc: {  	s22 =	simm.s32 $0xE000;
	s23 =	simm.s32 $0x0;
	[smem:$0x7FF] =	sst s3;
	v3 =	vsel vm0, v5, v4;
	v4 =	vsel vm0, v7, v6;
	v5 =	vimm.s32 $0x6B2A6928  }
0xd: {  	s5 =	sand.u32 $0x1, s4;
	s31 =	sshll.u32 s2, $0x1;
	s10 =	sadd.s32 $0x7A1600, s1;
	v6 =	vimm.s32 $0x6F2E6D2C;
	v7 =	vimm.s32 $0x67266524;
	v3 =	vcombine.low v4, v3  }
.Ltmp0:
0xe: {  	s4 =	sor.u32 s5, s31;
	s8 =	ssub.s32 $0x2, s5;
	v4 =	vunpack.c.0.s8.s32 v5;
	v5 =	vunpack.c.0.s8.s32 v6;
	v6 =	vimm.s32 $0x63226120;
	(pc) =	sbr.rel .LBB2_1-.Ltmp0, $4  }
0xf: {  	_ =	strace $0x80000047;
	s6 =	sshll.u32 s4, $0x7;
	s9 =	sshrl.u32 s8, $0x1;
	v1 =	vmul.u32 $0x80, v0;
	v7 =	vunpack.c.0.s8.s32 v7;
	v6 =	vunpack.c.0.s8.s32 v6  }
0x10: {  	s12 =	ssub.s32 $0x1EC4, s4;
	s13 =	ssub.s32 $0x1EA4, s4;
	v11 =	vor.u32 $0x30, v0;
	s5 =	sadd.s32 s0, s6;
	v8 =	vcombine.low v9, v8;
	v9 =	vor.u32 $0x10, v0  }
0x11: {  	s6 =	sadd.s32 $0x600, s1;
	s11 =	ssub.s32 s8, s9;
	s8 =	sor.u32 $0x80, s4;
	v12 =	vsel vm0, v5, v4;
	v4 =	vor.u32 $0x800, v1;
	v6 =	vsel vm0, v7, v6  }
0x12: {  	s9 =	sor.u32 $0xA0, s4;
	s7 =	sadd.s32 $0x1000, s5;
	s11 =	smax.u32 s11, $0x1;
	v5 =	vor.u32 $0x1000, v1;
	v7 =	vor.u32 $0x1800, v1;
	v6 =	vcombine.low v6, v12  }
.LBB2_21:
0x13: {  	s23 =	sadd.s32 $0x1, s23  }
0x14: {  	p0 =	sne.s32 s23, s11  }
.Ltmp1:
0x15: {  	_ = 	snop;
	(pc) =	sbr.rel @!p0 .LBB2_22-.Ltmp1, $1  }
0x16: {  	_ =	sdelay $0x3  }
.LBB2_1:
.Ltmp2:
0x17: {  	(pc) =	sbr.rel .LBB2_2-.Ltmp2, $4  }
0x18: {  	_ = 	snop  }
0x19: {  	[tilespmem:s3], [sflag:$0x1] =	stream.strided.gather [hbm4b:s5+s14], $0x2000, s15, s14, $0x38;
	[tilespmem:$0x10000] =	vst v63  }
0x1a: {  	s24 =	simm.s32 $0x0  }
0x1b: {  	[tilespmem:s16], [sflag:$0x2] =	stream.strided.gather [hbm4b:s7+s14], $0x2000, s15, s14, $0x38;
	[tilespmem:$0x10000] =	vst v63  }
.LBB2_20:
0x1c: {  	s24 =	sadd.s32 $0x1, s24  }
0x1d: {  	p0 =	sne.s32 s24, $0x3F  }
.Ltmp3:
0x1e: {  	_ = 	snop;
	(pc) =	sbr.rel @!p0 .LBB2_21-.Ltmp3, $1  }
0x1f: {  	_ =	sdelay $0x3  }
.LBB2_2:
0x20: {  	s25 =	sshll.u32 s24, $0x7  }
0x21: {  	s28 =	sor.u32 s4, s25  }
0x22: {  	p1 =	sgt.u32 s28, $0x1E84  }
0x23: {  	p2 =	seq.s32 s24, $0x0;
	s1 =	simm.s32 @!p1 $0x1  }
0x24: {  	p0 =	sge.u32 @!p2 s25, s12;
	_ =	swait.ge @!p1 [sflag:s1], $0x2000  }
0x25: {  	p3 =	por p0, p2;
	s26 =	sor.u32 $0x40, s28;
	[sflag:s1] =	ssyncset.done @!p1 $0x0  }
0x26: {  	p0 =	sgt.u32 s26, $0x1E84;
	[sflag:s1] =	ssyncadd.s32 @!p1 $0xFFFFE000;
	s1 =	simm.s32 @!p3 $0x7  }
.Ltmp4:
0x27: {  	s29 =	sshll.u32 @!p0 s26, $0x7;
	_ =	swait.ge @!p3 [sflag:s1], $0x2000;
	(pc) =	sbr.rel @p1 .LBB2_7-.Ltmp4, $4  }
0x28: {  	s30 =	simm.s32 @!p0 $0x7A1400;
	s31 =	simm.s32 @!p0 $0x4000;
	[sflag:s1] =	ssyncset.done @!p3 $0x0  }
0x29: {  	[sflag:s1] =	ssyncadd.s32 @!p3 $0xFFFFE000;
	s1 =	sadd.s32 @!p0 s0, s29;
	s29 =	simm.s32 @!p0 $0x400  }
0x2a: {  	[tilespmem:s31], [sflag:$0x3] =	stream.strided.gather @!p0 [hbm4b:s1+s29], $0x2000, s30, s29, $0x38;
	[tilespmem:$0x10000] =	vst v63  }
0x2b: {  	s1 =	simm.s32 $0x0  }
0x2c: {  	v12 =	vadd.s32 s1, v0  }
0x2d: {  	v13 =	vand.u32 $0x7F, v12  }
0x2e: {  	v14 =	vor.u32 v1, v13;
	_ =	sdelay $0x2  }
0x2f: {  	v12 =	vshll.u32 v12, $0x6  }
0x30: {  	v12 =	vand.u32 $0x1F80, v12  }
0x31: {  	v15 =	vor.u32 v2, v12;
	v14 =	vld.idx.msk [tilespmem:v14+s3+$0x0], $0xffff  }
0x32: {  	v16 =	vor.u32 v4, v13;
	_ =	sdelay $0x3  }
0x33: {  	[tilespmem:v15+s17+$0x0] =	vst.idx.msk $0xffff, v14  }
0x34: {  	v15 =	vor.u32 v3, v12;
	v14 =	vld.idx.msk [tilespmem:v16+s3+$0x0], $0xffff  }
0x35: {  	v54 =	vor.u32 v5, v13;
	_ =	sdelay $0x3  }
0x36: {  	[tilespmem:v15+s17+$0x0] =	vst.idx.msk $0xffff, v14  }
0x37: {  	v15 =	vor.u32 v6, v12;
	v14 =	vld.idx.msk [tilespmem:v54+s3+$0x0], $0xffff  }
0x38: {  	v13 =	vor.u32 v7, v13;
	_ =	sdelay $0x2  }
0x39: {  	s31 =	simm.s32 $0x1  }
0x3a: {  	[tilespmem:v15+s17+$0x0] =	vst.idx.msk $0xffff, v14;
	v14 =	vadd.s32 s31, v0  }
0x3b: {  	v12 =	vor.u32 v8, v12;
	v13 =	vld.idx.msk [tilespmem:v13+s3+$0x0], $0xffff;
	v15 =	vand.u32 $0x7F, v14  }
0x3c: {  	v55 =	vor.u32 v1, v15;
	_ =	sdelay $0x2  }
0x3d: {  	v14 =	vshll.u32 v14, $0x6  }
0x3e: {  	[tilespmem:v12+s17+$0x0] =	vst.idx.msk $0xffff, v13;
	v12 =	vand.u32 $0x1FC0, v14  }
0x3f: {  	v13 =	vld.idx.msk [tilespmem:v55+s3+$0x0], $0xffff;
	v14 =	vor.u32 v0, v12  }
0x40: {  	v56 =	vor.u32 v4, v15;
	_ =	sdelay $0x3  }
0x41: {  	[tilespmem:v14+s17+$0x0] =	vst.idx.msk $0xffff, v13  }
0x42: {  	v14 =	vor.u32 v9, v12;
	v13 =	vld.idx.msk [tilespmem:v56+s3+$0x0], $0xffff  }
0x43: {  	v57 =	vor.u32 v5, v15;
	_ =	sdelay $0x3  }
0x44: {  	[tilespmem:v14+s17+$0x0] =	vst.idx.msk $0xffff, v13  }
0x45: {  	v14 =	vor.u32 v10, v12;
	v13 =	vld.idx.msk [tilespmem:v57+s3+$0x0], $0xffff  }
0x46: {  	v15 =	vor.u32 v7, v15;
	_ =	sdelay $0x2  }
0x47: {  	s2 =	simm.s32 $0x2  }
0x48: {  	[tilespmem:v14+s17+$0x0] =	vst.idx.msk $0xffff, v13;
	v13 =	vadd.s32 s2, v0  }
0x49: {  	v12 =	vor.u32 v11, v12;
	v14 =	vld.idx.msk [tilespmem:v15+s3+$0x0], $0xffff;
	v15 =	vand.u32 $0x7F, v13  }
0x4a: {  	v58 =	vor.u32 v1, v15;
	_ =	sdelay $0x2  }
0x4b: {  	v13 =	vshll.u32 v13, $0x6  }
0x4c: {  	[tilespmem:v12+s17+$0x0] =	vst.idx.msk $0xffff, v14;
	v12 =	vand.u32 $0x1F80, v13  }
0x4d: {  	v13 =	vld.idx.msk [tilespmem:v58+s3+$0x0], $0xffff;
	v14 =	vor.u32 v2, v12  }
0x4e: {  	v59 =	vor.u32 v4, v15;
	_ =	sdelay $0x3  }
0x4f: {  	[tilespmem:v14+s17+$0x0] =	vst.idx.msk $0xffff, v13  }
0x50: {  	v14 =	vor.u32 v3, v12;
	v13 =	vld.idx.msk [tilespmem:v59+s3+$0x0], $0xffff  }
0x51: {  	v60 =	vor.u32 v5, v15;
	_ =	sdelay $0x3  }
0x52: {  	[tilespmem:v14+s17+$0x0] =	vst.idx.msk $0xffff, v13  }
0x53: {  	v14 =	vor.u32 v6, v12;
	v13 =	vld.idx.msk [tilespmem:v60+s3+$0x0], $0xffff  }
0x54: {  	v15 =	vor.u32 v7, v15;
	_ =	sdelay $0x2  }
0x55: {  	s31 =	simm.s32 $0x3  }
0x56: {  	[tilespmem:v14+s17+$0x0] =	vst.idx.msk $0xffff, v13;
	v13 =	vadd.s32 s31, v0  }
0x57: {  	v12 =	vor.u32 v8, v12;
	v14 =	vld.idx.msk [tilespmem:v15+s3+$0x0], $0xffff;
	v15 =	vand.u32 $0x7F, v13  }
0x58: {  	v61 =	vor.u32 v1, v15;
	_ =	sdelay $0x2  }
0x59: {  	v13 =	vshll.u32 v13, $0x6  }
0x5a: {  	[tilespmem:v12+s17+$0x0] =	vst.idx.msk $0xffff, v14;
	v12 =	vand.u32 $0x1FC0, v13  }
0x5b: {  	v13 =	vld.idx.msk [tilespmem:v61+s3+$0x0], $0xffff;
	v14 =	vor.u32 v0, v12  }
0x5c: {  	v62 =	vor.u32 v4, v15;
	_ =	sdelay $0x3  }
0x5d: {  	[tilespmem:v14+s17+$0x0] =	vst.idx.msk $0xffff, v13  }
0x5e: {  	v14 =	vor.u32 v9, v12;
	v13 =	vld.idx.msk [tilespmem:v62+s3+$0x0], $0xffff  }
0x5f: {  	v63 =	vor.u32 v5, v15;
	_ =	sdelay $0x3  }
0x60: {  	[tilespmem:v14+s17+$0x0] =	vst.idx.msk $0xffff, v13  }
0x61: {  	v14 =	vor.u32 v10, v12;
	v13 =	vld.idx.msk [tilespmem:v63+s3+$0x0], $0xffff  }
0x62: {  	v15 =	vor.u32 v7, v15;
	_ =	sdelay $0x3  }
0x63: {  	s29 =	simm.s32 $0x4;
	[tilespmem:v14+s17+$0x0] =	vst.idx.msk $0xffff, v13  }
0x64: {  	s30 =	simm.s32 $0x8;
	v13 =	vadd.s32 s29, v0;
	v14 =	vld.idx.msk [tilespmem:v15+s3+$0x0], $0xffff  }
.LBB2_4:
0x65: {  	p1 =	slt.u32 s30, $0x7C;
	v15 =	vand.u32 $0x7F, v13;
	v12 =	vor.u32 v11, v12  }
0x66: {  	v16 =	vor.u32 v1, v15;
	_ =	sdelay $0x3  }
0x67: {  	v13 =	vshll.u32 v13, $0x6;
	[tilespmem:v12+s17+$0x0] =	vst.idx.msk $0xffff, v14  }
0x68: {  	v13 =	vand.u32 $0x1F80, v13;
	v12 =	vld.idx.msk [tilespmem:v16+s3+$0x0], $0xffff  }
0x69: {  	v14 =	vor.u32 v2, v13  }
0x6a: {  	v16 =	vor.u32 v4, v15;
	_ =	sdelay $0x3  }
0x6b: {  	[tilespmem:v14+s17+$0x0] =	vst.idx.msk $0xffff, v12  }
0x6c: {  	v12 =	vld.idx.msk [tilespmem:v16+s3+$0x0], $0xffff  }
0x6d: {  	v14 =	vor.u32 v3, v13  }
0x6e: {  	v16 =	vor.u32 v5, v15;
	_ =	sdelay $0x3  }
0x6f: {  	[tilespmem:v14+s17+$0x0] =	vst.idx.msk $0xffff, v12  }
0x70: {  	v12 =	vld.idx.msk [tilespmem:v16+s3+$0x0], $0xffff  }
0x71: {  	v14 =	vor.u32 v6, v13  }
0x72: {  	v15 =	vor.u32 v7, v15;
	_ =	sdelay $0x3  }
0x73: {  	s1 =	sadd.s32 $0x1, s29;
	[tilespmem:v14+s17+$0x0] =	vst.idx.msk $0xffff, v12  }
0x74: {  	v14 =	vadd.s32 s1, v0;
	v12 =	vld.idx.msk [tilespmem:v15+s3+$0x0], $0xffff  }
0x75: {  	v13 =	vor.u32 v8, v13;
	v15 =	vand.u32 $0x7F, v14  }
0x76: {  	v16 =	vor.u32 v1, v15;
	_ =	sdelay $0x3  }
0x77: {  	[tilespmem:v13+s17+$0x0] =	vst.idx.msk $0xffff, v12;
	v12 =	vshll.u32 v14, $0x6  }
0x78: {  	v13 =	vld.idx.msk [tilespmem:v16+s3+$0x0], $0xffff;
	v12 =	vand.u32 $0x1FC0, v12  }
0x79: {  	v14 =	vor.u32 v0, v12  }
0x7a: {  	v16 =	vor.u32 v4, v15;
	_ =	sdelay $0x3  }
0x7b: {  	[tilespmem:v14+s17+$0x0] =	vst.idx.msk $0xffff, v13  }
0x7c: {  	v13 =	vld.idx.msk [tilespmem:v16+s3+$0x0], $0xffff  }
0x7d: {  	v14 =	vor.u32 v9, v12  }
0x7e: {  	v16 =	vor.u32 v5, v15;
	_ =	sdelay $0x3  }
0x7f: {  	[tilespmem:v14+s17+$0x0] =	vst.idx.msk $0xffff, v13  }
0x80: {  	v13 =	vld.idx.msk [tilespmem:v16+s3+$0x0], $0xffff  }
0x81: {  	v14 =	vor.u32 v10, v12  }
0x82: {  	v15 =	vor.u32 v7, v15;
	_ =	sdelay $0x3  }
0x83: {  	s1 =	sadd.s32 $0x2, s29;
	[tilespmem:v14+s17+$0x0] =	vst.idx.msk $0xffff, v13  }
0x84: {  	v14 =	vadd.s32 s1, v0;
	v13 =	vld.idx.msk [tilespmem:v15+s3+$0x0], $0xffff  }
0x85: {  	v12 =	vor.u32 v11, v12;
	v15 =	vand.u32 $0x7F, v14  }
0x86: {  	v16 =	vor.u32 v1, v15;
	_ =	sdelay $0x3  }
0x87: {  	[tilespmem:v12+s17+$0x0] =	vst.idx.msk $0xffff, v13;
	v12 =	vshll.u32 v14, $0x6  }
0x88: {  	v13 =	vld.idx.msk [tilespmem:v16+s3+$0x0], $0xffff;
	v12 =	vand.u32 $0x1F80, v12  }
0x89: {  	v14 =	vor.u32 v2, v12  }
0x8a: {  	v16 =	vor.u32 v4, v15;
	_ =	sdelay $0x3  }
0x8b: {  	[tilespmem:v14+s17+$0x0] =	vst.idx.msk $0xffff, v13  }
0x8c: {  	v13 =	vld.idx.msk [tilespmem:v16+s3+$0x0], $0xffff  }
0x8d: {  	v14 =	vor.u32 v3, v12  }
0x8e: {  	v16 =	vor.u32 v5, v15;
	_ =	sdelay $0x3  }
0x8f: {  	[tilespmem:v14+s17+$0x0] =	vst.idx.msk $0xffff, v13  }
0x90: {  	v13 =	vld.idx.msk [tilespmem:v16+s3+$0x0], $0xffff  }
0x91: {  	v14 =	vor.u32 v6, v12  }
0x92: {  	v15 =	vor.u32 v7, v15;
	_ =	sdelay $0x3  }
0x93: {  	s1 =	sadd.s32 $0x3, s29;
	s29 =	smov.u32 s30;
	[tilespmem:v14+s17+$0x0] =	vst.idx.msk $0xffff, v13  }
0x94: {  	v14 =	vadd.s32 s1, v0;
	v13 =	vld.idx.msk [tilespmem:v15+s3+$0x0], $0xffff  }
0x95: {  	v12 =	vor.u32 v8, v12;
	v15 =	vand.u32 $0x7F, v14  }
0x96: {  	v16 =	vor.u32 v1, v15;
	_ =	sdelay $0x3  }
0x97: {  	[tilespmem:v12+s17+$0x0] =	vst.idx.msk $0xffff, v13;
	v12 =	vshll.u32 v14, $0x6  }
0x98: {  	v13 =	vld.idx.msk [tilespmem:v16+s3+$0x0], $0xffff;
	v12 =	vand.u32 $0x1FC0, v12  }
0x99: {  	v14 =	vor.u32 v0, v12  }
0x9a: {  	v16 =	vor.u32 v4, v15;
	_ =	sdelay $0x3  }
0x9b: {  	[tilespmem:v14+s17+$0x0] =	vst.idx.msk $0xffff, v13  }
0x9c: {  	v13 =	vld.idx.msk [tilespmem:v16+s3+$0x0], $0xffff  }
0x9d: {  	v14 =	vor.u32 v9, v12  }
0x9e: {  	v16 =	vor.u32 v5, v15;
	_ =	sdelay $0x3  }
0x9f: {  	[tilespmem:v14+s17+$0x0] =	vst.idx.msk $0xffff, v13  }
0xa0: {  	v13 =	vld.idx.msk [tilespmem:v16+s3+$0x0], $0xffff  }
0xa1: {  	v14 =	vor.u32 v10, v12  }
0xa2: {  	v15 =	vor.u32 v7, v15  }
.Ltmp5:
0xa3: {  	(pc) =	sbr.rel @p1 .LBB2_4-.Ltmp5, $3  }
0xa4: {  	_ =	sdelay $0x1  }
0xa5: {  	[tilespmem:v14+s17+$0x0] =	vst.idx.msk $0xffff, v13  }
0xa6: {  	s30 =	sadd.s32 $0x4, s30;
	v13 =	vadd.s32 s29, v0;
	v14 =	vld.idx.msk [tilespmem:v15+s3+$0x0], $0xffff  }
0xa7: {  	v15 =	vand.u32 $0x7F, v13;
	v12 =	vor.u32 v11, v12  }
0xa8: {  	v16 =	vor.u32 v1, v15;
	_ =	sdelay $0x2  }
0xa9: {  	v26 =	vshll.u32 v13, $0x6  }
0xaa: {  	v27 =	vand.u32 $0x1F80, v26;
	[tilespmem:v12+s17+$0x0] =	vst.idx.msk $0xffff, v14  }
0xab: {  	v29 =	vor.u32 v2, v27;
	v28 =	vld.idx.msk [tilespmem:v16+s3+$0x0], $0xffff  }
0xac: {  	v30 =	vor.u32 v4, v15;
	_ =	sdelay $0x3  }
0xad: {  	[tilespmem:v29+s17+$0x0] =	vst.idx.msk $0xffff, v28  }
0xae: {  	v31 =	vor.u32 v3, v27;
	v13 =	vld.idx.msk [tilespmem:v30+s3+$0x0], $0xffff  }
0xaf: {  	v32 =	vor.u32 v5, v15;
	_ =	sdelay $0x3  }
0xb0: {  	[tilespmem:v31+s17+$0x0] =	vst.idx.msk $0xffff, v13  }
0xb1: {  	v33 =	vor.u32 v6, v27;
	v13 =	vld.idx.msk [tilespmem:v32+s3+$0x0], $0xffff  }
0xb2: {  	v15 =	vor.u32 v7, v15;
	_ =	sdelay $0x2  }
0xb3: {  	s1 =	sadd.s32 $0x1, s29  }
0xb4: {  	v34 =	vadd.s32 s1, v0;
	[tilespmem:v33+s17+$0x0] =	vst.idx.msk $0xffff, v13  }
0xb5: {  	v35 =	vand.u32 $0x7F, v34;
	v12 =	vor.u32 v8, v27;
	v14 =	vld.idx.msk [tilespmem:v15+s3+$0x0], $0xffff  }
0xb6: {  	v36 =	vor.u32 v1, v35;
	_ =	sdelay $0x2  }
0xb7: {  	v13 =	vshll.u32 v34, $0x6  }
0xb8: {  	v37 =	vand.u32 $0x1FC0, v13;
	[tilespmem:v12+s17+$0x0] =	vst.idx.msk $0xffff, v14  }
0xb9: {  	v39 =	vor.u32 v0, v37;
	v38 =	vld.idx.msk [tilespmem:v36+s3+$0x0], $0xffff  }
0xba: {  	v40 =	vor.u32 v4, v35;
	_ =	sdelay $0x3  }
0xbb: {  	[tilespmem:v39+s17+$0x0] =	vst.idx.msk $0xffff, v38  }
0xbc: {  	v41 =	vor.u32 v9, v37;
	v13 =	vld.idx.msk [tilespmem:v40+s3+$0x0], $0xffff  }
0xbd: {  	v42 =	vor.u32 v5, v35;
	_ =	sdelay $0x3  }
0xbe: {  	[tilespmem:v41+s17+$0x0] =	vst.idx.msk $0xffff, v13  }
0xbf: {  	v43 =	vor.u32 v10, v37;
	v13 =	vld.idx.msk [tilespmem:v42+s3+$0x0], $0xffff  }
0xc0: {  	v15 =	vor.u32 v7, v35;
	_ =	sdelay $0x2  }
0xc1: {  	s30 =	sadd.s32 $0x2, s29  }
0xc2: {  	v44 =	vadd.s32 s30, v0;
	[tilespmem:v43+s17+$0x0] =	vst.idx.msk $0xffff, v13  }
0xc3: {  	v45 =	vand.u32 $0x7F, v44;
	v12 =	vor.u32 v11, v37;
	v14 =	vld.idx.msk [tilespmem:v15+s3+$0x0], $0xffff  }
0xc4: {  	v46 =	vor.u32 v1, v45;
	_ =	sdelay $0x2  }
0xc5: {  	v13 =	vshll.u32 v44, $0x6  }
0xc6: {  	v47 =	vand.u32 $0x1F80, v13;
	[tilespmem:v12+s17+$0x0] =	vst.idx.msk $0xffff, v14  }
0xc7: {  	v49 =	vor.u32 v2, v47;
	v48 =	vld.idx.msk [tilespmem:v46+s3+$0x0], $0xffff  }
0xc8: {  	v50 =	vor.u32 v4, v45;
	_ =	sdelay $0x3  }
0xc9: {  	[tilespmem:v49+s17+$0x0] =	vst.idx.msk $0xffff, v48  }
0xca: {  	v51 =	vor.u32 v3, v47;
	v13 =	vld.idx.msk [tilespmem:v50+s3+$0x0], $0xffff  }
0xcb: {  	v52 =	vor.u32 v5, v45;
	_ =	sdelay $0x3  }
0xcc: {  	[tilespmem:v51+s17+$0x0] =	vst.idx.msk $0xffff, v13  }
0xcd: {  	v53 =	vor.u32 v6, v47;
	v13 =	vld.idx.msk [tilespmem:v52+s3+$0x0], $0xffff  }
0xce: {  	v15 =	vor.u32 v7, v45;
	_ =	sdelay $0x2  }
0xcf: {  	s31 =	sadd.s32 $0x3, s29  }
0xd0: {  	v54 =	vadd.s32 s31, v0;
	[tilespmem:v53+s17+$0x0] =	vst.idx.msk $0xffff, v13  }
0xd1: {  	v55 =	vand.u32 $0x7F, v54;
	v12 =	vor.u32 v8, v47;
	v14 =	vld.idx.msk [tilespmem:v15+s3+$0x0], $0xffff  }
0xd2: {  	v56 =	vor.u32 v1, v55;
	_ =	sdelay $0x2  }
0xd3: {  	v13 =	vshll.u32 v54, $0x6  }
0xd4: {  	v57 =	vand.u32 $0x1FC0, v13;
	[tilespmem:v12+s17+$0x0] =	vst.idx.msk $0xffff, v14  }
0xd5: {  	v59 =	vor.u32 v0, v57;
	v58 =	vld.idx.msk [tilespmem:v56+s3+$0x0], $0xffff  }
0xd6: {  	v60 =	vor.u32 v4, v55;
	_ =	sdelay $0x3  }
0xd7: {  	[tilespmem:v59+s17+$0x0] =	vst.idx.msk $0xffff, v58  }
0xd8: {  	v61 =	vor.u32 v9, v57;
	v13 =	vld.idx.msk [tilespmem:v60+s3+$0x0], $0xffff  }
0xd9: {  	v62 =	vor.u32 v5, v55;
	_ =	sdelay $0x3  }
0xda: {  	[tilespmem:v61+s17+$0x0] =	vst.idx.msk $0xffff, v13  }
0xdb: {  	v63 =	vor.u32 v10, v57;
	v13 =	vld.idx.msk [tilespmem:v62+s3+$0x0], $0xffff  }
0xdc: {  	v15 =	vor.u32 v7, v55;
	_ =	sdelay $0x3  }
0xdd: {  	[tilespmem:v63+s17+$0x0] =	vst.idx.msk $0xffff, v13  }
0xde: {  	p1 =	seq.s32 s28, $0x1E84;
	v12 =	vor.u32 v11, v57;
	v13 =	vld.idx.msk [tilespmem:v15+s3+$0x0], $0xffff  }
.Ltmp6:
0xdf: {  	_ = 	snop;
	(pc) =	sbr.rel @!p1 .LBB2_6-.Ltmp6, $2  }
0xe0: {  	_ =	sdelay $0x2  }
0xe1: {  	[tilespmem:v12+s17+$0x0] =	vst.idx.msk $0xffff, v13  }
.Ltmp7:
0xe2: {  	(pc) =	sbr.rel .LBB2_8-.Ltmp7, $4  }
0xe3: {  	_ = 	snop  }
0xe4: {  	[hbm4b:s10+s3] =	stream.linear.scatter [tilespmem:s17], [sflag:$0x5], $0x1000, $0x38;
	[tilespmem:$0x10000] =	vst v63  }
0xe5: {  	p3 =	por $0x1, $0x1  }
0xe6: {  	s29 =	simm.s32 $0x1EA4;
	p6 =	por $0x0, $0x0;
	p4 =	por $0x0, $0x0  }
.LBB2_6:
0xe7: {  	s1 =	sshll.u32 s28, $0xA  }
0xe8: {  	s1 =	sadd.s32 s6, s1  }
0xe9: {  	[hbm4b:s1+s3] =	stream.linear.scatter [tilespmem:s17], [sflag:$0x5], $0x2000, $0x38;
	[tilespmem:$0x10000] =	vst v63  }
.LBB2_7:
0xea: {  	s29 =	sor.u32 $0x20, s28  }
0xeb: {  	p5 =	sgt.u32 s29, $0x1E84  }
0xec: {  	p6 =	por $0x0, $0x0;
	s1 =	simm.s32 @!p5 $0x2  }
0xed: {  	p3 =	por $0x0, $0x0;
	p1 =	por @!p5 $0x1, $0x1;
	_ =	swait.ge @!p5 [sflag:s1], $0x2000  }
0xee: {  	p6 =	por @!p5 p1, p1;
	p1 =	por @!p5 $0x0, $0x0;
	[sflag:s1] =	ssyncset.done @!p5 $0x0  }
0xef: {  	p4 =	slt.u32 s28, $0x1E85;
	p3 =	por @!p5 p1, p1;
	[sflag:s1] =	ssyncadd.s32 @!p5 $0xFFFFE000  }
.LBB2_8:
0xf0: {  	p1 =	sge.u32 @!p2 s25, s13  }
0xf1: {  	s28 =	sor.u32 $0x60, s28;
	p1 =	por p1, p2  }
0xf2: {  	p2 =	sgt.u32 s28, $0x1E84;
	s1 =	simm.s32 @!p1 $0x8  }
.Ltmp8:
0xf3: {  	s30 =	sshll.u32 @!p2 s28, $0x7;
	_ =	swait.ge @!p1 [sflag:s1], $0x2000;
	(pc) =	sbr.rel @!p6 .LBB2_12-.Ltmp8, $4  }
0xf4: {  	s31 =	simm.s32 @!p2 $0x7A1400;
	s2 =	simm.s32 @!p2 $0x6000;
	[sflag:s1] =	ssyncset.done @!p1 $0x0  }
0xf5: {  	[sflag:s1] =	ssyncadd.s32 @!p1 $0xFFFFE000;
	s1 =	sadd.s32 @!p2 s0, s30;
	s30 =	simm.s32 @!p2 $0x400  }
0xf6: {  	[tilespmem:s2], [sflag:$0x4] =	stream.strided.gather @!p2 [hbm4b:s1+s30], $0x2000, s31, s30, $0x38;
	[tilespmem:$0x10000] =	vst v63  }
0xf7: {  	s30 =	simm.s32 $0x0  }
0xf8: {  	v12 =	vadd.s32 s30, v0  }
0xf9: {  	v13 =	vand.u32 $0x7F, v12  }
0xfa: {  	v14 =	vor.u32 v1, v13;
	_ =	sdelay $0x2  }
0xfb: {  	v12 =	vshll.u32 v12, $0x6  }
0xfc: {  	v12 =	vand.u32 $0x1F80, v12  }
0xfd: {  	v15 =	vor.u32 v2, v12;
	v14 =	vld.idx.msk [tilespmem:v14+s16+$0x0], $0xffff  }
0xfe: {  	v16 =	vor.u32 v4, v13;
	_ =	sdelay $0x3  }
0xff: {  	[tilespmem:v15+s18+$0x0] =	vst.idx.msk $0xffff, v14  }
0x100: {  	v15 =	vor.u32 v3, v12;
	v14 =	vld.idx.msk [tilespmem:v16+s16+$0x0], $0xffff  }
0x101: {  	v54 =	vor.u32 v5, v13;
	_ =	sdelay $0x3  }
0x102: {  	[tilespmem:v15+s18+$0x0] =	vst.idx.msk $0xffff, v14  }
0x103: {  	v15 =	vor.u32 v6, v12;
	v14 =	vld.idx.msk [tilespmem:v54+s16+$0x0], $0xffff  }
0x104: {  	v13 =	vor.u32 v7, v13;
	_ =	sdelay $0x2  }
0x105: {  	s1 =	simm.s32 $0x1  }
0x106: {  	[tilespmem:v15+s18+$0x0] =	vst.idx.msk $0xffff, v14;
	v14 =	vadd.s32 s1, v0  }
0x107: {  	v12 =	vor.u32 v8, v12;
	v13 =	vld.idx.msk [tilespmem:v13+s16+$0x0], $0xffff;
	v15 =	vand.u32 $0x7F, v14  }
0x108: {  	v55 =	vor.u32 v1, v15;
	_ =	sdelay $0x2  }
0x109: {  	v14 =	vshll.u32 v14, $0x6  }
0x10a: {  	[tilespmem:v12+s18+$0x0] =	vst.idx.msk $0xffff, v13;
	v12 =	vand.u32 $0x1FC0, v14  }
0x10b: {  	v13 =	vld.idx.msk [tilespmem:v55+s16+$0x0], $0xffff;
	v14 =	vor.u32 v0, v12  }
0x10c: {  	v56 =	vor.u32 v4, v15;
	_ =	sdelay $0x3  }
0x10d: {  	[tilespmem:v14+s18+$0x0] =	vst.idx.msk $0xffff, v13  }
0x10e: {  	v14 =	vor.u32 v9, v12;
	v13 =	vld.idx.msk [tilespmem:v56+s16+$0x0], $0xffff  }
0x10f: {  	v57 =	vor.u32 v5, v15;
	_ =	sdelay $0x3  }
0x110: {  	[tilespmem:v14+s18+$0x0] =	vst.idx.msk $0xffff, v13  }
0x111: {  	v14 =	vor.u32 v10, v12;
	v13 =	vld.idx.msk [tilespmem:v57+s16+$0x0], $0xffff  }
0x112: {  	v15 =	vor.u32 v7, v15;
	_ =	sdelay $0x2  }
0x113: {  	s2 =	simm.s32 $0x2  }
0x114: {  	[tilespmem:v14+s18+$0x0] =	vst.idx.msk $0xffff, v13;
	v13 =	vadd.s32 s2, v0  }
0x115: {  	v12 =	vor.u32 v11, v12;
	v14 =	vld.idx.msk [tilespmem:v15+s16+$0x0], $0xffff;
	v15 =	vand.u32 $0x7F, v13  }
0x116: {  	v58 =	vor.u32 v1, v15;
	_ =	sdelay $0x2  }
0x117: {  	v13 =	vshll.u32 v13, $0x6  }
0x118: {  	[tilespmem:v12+s18+$0x0] =	vst.idx.msk $0xffff, v14;
	v12 =	vand.u32 $0x1F80, v13  }
0x119: {  	v13 =	vld.idx.msk [tilespmem:v58+s16+$0x0], $0xffff;
	v14 =	vor.u32 v2, v12  }
0x11a: {  	v59 =	vor.u32 v4, v15;
	_ =	sdelay $0x3  }
0x11b: {  	[tilespmem:v14+s18+$0x0] =	vst.idx.msk $0xffff, v13  }
0x11c: {  	v14 =	vor.u32 v3, v12;
	v13 =	vld.idx.msk [tilespmem:v59+s16+$0x0], $0xffff  }
0x11d: {  	v60 =	vor.u32 v5, v15;
	_ =	sdelay $0x3  }
0x11e: {  	[tilespmem:v14+s18+$0x0] =	vst.idx.msk $0xffff, v13  }
0x11f: {  	v14 =	vor.u32 v6, v12;
	v13 =	vld.idx.msk [tilespmem:v60+s16+$0x0], $0xffff  }
0x120: {  	v15 =	vor.u32 v7, v15;
	_ =	sdelay $0x2  }
0x121: {  	s2 =	simm.s32 $0x3  }
0x122: {  	[tilespmem:v14+s18+$0x0] =	vst.idx.msk $0xffff, v13;
	v13 =	vadd.s32 s2, v0  }
0x123: {  	v12 =	vor.u32 v8, v12;
	v14 =	vld.idx.msk [tilespmem:v15+s16+$0x0], $0xffff;
	v15 =	vand.u32 $0x7F, v13  }
0x124: {  	v61 =	vor.u32 v1, v15;
	_ =	sdelay $0x2  }
0x125: {  	v13 =	vshll.u32 v13, $0x6  }
0x126: {  	[tilespmem:v12+s18+$0x0] =	vst.idx.msk $0xffff, v14;
	v12 =	vand.u32 $0x1FC0, v13  }
0x127: {  	v13 =	vld.idx.msk [tilespmem:v61+s16+$0x0], $0xffff;
	v14 =	vor.u32 v0, v12  }
0x128: {  	v62 =	vor.u32 v4, v15;
	_ =	sdelay $0x3  }
0x129: {  	[tilespmem:v14+s18+$0x0] =	vst.idx.msk $0xffff, v13  }
0x12a: {  	v14 =	vor.u32 v9, v12;
	v13 =	vld.idx.msk [tilespmem:v62+s16+$0x0], $0xffff  }
0x12b: {  	v63 =	vor.u32 v5, v15;
	_ =	sdelay $0x3  }
0x12c: {  	[tilespmem:v14+s18+$0x0] =	vst.idx.msk $0xffff, v13  }
0x12d: {  	v14 =	vor.u32 v10, v12;
	v13 =	vld.idx.msk [tilespmem:v63+s16+$0x0], $0xffff  }
0x12e: {  	v15 =	vor.u32 v7, v15;
	_ =	sdelay $0x3  }
0x12f: {  	s31 =	simm.s32 $0x4;
	[tilespmem:v14+s18+$0x0] =	vst.idx.msk $0xffff, v13  }
0x130: {  	s1 =	simm.s32 $0x8;
	v13 =	vadd.s32 s31, v0;
	v14 =	vld.idx.msk [tilespmem:v15+s16+$0x0], $0xffff  }
.LBB2_10:
0x131: {  	p5 =	slt.u32 s1, $0x7C;
	v15 =	vand.u32 $0x7F, v13;
	v12 =	vor.u32 v11, v12  }
0x132: {  	v16 =	vor.u32 v1, v15;
	_ =	sdelay $0x3  }
0x133: {  	v13 =	vshll.u32 v13, $0x6;
	[tilespmem:v12+s18+$0x0] =	vst.idx.msk $0xffff, v14  }
0x134: {  	v13 =	vand.u32 $0x1F80, v13;
	v12 =	vld.idx.msk [tilespmem:v16+s16+$0x0], $0xffff  }
0x135: {  	v14 =	vor.u32 v2, v13  }
0x136: {  	v16 =	vor.u32 v4, v15;
	_ =	sdelay $0x3  }
0x137: {  	[tilespmem:v14+s18+$0x0] =	vst.idx.msk $0xffff, v12  }
0x138: {  	v12 =	vld.idx.msk [tilespmem:v16+s16+$0x0], $0xffff  }
0x139: {  	v14 =	vor.u32 v3, v13  }
0x13a: {  	v16 =	vor.u32 v5, v15;
	_ =	sdelay $0x3  }
0x13b: {  	[tilespmem:v14+s18+$0x0] =	vst.idx.msk $0xffff, v12  }
0x13c: {  	v12 =	vld.idx.msk [tilespmem:v16+s16+$0x0], $0xffff  }
0x13d: {  	v14 =	vor.u32 v6, v13  }
0x13e: {  	v15 =	vor.u32 v7, v15;
	_ =	sdelay $0x3  }
0x13f: {  	s2 =	sadd.s32 $0x1, s31;
	[tilespmem:v14+s18+$0x0] =	vst.idx.msk $0xffff, v12  }
0x140: {  	v14 =	vadd.s32 s2, v0;
	v12 =	vld.idx.msk [tilespmem:v15+s16+$0x0], $0xffff  }
0x141: {  	v13 =	vor.u32 v8, v13;
	v15 =	vand.u32 $0x7F, v14  }
0x142: {  	v16 =	vor.u32 v1, v15;
	_ =	sdelay $0x3  }
0x143: {  	[tilespmem:v13+s18+$0x0] =	vst.idx.msk $0xffff, v12;
	v12 =	vshll.u32 v14, $0x6  }
0x144: {  	v13 =	vld.idx.msk [tilespmem:v16+s16+$0x0], $0xffff;
	v12 =	vand.u32 $0x1FC0, v12  }
0x145: {  	v14 =	vor.u32 v0, v12  }
0x146: {  	v16 =	vor.u32 v4, v15;
	_ =	sdelay $0x3  }
0x147: {  	[tilespmem:v14+s18+$0x0] =	vst.idx.msk $0xffff, v13  }
0x148: {  	v13 =	vld.idx.msk [tilespmem:v16+s16+$0x0], $0xffff  }
0x149: {  	v14 =	vor.u32 v9, v12  }
0x14a: {  	v16 =	vor.u32 v5, v15;
	_ =	sdelay $0x3  }
0x14b: {  	[tilespmem:v14+s18+$0x0] =	vst.idx.msk $0xffff, v13  }
0x14c: {  	v13 =	vld.idx.msk [tilespmem:v16+s16+$0x0], $0xffff  }
0x14d: {  	v14 =	vor.u32 v10, v12  }
0x14e: {  	v15 =	vor.u32 v7, v15;
	_ =	sdelay $0x3  }
0x14f: {  	s2 =	sadd.s32 $0x2, s31;
	[tilespmem:v14+s18+$0x0] =	vst.idx.msk $0xffff, v13  }
0x150: {  	v14 =	vadd.s32 s2, v0;
	v13 =	vld.idx.msk [tilespmem:v15+s16+$0x0], $0xffff  }
0x151: {  	v12 =	vor.u32 v11, v12;
	v15 =	vand.u32 $0x7F, v14  }
0x152: {  	v16 =	vor.u32 v1, v15;
	_ =	sdelay $0x3  }
0x153: {  	[tilespmem:v12+s18+$0x0] =	vst.idx.msk $0xffff, v13;
	v12 =	vshll.u32 v14, $0x6  }
0x154: {  	v13 =	vld.idx.msk [tilespmem:v16+s16+$0x0], $0xffff;
	v12 =	vand.u32 $0x1F80, v12  }
0x155: {  	v14 =	vor.u32 v2, v12  }
0x156: {  	v16 =	vor.u32 v4, v15;
	_ =	sdelay $0x3  }
0x157: {  	[tilespmem:v14+s18+$0x0] =	vst.idx.msk $0xffff, v13  }
0x158: {  	v13 =	vld.idx.msk [tilespmem:v16+s16+$0x0], $0xffff  }
0x159: {  	v14 =	vor.u32 v3, v12  }
0x15a: {  	v16 =	vor.u32 v5, v15;
	_ =	sdelay $0x3  }
0x15b: {  	[tilespmem:v14+s18+$0x0] =	vst.idx.msk $0xffff, v13  }
0x15c: {  	v13 =	vld.idx.msk [tilespmem:v16+s16+$0x0], $0xffff  }
0x15d: {  	v14 =	vor.u32 v6, v12  }
0x15e: {  	v15 =	vor.u32 v7, v15;
	_ =	sdelay $0x3  }
0x15f: {  	s2 =	sadd.s32 $0x3, s31;
	s31 =	smov.u32 s1;
	[tilespmem:v14+s18+$0x0] =	vst.idx.msk $0xffff, v13  }
0x160: {  	v14 =	vadd.s32 s2, v0;
	v13 =	vld.idx.msk [tilespmem:v15+s16+$0x0], $0xffff  }
0x161: {  	v12 =	vor.u32 v8, v12;
	v15 =	vand.u32 $0x7F, v14  }
0x162: {  	v16 =	vor.u32 v1, v15;
	_ =	sdelay $0x3  }
0x163: {  	[tilespmem:v12+s18+$0x0] =	vst.idx.msk $0xffff, v13;
	v12 =	vshll.u32 v14, $0x6  }
0x164: {  	v13 =	vld.idx.msk [tilespmem:v16+s16+$0x0], $0xffff;
	v12 =	vand.u32 $0x1FC0, v12  }
0x165: {  	v14 =	vor.u32 v0, v12  }
0x166: {  	v16 =	vor.u32 v4, v15;
	_ =	sdelay $0x3  }
0x167: {  	[tilespmem:v14+s18+$0x0] =	vst.idx.msk $0xffff, v13  }
0x168: {  	v13 =	vld.idx.msk [tilespmem:v16+s16+$0x0], $0xffff  }
0x169: {  	v14 =	vor.u32 v9, v12  }
0x16a: {  	v16 =	vor.u32 v5, v15;
	_ =	sdelay $0x3  }
0x16b: {  	[tilespmem:v14+s18+$0x0] =	vst.idx.msk $0xffff, v13  }
0x16c: {  	v13 =	vld.idx.msk [tilespmem:v16+s16+$0x0], $0xffff  }
0x16d: {  	v14 =	vor.u32 v10, v12  }
0x16e: {  	v15 =	vor.u32 v7, v15  }
.Ltmp9:
0x16f: {  	(pc) =	sbr.rel @p5 .LBB2_10-.Ltmp9, $3  }
0x170: {  	_ =	sdelay $0x1  }
0x171: {  	[tilespmem:v14+s18+$0x0] =	vst.idx.msk $0xffff, v13  }
0x172: {  	s1 =	sadd.s32 $0x4, s1;
	v13 =	vadd.s32 s31, v0;
	v14 =	vld.idx.msk [tilespmem:v15+s16+$0x0], $0xffff  }
0x173: {  	v15 =	vand.u32 $0x7F, v13;
	v12 =	vor.u32 v11, v12  }
0x174: {  	v16 =	vor.u32 v1, v15;
	_ =	sdelay $0x2  }
0x175: {  	v26 =	vshll.u32 v13, $0x6  }
0x176: {  	v27 =	vand.u32 $0x1F80, v26;
	[tilespmem:v12+s18+$0x0] =	vst.idx.msk $0xffff, v14  }
0x177: {  	v29 =	vor.u32 v2, v27;
	v28 =	vld.idx.msk [tilespmem:v16+s16+$0x0], $0xffff  }
0x178: {  	v30 =	vor.u32 v4, v15;
	_ =	sdelay $0x3  }
0x179: {  	[tilespmem:v29+s18+$0x0] =	vst.idx.msk $0xffff, v28  }
0x17a: {  	v31 =	vor.u32 v3, v27;
	v13 =	vld.idx.msk [tilespmem:v30+s16+$0x0], $0xffff  }
0x17b: {  	v32 =	vor.u32 v5, v15;
	_ =	sdelay $0x3  }
0x17c: {  	[tilespmem:v31+s18+$0x0] =	vst.idx.msk $0xffff, v13  }
0x17d: {  	v33 =	vor.u32 v6, v27;
	v13 =	vld.idx.msk [tilespmem:v32+s16+$0x0], $0xffff  }
0x17e: {  	v15 =	vor.u32 v7, v15;
	_ =	sdelay $0x2  }
0x17f: {  	s1 =	sadd.s32 $0x1, s31  }
0x180: {  	v34 =	vadd.s32 s1, v0;
	[tilespmem:v33+s18+$0x0] =	vst.idx.msk $0xffff, v13  }
0x181: {  	v35 =	vand.u32 $0x7F, v34;
	v12 =	vor.u32 v8, v27;
	v14 =	vld.idx.msk [tilespmem:v15+s16+$0x0], $0xffff  }
0x182: {  	v36 =	vor.u32 v1, v35;
	_ =	sdelay $0x2  }
0x183: {  	v13 =	vshll.u32 v34, $0x6  }
0x184: {  	v37 =	vand.u32 $0x1FC0, v13;
	[tilespmem:v12+s18+$0x0] =	vst.idx.msk $0xffff, v14  }
0x185: {  	v39 =	vor.u32 v0, v37;
	v38 =	vld.idx.msk [tilespmem:v36+s16+$0x0], $0xffff  }
0x186: {  	v40 =	vor.u32 v4, v35;
	_ =	sdelay $0x3  }
0x187: {  	[tilespmem:v39+s18+$0x0] =	vst.idx.msk $0xffff, v38  }
0x188: {  	v41 =	vor.u32 v9, v37;
	v13 =	vld.idx.msk [tilespmem:v40+s16+$0x0], $0xffff  }
0x189: {  	v42 =	vor.u32 v5, v35;
	_ =	sdelay $0x3  }
0x18a: {  	[tilespmem:v41+s18+$0x0] =	vst.idx.msk $0xffff, v13  }
0x18b: {  	v43 =	vor.u32 v10, v37;
	v13 =	vld.idx.msk [tilespmem:v42+s16+$0x0], $0xffff  }
0x18c: {  	v15 =	vor.u32 v7, v35;
	_ =	sdelay $0x2  }
0x18d: {  	s2 =	sadd.s32 $0x2, s31  }
0x18e: {  	v44 =	vadd.s32 s2, v0;
	[tilespmem:v43+s18+$0x0] =	vst.idx.msk $0xffff, v13  }
0x18f: {  	v45 =	vand.u32 $0x7F, v44;
	v12 =	vor.u32 v11, v37;
	v14 =	vld.idx.msk [tilespmem:v15+s16+$0x0], $0xffff  }
0x190: {  	v46 =	vor.u32 v1, v45;
	_ =	sdelay $0x2  }
0x191: {  	v13 =	vshll.u32 v44, $0x6  }
0x192: {  	v47 =	vand.u32 $0x1F80, v13;
	[tilespmem:v12+s18+$0x0] =	vst.idx.msk $0xffff, v14  }
0x193: {  	v49 =	vor.u32 v2, v47;
	v48 =	vld.idx.msk [tilespmem:v46+s16+$0x0], $0xffff  }
0x194: {  	v50 =	vor.u32 v4, v45;
	_ =	sdelay $0x3  }
0x195: {  	[tilespmem:v49+s18+$0x0] =	vst.idx.msk $0xffff, v48  }
0x196: {  	v51 =	vor.u32 v3, v47;
	v13 =	vld.idx.msk [tilespmem:v50+s16+$0x0], $0xffff  }
0x197: {  	v52 =	vor.u32 v5, v45;
	_ =	sdelay $0x3  }
0x198: {  	[tilespmem:v51+s18+$0x0] =	vst.idx.msk $0xffff, v13  }
0x199: {  	v53 =	vor.u32 v6, v47;
	v13 =	vld.idx.msk [tilespmem:v52+s16+$0x0], $0xffff  }
0x19a: {  	v15 =	vor.u32 v7, v45;
	_ =	sdelay $0x2  }
0x19b: {  	s2 =	sadd.s32 $0x3, s31  }
0x19c: {  	v54 =	vadd.s32 s2, v0;
	[tilespmem:v53+s18+$0x0] =	vst.idx.msk $0xffff, v13  }
0x19d: {  	v55 =	vand.u32 $0x7F, v54;
	v12 =	vor.u32 v8, v47;
	v14 =	vld.idx.msk [tilespmem:v15+s16+$0x0], $0xffff  }
0x19e: {  	v56 =	vor.u32 v1, v55;
	_ =	sdelay $0x2  }
0x19f: {  	v13 =	vshll.u32 v54, $0x6  }
0x1a0: {  	v57 =	vand.u32 $0x1FC0, v13;
	[tilespmem:v12+s18+$0x0] =	vst.idx.msk $0xffff, v14  }
0x1a1: {  	v59 =	vor.u32 v0, v57;
	v58 =	vld.idx.msk [tilespmem:v56+s16+$0x0], $0xffff  }
0x1a2: {  	v60 =	vor.u32 v4, v55;
	_ =	sdelay $0x3  }
0x1a3: {  	[tilespmem:v59+s18+$0x0] =	vst.idx.msk $0xffff, v58  }
0x1a4: {  	v61 =	vor.u32 v9, v57;
	v13 =	vld.idx.msk [tilespmem:v60+s16+$0x0], $0xffff  }
0x1a5: {  	v62 =	vor.u32 v5, v55;
	_ =	sdelay $0x3  }
0x1a6: {  	[tilespmem:v61+s18+$0x0] =	vst.idx.msk $0xffff, v13  }
0x1a7: {  	v63 =	vor.u32 v10, v57;
	v13 =	vld.idx.msk [tilespmem:v62+s16+$0x0], $0xffff  }
0x1a8: {  	v15 =	vor.u32 v7, v55;
	_ =	sdelay $0x3  }
0x1a9: {  	[tilespmem:v63+s18+$0x0] =	vst.idx.msk $0xffff, v13  }
0x1aa: {  	v12 =	vor.u32 v11, v57;
	v13 =	vld.idx.msk [tilespmem:v15+s16+$0x0], $0xffff;
	_ =	sdelay $0x3  }
0x1ab: {  	s31 =	sshll.u32 s29, $0xA  }
0x1ac: {  	s1 =	sadd.s32 s6, s31;
	[tilespmem:v12+s18+$0x0] =	vst.idx.msk $0xffff, v13  }
0x1ad: {  	[hbm4b:s1+s3] =	stream.linear.scatter [tilespmem:s18], [sflag:$0x6], $0x2000, $0x38;
	[tilespmem:$0x10000] =	vst v63  }
.LBB2_12:
0x1ae: {  	s1 =	simm.s32 @!p0 $0x3  }
0x1af: {  	_ =	swait.ge @!p0 [sflag:s1], $0x2000  }
0x1b0: {  	[sflag:s1] =	ssyncset.done @!p0 $0x0  }
0x1b1: {  	[sflag:s1] =	ssyncadd.s32 @!p0 $0xFFFFE000;
	s1 =	simm.s32 @p4 $0x5  }
0x1b2: {  	s2 =	sadd.s32 s8, s25;
	_ =	swait.ge @p4 [sflag:s1], $0x2000  }
0x1b3: {  	p1 =	sgt.u32 s2, $0x1E84;
	[sflag:s1] =	ssyncset.done @p4 $0x0  }
.Ltmp10:
0x1b4: {  	[sflag:s1] =	ssyncadd.s32 @p4 $0xFFFFE000;
	s1 =	simm.s32 @p3 $0x5;
	(pc) =	sbr.rel @p0 .LBB2_16-.Ltmp10, $4  }
0x1b5: {  	s2 =	sshll.u32 @!p1 s2, $0x7;
	_ =	swait.ge @p3 [sflag:s1], $0x1000  }
0x1b6: {  	s29 =	simm.s32 @!p1 $0x7A1400;
	s31 =	simm.s32 @!p1 $0x0;
	[sflag:s1] =	ssyncset.done @p3 $0x0  }
0x1b7: {  	[sflag:s1] =	ssyncadd.s32 @p3 $0xFFFFF000;
	s1 =	sadd.s32 @!p1 s0, s2;
	s2 =	simm.s32 @!p1 $0x400  }
0x1b8: {  	[tilespmem:s31], [sflag:$0x1] =	stream.strided.gather @!p1 [hbm4b:s1+s2], $0x2000, s29, s2, $0x38;
	[tilespmem:$0x10000] =	vst v63  }
0x1b9: {  	v12 =	vadd.s32 s30, v0  }
0x1ba: {  	v13 =	vand.u32 $0x7F, v12  }
0x1bb: {  	v14 =	vor.u32 v1, v13;
	_ =	sdelay $0x2  }
0x1bc: {  	v12 =	vshll.u32 v12, $0x6  }
0x1bd: {  	v12 =	vand.u32 $0x1F80, v12  }
0x1be: {  	v15 =	vor.u32 v2, v12;
	v14 =	vld.idx.msk [tilespmem:v14+s19+$0x0], $0xffff  }
0x1bf: {  	v16 =	vor.u32 v4, v13;
	_ =	sdelay $0x3  }
0x1c0: {  	[tilespmem:v15+s20+$0x0] =	vst.idx.msk $0xffff, v14  }
0x1c1: {  	v15 =	vor.u32 v3, v12;
	v14 =	vld.idx.msk [tilespmem:v16+s19+$0x0], $0xffff  }
0x1c2: {  	v54 =	vor.u32 v5, v13;
	_ =	sdelay $0x3  }
0x1c3: {  	[tilespmem:v15+s20+$0x0] =	vst.idx.msk $0xffff, v14  }
0x1c4: {  	v15 =	vor.u32 v6, v12;
	v14 =	vld.idx.msk [tilespmem:v54+s19+$0x0], $0xffff  }
0x1c5: {  	v13 =	vor.u32 v7, v13;
	_ =	sdelay $0x2  }
0x1c6: {  	s1 =	simm.s32 $0x1  }
0x1c7: {  	[tilespmem:v15+s20+$0x0] =	vst.idx.msk $0xffff, v14;
	v14 =	vadd.s32 s1, v0  }
0x1c8: {  	v12 =	vor.u32 v8, v12;
	v13 =	vld.idx.msk [tilespmem:v13+s19+$0x0], $0xffff;
	v15 =	vand.u32 $0x7F, v14  }
0x1c9: {  	v55 =	vor.u32 v1, v15;
	_ =	sdelay $0x2  }
0x1ca: {  	v14 =	vshll.u32 v14, $0x6  }
0x1cb: {  	[tilespmem:v12+s20+$0x0] =	vst.idx.msk $0xffff, v13;
	v12 =	vand.u32 $0x1FC0, v14  }
0x1cc: {  	v13 =	vld.idx.msk [tilespmem:v55+s19+$0x0], $0xffff;
	v14 =	vor.u32 v0, v12  }
0x1cd: {  	v56 =	vor.u32 v4, v15;
	_ =	sdelay $0x3  }
0x1ce: {  	[tilespmem:v14+s20+$0x0] =	vst.idx.msk $0xffff, v13  }
0x1cf: {  	v14 =	vor.u32 v9, v12;
	v13 =	vld.idx.msk [tilespmem:v56+s19+$0x0], $0xffff  }
0x1d0: {  	v57 =	vor.u32 v5, v15;
	_ =	sdelay $0x3  }
0x1d1: {  	[tilespmem:v14+s20+$0x0] =	vst.idx.msk $0xffff, v13  }
0x1d2: {  	v14 =	vor.u32 v10, v12;
	v13 =	vld.idx.msk [tilespmem:v57+s19+$0x0], $0xffff  }
0x1d3: {  	v15 =	vor.u32 v7, v15;
	_ =	sdelay $0x2  }
0x1d4: {  	s30 =	simm.s32 $0x2  }
0x1d5: {  	[tilespmem:v14+s20+$0x0] =	vst.idx.msk $0xffff, v13;
	v13 =	vadd.s32 s30, v0  }
0x1d6: {  	v12 =	vor.u32 v11, v12;
	v14 =	vld.idx.msk [tilespmem:v15+s19+$0x0], $0xffff;
	v15 =	vand.u32 $0x7F, v13  }
0x1d7: {  	v58 =	vor.u32 v1, v15;
	_ =	sdelay $0x2  }
0x1d8: {  	v13 =	vshll.u32 v13, $0x6  }
0x1d9: {  	[tilespmem:v12+s20+$0x0] =	vst.idx.msk $0xffff, v14;
	v12 =	vand.u32 $0x1F80, v13  }
0x1da: {  	v13 =	vld.idx.msk [tilespmem:v58+s19+$0x0], $0xffff;
	v14 =	vor.u32 v2, v12  }
0x1db: {  	v59 =	vor.u32 v4, v15;
	_ =	sdelay $0x3  }
0x1dc: {  	[tilespmem:v14+s20+$0x0] =	vst.idx.msk $0xffff, v13  }
0x1dd: {  	v14 =	vor.u32 v3, v12;
	v13 =	vld.idx.msk [tilespmem:v59+s19+$0x0], $0xffff  }
0x1de: {  	v60 =	vor.u32 v5, v15;
	_ =	sdelay $0x3  }
0x1df: {  	[tilespmem:v14+s20+$0x0] =	vst.idx.msk $0xffff, v13  }
0x1e0: {  	v14 =	vor.u32 v6, v12;
	v13 =	vld.idx.msk [tilespmem:v60+s19+$0x0], $0xffff  }
0x1e1: {  	v15 =	vor.u32 v7, v15;
	_ =	sdelay $0x2  }
0x1e2: {  	s31 =	simm.s32 $0x3  }
0x1e3: {  	[tilespmem:v14+s20+$0x0] =	vst.idx.msk $0xffff, v13;
	v13 =	vadd.s32 s31, v0  }
0x1e4: {  	v12 =	vor.u32 v8, v12;
	v14 =	vld.idx.msk [tilespmem:v15+s19+$0x0], $0xffff;
	v15 =	vand.u32 $0x7F, v13  }
0x1e5: {  	v61 =	vor.u32 v1, v15;
	_ =	sdelay $0x2  }
0x1e6: {  	v13 =	vshll.u32 v13, $0x6  }
0x1e7: {  	[tilespmem:v12+s20+$0x0] =	vst.idx.msk $0xffff, v14;
	v12 =	vand.u32 $0x1FC0, v13  }
0x1e8: {  	v13 =	vld.idx.msk [tilespmem:v61+s19+$0x0], $0xffff;
	v14 =	vor.u32 v0, v12  }
0x1e9: {  	v62 =	vor.u32 v4, v15;
	_ =	sdelay $0x3  }
0x1ea: {  	[tilespmem:v14+s20+$0x0] =	vst.idx.msk $0xffff, v13  }
0x1eb: {  	v14 =	vor.u32 v9, v12;
	v13 =	vld.idx.msk [tilespmem:v62+s19+$0x0], $0xffff  }
0x1ec: {  	v63 =	vor.u32 v5, v15;
	_ =	sdelay $0x3  }
0x1ed: {  	[tilespmem:v14+s20+$0x0] =	vst.idx.msk $0xffff, v13  }
0x1ee: {  	v14 =	vor.u32 v10, v12;
	v13 =	vld.idx.msk [tilespmem:v63+s19+$0x0], $0xffff  }
0x1ef: {  	v15 =	vor.u32 v7, v15;
	_ =	sdelay $0x3  }
0x1f0: {  	s29 =	simm.s32 $0x4;
	[tilespmem:v14+s20+$0x0] =	vst.idx.msk $0xffff, v13  }
0x1f1: {  	s1 =	simm.s32 $0x8;
	v13 =	vadd.s32 s29, v0;
	v14 =	vld.idx.msk [tilespmem:v15+s19+$0x0], $0xffff  }
.LBB2_14:
0x1f2: {  	p0 =	slt.u32 s1, $0x7C;
	v15 =	vand.u32 $0x7F, v13;
	v12 =	vor.u32 v11, v12  }
0x1f3: {  	v16 =	vor.u32 v1, v15;
	_ =	sdelay $0x3  }
0x1f4: {  	v13 =	vshll.u32 v13, $0x6;
	[tilespmem:v12+s20+$0x0] =	vst.idx.msk $0xffff, v14  }
0x1f5: {  	v13 =	vand.u32 $0x1F80, v13;
	v12 =	vld.idx.msk [tilespmem:v16+s19+$0x0], $0xffff  }
0x1f6: {  	v14 =	vor.u32 v2, v13  }
0x1f7: {  	v16 =	vor.u32 v4, v15;
	_ =	sdelay $0x3  }
0x1f8: {  	[tilespmem:v14+s20+$0x0] =	vst.idx.msk $0xffff, v12  }
0x1f9: {  	v12 =	vld.idx.msk [tilespmem:v16+s19+$0x0], $0xffff  }
0x1fa: {  	v14 =	vor.u32 v3, v13  }
0x1fb: {  	v16 =	vor.u32 v5, v15;
	_ =	sdelay $0x3  }
0x1fc: {  	[tilespmem:v14+s20+$0x0] =	vst.idx.msk $0xffff, v12  }
0x1fd: {  	v12 =	vld.idx.msk [tilespmem:v16+s19+$0x0], $0xffff  }
0x1fe: {  	v14 =	vor.u32 v6, v13  }
0x1ff: {  	v15 =	vor.u32 v7, v15;
	_ =	sdelay $0x3  }
0x200: {  	s2 =	sadd.s32 $0x1, s29;
	[tilespmem:v14+s20+$0x0] =	vst.idx.msk $0xffff, v12  }
0x201: {  	v14 =	vadd.s32 s2, v0;
	v12 =	vld.idx.msk [tilespmem:v15+s19+$0x0], $0xffff  }
0x202: {  	v13 =	vor.u32 v8, v13;
	v15 =	vand.u32 $0x7F, v14  }
0x203: {  	v16 =	vor.u32 v1, v15;
	_ =	sdelay $0x3  }
0x204: {  	[tilespmem:v13+s20+$0x0] =	vst.idx.msk $0xffff, v12;
	v12 =	vshll.u32 v14, $0x6  }
0x205: {  	v13 =	vld.idx.msk [tilespmem:v16+s19+$0x0], $0xffff;
	v12 =	vand.u32 $0x1FC0, v12  }
0x206: {  	v14 =	vor.u32 v0, v12  }
0x207: {  	v16 =	vor.u32 v4, v15;
	_ =	sdelay $0x3  }
0x208: {  	[tilespmem:v14+s20+$0x0] =	vst.idx.msk $0xffff, v13  }
0x209: {  	v13 =	vld.idx.msk [tilespmem:v16+s19+$0x0], $0xffff  }
0x20a: {  	v14 =	vor.u32 v9, v12  }
0x20b: {  	v16 =	vor.u32 v5, v15;
	_ =	sdelay $0x3  }
0x20c: {  	[tilespmem:v14+s20+$0x0] =	vst.idx.msk $0xffff, v13  }
0x20d: {  	v13 =	vld.idx.msk [tilespmem:v16+s19+$0x0], $0xffff  }
0x20e: {  	v14 =	vor.u32 v10, v12  }
0x20f: {  	v15 =	vor.u32 v7, v15;
	_ =	sdelay $0x3  }
0x210: {  	s2 =	sadd.s32 $0x2, s29;
	[tilespmem:v14+s20+$0x0] =	vst.idx.msk $0xffff, v13  }
0x211: {  	v14 =	vadd.s32 s2, v0;
	v13 =	vld.idx.msk [tilespmem:v15+s19+$0x0], $0xffff  }
0x212: {  	v12 =	vor.u32 v11, v12;
	v15 =	vand.u32 $0x7F, v14  }
0x213: {  	v16 =	vor.u32 v1, v15;
	_ =	sdelay $0x3  }
0x214: {  	[tilespmem:v12+s20+$0x0] =	vst.idx.msk $0xffff, v13;
	v12 =	vshll.u32 v14, $0x6  }
0x215: {  	v13 =	vld.idx.msk [tilespmem:v16+s19+$0x0], $0xffff;
	v12 =	vand.u32 $0x1F80, v12  }
0x216: {  	v14 =	vor.u32 v2, v12  }
0x217: {  	v16 =	vor.u32 v4, v15;
	_ =	sdelay $0x3  }
0x218: {  	[tilespmem:v14+s20+$0x0] =	vst.idx.msk $0xffff, v13  }
0x219: {  	v13 =	vld.idx.msk [tilespmem:v16+s19+$0x0], $0xffff  }
0x21a: {  	v14 =	vor.u32 v3, v12  }
0x21b: {  	v16 =	vor.u32 v5, v15;
	_ =	sdelay $0x3  }
0x21c: {  	[tilespmem:v14+s20+$0x0] =	vst.idx.msk $0xffff, v13  }
0x21d: {  	v13 =	vld.idx.msk [tilespmem:v16+s19+$0x0], $0xffff  }
0x21e: {  	v14 =	vor.u32 v6, v12  }
0x21f: {  	v15 =	vor.u32 v7, v15;
	_ =	sdelay $0x3  }
0x220: {  	s2 =	sadd.s32 $0x3, s29;
	s29 =	smov.u32 s1;
	[tilespmem:v14+s20+$0x0] =	vst.idx.msk $0xffff, v13  }
0x221: {  	v14 =	vadd.s32 s2, v0;
	v13 =	vld.idx.msk [tilespmem:v15+s19+$0x0], $0xffff  }
0x222: {  	v12 =	vor.u32 v8, v12;
	v15 =	vand.u32 $0x7F, v14  }
0x223: {  	v16 =	vor.u32 v1, v15;
	_ =	sdelay $0x3  }
0x224: {  	[tilespmem:v12+s20+$0x0] =	vst.idx.msk $0xffff, v13;
	v12 =	vshll.u32 v14, $0x6  }
0x225: {  	v13 =	vld.idx.msk [tilespmem:v16+s19+$0x0], $0xffff;
	v12 =	vand.u32 $0x1FC0, v12  }
0x226: {  	v14 =	vor.u32 v0, v12  }
0x227: {  	v16 =	vor.u32 v4, v15;
	_ =	sdelay $0x3  }
0x228: {  	[tilespmem:v14+s20+$0x0] =	vst.idx.msk $0xffff, v13  }
0x229: {  	v13 =	vld.idx.msk [tilespmem:v16+s19+$0x0], $0xffff  }
0x22a: {  	v14 =	vor.u32 v9, v12  }
0x22b: {  	v16 =	vor.u32 v5, v15;
	_ =	sdelay $0x3  }
0x22c: {  	[tilespmem:v14+s20+$0x0] =	vst.idx.msk $0xffff, v13  }
0x22d: {  	v13 =	vld.idx.msk [tilespmem:v16+s19+$0x0], $0xffff  }
0x22e: {  	v14 =	vor.u32 v10, v12  }
0x22f: {  	v15 =	vor.u32 v7, v15  }
.Ltmp11:
0x230: {  	(pc) =	sbr.rel @p0 .LBB2_14-.Ltmp11, $3  }
0x231: {  	_ =	sdelay $0x1  }
0x232: {  	[tilespmem:v14+s20+$0x0] =	vst.idx.msk $0xffff, v13  }
0x233: {  	s1 =	sadd.s32 $0x4, s1;
	v13 =	vadd.s32 s29, v0;
	v14 =	vld.idx.msk [tilespmem:v15+s19+$0x0], $0xffff  }
0x234: {  	v15 =	vand.u32 $0x7F, v13;
	v12 =	vor.u32 v11, v12  }
0x235: {  	v16 =	vor.u32 v1, v15;
	_ =	sdelay $0x2  }
0x236: {  	v26 =	vshll.u32 v13, $0x6  }
0x237: {  	v27 =	vand.u32 $0x1F80, v26;
	[tilespmem:v12+s20+$0x0] =	vst.idx.msk $0xffff, v14  }
0x238: {  	v29 =	vor.u32 v2, v27;
	v28 =	vld.idx.msk [tilespmem:v16+s19+$0x0], $0xffff  }
0x239: {  	v30 =	vor.u32 v4, v15;
	_ =	sdelay $0x3  }
0x23a: {  	[tilespmem:v29+s20+$0x0] =	vst.idx.msk $0xffff, v28  }
0x23b: {  	v31 =	vor.u32 v3, v27;
	v13 =	vld.idx.msk [tilespmem:v30+s19+$0x0], $0xffff  }
0x23c: {  	v32 =	vor.u32 v5, v15;
	_ =	sdelay $0x3  }
0x23d: {  	[tilespmem:v31+s20+$0x0] =	vst.idx.msk $0xffff, v13  }
0x23e: {  	v33 =	vor.u32 v6, v27;
	v13 =	vld.idx.msk [tilespmem:v32+s19+$0x0], $0xffff  }
0x23f: {  	v15 =	vor.u32 v7, v15;
	_ =	sdelay $0x2  }
0x240: {  	s1 =	sadd.s32 $0x1, s29  }
0x241: {  	v34 =	vadd.s32 s1, v0;
	[tilespmem:v33+s20+$0x0] =	vst.idx.msk $0xffff, v13  }
0x242: {  	v35 =	vand.u32 $0x7F, v34;
	v12 =	vor.u32 v8, v27;
	v14 =	vld.idx.msk [tilespmem:v15+s19+$0x0], $0xffff  }
0x243: {  	v36 =	vor.u32 v1, v35;
	_ =	sdelay $0x2  }
0x244: {  	v13 =	vshll.u32 v34, $0x6  }
0x245: {  	v37 =	vand.u32 $0x1FC0, v13;
	[tilespmem:v12+s20+$0x0] =	vst.idx.msk $0xffff, v14  }
0x246: {  	v39 =	vor.u32 v0, v37;
	v38 =	vld.idx.msk [tilespmem:v36+s19+$0x0], $0xffff  }
0x247: {  	v40 =	vor.u32 v4, v35;
	_ =	sdelay $0x3  }
0x248: {  	[tilespmem:v39+s20+$0x0] =	vst.idx.msk $0xffff, v38  }
0x249: {  	v41 =	vor.u32 v9, v37;
	v13 =	vld.idx.msk [tilespmem:v40+s19+$0x0], $0xffff  }
0x24a: {  	v42 =	vor.u32 v5, v35;
	_ =	sdelay $0x3  }
0x24b: {  	[tilespmem:v41+s20+$0x0] =	vst.idx.msk $0xffff, v13  }
0x24c: {  	v43 =	vor.u32 v10, v37;
	v13 =	vld.idx.msk [tilespmem:v42+s19+$0x0], $0xffff  }
0x24d: {  	v15 =	vor.u32 v7, v35;
	_ =	sdelay $0x2  }
0x24e: {  	s2 =	sadd.s32 $0x2, s29  }
0x24f: {  	v44 =	vadd.s32 s2, v0;
	[tilespmem:v43+s20+$0x0] =	vst.idx.msk $0xffff, v13  }
0x250: {  	v45 =	vand.u32 $0x7F, v44;
	v12 =	vor.u32 v11, v37;
	v14 =	vld.idx.msk [tilespmem:v15+s19+$0x0], $0xffff  }
0x251: {  	v46 =	vor.u32 v1, v45;
	_ =	sdelay $0x2  }
0x252: {  	v13 =	vshll.u32 v44, $0x6  }
0x253: {  	v47 =	vand.u32 $0x1F80, v13;
	[tilespmem:v12+s20+$0x0] =	vst.idx.msk $0xffff, v14  }
0x254: {  	v49 =	vor.u32 v2, v47;
	v48 =	vld.idx.msk [tilespmem:v46+s19+$0x0], $0xffff  }
0x255: {  	v50 =	vor.u32 v4, v45;
	_ =	sdelay $0x3  }
0x256: {  	[tilespmem:v49+s20+$0x0] =	vst.idx.msk $0xffff, v48  }
0x257: {  	v51 =	vor.u32 v3, v47;
	v13 =	vld.idx.msk [tilespmem:v50+s19+$0x0], $0xffff  }
0x258: {  	v52 =	vor.u32 v5, v45;
	_ =	sdelay $0x3  }
0x259: {  	[tilespmem:v51+s20+$0x0] =	vst.idx.msk $0xffff, v13  }
0x25a: {  	v53 =	vor.u32 v6, v47;
	v13 =	vld.idx.msk [tilespmem:v52+s19+$0x0], $0xffff  }
0x25b: {  	v15 =	vor.u32 v7, v45;
	_ =	sdelay $0x2  }
0x25c: {  	s30 =	sadd.s32 $0x3, s29  }
0x25d: {  	v54 =	vadd.s32 s30, v0;
	[tilespmem:v53+s20+$0x0] =	vst.idx.msk $0xffff, v13  }
0x25e: {  	v55 =	vand.u32 $0x7F, v54;
	v12 =	vor.u32 v8, v47;
	v14 =	vld.idx.msk [tilespmem:v15+s19+$0x0], $0xffff  }
0x25f: {  	v56 =	vor.u32 v1, v55;
	_ =	sdelay $0x2  }
0x260: {  	v13 =	vshll.u32 v54, $0x6  }
0x261: {  	v57 =	vand.u32 $0x1FC0, v13;
	[tilespmem:v12+s20+$0x0] =	vst.idx.msk $0xffff, v14  }
0x262: {  	v59 =	vor.u32 v0, v57;
	v58 =	vld.idx.msk [tilespmem:v56+s19+$0x0], $0xffff  }
0x263: {  	v60 =	vor.u32 v4, v55;
	_ =	sdelay $0x3  }
0x264: {  	[tilespmem:v59+s20+$0x0] =	vst.idx.msk $0xffff, v58  }
0x265: {  	v61 =	vor.u32 v9, v57;
	v13 =	vld.idx.msk [tilespmem:v60+s19+$0x0], $0xffff  }
0x266: {  	v62 =	vor.u32 v5, v55;
	_ =	sdelay $0x3  }
0x267: {  	[tilespmem:v61+s20+$0x0] =	vst.idx.msk $0xffff, v13  }
0x268: {  	v63 =	vor.u32 v10, v57;
	v13 =	vld.idx.msk [tilespmem:v62+s19+$0x0], $0xffff  }
0x269: {  	v15 =	vor.u32 v7, v55;
	_ =	sdelay $0x3  }
0x26a: {  	[tilespmem:v63+s20+$0x0] =	vst.idx.msk $0xffff, v13  }
0x26b: {  	v12 =	vor.u32 v11, v57;
	v13 =	vld.idx.msk [tilespmem:v15+s19+$0x0], $0xffff;
	_ =	sdelay $0x3  }
0x26c: {  	s31 =	sshll.u32 s26, $0xA  }
0x26d: {  	s1 =	sadd.s32 s6, s31;
	[tilespmem:v12+s20+$0x0] =	vst.idx.msk $0xffff, v13  }
0x26e: {  	[hbm4b:s1+s3] =	stream.linear.scatter [tilespmem:s20], [sflag:$0x7], $0x2000, $0x38;
	[tilespmem:$0x10000] =	vst v63  }
.LBB2_16:
0x26f: {  	s1 =	simm.s32 @!p2 $0x4  }
0x270: {  	_ =	swait.ge @!p2 [sflag:s1], $0x2000  }
0x271: {  	s2 =	sadd.s32 s9, s25;
	[sflag:s1] =	ssyncset.done @!p2 $0x0  }
0x272: {  	p0 =	sgt.u32 s2, $0x1E84;
	[sflag:s1] =	ssyncadd.s32 @!p2 $0xFFFFE000;
	s1 =	simm.s32 @p6 $0x6  }
.Ltmp12:
0x273: {  	s2 =	sshll.u32 @!p0 s2, $0x7;
	_ =	swait.ge @p6 [sflag:s1], $0x2000;
	(pc) =	sbr.rel @p2 .LBB2_20-.Ltmp12, $4  }
0x274: {  	s25 =	simm.s32 @!p0 $0x7A1400;
	s26 =	simm.s32 @!p0 $0x2000;
	[sflag:s1] =	ssyncset.done @p6 $0x0  }
0x275: {  	[sflag:s1] =	ssyncadd.s32 @p6 $0xFFFFE000;
	s1 =	sadd.s32 @!p0 s0, s2;
	s2 =	simm.s32 @!p0 $0x400  }
0x276: {  	[tilespmem:s26], [sflag:$0x2] =	stream.strided.gather @!p0 [hbm4b:s1+s2], $0x2000, s25, s2, $0x38;
	[tilespmem:$0x10000] =	vst v63  }
0x277: {  	s1 =	simm.s32 $0x0  }
0x278: {  	v12 =	vadd.s32 s1, v0  }
0x279: {  	v13 =	vand.u32 $0x7F, v12  }
0x27a: {  	v14 =	vor.u32 v1, v13;
	_ =	sdelay $0x2  }
0x27b: {  	v12 =	vshll.u32 v12, $0x6  }
0x27c: {  	v12 =	vand.u32 $0x1F80, v12  }
0x27d: {  	v15 =	vor.u32 v2, v12;
	v14 =	vld.idx.msk [tilespmem:v14+s21+$0x0], $0xffff  }
0x27e: {  	v16 =	vor.u32 v4, v13;
	_ =	sdelay $0x3  }
0x27f: {  	[tilespmem:v15+s22+$0x0] =	vst.idx.msk $0xffff, v14  }
0x280: {  	v15 =	vor.u32 v3, v12;
	v14 =	vld.idx.msk [tilespmem:v16+s21+$0x0], $0xffff  }
0x281: {  	v54 =	vor.u32 v5, v13;
	_ =	sdelay $0x3  }
0x282: {  	[tilespmem:v15+s22+$0x0] =	vst.idx.msk $0xffff, v14  }
0x283: {  	v15 =	vor.u32 v6, v12;
	v14 =	vld.idx.msk [tilespmem:v54+s21+$0x0], $0xffff  }
0x284: {  	v13 =	vor.u32 v7, v13;
	_ =	sdelay $0x2  }
0x285: {  	s29 =	simm.s32 $0x1  }
0x286: {  	[tilespmem:v15+s22+$0x0] =	vst.idx.msk $0xffff, v14;
	v14 =	vadd.s32 s29, v0  }
0x287: {  	v12 =	vor.u32 v8, v12;
	v13 =	vld.idx.msk [tilespmem:v13+s21+$0x0], $0xffff;
	v15 =	vand.u32 $0x7F, v14  }
0x288: {  	v55 =	vor.u32 v1, v15;
	_ =	sdelay $0x2  }
0x289: {  	v14 =	vshll.u32 v14, $0x6  }
0x28a: {  	[tilespmem:v12+s22+$0x0] =	vst.idx.msk $0xffff, v13;
	v12 =	vand.u32 $0x1FC0, v14  }
0x28b: {  	v13 =	vld.idx.msk [tilespmem:v55+s21+$0x0], $0xffff;
	v14 =	vor.u32 v0, v12  }
0x28c: {  	v56 =	vor.u32 v4, v15;
	_ =	sdelay $0x3  }
0x28d: {  	[tilespmem:v14+s22+$0x0] =	vst.idx.msk $0xffff, v13  }
0x28e: {  	v14 =	vor.u32 v9, v12;
	v13 =	vld.idx.msk [tilespmem:v56+s21+$0x0], $0xffff  }
0x28f: {  	v57 =	vor.u32 v5, v15;
	_ =	sdelay $0x3  }
0x290: {  	[tilespmem:v14+s22+$0x0] =	vst.idx.msk $0xffff, v13  }
0x291: {  	v14 =	vor.u32 v10, v12;
	v13 =	vld.idx.msk [tilespmem:v57+s21+$0x0], $0xffff  }
0x292: {  	v15 =	vor.u32 v7, v15;
	_ =	sdelay $0x2  }
0x293: {  	s30 =	simm.s32 $0x2  }
0x294: {  	[tilespmem:v14+s22+$0x0] =	vst.idx.msk $0xffff, v13;
	v13 =	vadd.s32 s30, v0  }
0x295: {  	v12 =	vor.u32 v11, v12;
	v14 =	vld.idx.msk [tilespmem:v15+s21+$0x0], $0xffff;
	v15 =	vand.u32 $0x7F, v13  }
0x296: {  	v58 =	vor.u32 v1, v15;
	_ =	sdelay $0x2  }
0x297: {  	v13 =	vshll.u32 v13, $0x6  }
0x298: {  	[tilespmem:v12+s22+$0x0] =	vst.idx.msk $0xffff, v14;
	v12 =	vand.u32 $0x1F80, v13  }
0x299: {  	v13 =	vld.idx.msk [tilespmem:v58+s21+$0x0], $0xffff;
	v14 =	vor.u32 v2, v12  }
0x29a: {  	v59 =	vor.u32 v4, v15;
	_ =	sdelay $0x3  }
0x29b: {  	[tilespmem:v14+s22+$0x0] =	vst.idx.msk $0xffff, v13  }
0x29c: {  	v14 =	vor.u32 v3, v12;
	v13 =	vld.idx.msk [tilespmem:v59+s21+$0x0], $0xffff  }
0x29d: {  	v60 =	vor.u32 v5, v15;
	_ =	sdelay $0x3  }
0x29e: {  	[tilespmem:v14+s22+$0x0] =	vst.idx.msk $0xffff, v13  }
0x29f: {  	v14 =	vor.u32 v6, v12;
	v13 =	vld.idx.msk [tilespmem:v60+s21+$0x0], $0xffff  }
0x2a0: {  	v15 =	vor.u32 v7, v15;
	_ =	sdelay $0x2  }
0x2a1: {  	s31 =	simm.s32 $0x3  }
0x2a2: {  	[tilespmem:v14+s22+$0x0] =	vst.idx.msk $0xffff, v13;
	v13 =	vadd.s32 s31, v0  }
0x2a3: {  	v12 =	vor.u32 v8, v12;
	v14 =	vld.idx.msk [tilespmem:v15+s21+$0x0], $0xffff;
	v15 =	vand.u32 $0x7F, v13  }
0x2a4: {  	v61 =	vor.u32 v1, v15;
	_ =	sdelay $0x2  }
0x2a5: {  	v13 =	vshll.u32 v13, $0x6  }
0x2a6: {  	[tilespmem:v12+s22+$0x0] =	vst.idx.msk $0xffff, v14;
	v12 =	vand.u32 $0x1FC0, v13  }
0x2a7: {  	v13 =	vld.idx.msk [tilespmem:v61+s21+$0x0], $0xffff;
	v14 =	vor.u32 v0, v12  }
0x2a8: {  	v62 =	vor.u32 v4, v15;
	_ =	sdelay $0x3  }
0x2a9: {  	[tilespmem:v14+s22+$0x0] =	vst.idx.msk $0xffff, v13  }
0x2aa: {  	v14 =	vor.u32 v9, v12;
	v13 =	vld.idx.msk [tilespmem:v62+s21+$0x0], $0xffff  }
0x2ab: {  	v63 =	vor.u32 v5, v15;
	_ =	sdelay $0x3  }
0x2ac: {  	[tilespmem:v14+s22+$0x0] =	vst.idx.msk $0xffff, v13  }
0x2ad: {  	v14 =	vor.u32 v10, v12;
	v13 =	vld.idx.msk [tilespmem:v63+s21+$0x0], $0xffff  }
0x2ae: {  	v15 =	vor.u32 v7, v15;
	_ =	sdelay $0x3  }
0x2af: {  	s25 =	simm.s32 $0x4;
	[tilespmem:v14+s22+$0x0] =	vst.idx.msk $0xffff, v13  }
0x2b0: {  	s1 =	simm.s32 $0x8;
	v13 =	vadd.s32 s25, v0;
	v14 =	vld.idx.msk [tilespmem:v15+s21+$0x0], $0xffff  }
.LBB2_18:
0x2b1: {  	p0 =	slt.u32 s1, $0x7C;
	v15 =	vand.u32 $0x7F, v13;
	v12 =	vor.u32 v11, v12  }
0x2b2: {  	v16 =	vor.u32 v1, v15;
	_ =	sdelay $0x3  }
0x2b3: {  	v13 =	vshll.u32 v13, $0x6;
	[tilespmem:v12+s22+$0x0] =	vst.idx.msk $0xffff, v14  }
0x2b4: {  	v13 =	vand.u32 $0x1F80, v13;
	v12 =	vld.idx.msk [tilespmem:v16+s21+$0x0], $0xffff  }
0x2b5: {  	v14 =	vor.u32 v2, v13  }
0x2b6: {  	v16 =	vor.u32 v4, v15;
	_ =	sdelay $0x3  }
0x2b7: {  	[tilespmem:v14+s22+$0x0] =	vst.idx.msk $0xffff, v12  }
0x2b8: {  	v12 =	vld.idx.msk [tilespmem:v16+s21+$0x0], $0xffff  }
0x2b9: {  	v14 =	vor.u32 v3, v13  }
0x2ba: {  	v16 =	vor.u32 v5, v15;
	_ =	sdelay $0x3  }
0x2bb: {  	[tilespmem:v14+s22+$0x0] =	vst.idx.msk $0xffff, v12  }
0x2bc: {  	v12 =	vld.idx.msk [tilespmem:v16+s21+$0x0], $0xffff  }
0x2bd: {  	v14 =	vor.u32 v6, v13  }
0x2be: {  	v15 =	vor.u32 v7, v15;
	_ =	sdelay $0x3  }
0x2bf: {  	s2 =	sadd.s32 $0x1, s25;
	[tilespmem:v14+s22+$0x0] =	vst.idx.msk $0xffff, v12  }
0x2c0: {  	v14 =	vadd.s32 s2, v0;
	v12 =	vld.idx.msk [tilespmem:v15+s21+$0x0], $0xffff  }
0x2c1: {  	v13 =	vor.u32 v8, v13;
	v15 =	vand.u32 $0x7F, v14  }
0x2c2: {  	v16 =	vor.u32 v1, v15;
	_ =	sdelay $0x3  }
0x2c3: {  	[tilespmem:v13+s22+$0x0] =	vst.idx.msk $0xffff, v12;
	v12 =	vshll.u32 v14, $0x6  }
0x2c4: {  	v13 =	vld.idx.msk [tilespmem:v16+s21+$0x0], $0xffff;
	v12 =	vand.u32 $0x1FC0, v12  }
0x2c5: {  	v14 =	vor.u32 v0, v12  }
0x2c6: {  	v16 =	vor.u32 v4, v15;
	_ =	sdelay $0x3  }
0x2c7: {  	[tilespmem:v14+s22+$0x0] =	vst.idx.msk $0xffff, v13  }
0x2c8: {  	v13 =	vld.idx.msk [tilespmem:v16+s21+$0x0], $0xffff  }
0x2c9: {  	v14 =	vor.u32 v9, v12  }
0x2ca: {  	v16 =	vor.u32 v5, v15;
	_ =	sdelay $0x3  }
0x2cb: {  	[tilespmem:v14+s22+$0x0] =	vst.idx.msk $0xffff, v13  }
0x2cc: {  	v13 =	vld.idx.msk [tilespmem:v16+s21+$0x0], $0xffff  }
0x2cd: {  	v14 =	vor.u32 v10, v12  }
0x2ce: {  	v15 =	vor.u32 v7, v15;
	_ =	sdelay $0x3  }
0x2cf: {  	s2 =	sadd.s32 $0x2, s25;
	[tilespmem:v14+s22+$0x0] =	vst.idx.msk $0xffff, v13  }
0x2d0: {  	v14 =	vadd.s32 s2, v0;
	v13 =	vld.idx.msk [tilespmem:v15+s21+$0x0], $0xffff  }
0x2d1: {  	v12 =	vor.u32 v11, v12;
	v15 =	vand.u32 $0x7F, v14  }
0x2d2: {  	v16 =	vor.u32 v1, v15;
	_ =	sdelay $0x3  }
0x2d3: {  	[tilespmem:v12+s22+$0x0] =	vst.idx.msk $0xffff, v13;
	v12 =	vshll.u32 v14, $0x6  }
0x2d4: {  	v13 =	vld.idx.msk [tilespmem:v16+s21+$0x0], $0xffff;
	v12 =	vand.u32 $0x1F80, v12  }
0x2d5: {  	v14 =	vor.u32 v2, v12  }
0x2d6: {  	v16 =	vor.u32 v4, v15;
	_ =	sdelay $0x3  }
0x2d7: {  	[tilespmem:v14+s22+$0x0] =	vst.idx.msk $0xffff, v13  }
0x2d8: {  	v13 =	vld.idx.msk [tilespmem:v16+s21+$0x0], $0xffff  }
0x2d9: {  	v14 =	vor.u32 v3, v12  }
0x2da: {  	v16 =	vor.u32 v5, v15;
	_ =	sdelay $0x3  }
0x2db: {  	[tilespmem:v14+s22+$0x0] =	vst.idx.msk $0xffff, v13  }
0x2dc: {  	v13 =	vld.idx.msk [tilespmem:v16+s21+$0x0], $0xffff  }
0x2dd: {  	v14 =	vor.u32 v6, v12  }
0x2de: {  	v15 =	vor.u32 v7, v15;
	_ =	sdelay $0x3  }
0x2df: {  	s2 =	sadd.s32 $0x3, s25;
	s25 =	smov.u32 s1;
	[tilespmem:v14+s22+$0x0] =	vst.idx.msk $0xffff, v13  }
0x2e0: {  	v14 =	vadd.s32 s2, v0;
	v13 =	vld.idx.msk [tilespmem:v15+s21+$0x0], $0xffff  }
0x2e1: {  	v12 =	vor.u32 v8, v12;
	v15 =	vand.u32 $0x7F, v14  }
0x2e2: {  	v16 =	vor.u32 v1, v15;
	_ =	sdelay $0x3  }
0x2e3: {  	[tilespmem:v12+s22+$0x0] =	vst.idx.msk $0xffff, v13;
	v12 =	vshll.u32 v14, $0x6  }
0x2e4: {  	v13 =	vld.idx.msk [tilespmem:v16+s21+$0x0], $0xffff;
	v12 =	vand.u32 $0x1FC0, v12  }
0x2e5: {  	v14 =	vor.u32 v0, v12  }
0x2e6: {  	v16 =	vor.u32 v4, v15;
	_ =	sdelay $0x3  }
0x2e7: {  	[tilespmem:v14+s22+$0x0] =	vst.idx.msk $0xffff, v13  }
0x2e8: {  	v13 =	vld.idx.msk [tilespmem:v16+s21+$0x0], $0xffff  }
0x2e9: {  	v14 =	vor.u32 v9, v12  }
0x2ea: {  	v16 =	vor.u32 v5, v15;
	_ =	sdelay $0x3  }
0x2eb: {  	[tilespmem:v14+s22+$0x0] =	vst.idx.msk $0xffff, v13  }
0x2ec: {  	v13 =	vld.idx.msk [tilespmem:v16+s21+$0x0], $0xffff  }
0x2ed: {  	v14 =	vor.u32 v10, v12  }
0x2ee: {  	v15 =	vor.u32 v7, v15  }
.Ltmp13:
0x2ef: {  	(pc) =	sbr.rel @p0 .LBB2_18-.Ltmp13, $3  }
0x2f0: {  	_ =	sdelay $0x1  }
0x2f1: {  	[tilespmem:v14+s22+$0x0] =	vst.idx.msk $0xffff, v13  }
0x2f2: {  	s1 =	sadd.s32 $0x4, s1;
	v13 =	vadd.s32 s25, v0;
	v14 =	vld.idx.msk [tilespmem:v15+s21+$0x0], $0xffff  }
0x2f3: {  	v15 =	vand.u32 $0x7F, v13;
	v12 =	vor.u32 v11, v12  }
0x2f4: {  	v16 =	vor.u32 v1, v15;
	_ =	sdelay $0x2  }
0x2f5: {  	v26 =	vshll.u32 v13, $0x6  }
0x2f6: {  	v27 =	vand.u32 $0x1F80, v26;
	[tilespmem:v12+s22+$0x0] =	vst.idx.msk $0xffff, v14  }
0x2f7: {  	v29 =	vor.u32 v2, v27;
	v28 =	vld.idx.msk [tilespmem:v16+s21+$0x0], $0xffff  }
0x2f8: {  	v30 =	vor.u32 v4, v15;
	_ =	sdelay $0x3  }
0x2f9: {  	[tilespmem:v29+s22+$0x0] =	vst.idx.msk $0xffff, v28  }
0x2fa: {  	v31 =	vor.u32 v3, v27;
	v13 =	vld.idx.msk [tilespmem:v30+s21+$0x0], $0xffff  }
0x2fb: {  	v32 =	vor.u32 v5, v15;
	_ =	sdelay $0x3  }
0x2fc: {  	[tilespmem:v31+s22+$0x0] =	vst.idx.msk $0xffff, v13  }
0x2fd: {  	v33 =	vor.u32 v6, v27;
	v13 =	vld.idx.msk [tilespmem:v32+s21+$0x0], $0xffff  }
0x2fe: {  	v15 =	vor.u32 v7, v15;
	_ =	sdelay $0x2  }
0x2ff: {  	s1 =	sadd.s32 $0x1, s25  }
0x300: {  	v34 =	vadd.s32 s1, v0;
	[tilespmem:v33+s22+$0x0] =	vst.idx.msk $0xffff, v13  }
0x301: {  	v35 =	vand.u32 $0x7F, v34;
	v12 =	vor.u32 v8, v27;
	v14 =	vld.idx.msk [tilespmem:v15+s21+$0x0], $0xffff  }
0x302: {  	v36 =	vor.u32 v1, v35;
	_ =	sdelay $0x2  }
0x303: {  	v13 =	vshll.u32 v34, $0x6  }
0x304: {  	v37 =	vand.u32 $0x1FC0, v13;
	[tilespmem:v12+s22+$0x0] =	vst.idx.msk $0xffff, v14  }
0x305: {  	v39 =	vor.u32 v0, v37;
	v38 =	vld.idx.msk [tilespmem:v36+s21+$0x0], $0xffff  }
0x306: {  	v40 =	vor.u32 v4, v35;
	_ =	sdelay $0x3  }
0x307: {  	[tilespmem:v39+s22+$0x0] =	vst.idx.msk $0xffff, v38  }
0x308: {  	v41 =	vor.u32 v9, v37;
	v13 =	vld.idx.msk [tilespmem:v40+s21+$0x0], $0xffff  }
0x309: {  	v42 =	vor.u32 v5, v35;
	_ =	sdelay $0x3  }
0x30a: {  	[tilespmem:v41+s22+$0x0] =	vst.idx.msk $0xffff, v13  }
0x30b: {  	v43 =	vor.u32 v10, v37;
	v13 =	vld.idx.msk [tilespmem:v42+s21+$0x0], $0xffff  }
0x30c: {  	v15 =	vor.u32 v7, v35;
	_ =	sdelay $0x2  }
0x30d: {  	s29 =	sadd.s32 $0x2, s25  }
0x30e: {  	v44 =	vadd.s32 s29, v0;
	[tilespmem:v43+s22+$0x0] =	vst.idx.msk $0xffff, v13  }
0x30f: {  	v45 =	vand.u32 $0x7F, v44;
	v12 =	vor.u32 v11, v37;
	v14 =	vld.idx.msk [tilespmem:v15+s21+$0x0], $0xffff  }
0x310: {  	v46 =	vor.u32 v1, v45;
	_ =	sdelay $0x2  }
0x311: {  	v13 =	vshll.u32 v44, $0x6  }
0x312: {  	v47 =	vand.u32 $0x1F80, v13;
	[tilespmem:v12+s22+$0x0] =	vst.idx.msk $0xffff, v14  }
0x313: {  	v49 =	vor.u32 v2, v47;
	v48 =	vld.idx.msk [tilespmem:v46+s21+$0x0], $0xffff  }
0x314: {  	v50 =	vor.u32 v4, v45;
	_ =	sdelay $0x3  }
0x315: {  	[tilespmem:v49+s22+$0x0] =	vst.idx.msk $0xffff, v48  }
0x316: {  	v51 =	vor.u32 v3, v47;
	v13 =	vld.idx.msk [tilespmem:v50+s21+$0x0], $0xffff  }
0x317: {  	v52 =	vor.u32 v5, v45;
	_ =	sdelay $0x3  }
0x318: {  	[tilespmem:v51+s22+$0x0] =	vst.idx.msk $0xffff, v13  }
0x319: {  	v53 =	vor.u32 v6, v47;
	v13 =	vld.idx.msk [tilespmem:v52+s21+$0x0], $0xffff  }
0x31a: {  	v15 =	vor.u32 v7, v45;
	_ =	sdelay $0x2  }
0x31b: {  	s30 =	sadd.s32 $0x3, s25  }
0x31c: {  	v54 =	vadd.s32 s30, v0;
	[tilespmem:v53+s22+$0x0] =	vst.idx.msk $0xffff, v13  }
0x31d: {  	v55 =	vand.u32 $0x7F, v54;
	v12 =	vor.u32 v8, v47;
	v14 =	vld.idx.msk [tilespmem:v15+s21+$0x0], $0xffff  }
0x31e: {  	v56 =	vor.u32 v1, v55;
	_ =	sdelay $0x2  }
0x31f: {  	v13 =	vshll.u32 v54, $0x6  }
0x320: {  	v57 =	vand.u32 $0x1FC0, v13;
	[tilespmem:v12+s22+$0x0] =	vst.idx.msk $0xffff, v14  }
0x321: {  	v59 =	vor.u32 v0, v57;
	v58 =	vld.idx.msk [tilespmem:v56+s21+$0x0], $0xffff  }
0x322: {  	v60 =	vor.u32 v4, v55;
	_ =	sdelay $0x3  }
0x323: {  	[tilespmem:v59+s22+$0x0] =	vst.idx.msk $0xffff, v58  }
0x324: {  	v61 =	vor.u32 v9, v57;
	v13 =	vld.idx.msk [tilespmem:v60+s21+$0x0], $0xffff  }
0x325: {  	v62 =	vor.u32 v5, v55;
	_ =	sdelay $0x3  }
0x326: {  	[tilespmem:v61+s22+$0x0] =	vst.idx.msk $0xffff, v13  }
0x327: {  	v63 =	vor.u32 v10, v57;
	v13 =	vld.idx.msk [tilespmem:v62+s21+$0x0], $0xffff  }
0x328: {  	v15 =	vor.u32 v7, v55;
	_ =	sdelay $0x3  }
0x329: {  	[tilespmem:v63+s22+$0x0] =	vst.idx.msk $0xffff, v13  }
0x32a: {  	v12 =	vor.u32 v11, v57;
	v13 =	vld.idx.msk [tilespmem:v15+s21+$0x0], $0xffff;
	_ =	sdelay $0x1  }
.Ltmp14:
0x32b: {  	_ = 	snop;
	(pc) =	sbr.rel .LBB2_20-.Ltmp14, $4  }
0x32c: {  	_ = 	snop  }
0x32d: {  	s31 =	sshll.u32 s28, $0xA  }
0x32e: {  	s1 =	sadd.s32 s6, s31;
	[tilespmem:v12+s22+$0x0] =	vst.idx.msk $0xffff, v13  }
0x32f: {  	[hbm4b:s1+s3] =	stream.linear.scatter [tilespmem:s22], [sflag:$0x8], $0x2000, $0x38;
	[tilespmem:$0x10000] =	vst v63  }
.LBB2_22:
0x330: {  	_ =	sfence.sel $0x180000  }
0x331: {  	[bflag:$0x0] =	sbarrier.arrive $0xFFFF  }
0x332: {  	_ =	strace $0x90000047  }
0x333: {  	s0 =	stileid.u32;
	[bflag:$0x2] =	sbarrier.arrive $0xFFFF  }
0x334: {  	p0 =	sne.s32 s0, $0x0;
	s0 =	rddreg [dreg:$0x2]  }
0x335: {  	s0 =	sadd.s32 @!p0 $0x100000, s0  }
0x336: {  	[sflag:s0] =	ssyncadd.tile.s32 @!p0 $0x1;
	_ =	shalt  }
.Lfunc_end2:
_tile_overlayer_lowered:
.L_overlay_start_2:
0x337: {  	(tag) =	ssettag $0x2  }
0x338: {  	s0 =	rddreg [dreg:$0x0];
	s2 =	stileid.u32  }
0x339: {  	s1 =	rddreg [dreg:$0x1];
	p0 =	sne.s32 s2, $0x0  }
0x33a: {  	s3 =	rddreg [dreg:$0x2];
	[bflag:$0x3] =	sbarrier.arrive $0xFFFF;
	s2 =	simm.s32 @!p0 $0x1C09  }
0x33b: {  	[timem:s3], [sflag:s2] =	dma.local @!p0 [hbm:s0], s1  }
0x33c: {  	s0 =	simm.s32 @!p0 $0x9  }
0x33d: {  	_ =	swait.ge @!p0 [sflag:s0], s1  }
0x33e: {  	s1 =	ssub.s32 @!p0 $0x0, s1;
	[sflag:s0] =	ssyncset.done @!p0 $0x0  }
0x33f: {  	[sflag:s0] =	ssyncadd.s32 @!p0 s1  }
0x340: {  	[bflag:$0x3] =	sbarrier.arrive $0xFFFF  }
0x341: {  	_ =	shalt  }

// kernel: kernel.7.cloned.1.call-start
scs
__scs_entry_jumppad:
0x0: {  	(pc) =	sbr.rel $0x88, $3  }
0x1: {  	(tag) =	ssettag $0x0;
	lr =	simm.s32 $0x1  }
0x2: {  	[smem:$0x3F9F] =	sst lr;
	_ =	strace $0xD0000000  }
0x3: {  	_ = 	snop  }
0x4: {  	_ = 	snop  }
0x5: {  	_ = 	snop  }
0x6: {  	_ = 	snop  }
0x7: {  	_ = 	snop  }
__scs_overlays_trampoline_lowered:
0x8: {  	[smem:$0x3FAE] =	sst s0  }
0x9: {  	[smem:$0x3FAF] =	sst s1  }
0xa: {  	[smem:$0x3FB0] =	sst s2  }
0xb: {  	[smem:$0x3FB1] =	sst s3  }
0xc: {  	[smem:$0x3FB2] =	sst s4  }
0xd: {  	[smem:$0x3FB3] =	sst s5  }
0xe: {  	[smem:$0x3FB4] =	sst s6  }
0xf: {  	[smem:$0x3FB5] =	sst s7  }
0x10: {  	[smem:$0x3FB6] =	sst s8  }
0x11: {  	[smem:$0x3FB7] =	sst s9;
	s0 =	simm.s32 @!p0 $0x0  }
0x12: {  	s1 =	sld [smem:$0x3F9D];
	s0 =	simm.s32 @p0 $0x1  }
0x13: {  	[smem:$0x3FB8] =	sst s0;
	s0 =	simm.s32 @!p1 $0x0  }
0x14: {  	s2 =	sld [smem:$0x3F9C];
	s0 =	simm.s32 @p1 $0x1  }
0x15: {  	[smem:$0x3FB9] =	sst s0;
	s0 =	simm.s32 @!p2 $0x0  }
0x16: {  	s3 =	sld [smem:$0x3FDB];
	s0 =	simm.s32 @p2 $0x1  }
0x17: {  	s4 =	simm.s32 $0x1BF5;
	[smem:$0x3FBB] =	sst s0  }
0x18: {  	s0 =	sld [smem:$0x3F9E];
	_ =	swait.ge [sflag:s4], $0x0  }
0x19: {  	s7 =	sld [smem:$0x3F9F]  }
0x1a: {  	s8 =	sadd.s32 $0xFFFFE003, lr  }
0x1b: {  	s9 =	sadd.s32 $0xFFFFFEF7, lr;
	s5 =	simm.s32 $0xFFFFFFFF;
	p2 =	slt.u32 s8, $0xFFFFF086  }
0x1c: {  	p1 =	slt.u32 s9, $0xF7A;
	s5 =	simm.s32 @!p2 $0x0  }
0x1d: {  	s5 =	simm.s32 @p1 $0x1;
	p0 =	seq.s32 s7, s2  }
0x1e: {  	s7 =	smul.u32 @!p0 $0xF7A, s2;
	p2 =	seq.s32 @!p0 s5, $0x0  }
0x1f: {  	s9 =	smul.u32 $0xF7A, s1;
	s8 =	simm.s32 @!p0 $0x1BF5;
	p2 =	por !p2, p0  }
0x20: {  	[sflag:s8] =	ssyncset.s32 @!p0 $0xFFFFF086;
	s6 =	sadd.s32 @!p0 s3, s7;
	s7 =	simm.s32 @!p0 $0x108  }
0x21: {  	s3 =	sadd.s32 s3, s9;
	s6 =	sadd.s32 @!p0 $0x88, s6;
	s7 =	simm.s32 @p2 $0x1082  }
0x22: {  	[simem:s7], [sflag:s8] =	dma.local @!p0 [hbm:s6], $0xF7A  }
0x23: {  	s9 =	sor.u32 $0xD0000000, s2;
	s6 =	simm.s32 $0x108;
	_ =	swait.ge @!p0 [sflag:s8], $0x0  }
0x24: {  	s3 =	sadd.s32 $0x88, s3;
	s6 =	simm.s32 @!p1 $0x1082;
	[sflag:s4] =	ssyncset.s32 $0xFFFFF086  }
0x25: {  	[simem:s6], [sflag:s4] =	dma.local [hbm:s3], $0xF7A  }
0x26: {  	[smem:$0x3F9F] =	sst s1;
	(tag) =	ssettag s2;
	_ =	strace s9  }
0x27: {  	s1 =	sld [smem:$0x3FAF]  }
0x28: {  	s2 =	sld [smem:$0x3FB0]  }
0x29: {  	s4 =	sld [smem:$0x3FB2]  }
0x2a: {  	p0 =	seq.s32 s5, $0x0;
	s5 =	sld [smem:$0x3FB3]  }
0x2b: {  	s6 =	sld [smem:$0x3FB4]  }
0x2c: {  	s7 =	sld [smem:$0x3FB5]  }
0x2d: {  	s3 =	simm.s32 $0x108;
	s8 =	sld [smem:$0x3FB6]  }
0x2e: {  	s3 =	simm.s32 @!p0 $0x1082;
	s9 =	sld [smem:$0x3FB7]  }
0x2f: {  	lr =	sadd.s32 s0, s3;
	s0 =	sld [smem:$0x3FAE]  }
0x30: {  	s3 =	sld [smem:$0x3FB1]  }
0x31: {  	[smem:$0x3FBA] =	sst s10  }
0x32: {  	s10 =	sld [smem:$0x3FB8];
	_ =	sdelay $0x3  }
0x33: {  	p0 =	seq.s32 s10, $0x1;
	s10 =	sld [smem:$0x3FBA];
	_ =	sdelay $0x3  }
0x34: {  	[smem:$0x3FBA] =	sst s10  }
0x35: {  	s10 =	sld [smem:$0x3FB9];
	_ =	sdelay $0x3  }
0x36: {  	p1 =	seq.s32 s10, $0x1;
	s10 =	sld [smem:$0x3FBA];
	_ =	sdelay $0x3  }
0x37: {  	[smem:$0x3FBA] =	sst s10  }
0x38: {  	s10 =	sld [smem:$0x3FBB]  }
0x39: {  	_ = 	snop;
	(pc) =	sbr.ind lr, $3  }
0x3a: {  	_ = 	snop  }
0x3b: {  	_ = 	snop  }
0x3c: {  	p2 =	seq.s32 s10, $0x1;
	s10 =	sld [smem:$0x3FBA]  }
0x3d: {  	_ =	shalt  }
0x3e: {  	_ =	shalt  }
0x3f: {  	_ =	shalt  }
0x40: {  	_ =	shalt  }
0x41: {  	_ =	shalt  }
0x42: {  	_ =	shalt  }
0x43: {  	_ =	shalt  }
0x44: {  	_ =	shalt  }
0x45: {  	_ =	shalt  }
0x46: {  	_ =	shalt  }
0x47: {  	_ =	shalt  }
0x48: {  	_ =	shalt  }
0x49: {  	_ =	shalt  }
0x4a: {  	_ =	shalt  }
0x4b: {  	_ =	shalt  }
0x4c: {  	_ =	shalt  }
0x4d: {  	_ =	shalt  }
0x4e: {  	_ =	shalt  }
0x4f: {  	_ =	shalt  }
0x50: {  	_ =	shalt  }
0x51: {  	_ =	shalt  }
0x52: {  	_ =	shalt  }
0x53: {  	_ =	shalt  }
0x54: {  	_ =	shalt  }
0x55: {  	_ =	shalt  }
0x56: {  	_ =	shalt  }
0x57: {  	_ =	shalt  }
0x58: {  	_ =	shalt  }
0x59: {  	_ =	shalt  }
0x5a: {  	_ =	shalt  }
0x5b: {  	_ =	shalt  }
0x5c: {  	_ =	shalt  }
0x5d: {  	_ =	shalt  }
0x5e: {  	_ =	shalt  }
0x5f: {  	_ =	shalt  }
0x60: {  	_ =	shalt  }
0x61: {  	_ =	shalt  }
0x62: {  	_ =	shalt  }
0x63: {  	_ =	shalt  }
0x64: {  	_ =	shalt  }
0x65: {  	_ =	shalt  }
0x66: {  	_ =	shalt  }
0x67: {  	_ =	shalt  }
0x68: {  	_ =	shalt  }
0x69: {  	_ =	shalt  }
0x6a: {  	_ =	shalt  }
0x6b: {  	_ =	shalt  }
0x6c: {  	_ =	shalt  }
0x6d: {  	_ =	shalt  }
0x6e: {  	_ =	shalt  }
0x6f: {  	_ =	shalt  }
0x70: {  	_ =	shalt  }
0x71: {  	_ =	shalt  }
0x72: {  	_ =	shalt  }
0x73: {  	_ =	shalt  }
0x74: {  	_ =	shalt  }
0x75: {  	_ =	shalt  }
0x76: {  	_ =	shalt  }
0x77: {  	_ =	shalt  }
0x78: {  	_ =	shalt  }
0x79: {  	_ =	shalt  }
0x7a: {  	_ =	shalt  }
0x7b: {  	_ =	shalt  }
0x7c: {  	_ =	shalt  }
0x7d: {  	_ =	shalt  }
0x7e: {  	_ =	shalt  }
0x7f: {  	_ =	shalt  }
0x80: {  	_ =	shalt  }
0x81: {  	_ =	shalt  }
0x82: {  	_ =	shalt  }
0x83: {  	_ =	shalt  }
0x84: {  	_ =	shalt  }
0x85: {  	_ =	shalt  }
0x86: {  	_ =	shalt  }
0x87: {  	_ =	shalt  }
.Lfunc_end0:
.L_simem_size_0:
called_computation.2_lowered:
.L_overlay_start_0:
0x88: {  	s2 =	sld [smem:$0x3FD9]  }
0x89: {  	s3 =	sld [smem:$0x3FFE];
	_ =	sdelay $0x1  }
0x8a: {  	s1 =	srdreg.scid  }
0x8b: {  	s0 =	sand.u32 $0x1, s1  }
0x8c: {  	s17 =	sshll.u32 s0, $0xA;
	s2 =	sadd.s32 s3, s2  }
0x8d: {  	s2 =	sadd.s32 s2, s17  }
0x8e: {  	[smem:$0x3FC6] =	sst s2  }
0x8f: {  	_ = 	snop  }
0x90: {  	s2 =	sld [smem:$0x3FC9]  }
0x91: {  	s18 =	sld [smem:$0x3FD0];
	(tm) =	ssettm $0x1  }
0x92: {  	s4 =	sld [smem:$0x3FFB];
	_ =	sdelay $0x3  }
0x93: {  	_ =	strace s4  }
0x94: {  	s4 =	sld [smem:$0x3FFC];
	_ =	sdelay $0x3  }
0x95: {  	_ =	strace s4  }
0x96: {  	s4 =	sld [smem:$0x3FFD];
	_ =	sdelay $0x3  }
0x97: {  	_ =	strace s4  }
0x98: {  	_ =	strace $0x8FFFFFFF  }
0x99: {  	s19 =	sld [smem:$0x3FDB];
	_ =	sdelay $0x1  }
0x9a: {  	s5 =	simm.s32 $_scs_section_size  }
0x9b: {  	s6 =	simm.s32 $_size__tile_overlayer_lowered;
	s7 =	simm.s32 $_tile_overlayer_lowered  }
0x9c: {  	s22 =	simm.s32 $0x1BFF;
	s21 =	sshll.u32 s7, $0x1;
	s4 =	sadd.s32 s5, s19  }
0x9d: {  	s8 =	simm.s32 $0x0;
	s20 =	sshll.u32 s6, $0x1;
	s6 =	sadd.s32 s21, s4  }
0x9e: {  	[timem:s8], [sflag:s22] =	dma.local [hbm:s6], s20  }
0x9f: {  	_ =	swait.ge [sflag:s22], s20  }
0xa0: {  	s5 =	ssub.s32 $0x0, s20;
	[sflag:s22] =	ssyncset.done $0x0  }
0xa1: {  	[sflag:s22] =	ssyncadd.s32 s5;
	_ =	sdelay $0x1  }
0xa2: {  	s23 =	simm.s32 $0x1B8B  }
0xa3: {  	_ =	swait.ge [sflag:s23], $0x1  }
0xa4: {  	[sflag:s23] =	ssyncset.done $0x0  }
0xa5: {  	s25 =	simm.s32 $0x1B8E;
	s24 =	sld [smem:$0x3FFE];
	[sflag:s23] =	ssyncadd.s32 $0xFFFFFFFF  }
0xa6: {  	s26 =	simm.s32 $execute0_lowered;
	[smem:$0x3FD2] =	sst s25  }
0xa7: {  	s6 =	sshll.u32 s26, $0x1;
	_ =	strace $0x80000049;
	[dreg:$0x1] =	wrdreg $0xFFFFFFFF  }
0xa8: {  	s28 =	simm.s32 $_size_execute0_lowered;
	s4 =	sadd.s32 s4, s6;
	[dreg:$0x0] =	wrdreg $0x0  }
0xa9: {  	s6 =	sshll.u32 s28, $0x1;
	[dreg:$0x2] =	wrdreg s4  }
0xaa: {  	[dreg:$0x3] =	wrdreg s6  }
0xab: {  	[dreg:$0x4] =	wrdreg $0xC0  }
0xac: {  	_ =	task [dreg:s8], $0x5FFFF  }
0xad: {  	[dreg:$0x1] =	wrdreg $0xFFFFFFFF  }
0xae: {  	[dreg:$0x0] =	wrdreg $0x60  }
0xaf: {  	[dreg:$0x2] =	wrdreg s2  }
0xb0: {  	[dreg:$0x3] =	wrdreg s18  }
0xb1: {  	[dreg:$0x4] =	wrdreg s24  }
0xb2: {  	[dreg:$0x5] =	wrdreg $0x9  }
0xb3: {  	_ =	task.clear_ibuf [dreg:s8], $0x6FFFF;
	_ =	strace $0x90000049  }
0xb4: {  	s29 =	simm.s32 $0x9;
	_ =	strace $0x8000004B  }
0xb5: {  	_ =	swait.ge [sflag:s29], $0x1  }
0xb6: {  	[sflag:s29] =	ssyncadd.s32 $0xFFFFFFFF  }
0xb7: {  	_ =	strace $0x9000004B  }
0xb8: {  	_ =	sfence  }
0xb9: {  	s30 =	sld [smem:$0x0];
	_ =	sdelay $0x2  }
0xba: {  	s31 =	sshll.u32 s1, $0xD;
	s1 =	sshrl.u32 s1, $0x2  }
0xbb: {  	s3 =	sand.u32 $0x4000, s31;
	s1 =	sadd.s32 s1, s30  }
0xbc: {  	s0 =	sor.u32 s3, s0;
	s1 =	sshll.u32 s1, $0x11  }
0xbd: {  	s0 =	sor.u32 s1, s0  }
0xbe: {  	s0 =	sadd.s32 $0x8F2B, s0  }
0xbf: {  	[sflag:s0] =	ssyncadd.remote.s32 $0x1  }
0xc0: {  	_ =	sfence.sel $0xFFFF  }
0xc1: {  	[dreg:$0x0] =	wrdreg $0xFFFFFFFF;
	(pc) =	sbr.abs _section_cstart, $3  }
0xc2: {  	[dreg:$0x1] =	wrdreg $0xFFFFFFFF  }
0xc3: {  	_ =	task.clear_ibuf [dreg:s8], $0x2FFFF;
	_ =	strace $0x9FFFFFFF  }
0xc4: {  	(tm) =	ssettm $0x7FFFFFFF  }
0xc5: {  	_ =	shalt  }
tec
execute0_lowered:
.L_overlay_start_1:
0x0: {  	(tag) =	ssettag $0x1  }
0x1: {  	s0 =	srdreg.scid;
	s2 =	rddreg [dreg:$0x0]  }
0x2: {  	s1 =	stileid.u32;
	s7 =	rddreg [dreg:$0x2];
	s4 =	simm.s32 $0x0  }
0x3: {  	s12 =	simm.s32 $0x5;
	s14 =	simm.s32 $0x80;
	s17 =	simm.s32 $0x1  }
0x4: {  	s18 =	simm.s32 $0xA580;
	s0 =	sand.u32 $0x1, s0;
	s1 =	sshll.u32 s1, $0x1  }
0x5: {  	s19 =	simm.s32 $0xE600;
	s20 =	simm.s32 $0xA400;
	s1 =	sor.u32 s0, s1  }
0x6: {  	s21 =	simm.s32 $0x12600;
	s22 =	simm.s32 $0x2;
	s3 =	smul.u32 $0x32, s1  }
0x7: {  	s23 =	simm.s32 $0xA480;
	s24 =	simm.s32 $0x16600;
	s25 =	simm.s32 $0x3  }
0x8: {  	s26 =	simm.s32 $0x4;
	s28 =	simm.s32 $0x0;
	s8 =	sshrl.u32 s3, $0x3  }
0x9: {  	[smem:$0x7FF] =	sst s4;
	s5 =	sadd.s32 $0x600, s7;
	s6 =	sand.u32 $0xF8, s8  }
0xa: {  	_ =	strace $0x8000004A;
	s0 =	ssub.s32 $0x2, s0;
	s6 =	smin.u32 s6, $0xB8  }
0xb: {  	s9 =	sshrl.u32 s0, $0x1;
	s1 =	sshll.u32 s1, $0xB;
	s8 =	ssub.s32 s8, s6  }
0xc: {  	s1 =	sand.u32 $0x1800, s1;
	s0 =	ssub.s32 s0, s9;
	s8 =	sshll.u32 s8, $0xA  }
0xd: {  	s10 =	sshll.u32 s3, $0x4;
	s0 =	smax.u32 s0, $0x1;
	s8 =	sand.u32 $0xFFFFE000, s8  }
0xe: {  	s10 =	sand.u32 $0x380, s10;
	s11 =	sshll.u32 s6, $0x7;
	s1 =	sor.u32 s1, s8  }
0xf: {  	[dreg:$0x5] =	wrdreg s0;
	s2 =	sadd.s32 s2, s11;
	s9 =	sor.u32 s10, s1  }
0x10: {  	s7 =	sadd.s32 $0x7A1800, s7;
	[dreg:$0x4] =	wrdreg s2;
	s10 =	sadd.s32 $0x6400, s9  }
.LBB2_1:
0x11: {  	s0 =	rddreg [dreg:$0x1]  }
0x12: {  	[tilespmem:s4], [sflag:$0x5] =	stream.linear.gather [hbm4b:s0+s4], $0x6400, $0x38;
	[tilespmem:$0x1A600] =	vst v63  }
0x13: {  	_ =	swait.ge [sflag:s12], $0x6400  }
0x14: {  	[sflag:s12] =	ssyncset.done $0x0  }
0x15: {  	s1 =	simm.s32 $0x6400;
	s16 =	rddreg [dreg:$0x4];
	[sflag:s12] =	ssyncadd.s32 $0xFFFF9C00  }
0x16: {  	[tilespmem:s1], [sflag:$0x5] =	stream.linear.gather [hbm4b:s16+s4], $0x4000, $0x38;
	[tilespmem:$0x1A600] =	vst v63  }
0x17: {  	_ =	swait.ge [sflag:s12], $0x4000  }
0x18: {  	[sflag:s12] =	ssyncset.done $0x0  }
0x19: {  	[sflag:s12] =	ssyncadd.s32 $0xFFFFC000  }
0x1a: {  	v0 =	vld [tilespmem:s9+$0x6400];
	_ =	sdelay $0x4  }
0x1b: {  	[tilespmem:$0xA400] =	vst v0;
	v0 =	vshrl.u32 v0, $0x1  }
0x1c: {  	[tilespmem:$0xA500] =	vst v0  }
0x1d: {  	v0 =	vld [tilespmem:s10+$0x10];
	_ =	sdelay $0x4  }
0x1e: {  	[tilespmem:$0xA410] =	vst v0;
	v0 =	vshrl.u32 v0, $0x1  }
0x1f: {  	[tilespmem:$0xA510] =	vst v0  }
0x20: {  	v0 =	vld [tilespmem:s10+$0x20];
	_ =	sdelay $0x4  }
0x21: {  	[tilespmem:$0xA420] =	vst v0;
	v0 =	vshrl.u32 v0, $0x1  }
0x22: {  	[tilespmem:$0xA520] =	vst v0  }
0x23: {  	v0 =	vld [tilespmem:s10+$0x30];
	_ =	sdelay $0x4  }
0x24: {  	[tilespmem:$0xA430] =	vst v0;
	v0 =	vshrl.u32 v0, $0x1  }
0x25: {  	[tilespmem:$0xA530] =	vst v0  }
0x26: {  	v0 =	vld [tilespmem:s10+$0x40];
	_ =	sdelay $0x4  }
0x27: {  	[tilespmem:$0xA440] =	vst v0;
	v0 =	vshrl.u32 v0, $0x1  }
0x28: {  	[tilespmem:$0xA540] =	vst v0  }
0x29: {  	v0 =	vld [tilespmem:s10+$0x50];
	_ =	sdelay $0x4  }
0x2a: {  	[tilespmem:$0xA450] =	vst v0;
	v0 =	vshrl.u32 v0, $0x1  }
0x2b: {  	[tilespmem:$0xA550] =	vst v0  }
0x2c: {  	v0 =	vld [tilespmem:s10+$0x60];
	_ =	sdelay $0x4  }
0x2d: {  	[tilespmem:$0xA460] =	vst v0;
	v0 =	vshrl.u32 v0, $0x1  }
0x2e: {  	[tilespmem:$0xA560] =	vst v0  }
0x2f: {  	v0 =	vld [tilespmem:s10+$0x70];
	_ =	sdelay $0x4  }
0x30: {  	[tilespmem:$0xA470] =	vst v0;
	v0 =	vshrl.u32 v0, $0x1  }
0x31: {  	s30 =	simm.s32 $0xA500;
	s31 =	simm.s32 $0xA600;
	s29 =	simm.s32 $0x0;
	[tilespmem:$0xA570] =	vst v0  }
0x32: {  	[tilespmem:s31], [sflag:$0x1] =	stream.indirect.gather [hbm4b:s5+s14], $0x80, s30, s14, $0xb8;
	[tilespmem:$0x1A600] =	vst v63  }
.LBB2_2:
0x33: {  	s0 =	sshll.u32 s29, $0x1  }
0x34: {  	s31 =	sadd.s32 s3, s0  }
0x35: {  	s30 =	sshrl.u32 s31, $0x3  }
0x36: {  	s13 =	ssub.s32 s30, s6  }
0x37: {  	_ =	swait.ge [sflag:s17], $0x4000;
	s1 =	sshll.u32 s31, $0xA;
	s0 =	sshll.u32 s13, $0xA  }
0x38: {  	s2 =	sshll.u32 s30, $0x7;
	s1 =	sand.u32 $0x1800, s1;
	s0 =	sand.u32 $0xFFFFE000, s0  }
0x39: {  	[sflag:s17] =	ssyncset.done $0x0;
	s8 =	sand.u32 $0x380, s2;
	s0 =	sor.u32 s1, s0  }
0x3a: {  	[sflag:s17] =	ssyncadd.s32 $0xFFFFC000;
	s0 =	sor.u32 s8, s0  }
0x3b: {  	v0 =	vld [tilespmem:s0+$0x6800];
	_ =	sdelay $0x4  }
0x3c: {  	[tilespmem:$0xA480] =	vst v0;
	v0 =	vshrl.u32 v0, $0x1  }
0x3d: {  	[tilespmem:$0xA580] =	vst v0  }
0x3e: {  	v0 =	vld [tilespmem:s0+$0x6810];
	_ =	sdelay $0x4  }
0x3f: {  	[tilespmem:$0xA490] =	vst v0;
	v0 =	vshrl.u32 v0, $0x1  }
0x40: {  	[tilespmem:$0xA590] =	vst v0  }
0x41: {  	v0 =	vld [tilespmem:s0+$0x6820];
	_ =	sdelay $0x4  }
0x42: {  	[tilespmem:$0xA4A0] =	vst v0;
	v0 =	vshrl.u32 v0, $0x1  }
0x43: {  	[tilespmem:$0xA5A0] =	vst v0  }
0x44: {  	v0 =	vld [tilespmem:s0+$0x6830];
	_ =	sdelay $0x4  }
0x45: {  	[tilespmem:$0xA4B0] =	vst v0;
	v0 =	vshrl.u32 v0, $0x1  }
0x46: {  	[tilespmem:$0xA5B0] =	vst v0  }
0x47: {  	v0 =	vld [tilespmem:s0+$0x6840];
	_ =	sdelay $0x4  }
0x48: {  	[tilespmem:$0xA4C0] =	vst v0;
	v0 =	vshrl.u32 v0, $0x1  }
0x49: {  	[tilespmem:$0xA5C0] =	vst v0  }
0x4a: {  	v0 =	vld [tilespmem:s0+$0x6850];
	_ =	sdelay $0x4  }
0x4b: {  	[tilespmem:$0xA4D0] =	vst v0;
	v0 =	vshrl.u32 v0, $0x1  }
0x4c: {  	[tilespmem:$0xA5D0] =	vst v0  }
0x4d: {  	v0 =	vld [tilespmem:s0+$0x6860];
	_ =	sdelay $0x4  }
0x4e: {  	[tilespmem:$0xA4E0] =	vst v0;
	v0 =	vshrl.u32 v0, $0x1  }
0x4f: {  	[tilespmem:$0xA5E0] =	vst v0  }
0x50: {  	v0 =	vld [tilespmem:s0+$0x6870];
	_ =	sdelay $0x3  }
0x51: {  	s15 =	simm.s32 $0x0  }
0x52: {  	v1 =	vmov s15;
	[tilespmem:$0xA4F0] =	vst v0;
	v0 =	vshrl.u32 v0, $0x1  }
0x53: {  	[tilespmem:$0xA5F0] =	vst v0;
	v0 =	vand.u32 $0xFFFFFFFE, v1  }
0x54: {  	p0 =	seq.s32 s29, $0x0;
	v0 =	vbroadcast v0, $0x0  }
0x55: {  	s0 =	simm.s32 @!p0 $0x3  }
0x56: {  	[tilespmem:s19], [sflag:$0x2] =	stream.indirect.gather [hbm4b:s5+s14], $0x80, s18, s14, $0xb8;
	[tilespmem:$0x1A600] =	vst v63  }
0x57: {  	_ =	swait.ge @!p0 [sflag:s0], $0x4000  }
0x58: {  	[sflag:s0] =	ssyncset.done @!p0 $0x0  }
0x59: {  	[sflag:s0] =	ssyncadd.s32 @!p0 $0xFFFFC000  }
0x5a: {  	s0 =	simm.s32 $0xA680;
	v0 =	vld.idx.msk [tilespmem:v0+s20+$0x0], $0xffff  }
0x5b: {  	v1 =	vld [tilespmem:s0+$0xFFFFFFC0]  }
0x5c: {  	v2 =	vld [tilespmem:s0+$0xFFFFFF80];
	_ =	sdelay $0x2  }
0x5d: {  	v3 =	vld [tilespmem:s2+$0x0];
	v0 =	vand.u32 $0x1, v0  }
0x5e: {  	vm0 =	veq.s32 v0, $0x0  }
0x5f: {  	v0 =	vsel vm0, v2, v1  }
0x60: {  	v0 =	vmul.f32 $8.000000000e+00, v0  }
0x61: {  	v2 =	vld [tilespmem:s2+$0x10]  }
0x62: {  	v1 =	vld [tilespmem:s2+$0x20];
	v4 =	vadd.f32 v0, v3  }
0x63: {  	v0 =	vld [tilespmem:s2+$0x30];
	s2 =	simm.s32 $0x12680  }
0x64: {  	[tilespmem:s2+$0xFFFFFF80] =	vst v4  }
0x65: {  	v4 =	vld [tilespmem:s0+$0xFFFFFF90]  }
0x66: {  	v5 =	vld [tilespmem:s0+$0xFFFFFFD0];
	_ =	sdelay $0x4  }
0x67: {  	v4 =	vsel vm0, v4, v5  }
0x68: {  	v4 =	vmul.f32 $8.000000000e+00, v4;
	_ =	sdelay $0x1  }
0x69: {  	v4 =	vadd.f32 v4, v2;
	_ =	sdelay $0x1  }
0x6a: {  	[tilespmem:s2+$0xFFFFFF90] =	vst v4  }
0x6b: {  	v4 =	vld [tilespmem:s0+$0xFFFFFFA0]  }
0x6c: {  	v5 =	vld [tilespmem:s0+$0xFFFFFFE0];
	_ =	sdelay $0x4  }
0x6d: {  	v4 =	vsel vm0, v4, v5  }
0x6e: {  	v4 =	vmul.f32 $8.000000000e+00, v4;
	_ =	sdelay $0x1  }
0x6f: {  	v4 =	vadd.f32 v4, v1;
	_ =	sdelay $0x1  }
0x70: {  	[tilespmem:s2+$0xFFFFFFA0] =	vst v4  }
0x71: {  	v4 =	vld [tilespmem:s0+$0xFFFFFFB0]  }
0x72: {  	v5 =	vld [tilespmem:s0+$0xFFFFFFF0];
	_ =	sdelay $0x4  }
0x73: {  	s16 =	simm.s32 $0x1;
	v4 =	vsel vm0, v4, v5  }
0x74: {  	v5 =	vmov s16;
	v4 =	vmul.f32 $8.000000000e+00, v4;
	_ =	sdelay $0x1  }
0x75: {  	v4 =	vadd.f32 v4, v0;
	_ =	sdelay $0x1  }
0x76: {  	[tilespmem:s2+$0xFFFFFFB0] =	vst v4  }
0x77: {  	v4 =	vld.idx.msk [tilespmem:v5+s20+$0x0], $0xffff  }
0x78: {  	v5 =	vld [tilespmem:s0+$0x0]  }
0x79: {  	v6 =	vld [tilespmem:s0+$0x40];
	_ =	sdelay $0x2  }
0x7a: {  	v4 =	vand.u32 $0x1, v4  }
0x7b: {  	vm0 =	veq.s32 v4, $0x0  }
0x7c: {  	v4 =	vsel vm0, v5, v6  }
0x7d: {  	v4 =	vmul.f32 $8.000000000e+00, v4;
	_ =	sdelay $0x1  }
0x7e: {  	v4 =	vadd.f32 v4, v3;
	_ =	sdelay $0x1  }
0x7f: {  	[tilespmem:s2+$0x0] =	vst v4  }
0x80: {  	v4 =	vld [tilespmem:s0+$0x10]  }
0x81: {  	v5 =	vld [tilespmem:s0+$0x50];
	_ =	sdelay $0x4  }
0x82: {  	v4 =	vsel vm0, v4, v5  }
0x83: {  	v4 =	vmul.f32 $8.000000000e+00, v4;
	_ =	sdelay $0x1  }
0x84: {  	v4 =	vadd.f32 v4, v2;
	_ =	sdelay $0x1  }
0x85: {  	[tilespmem:s2+$0x10] =	vst v4  }
0x86: {  	v4 =	vld [tilespmem:s0+$0x20]  }
0x87: {  	v5 =	vld [tilespmem:s0+$0x60];
	_ =	sdelay $0x4  }
0x88: {  	v4 =	vsel vm0, v4, v5  }
0x89: {  	v4 =	vmul.f32 $8.000000000e+00, v4;
	_ =	sdelay $0x1  }
0x8a: {  	v4 =	vadd.f32 v4, v1;
	_ =	sdelay $0x1  }
0x8b: {  	[tilespmem:s2+$0x20] =	vst v4  }
0x8c: {  	s13 =	simm.s32 $0x2;
	v4 =	vld [tilespmem:s0+$0x30]  }
0x8d: {  	s15 =	simm.s32 $0x12680;
	s1 =	sshllo.u32 s29, $0x1;
	s16 =	simm.s32 $0x4;
	v6 =	vmov s13;
	v5 =	vld [tilespmem:s0+$0x70]  }
.LBB2_3:
0x8e: {  	s2 =	sadd.s32 $0x100, s2  }
0x8f: {  	v6 =	vand.u32 $0xFFFFFFFE, v6;
	s0 =	sadd.s32 $0x100, s0;
	s8 =	smov.u32 s16;
	s11 =	sadd.s32 $0x2, s16  }
0x90: {  	p0 =	slt.u32 s16, $0x7E;
	v6 =	vbroadcast v6, $0x0;
	_ =	sdelay $0x1  }
0x91: {  	v4 =	vsel vm0, v4, v5  }
0x92: {  	v4 =	vmul.f32 $8.000000000e+00, v4;
	_ =	sdelay $0x1  }
0x93: {  	v4 =	vadd.f32 v4, v0;
	_ =	sdelay $0x1  }
0x94: {  	[tilespmem:s15+$0x30] =	vst v4;
	s15 =	smov.u32 s2  }
0x95: {  	v4 =	vld.idx.msk [tilespmem:v6+s20+$0x0], $0xffff  }
0x96: {  	v5 =	vld [tilespmem:s0+$0xFFFFFFC0]  }
0x97: {  	v6 =	vld [tilespmem:s0+$0xFFFFFF80];
	_ =	sdelay $0x3  }
0x98: {  	v4 =	vand.u32 $0x1, v4  }
0x99: {  	vm0 =	veq.s32 v4, $0x0  }
0x9a: {  	v4 =	vsel vm0, v6, v5  }
0x9b: {  	v4 =	vmul.f32 $8.000000000e+00, v4;
	_ =	sdelay $0x1  }
0x9c: {  	v4 =	vadd.f32 v4, v3;
	_ =	sdelay $0x1  }
0x9d: {  	[tilespmem:s2+$0xFFFFFF80] =	vst v4  }
0x9e: {  	v4 =	vld [tilespmem:s0+$0xFFFFFF90]  }
0x9f: {  	v5 =	vld [tilespmem:s0+$0xFFFFFFD0];
	_ =	sdelay $0x4  }
0xa0: {  	v4 =	vsel vm0, v4, v5  }
0xa1: {  	v4 =	vmul.f32 $8.000000000e+00, v4;
	_ =	sdelay $0x1  }
0xa2: {  	v4 =	vadd.f32 v4, v2;
	_ =	sdelay $0x1  }
0xa3: {  	[tilespmem:s2+$0xFFFFFF90] =	vst v4  }
0xa4: {  	v4 =	vld [tilespmem:s0+$0xFFFFFFA0]  }
0xa5: {  	v5 =	vld [tilespmem:s0+$0xFFFFFFE0];
	_ =	sdelay $0x4  }
0xa6: {  	v4 =	vsel vm0, v4, v5  }
0xa7: {  	v4 =	vmul.f32 $8.000000000e+00, v4;
	_ =	sdelay $0x1  }
0xa8: {  	v4 =	vadd.f32 v4, v1;
	_ =	sdelay $0x1  }
0xa9: {  	[tilespmem:s2+$0xFFFFFFA0] =	vst v4  }
0xaa: {  	v4 =	vld [tilespmem:s0+$0xFFFFFFB0]  }
0xab: {  	v5 =	vld [tilespmem:s0+$0xFFFFFFF0];
	_ =	sdelay $0x4  }
0xac: {  	s16 =	sadd.s32 $0x1, s13;
	s13 =	smov.u32 s8;
	v4 =	vsel vm0, v4, v5  }
0xad: {  	v5 =	vmov s16;
	v4 =	vmul.f32 $8.000000000e+00, v4;
	_ =	sdelay $0x1  }
0xae: {  	v4 =	vadd.f32 v4, v0;
	_ =	sdelay $0x1  }
0xaf: {  	[tilespmem:s2+$0xFFFFFFB0] =	vst v4  }
0xb0: {  	v4 =	vld.idx.msk [tilespmem:v5+s20+$0x0], $0xffff  }
0xb1: {  	v5 =	vld [tilespmem:s0+$0x0];
	_ =	sdelay $0x1  }
0xb2: {  	v6 =	vld [tilespmem:s0+$0x40];
	_ =	sdelay $0x2  }
0xb3: {  	v4 =	vand.u32 $0x1, v4  }
0xb4: {  	vm0 =	veq.s32 v4, $0x0  }
0xb5: {  	v4 =	vsel vm0, v5, v6  }
0xb6: {  	v4 =	vmul.f32 $8.000000000e+00, v4;
	_ =	sdelay $0x1  }
0xb7: {  	v4 =	vadd.f32 v4, v3;
	_ =	sdelay $0x1  }
0xb8: {  	[tilespmem:s2+$0x0] =	vst v4  }
0xb9: {  	v4 =	vld [tilespmem:s0+$0x10]  }
0xba: {  	v5 =	vld [tilespmem:s0+$0x50];
	_ =	sdelay $0x4  }
0xbb: {  	v4 =	vsel vm0, v4, v5  }
0xbc: {  	v4 =	vmul.f32 $8.000000000e+00, v4;
	_ =	sdelay $0x1  }
0xbd: {  	v4 =	vadd.f32 v4, v2;
	_ =	sdelay $0x1  }
0xbe: {  	[tilespmem:s2+$0x10] =	vst v4  }
0xbf: {  	v4 =	vld [tilespmem:s0+$0x20]  }
0xc0: {  	v5 =	vld [tilespmem:s0+$0x60];
	_ =	sdelay $0x4  }
0xc1: {  	v4 =	vsel vm0, v4, v5  }
0xc2: {  	v4 =	vmul.f32 $8.000000000e+00, v4;
	_ =	sdelay $0x1  }
0xc3: {  	v4 =	vadd.f32 v4, v1  }
.Ltmp0:
0xc4: {  	(pc) =	sbr.rel @p0 .LBB2_3-.Ltmp0, $4  }
0xc5: {  	[tilespmem:s2+$0x20] =	vst v4  }
0xc6: {  	v4 =	vld [tilespmem:s0+$0x30]  }
0xc7: {  	v5 =	vld [tilespmem:s0+$0x70]  }
0xc8: {  	s16 =	smov.u32 s11;
	v6 =	vmov s13  }
0xc9: {  	_ =	sdelay $0x1  }
0xca: {  	v6 =	vand.u32 $0xFFFFFFFE, v6  }
0xcb: {  	v6 =	vbroadcast v6, $0x0;
	v4 =	vsel vm0, v4, v5  }
0xcc: {  	v4 =	vmul.f32 $8.000000000e+00, v4;
	_ =	sdelay $0x1  }
0xcd: {  	v4 =	vadd.f32 v4, v0;
	_ =	sdelay $0x1  }
0xce: {  	[tilespmem:s15+$0x30] =	vst v4  }
0xcf: {  	s0 =	sadd.s32 $0x100, s0;
	v4 =	vld.idx.msk [tilespmem:v6+s20+$0x0], $0xffff  }
0xd0: {  	v5 =	vld [tilespmem:s0+$0xFFFFFFC0]  }
0xd1: {  	v6 =	vld [tilespmem:s0+$0xFFFFFF80];
	_ =	sdelay $0x2  }
0xd2: {  	v4 =	vand.u32 $0x1, v4  }
0xd3: {  	vm13 =	veq.s32 v4, $0x0  }
0xd4: {  	v4 =	vsel vm13, v6, v5  }
0xd5: {  	v4 =	vmul.f32 $8.000000000e+00, v4;
	_ =	sdelay $0x1  }
0xd6: {  	v4 =	vadd.f32 v4, v3  }
0xd7: {  	s2 =	sadd.s32 $0x100, s2  }
0xd8: {  	[tilespmem:s2+$0xFFFFFF80] =	vst v4  }
0xd9: {  	v4 =	vld [tilespmem:s0+$0xFFFFFF90]  }
0xda: {  	v5 =	vld [tilespmem:s0+$0xFFFFFFD0];
	_ =	sdelay $0x4  }
0xdb: {  	v4 =	vsel vm13, v4, v5  }
0xdc: {  	v4 =	vmul.f32 $8.000000000e+00, v4;
	_ =	sdelay $0x1  }
0xdd: {  	v4 =	vadd.f32 v4, v2;
	_ =	sdelay $0x1  }
0xde: {  	[tilespmem:s2+$0xFFFFFF90] =	vst v4  }
0xdf: {  	v4 =	vld [tilespmem:s0+$0xFFFFFFA0]  }
0xe0: {  	v5 =	vld [tilespmem:s0+$0xFFFFFFE0];
	_ =	sdelay $0x4  }
0xe1: {  	v4 =	vsel vm13, v4, v5  }
0xe2: {  	v4 =	vmul.f32 $8.000000000e+00, v4;
	_ =	sdelay $0x1  }
0xe3: {  	v4 =	vadd.f32 v4, v1;
	_ =	sdelay $0x1  }
0xe4: {  	[tilespmem:s2+$0xFFFFFFA0] =	vst v4  }
0xe5: {  	v4 =	vld [tilespmem:s0+$0xFFFFFFB0]  }
0xe6: {  	v5 =	vld [tilespmem:s0+$0xFFFFFFF0];
	_ =	sdelay $0x4  }
0xe7: {  	s8 =	sadd.s32 $0x1, s13;
	v4 =	vsel vm13, v4, v5  }
0xe8: {  	v5 =	vmov s8;
	v4 =	vmul.f32 $8.000000000e+00, v4;
	_ =	sdelay $0x1  }
0xe9: {  	v4 =	vadd.f32 v4, v0;
	_ =	sdelay $0x1  }
0xea: {  	[tilespmem:s2+$0xFFFFFFB0] =	vst v4  }
0xeb: {  	v4 =	vld.idx.msk [tilespmem:v5+s20+$0x0], $0xffff  }
0xec: {  	v5 =	vld [tilespmem:s0+$0x0]  }
0xed: {  	v6 =	vld [tilespmem:s0+$0x40];
	_ =	sdelay $0x2  }
0xee: {  	v4 =	vand.u32 $0x1, v4  }
0xef: {  	vm14 =	veq.s32 v4, $0x0  }
0xf0: {  	v4 =	vsel vm14, v5, v6  }
0xf1: {  	v4 =	vmul.f32 $8.000000000e+00, v4;
	_ =	sdelay $0x1  }
0xf2: {  	v3 =	vadd.f32 v4, v3;
	_ =	sdelay $0x1  }
0xf3: {  	[tilespmem:s2+$0x0] =	vst v3  }
0xf4: {  	v3 =	vld [tilespmem:s0+$0x10]  }
0xf5: {  	v4 =	vld [tilespmem:s0+$0x50];
	_ =	sdelay $0x4  }
0xf6: {  	v3 =	vsel vm14, v3, v4  }
0xf7: {  	v3 =	vmul.f32 $8.000000000e+00, v3;
	_ =	sdelay $0x1  }
0xf8: {  	v2 =	vadd.f32 v3, v2;
	_ =	sdelay $0x1  }
0xf9: {  	[tilespmem:s2+$0x10] =	vst v2  }
0xfa: {  	v2 =	vld [tilespmem:s0+$0x20]  }
0xfb: {  	v3 =	vld [tilespmem:s0+$0x60];
	_ =	sdelay $0x4  }
0xfc: {  	v2 =	vsel vm14, v2, v3  }
0xfd: {  	v2 =	vmul.f32 $8.000000000e+00, v2;
	_ =	sdelay $0x1  }
0xfe: {  	v1 =	vadd.f32 v2, v1;
	_ =	sdelay $0x1  }
0xff: {  	[tilespmem:s2+$0x20] =	vst v1  }
0x100: {  	v1 =	vld [tilespmem:s0+$0x30]  }
0x101: {  	v2 =	vld [tilespmem:s0+$0x70];
	_ =	sdelay $0x4  }
0x102: {  	v1 =	vsel vm14, v1, v2  }
0x103: {  	v1 =	vmul.f32 $8.000000000e+00, v1  }
0x104: {  	s13 =	sshll.u32 s31, $0xB  }
0x105: {  	s0 =	sand.u32 $0x3000, s13;
	v0 =	vadd.f32 v1, v0  }
0x106: {  	s15 =	sshll.u32 s30, $0xE;
	s0 =	sadd.s32 s7, s0  }
0x107: {  	p0 =	seq.s32 s29, $0x18;
	s30 =	sadd.s32 s3, s1;
	s0 =	sadd.s32 s15, s0;
	[tilespmem:s2+$0x30] =	vst v0  }
0x108: {  	[hbm4b:s0+s4] =	stream.linear.scatter [tilespmem:s21], [sflag:$0x3], $0x4000, $0x38;
	[tilespmem:$0x1A600] =	vst v63  }
0x109: {  	s0 =	sadd.s32 @!p0 $0x1, s30  }
0x10a: {  	s1 =	sshrl.u32 @!p0 s0, $0x3  }
0x10b: {  	s1 =	ssub.s32 @!p0 s1, s6  }
0x10c: {  	_ =	swait.ge [sflag:s22], $0x4000;
	s2 =	sshll.u32 @!p0 s0, $0xA;
	s1 =	sshll.u32 @!p0 s1, $0xA  }
0x10d: {  	s0 =	sshll.u32 @!p0 s0, $0x4;
	s2 =	sand.u32 @!p0 $0x1800, s2;
	s1 =	sand.u32 @!p0 $0xFFFFE000, s1  }
0x10e: {  	[sflag:s22] =	ssyncset.done $0x0;
	s0 =	sand.u32 @!p0 $0x380, s0;
	s1 =	sor.u32 @!p0 s2, s1  }
0x10f: {  	[sflag:s22] =	ssyncadd.s32 $0xFFFFC000;
	s0 =	sor.u32 @!p0 s0, s1  }
0x110: {  	v0 =	vld @!p0 [tilespmem:s0+$0x6400];
	_ =	sdelay $0x4  }
0x111: {  	[tilespmem:$0xA400] =	vst @!p0 v0;
	v0 =	vshrl.u32 @!p0 v0, $0x1  }
0x112: {  	[tilespmem:$0xA500] =	vst @!p0 v0  }
0x113: {  	v0 =	vld @!p0 [tilespmem:s0+$0x6410];
	_ =	sdelay $0x4  }
0x114: {  	[tilespmem:$0xA410] =	vst @!p0 v0;
	v0 =	vshrl.u32 @!p0 v0, $0x1  }
0x115: {  	[tilespmem:$0xA510] =	vst @!p0 v0  }
0x116: {  	v0 =	vld @!p0 [tilespmem:s0+$0x6420];
	_ =	sdelay $0x4  }
0x117: {  	[tilespmem:$0xA420] =	vst @!p0 v0;
	v0 =	vshrl.u32 @!p0 v0, $0x1  }
0x118: {  	[tilespmem:$0xA520] =	vst @!p0 v0  }
0x119: {  	v0 =	vld @!p0 [tilespmem:s0+$0x6430];
	_ =	sdelay $0x4  }
0x11a: {  	[tilespmem:$0xA430] =	vst @!p0 v0;
	v0 =	vshrl.u32 @!p0 v0, $0x1  }
0x11b: {  	[tilespmem:$0xA530] =	vst @!p0 v0  }
0x11c: {  	v0 =	vld @!p0 [tilespmem:s0+$0x6440];
	_ =	sdelay $0x4  }
0x11d: {  	[tilespmem:$0xA440] =	vst @!p0 v0;
	v0 =	vshrl.u32 @!p0 v0, $0x1  }
0x11e: {  	[tilespmem:$0xA540] =	vst @!p0 v0  }
0x11f: {  	v0 =	vld @!p0 [tilespmem:s0+$0x6450];
	_ =	sdelay $0x4  }
0x120: {  	[tilespmem:$0xA450] =	vst @!p0 v0;
	v0 =	vshrl.u32 @!p0 v0, $0x1  }
0x121: {  	[tilespmem:$0xA550] =	vst @!p0 v0  }
0x122: {  	v0 =	vld @!p0 [tilespmem:s0+$0x6460];
	_ =	sdelay $0x4  }
0x123: {  	[tilespmem:$0xA460] =	vst @!p0 v0;
	v0 =	vshrl.u32 @!p0 v0, $0x1  }
0x124: {  	[tilespmem:$0xA560] =	vst @!p0 v0  }
0x125: {  	v0 =	vld @!p0 [tilespmem:s0+$0x6470];
	_ =	sdelay $0x4  }
0x126: {  	[tilespmem:$0xA470] =	vst @!p0 v0;
	v0 =	vshrl.u32 @!p0 v0, $0x1  }
0x127: {  	s2 =	simm.s32 @!p0 $0xA600;
	s1 =	simm.s32 @!p0 $0xA500;
	s0 =	simm.s32 @!p0 $0x80;
	[tilespmem:$0xA570] =	vst @!p0 v0  }
0x128: {  	[tilespmem:s2], [sflag:$0x1] =	stream.indirect.gather @!p0 [hbm4b:s5+s0], $0x80, s1, s0, $0xb8;
	[tilespmem:$0x1A600] =	vst v63  }
0x129: {  	p1 =	seq.s32 @!p0 s29, $0x0;
	s2 =	simm.s32 $0x0  }
0x12a: {  	p0 =	por p0, !p1;
	v0 =	vmov s2  }
0x12b: {  	_ =	swait.ge @p0 [sflag:s26], $0x4000;
	v0 =	vand.u32 $0xFFFFFFFE, v0  }
0x12c: {  	s16 =	sshll.u32 s30, $0x4;
	[sflag:s26] =	ssyncset.done @p0 $0x0;
	v4 =	vbroadcast v0, $0x0  }
0x12d: {  	s0 =	sand.u32 $0x3FFFFF80, s16;
	[sflag:s26] =	ssyncadd.s32 @p0 $0xFFFFC000  }
0x12e: {  	s1 =	simm.s32 $0x0;
	v1 =	vld [tilespmem:s0+$0x0]  }
0x12f: {  	v7 =	vld [tilespmem:s1+$0xE660]  }
0x130: {  	v8 =	vld [tilespmem:s1+$0xE650]  }
0x131: {  	v6 =	vld [tilespmem:s1+$0xE600]  }
0x132: {  	v4 =	vld.idx.msk [tilespmem:v4+s23+$0x0], $0xffff  }
0x133: {  	v9 =	vld [tilespmem:s1+$0xE640]  }
0x134: {  	v10 =	vld [tilespmem:s1+$0xE610]  }
0x135: {  	v11 =	vld [tilespmem:s1+$0xE620]  }
0x136: {  	v12 =	vld [tilespmem:s1+$0xE630]  }
0x137: {  	v13 =	vld [tilespmem:s1+$0xE670];
	v5 =	vand.u32 $0x1, v4  }
0x138: {  	v2 =	vld [tilespmem:s0+$0x10];
	vm15 =	veq.s32 v5, $0x0  }
0x139: {  	v3 =	vld [tilespmem:s0+$0x20];
	v9 =	vsel vm15, v6, v9  }
0x13a: {  	v0 =	vld [tilespmem:s0+$0x30];
	v8 =	vsel vm15, v10, v8;
	v9 =	vmul.f32 $8.000000000e+00, v9  }
0x13b: {  	v10 =	vsel vm15, v11, v7;
	v11 =	vmul.f32 $8.000000000e+00, v8  }
0x13c: {  	s31 =	simm.s32 $0x1;
	v4 =	vld [tilespmem:s1+$0xE680];
	v12 =	vsel vm15, v12, v13;
	v10 =	vmul.f32 $8.000000000e+00, v10;
	v63 =	vadd.f32 v9, v1  }
0x13d: {  	v14 =	vmov s31;
	v5 =	vld [tilespmem:s1+$0xE6C0];
	v12 =	vmul.f32 $8.000000000e+00, v12;
	v11 =	vadd.f32 v11, v2  }
0x13e: {  	v6 =	vld [tilespmem:s1+$0xE690];
	v10 =	vadd.f32 v10, v3;
	[tilespmem:s1+$0x16600] =	vst v63  }
0x13f: {  	v7 =	vld [tilespmem:s1+$0xE6D0];
	v12 =	vadd.f32 v12, v0;
	[tilespmem:s1+$0x16610] =	vst v11  }
0x140: {  	v8 =	vld [tilespmem:s1+$0xE6A0];
	[tilespmem:s1+$0x16620] =	vst v10  }
0x141: {  	s13 =	simm.s32 $0x2;
	v9 =	vld [tilespmem:s1+$0xE6E0];
	[tilespmem:s1+$0x16630] =	vst v12  }
0x142: {  	s15 =	simm.s32 $0x4;
	s0 =	sshrl.u32 s30, $0x3;
	v11 =	vmov s13;
	v10 =	vld.idx.msk [tilespmem:v14+s23+$0x0], $0xffff  }
.LBB2_5:
0x143: {  	p0 =	slt.u32 s15, $0x7E  }
0x144: {  	v11 =	vand.u32 $0xFFFFFFFE, v11;
	v12 =	vld [tilespmem:s1+$0xE6F0];
	s2 =	sadd.s32 $0x400, s2;
	s8 =	smov.u32 s15;
	s15 =	sadd.s32 $0x2, s15  }
0x145: {  	v11 =	vbroadcast v11, $0x0;
	v13 =	vld [tilespmem:s1+$0xE6B0];
	_ =	sdelay $0x1  }
0x146: {  	v10 =	vand.u32 $0x1, v10  }
0x147: {  	vm0 =	veq.s32 v10, $0x0  }
0x148: {  	v4 =	vsel vm0, v4, v5;
	v5 =	vsel vm0, v6, v7;
	v6 =	vsel vm0, v8, v9  }
0x149: {  	v4 =	vmul.f32 $8.000000000e+00, v4;
	v5 =	vmul.f32 $8.000000000e+00, v5;
	v7 =	vsel vm0, v13, v12  }
0x14a: {  	v6 =	vmul.f32 $8.000000000e+00, v6;
	v7 =	vmul.f32 $8.000000000e+00, v7  }
0x14b: {  	v4 =	vadd.f32 v4, v1;
	v5 =	vadd.f32 v5, v2  }
0x14c: {  	s11 =	sshra.s32 s2, $0x2;
	v6 =	vadd.f32 v6, v3;
	v7 =	vadd.f32 v7, v0  }
0x14d: {  	v8 =	vld [tilespmem:s11+$0xE660];
	[tilespmem:s1+$0x16680] =	vst v4  }
0x14e: {  	v9 =	vld [tilespmem:s11+$0xE650];
	[tilespmem:s1+$0x16690] =	vst v5  }
0x14f: {  	v10 =	vld [tilespmem:s11+$0xE600];
	[tilespmem:s1+$0x166A0] =	vst v6  }
0x150: {  	v12 =	vld [tilespmem:s11+$0xE640];
	[tilespmem:s1+$0x166B0] =	vst v7;
	s1 =	smov.u32 s11  }
0x151: {  	v5 =	vld.idx.msk [tilespmem:v11+s23+$0x0], $0xffff  }
0x152: {  	v7 =	vld [tilespmem:s1+$0xE610]  }
0x153: {  	v11 =	vld [tilespmem:s1+$0xE620]  }
0x154: {  	v13 =	vld [tilespmem:s1+$0xE630]  }
0x155: {  	v14 =	vld [tilespmem:s1+$0xE670]  }
0x156: {  	v4 =	vld [tilespmem:s1+$0xE680]  }
0x157: {  	v6 =	vand.u32 $0x1, v5;
	v5 =	vld [tilespmem:s1+$0xE6C0]  }
0x158: {  	vm0 =	veq.s32 v6, $0x0;
	v6 =	vld [tilespmem:s1+$0xE690]  }
0x159: {  	v10 =	vsel vm0, v10, v12;
	v9 =	vsel vm0, v7, v9;
	v11 =	vsel vm0, v11, v8;
	v7 =	vld [tilespmem:s1+$0xE6D0]  }
0x15a: {  	v10 =	vmul.f32 $8.000000000e+00, v10;
	v12 =	vmul.f32 $8.000000000e+00, v9;
	v9 =	vsel vm0, v13, v14;
	v8 =	vld [tilespmem:s1+$0xE6A0]  }
0x15b: {  	v11 =	vmul.f32 $8.000000000e+00, v11;
	v13 =	vmul.f32 $8.000000000e+00, v9;
	v9 =	vld [tilespmem:s1+$0xE6E0]  }
0x15c: {  	s11 =	sadd.s32 $0x1, s13;
	s13 =	smov.u32 s8;
	v10 =	vadd.f32 v10, v1;
	v12 =	vadd.f32 v12, v2  }
0x15d: {  	v14 =	vmov s11;
	v11 =	vadd.f32 v11, v3;
	v13 =	vadd.f32 v13, v0  }
0x15e: {  	[tilespmem:s1+$0x16600] =	vst v10  }
0x15f: {  	[tilespmem:s1+$0x16610] =	vst v12  }
.Ltmp1:
0x160: {  	[tilespmem:s1+$0x16620] =	vst v11;
	(pc) =	sbr.rel @p0 .LBB2_5-.Ltmp1, $3  }
0x161: {  	[tilespmem:s1+$0x16630] =	vst v13  }
0x162: {  	v10 =	vld.idx.msk [tilespmem:v14+s23+$0x0], $0xffff;
	_ =	sdelay $0x1  }
0x163: {  	v11 =	vmov s13  }
0x164: {  	_ = 	snop  }
0x165: {  	v37 =	vld [tilespmem:s1+$0xE6F0]  }
0x166: {  	v38 =	vld [tilespmem:s1+$0xE6B0];
	v10 =	vand.u32 $0x1, v10  }
0x167: {  	vm0 =	veq.s32 v10, $0x0  }
0x168: {  	v4 =	vsel vm0, v4, v5  }
0x169: {  	v41 =	vand.u32 $0xFFFFFFFE, v11;
	v6 =	vsel vm0, v6, v7;
	v4 =	vmul.f32 $8.000000000e+00, v4  }
0x16a: {  	v42 =	vbroadcast v41, $0x0;
	v39 =	vsel vm0, v8, v9;
	v6 =	vmul.f32 $8.000000000e+00, v6  }
0x16b: {  	s2 =	sadd.s32 $0x400, s2;
	v7 =	vmul.f32 $8.000000000e+00, v39;
	v5 =	vsel vm0, v38, v37;
	v4 =	vadd.f32 v4, v1  }
0x16c: {  	s2 =	sshra.s32 s2, $0x2;
	v5 =	vmul.f32 $8.000000000e+00, v5;
	v6 =	vadd.f32 v6, v2  }
0x16d: {  	v40 =	vld [tilespmem:s2+$0xE660];
	v7 =	vadd.f32 v7, v3;
	[tilespmem:s1+$0x16680] =	vst v4  }
0x16e: {  	v5 =	vadd.f32 v5, v0;
	v43 =	vld [tilespmem:s2+$0xE650];
	[tilespmem:s1+$0x16690] =	vst v6  }
0x16f: {  	v6 =	vld [tilespmem:s2+$0xE600];
	[tilespmem:s1+$0x166A0] =	vst v7  }
0x170: {  	v7 =	vld [tilespmem:s2+$0xE640];
	[tilespmem:s1+$0x166B0] =	vst v5  }
0x171: {  	v4 =	vld.idx.msk [tilespmem:v42+s23+$0x0], $0xffff;
	_ =	sdelay $0x1  }
0x172: {  	v5 =	vld [tilespmem:s2+$0xE610]  }
0x173: {  	v44 =	vld [tilespmem:s2+$0xE620]  }
0x174: {  	v45 =	vld [tilespmem:s2+$0xE630]  }
0x175: {  	v12 =	vld [tilespmem:s2+$0xE670];
	v4 =	vand.u32 $0x1, v4  }
0x176: {  	vm14 =	veq.s32 v4, $0x0  }
0x177: {  	v4 =	vsel vm14, v6, v7  }
0x178: {  	v5 =	vsel vm14, v5, v43;
	v4 =	vmul.f32 $8.000000000e+00, v4  }
0x179: {  	v46 =	vsel vm14, v44, v40;
	v5 =	vmul.f32 $8.000000000e+00, v5  }
0x17a: {  	s16 =	sadd.s32 $0x1, s13;
	v47 =	vsel vm14, v45, v12;
	v6 =	vmul.f32 $8.000000000e+00, v46;
	v4 =	vadd.f32 v4, v1  }
0x17b: {  	v48 =	vmov s16;
	v7 =	vmul.f32 $8.000000000e+00, v47;
	v5 =	vadd.f32 v5, v2  }
0x17c: {  	v6 =	vadd.f32 v6, v3;
	[tilespmem:s2+$0x16600] =	vst v4  }
0x17d: {  	v49 =	vld [tilespmem:s2+$0xE680];
	v7 =	vadd.f32 v7, v0;
	[tilespmem:s2+$0x16610] =	vst v5  }
0x17e: {  	v50 =	vld [tilespmem:s2+$0xE6C0];
	[tilespmem:s2+$0x16620] =	vst v6  }
0x17f: {  	v51 =	vld [tilespmem:s2+$0xE690];
	[tilespmem:s2+$0x16630] =	vst v7  }
0x180: {  	v7 =	vld.idx.msk [tilespmem:v48+s23+$0x0], $0xffff  }
0x181: {  	v52 =	vld [tilespmem:s2+$0xE6D0]  }
0x182: {  	v53 =	vld [tilespmem:s2+$0xE6A0]  }
0x183: {  	v54 =	vld [tilespmem:s2+$0xE6E0]  }
0x184: {  	v55 =	vld [tilespmem:s2+$0xE6F0]  }
0x185: {  	v56 =	vld [tilespmem:s2+$0xE6B0];
	v7 =	vand.u32 $0x1, v7  }
0x186: {  	vm15 =	veq.s32 v7, $0x0  }
0x187: {  	v4 =	vsel vm15, v49, v50  }
0x188: {  	v57 =	vsel vm15, v51, v52;
	v4 =	vmul.f32 $8.000000000e+00, v4  }
0x189: {  	v58 =	vsel vm15, v53, v54;
	v5 =	vmul.f32 $8.000000000e+00, v57  }
0x18a: {  	s29 =	sadd.s32 $0x1, s29;
	v7 =	vsel vm15, v56, v55;
	v6 =	vmul.f32 $8.000000000e+00, v58;
	v59 =	vadd.f32 v4, v1  }
0x18b: {  	p0 =	sne.s32 s29, $0x19;
	v60 =	vmul.f32 $8.000000000e+00, v7;
	v61 =	vadd.f32 v5, v2  }
.Ltmp2:
0x18c: {  	s31 =	sshll.u32 s30, $0xB;
	v62 =	vadd.f32 v6, v3;
	[tilespmem:s2+$0x16680] =	vst v59;
	(pc) =	sbr.rel @p0 .LBB2_2-.Ltmp2, $4  }
0x18d: {  	s1 =	sand.u32 $0x3800, s31;
	v63 =	vadd.f32 v60, v0;
	[tilespmem:s2+$0x16690] =	vst v61  }
0x18e: {  	s0 =	sshll.u32 s0, $0xE;
	s1 =	sadd.s32 s7, s1;
	[tilespmem:s2+$0x166A0] =	vst v62  }
0x18f: {  	s0 =	sadd.s32 s0, s1;
	[tilespmem:s2+$0x166B0] =	vst v63  }
0x190: {  	[hbm4b:s0+s4] =	stream.linear.scatter [tilespmem:s24], [sflag:$0x4], $0x4000, $0x38;
	[tilespmem:$0x1A600] =	vst v63  }
0x191: {  	_ =	swait.ge [sflag:s25], $0x4000  }
0x192: {  	[sflag:s25] =	ssyncset.done $0x0  }
0x193: {  	[sflag:s25] =	ssyncadd.s32 $0xFFFFC000  }
0x194: {  	_ =	swait.ge [sflag:s26], $0x4000  }
0x195: {  	s28 =	sadd.s32 $0x1, s28;
	s0 =	rddreg [dreg:$0x5]  }
0x196: {  	p0 =	sne.s32 s28, s0  }
.Ltmp3:
0x197: {  	_ = 	snop;
	(pc) =	sbr.rel @p0 .LBB2_1-.Ltmp3, $3  }
0x198: {  	_ =	sdelay $0x1  }
0x199: {  	[sflag:s26] =	ssyncset.done $0x0  }
0x19a: {  	[sflag:s26] =	ssyncadd.s32 $0xFFFFC000  }
0x19b: {  	_ =	sfence.sel $0x180000  }
0x19c: {  	[bflag:$0x0] =	sbarrier.arrive $0xFFFF  }
0x19d: {  	_ =	strace $0x9000004A  }
0x19e: {  	s0 =	stileid.u32;
	[bflag:$0x2] =	sbarrier.arrive $0xFFFF  }
0x19f: {  	p0 =	sne.s32 s0, $0x0;
	s0 =	rddreg [dreg:$0x3]  }
0x1a0: {  	s0 =	sadd.s32 @!p0 $0x100000, s0  }
0x1a1: {  	[sflag:s0] =	ssyncadd.tile.s32 @!p0 $0x1;
	_ =	shalt  }
.Lfunc_end2:
_tile_overlayer_lowered:
.L_overlay_start_2:
0x1a2: {  	(tag) =	ssettag $0x2  }
0x1a3: {  	s0 =	rddreg [dreg:$0x0];
	s2 =	stileid.u32  }
0x1a4: {  	s1 =	rddreg [dreg:$0x1];
	p0 =	sne.s32 s2, $0x0  }
0x1a5: {  	s3 =	rddreg [dreg:$0x2];
	[bflag:$0x3] =	sbarrier.arrive $0xFFFF;
	s2 =	simm.s32 @!p0 $0x1C05  }
0x1a6: {  	[timem:s3], [sflag:s2] =	dma.local @!p0 [hbm:s0], s1  }
0x1a7: {  	s0 =	simm.s32 @!p0 $0x5  }
0x1a8: {  	_ =	swait.ge @!p0 [sflag:s0], s1  }
0x1a9: {  	s1 =	ssub.s32 @!p0 $0x0, s1;
	[sflag:s0] =	ssyncset.done @!p0 $0x0  }
0x1aa: {  	[sflag:s0] =	ssyncadd.s32 @!p0 s1  }
0x1ab: {  	[bflag:$0x3] =	sbarrier.arrive $0xFFFF  }
0x1ac: {  	_ =	shalt  }

// kernel: sparse-core-data-format-call.cloned.1.call-start
scs
called_computation_lowered:
.L_overlay_start_0:
0x0: {  	s2 =	sld [smem:$0x3FD9]  }
0x1: {  	s3 =	sld [smem:$0x3FFE];
	_ =	sdelay $0x1  }
0x2: {  	s1 =	srdreg.scid  }
0x3: {  	s0 =	sand.u32 $0x1, s1  }
0x4: {  	s18 =	sshll.u32 s0, $0xA;
	s2 =	sadd.s32 s3, s2  }
0x5: {  	s2 =	sadd.s32 s2, s18  }
0x6: {  	[smem:$0x3FC6] =	sst s2  }
0x7: {  	_ = 	snop  }
0x8: {  	s2 =	sld [smem:$0x3FD0];
	(tm) =	ssettm $0x1  }
0x9: {  	s19 =	sld [smem:$0x3FFB];
	_ =	sdelay $0x3  }
0xa: {  	_ =	strace s19  }
0xb: {  	s3 =	sld [smem:$0x3FFC];
	_ =	sdelay $0x3  }
0xc: {  	_ =	strace s3  }
0xd: {  	s3 =	sld [smem:$0x3FFD];
	_ =	sdelay $0x3  }
0xe: {  	_ =	strace s3  }
0xf: {  	_ =	strace $0x8FFFFFFF  }
0x10: {  	s20 =	sld [smem:$0x3FDB];
	_ =	sdelay $0x1  }
0x11: {  	s4 =	simm.s32 $_scs_section_size  }
0x12: {  	s5 =	simm.s32 $_size__tile_overlayer_lowered;
	s6 =	simm.s32 $_tile_overlayer_lowered  }
0x13: {  	s23 =	simm.s32 $0x1BFF;
	s22 =	sshll.u32 s6, $0x1;
	s3 =	sadd.s32 s4, s20  }
0x14: {  	s7 =	simm.s32 $0x0;
	s21 =	sshll.u32 s5, $0x1;
	s5 =	sadd.s32 s22, s3  }
0x15: {  	[timem:s7], [sflag:s23] =	dma.local [hbm:s5], s21  }
0x16: {  	_ =	swait.ge [sflag:s23], s21  }
0x17: {  	s4 =	ssub.s32 $0x0, s21;
	[sflag:s23] =	ssyncset.done $0x0  }
0x18: {  	[sflag:s23] =	ssyncadd.s32 s4;
	_ =	sdelay $0x1  }
0x19: {  	s24 =	simm.s32 $0x1B8B  }
0x1a: {  	_ =	swait.ge [sflag:s24], $0x1  }
0x1b: {  	[sflag:s24] =	ssyncset.done $0x0  }
0x1c: {  	s26 =	simm.s32 $0x1B8E;
	s25 =	sld [smem:$0x3FFE];
	[sflag:s24] =	ssyncadd.s32 $0xFFFFFFFF  }
0x1d: {  	s27 =	simm.s32 $execute0_lowered;
	[smem:$0x3FD2] =	sst s26  }
0x1e: {  	s5 =	sshll.u32 s27, $0x1;
	_ =	strace $0x8000004C;
	[dreg:$0x1] =	wrdreg $0xFFFFFFFF  }
0x1f: {  	s28 =	simm.s32 $_size_execute0_lowered;
	s3 =	sadd.s32 s3, s5;
	[dreg:$0x0] =	wrdreg $0x0  }
0x20: {  	s5 =	sshll.u32 s28, $0x1;
	[dreg:$0x2] =	wrdreg s3  }
0x21: {  	[dreg:$0x3] =	wrdreg s5  }
0x22: {  	[dreg:$0x4] =	wrdreg $0xC0  }
0x23: {  	_ =	task [dreg:s7], $0x5FFFF  }
0x24: {  	[dreg:$0x1] =	wrdreg $0xFFFFFFFF  }
0x25: {  	[dreg:$0x0] =	wrdreg $0x60  }
0x26: {  	[dreg:$0x2] =	wrdreg s25  }
0x27: {  	[dreg:$0x3] =	wrdreg s2  }
0x28: {  	[dreg:$0x4] =	wrdreg $0x9  }
0x29: {  	_ =	task.clear_ibuf [dreg:s7], $0x5FFFF;
	_ =	strace $0x9000004C  }
0x2a: {  	s29 =	simm.s32 $0x9;
	_ =	strace $0x8000004E  }
0x2b: {  	_ =	swait.ge [sflag:s29], $0x1  }
0x2c: {  	[sflag:s29] =	ssyncadd.s32 $0xFFFFFFFF  }
0x2d: {  	_ =	strace $0x9000004E  }
0x2e: {  	_ =	sfence  }
0x2f: {  	s30 =	sld [smem:$0x0];
	_ =	sdelay $0x2  }
0x30: {  	s31 =	sshll.u32 s1, $0xD;
	s1 =	sshrl.u32 s1, $0x2  }
0x31: {  	s3 =	sand.u32 $0x4000, s31;
	s1 =	sadd.s32 s1, s30  }
0x32: {  	s0 =	sor.u32 s3, s0;
	s1 =	sshll.u32 s1, $0x11  }
0x33: {  	s0 =	sor.u32 s1, s0  }
0x34: {  	s0 =	sadd.s32 $0x8F2B, s0  }
0x35: {  	[sflag:s0] =	ssyncadd.remote.s32 $0x1  }
0x36: {  	_ =	sfence.sel $0xFFFF  }
0x37: {  	[dreg:$0x0] =	wrdreg $0xFFFFFFFF;
	(pc) =	sbr.abs _section_cstart, $3  }
0x38: {  	[dreg:$0x1] =	wrdreg $0xFFFFFFFF  }
0x39: {  	_ =	task.clear_ibuf [dreg:s7], $0x2FFFF;
	_ =	strace $0x9FFFFFFF  }
0x3a: {  	(tm) =	ssettm $0x7FFFFFFF  }
0x3b: {  	_ =	shalt  }
tec
execute0_lowered:
.L_overlay_start_1:
0x0: {  	(tag) =	ssettag $0x1  }
0x1: {  	s7 =	rddreg [dreg:$0x0]  }
0x2: {  	s2 =	rddreg [dreg:$0x1]  }
0x3: {  	s0 =	stileid.u32;
	s1 =	srdreg.scid;
	s31 =	simm.s32 $0x2  }
0x4: {  	s14 =	simm.s32 $0x0;
	s15 =	simm.s32 $0x0;
	s13 =	simm.s32 $0x0  }
0x5: {  	s3 =	sshll.u32 s0, $0x5;
	s4 =	sshll.u32 s1, $0x9;
	s5 =	sshll.u32 s0, $0x1  }
0x6: {  	s1 =	rddreg [dreg:$0x2];
	s4 =	sor.u32 s3, s4;
	s3 =	sand.u32 $0x6, s5  }
0x7: {  	_ =	strace $0x8000004D;
	s4 =	sand.u32 $0x380, s4;
	s5 =	ssub.s32 $0xC8, s3  }
0x8: {  	s12 =	smov.u32 s3;
	s8 =	sshll.u32 s4, $0x4;
	s6 =	sand.u32 $0x6, s5  }
0x9: {  	s9 =	ssub.s32 $0x400, s4;
	s11 =	sshrl.u32 s5, $0x3;
	s5 =	simm.s32 $0x1  }
0xa: {  	p0 =	sne.s32 s6, $0x0;
	s6 =	simm.s32 $0x1;
	s10 =	sand.u32 $0x380, s9  }
0xb: {  	s6 =	simm.s32 @!p0 $0x0;
	p0 =	sne.s32 s10, $0x0;
	s10 =	simm.s32 $0x1  }
.Ltmp0:
0xc: {  	s9 =	sshrl.u32 s9, $0xA;
	s10 =	simm.s32 @!p0 $0x0;
	(pc) =	sbr.rel .LBB1_1-.Ltmp0, $4  }
0xd: {  	[sflag:s5] =	ssyncpa.u1 $0x0;
	s6 =	sadd.s32 s6, s11;
	s9 =	sadd.s32 s10, s9  }
0xe: {  	s8 =	sadd.s32 s8, s7;
	[sflag:s31] =	ssyncpa.u1 $0x0;
	s6 =	smul.u32 s6, s9  }
0xf: {  	s7 =	sadd.s32 $0x7A1800, s8;
	s8 =	sadd.s32 $0x7A5800, s8;
	p0 =	por $0x0, $0x0  }
0x10: {  	s11 =	simm.s32 $0x2000;
	s10 =	simm.s32 $0x400;
	s9 =	sadd.s32 $0x1, s6  }
.LBB1_7:
0x11: {  	s16 =	sadd.s32 $0x8, s12  }
0x12: {  	p2 =	sgt.s32 s16, $0xC7  }
0x13: {  	s16 =	smov.u32 @p2 s3;
	p2 =	sne.s32 s13, s9  }
.Ltmp1:
0x14: {  	p1 =	slt.u32 s13, $0x2;
	(pc) =	sbr.rel @!p2 .LBB1_8-.Ltmp1, $4  }
0x15: {  	s14 =	simm.s32 @!p1 $0x2  }
0x16: {  	s17 =	sadd.s32 $0x1, s13;
	s15 =	smov.u32 s12;
	_ =	swait.ge @!p1 [sflag:s14], $0x4000  }
0x17: {  	p0 =	por !p0, !p0;
	s13 =	smov.u32 s17;
	[sflag:s14] =	ssyncset.done @!p1 $0x0  }
0x18: {  	s12 =	smov.u32 s16;
	[sflag:s14] =	ssyncadd.s32 @!p1 $0xFFFFC000;
	s14 =	smov.u32 s4  }
.LBB1_1:
0x19: {  	p1 =	sge.u32 s13, s6  }
0x1a: {  	s16 =	sxor.u32 @!p1 $0xFFFFFFFF, s13  }
0x1b: {  	s17 =	sshll.u32 @!p1 s12, $0xE;
	s19 =	simm.s32 @!p1 $0x40;
	s16 =	sshll.u32 @!p1 s16, $0xE  }
0x1c: {  	s20 =	simm.s32 @!p1 $0x80;
	s18 =	sadd.s32 @!p1 s17, s7;
	s16 =	sand.u32 @!p1 $0x4000, s16  }
0x1d: {  	[tilespmem:s16], [sflag:$0x1] =	stream.strided.gather @!p1 [hbm4b:s18+s19], $0x2000, s20, s19, $0x38;
	[tilespmem:$0x10100] =	vst v63  }
0x1e: {  	s31 =	sadd.s32 $0xFFFFFFFF, s13;
	s17 =	sadd.s32 @!p1 s17, s8;
	s16 =	sor.u32 @!p1 $0x2000, s16  }
0x1f: {  	[tilespmem:s16], [sflag:$0x1] =	stream.strided.gather @!p1 [hbm4b:s17+s19], $0x2000, s20, s19, $0x38;
	[tilespmem:$0x10100] =	vst v63  }
0x20: {  	p1 =	sge.u32 s31, s6  }
.Ltmp2:
0x21: {  	_ = 	snop;
	(pc) =	sbr.rel @p1 .LBB1_7-.Ltmp2, $1  }
0x22: {  	_ =	sdelay $0x3  }
0x23: {  	s16 =	simm.s32 $0x1;
	s18 =	sand.u32 $0x1, s13  }
0x24: {  	_ =	swait.ge [sflag:s5], $0x4000;
	s16 =	simm.s32 @!p0 $0x0;
	s18 =	smul.u32 $0x10200, s18  }
0x25: {  	p2 =	por $0x1, $0x1;
	[sflag:s5] =	ssyncset.done $0x0;
	s17 =	smul.u32 $0x10200, s16  }
0x26: {  	s19 =	sshll.u32 s16, $0x10;
	[sflag:s5] =	ssyncadd.s32 $0xFFFFC000;
	s30 =	sshrl.u32 s18, $0x2  }
0x27: {  	s31 =	sshrl.u32 s19, $0x2;
	s19 =	simm.s32 $0x0;
	s17 =	sshrl.u32 s17, $0x2  }
0x28: {  	s16 =	sor.u32 $0x8000, s30;
	s18 =	sadd.s32 $0x20, s31;
	s17 =	sor.u32 $0x8000, s17  }
.LBB1_3:
0x29: {  	s20 =	sshll.u32 s19, $0xD  }
0x2a: {  	s20 =	sand.u32 $0x3FFFE000, s20  }
0x2b: {  	s22 =	sadd.s32 s20, s18  }
0x2c: {  	s31 =	smul.u32 $0x8100, s19;
	v3 =	vld [tilespmem:s22+$0x10]  }
0x2d: {  	v1 =	vld [tilespmem:s22+$0xFFFFFFF0]  }
0x2e: {  	s19 =	sshra.s32 s31, $0x2;
	v0 =	vld [tilespmem:s22+$0x0]  }
0x2f: {  	s19 =	sadd.s32 s19, s17;
	v2 =	vld [tilespmem:s22+$0xFFFFFFE0]  }
0x30: {  	s20 =	sadd.s32 $0x0, s19  }
0x31: {  	p1 =	por p2, p2;
	s21 =	simm.s32 $0x4;
	s22 =	sadd.s32 $0x40, s22;
	[tilespmem:s20+$0x1830 ss:$0x81] =	vst.msk $0xffff, v3  }
.LBB1_4:
0x32: {  	v3 =	vld [tilespmem:s22+$0x10];
	p2 =	sne.s32 s21, $0x1FC;
	[tilespmem:s20+$0x810 ss:$0x81] =	vst.msk $0xffff, v1;
	s23 =	smov.u32 s21;
	s21 =	sadd.s32 $0x4, s21  }
.Ltmp3:
0x33: {  	v1 =	vld [tilespmem:s22+$0xFFFFFFF0];
	[tilespmem:s20+$0x1020 ss:$0x81] =	vst.msk $0xffff, v0;
	(pc) =	sbr.rel @p2 .LBB1_4-.Ltmp3, $4  }
0x34: {  	v0 =	vld [tilespmem:s22+$0x0];
	[tilespmem:s20+$0x0 ss:$0x81] =	vst.msk $0xffff, v2  }
0x35: {  	s20 =	sshra.s32 s23, $0x2;
	v2 =	vld [tilespmem:s22+$0xFFFFFFE0]  }
0x36: {  	s20 =	sadd.s32 s20, s19  }
0x37: {  	s22 =	sadd.s32 $0x40, s22;
	[tilespmem:s20+$0x1830 ss:$0x81] =	vst.msk $0xffff, v3  }
.Ltmp4:
0x38: {  	(pc) =	sbr.rel @p1 .LBB1_3-.Ltmp4, $4  }
0x39: {  	_ = 	snop  }
0x3a: {  	[tilespmem:s20+$0x810 ss:$0x81] =	vst.msk $0xffff, v1  }
0x3b: {  	[tilespmem:s20+$0x1020 ss:$0x81] =	vst.msk $0xffff, v0  }
0x3c: {  	s19 =	simm.s32 $0x1;
	p2 =	por $0x0, $0x0;
	[tilespmem:s20+$0x0 ss:$0x81] =	vst.msk $0xffff, v2  }
.Ltmp5:
0x3d: {  	(pc) =	sbr.rel .LBB1_7-.Ltmp5, $4  }
0x3e: {  	_ = 	snop  }
0x3f: {  	s15 =	sshll.u32 s15, $0xD;
	s14 =	sadd.s32 s2, s14  }
0x40: {  	s14 =	sadd.s32 s15, s14  }
0x41: {  	[hbm4b:s14+s10] =	stream.strided.scatter [tilespmem:s16], [sflag:$0x2], $0x4000, s11, s10, $0x20;
	[tilespmem:$0x10100] =	vst v63  }
.LBB1_8:
0x42: {  	_ =	sfence.sel $0x180000  }
0x43: {  	s2 =	simm.s32 $0x1;
	[bflag:$0x0] =	sbarrier.arrive $0xFFFF  }
0x44: {  	s31 =	simm.s32 $0x2;
	[sflag:s2] =	ssyncpa.u1 $0x1  }
0x45: {  	[sflag:s31] =	ssyncpa.u1 $0x1  }
0x46: {  	p0 =	sne.s32 s0, $0x0;
	_ =	strace $0x9000004D  }
0x47: {  	s0 =	sadd.s32 @!p0 $0x100000, s1;
	[bflag:$0x2] =	sbarrier.arrive $0xFFFF  }
0x48: {  	[sflag:s0] =	ssyncadd.tile.s32 @!p0 $0x1;
	_ =	shalt  }
.Lfunc_end1:
_tile_overlayer_lowered:
.L_overlay_start_2:
0x49: {  	(tag) =	ssettag $0x2  }
0x4a: {  	s0 =	rddreg [dreg:$0x0];
	s2 =	stileid.u32  }
0x4b: {  	s1 =	rddreg [dreg:$0x1];
	p0 =	sne.s32 s2, $0x0  }
0x4c: {  	s3 =	rddreg [dreg:$0x2];
	[bflag:$0x3] =	sbarrier.arrive $0xFFFF;
	s2 =	simm.s32 @!p0 $0x1C01  }
0x4d: {  	[timem:s3], [sflag:s2] =	dma.local @!p0 [hbm:s0], s1  }
0x4e: {  	s0 =	simm.s32 @!p0 $0x1  }
0x4f: {  	_ =	swait.ge @!p0 [sflag:s0], s1  }
0x50: {  	s1 =	ssub.s32 @!p0 $0x0, s1;
	[sflag:s0] =	ssyncset.done @!p0 $0x0  }
0x51: {  	[sflag:s0] =	ssyncadd.s32 @!p0 s1  }
0x52: {  	[bflag:$0x3] =	sbarrier.arrive $0xFFFF  }
0x53: {  	_ =	shalt  }

</sc_bundles>
